<compile_context>
chip_gen: v7x
topology: tpu7x:2x2x1
jax: 0.10.2.dev20260603
libtpu: 0.0.44.dev20260713+nightly
codegen_flags: <defaults>
</compile_context>

<pallas_src>
import jax
import jax.numpy as jnp
from jax import lax
from jax.experimental import pallas as pl
from jax.experimental.pallas import tpu as pltpu
from jax.experimental.pallas import tpu_sc as plsc

S, N, B = 64, 558, 2048
NPC = 640
NCH = NPC // 128
ZR = 576
CHW = ZR * 128
NPSQ = NCH * CHW
H, CATT = 4, 64
EPT = B // 16
ZCH = NPSQ // 16
ENC = 64.0
NG = 4
SG = S // NG



def _make_sc_body(base):
    def _sc_build_body(edges_hbm, bd_hbm, zeros_hbm, z_hbm,
                       srcb, dstb, idxb, valb, nvalb, pidxb, pnvalb, zb, zsp):
        cid = lax.axis_index("c")
        sid = lax.axis_index("s")
        pltpu.sync_copy(zeros_hbm, zb)
        pltpu.sync_copy(zb, zsp.at[pl.ds(sid * ZCH, ZCH)])
        for j in range(EPT // 16):
            sl = pl.ds(j * 16, 16)
            pidxb[sl] = jnp.zeros((16,), jnp.int32)
            pnvalb[sl] = jnp.zeros((16,), jnp.float32)
        plsc.subcore_barrier()

        def round_body(r, carry):
            sidx = base + cid * (SG // 2) + r
            ebase = sidx * (2 * B) + sid * EPT
            pltpu.sync_copy(edges_hbm.at[pl.ds(ebase, EPT)], srcb)
            pltpu.sync_copy(edges_hbm.at[pl.ds(ebase + B, EPT)], dstb)
            pltpu.sync_copy(bd_hbm.at[pl.ds(sidx * B + sid * EPT, EPT)], valb)
            for j in range(EPT // 16):
                sl = pl.ds(j * 16, 16)
                s16 = srcb[sl]
                d16 = dstb[sl]
                idxb[sl] = (lax.shift_right_logical(s16, 7) * CHW
                            + lax.shift_left(d16, 7)
                            + jnp.bitwise_and(s16, 127))
                v = valb[sl] + ENC
                valb[sl] = v
                nvalb[sl] = 0.0 - v
            pltpu.sync_copy(pnvalb, zsp.at[pidxb], add=True)
            pltpu.sync_copy(valb, zsp.at[idxb], add=True)
            plsc.subcore_barrier()
            pltpu.sync_copy(zsp.at[pl.ds(sid * ZCH, ZCH)],
                            z_hbm.at[pl.ds((sidx - base) * NPSQ + sid * ZCH, ZCH)])
            for j in range(EPT // 16):
                sl = pl.ds(j * 16, 16)
                pidxb[sl] = idxb[sl]
                pnvalb[sl] = nvalb[sl]
            plsc.subcore_barrier()
            return carry

        lax.fori_loop(0, SG // 2, round_body, 0)
    return _sc_build_body


def _sc_build(edges_flat, bd_flat, zeros_chunk, base):
    mesh = plsc.VectorSubcoreMesh(core_axis_name="c", subcore_axis_name="s")
    f = pl.kernel(
        _make_sc_body(base),
        out_type=[jax.ShapeDtypeStruct((SG * NPSQ,), jnp.float32)],
        mesh=mesh,
        scratch_types=[
            pltpu.VMEM((EPT,), jnp.int32),
            pltpu.VMEM((EPT,), jnp.int32),
            pltpu.VMEM((EPT,), jnp.int32),
            pltpu.VMEM((EPT,), jnp.float32),
            pltpu.VMEM((EPT,), jnp.float32),
            pltpu.VMEM((EPT,), jnp.int32),
            pltpu.VMEM((EPT,), jnp.float32),
            pltpu.VMEM((ZCH,), jnp.float32),
            pltpu.VMEM_SHARED((NPSQ,), jnp.float32),
        ],
        name=f"sc_build_g{base}",
    )
    return f(edges_flat, bd_flat, zeros_chunk)



def _bdmax_body(bd_ref, out_ref):
    out_ref[0, 0] = jnp.max(bd_ref[...])


def _bdmax(bd):
    return pl.pallas_call(
        _bdmax_body,
        out_shape=jax.ShapeDtypeStruct((1, 1), jnp.float32),
        out_specs=pl.BlockSpec(memory_space=pltpu.MemorySpace.SMEM),
    )(bd)



def _main_body(bdm_ref, x_ref, xf_ref, z_ref,
               gatW_ref, asrc_ref, adst_ref, gatb_ref, wfeat_ref,
               projb_ref, g0Wa_ref, g0Wc_ref, g0b_ref,
               g1W_ref, g1b_ref, mask_ref, out_ref):
    f32 = jnp.float32
    xs = x_ref[0]
    h = jnp.dot(xs, gatW_ref[...], preferred_element_type=f32)
    a_s = jnp.dot(h, asrc_ref[...], preferred_element_type=f32)
    a_d = jnp.dot(h, adst_ref[...], preferred_element_type=f32)
    hpad = jnp.pad(h, ((0, NPC - N), (0, 0)))
    asT = lax.dot_general(asrc_ref[...], hpad, (((0,), (1,)), ((), ())),
                          preferred_element_type=f32)
    Zb = z_ref[0]
    c_parts, w_parts = [], []
    for k in range(NCH):
        Zk = jnp.maximum(Zb[k][:N], 0.0)
        Ck = jnp.floor(Zk * (1.0 / ENC))
        c_parts.append(Ck)
        w_parts.append(Zk - ENC * Ck)
    Cfull = jnp.concatenate(c_parts, axis=1)
    Wfull = jnp.concatenate(w_parts, axis=1)
    mask_col = mask_ref[...]
    xg_parts = []
    for hh in range(H):
        z = a_d[:, hh:hh + 1] + asT[hh:hh + 1, :]
        w = jnp.exp(jnp.maximum(z, 0.2 * z))
        num = Cfull * w
        zs = a_s[:, hh:hh + 1] + a_d[:, hh:hh + 1]
        wself = jnp.exp(jnp.maximum(zs, 0.2 * zs))
        hv = h[:, hh * CATT:(hh + 1) * CATT]
        rhs = jnp.concatenate([hpad[:, hh * CATT:(hh + 1) * CATT], mask_col],
                              axis=1)
        P = jnp.dot(num, rhs, preferred_element_type=f32)
        rden = 1.0 / (P[:, CATT:CATT + 1] + wself + 1e-16)
        xg_parts.append(rden * P[:, :CATT] + (wself * rden) * hv)
    xg = jnp.concatenate(xg_parts, axis=1) + gatb_ref[...]
    PF = jnp.dot(xf_ref[0], wfeat_ref[...], preferred_element_type=f32)
    xsg = PF[:, :32] + projb_ref[...]
    rbdm = 1.0 / bdm_ref[0, 0]
    deg = jnp.dot(Wfull, mask_col, preferred_element_type=f32) * rbdm + 1.0
    dinv = lax.rsqrt(deg)
    dinv2 = dinv * dinv
    dscale = dinv * rbdm

    def gcn_agg(xw, b_ref):
        tpad = jnp.pad(dinv * xw, ((0, NPC - N), (0, 0)))
        return (dscale * jnp.dot(Wfull, tpad, preferred_element_type=f32)
                + dinv2 * xw + b_ref[...])

    xw0 = (jnp.dot(xg, g0Wa_ref[...], preferred_element_type=f32)
           + PF[:, 32:]
           + jnp.dot(xsg, g0Wc_ref[...], preferred_element_type=f32))
    xc1 = jnp.maximum(gcn_agg(xw0, g0b_ref), 0.0)
    xw1 = jnp.dot(xc1, g1W_ref[...], preferred_element_type=f32)
    xc2 = jnp.maximum(gcn_agg(xw1, g1b_ref), 0.0)
    out_ref[0] = jnp.sum(xc2, axis=0, keepdims=True) * (1.0 / N)


def _main(g, bdm, x_node, xfeat, Z, gat_W, Asrc, Adst,
          gat_b, Wfeat, proj_b, g0Wa, g0Wc, g0b, g1W, g1b, mask):
    wspec = lambda shp: pl.BlockSpec(shp, lambda i: tuple(0 for _ in shp))
    gspec = lambda shp: pl.BlockSpec(shp, lambda i: (g * SG + i,) + (0,) * (len(shp) - 1))
    return pl.pallas_call(
        _main_body,
        grid=(SG,),
        in_specs=[
            pl.BlockSpec(memory_space=pltpu.MemorySpace.SMEM),
            gspec((1, N, 128)),
            gspec((1, N, 48)),
            pl.BlockSpec((1, NCH, ZR, 128), lambda i: (i, 0, 0, 0)),
            wspec((128, 256)), wspec((256, H)), wspec((256, H)),
            wspec((1, 256)), wspec((48, 160)), wspec((1, 32)),
            wspec((256, 128)), wspec((32, 128)),
            wspec((1, 128)),
            wspec((128, 128)), wspec((1, 128)),
            wspec((NPC, 1)),
        ],
        out_specs=pl.BlockSpec((1, 1, 128), lambda i: (i, 0, 0)),
        out_shape=jax.ShapeDtypeStruct((SG, 1, 128), jnp.float32),
        name=f"gnn_main_g{g}",
    )(bdm, x_node, xfeat, Z, gat_W, Asrc, Adst,
      gat_b, Wfeat, proj_b, g0Wa, g0Wc, g0b, g1W, g1b, mask)



def _mlp_body(p_ref, w0_ref, b0_ref, w1_ref, b1_ref, w2_ref, b2_ref, out_ref):
    hd = jnp.maximum(jnp.dot(p_ref[...], w0_ref[...],
                             preferred_element_type=jnp.float32) + b0_ref[...], 0.0)
    hd = jnp.maximum(jnp.dot(hd, w1_ref[...],
                             preferred_element_type=jnp.float32) + b1_ref[...], 0.0)
    out_ref[...] = jnp.dot(hd, w2_ref[...],
                           preferred_element_type=jnp.float32) + b2_ref[...]


def _mlp(pooled, w0, b0, w1, b1, w2, b2):
    return pl.pallas_call(
        _mlp_body,
        out_shape=jax.ShapeDtypeStruct((S, 100), jnp.float32),
    )(pooled, w0, b0, w1, b1, w2, b2)



def kernel(x_node, x_IM, x_strucGlobal, x_textural, x_pressure, edge_index,
           bond_dist, batchAssign, n_heads, proj_W, proj_b, gat_W, att_src,
           att_dst, gat_b, gcn0_W, gcn0_b, gcn1_W, gcn1_b, hid0_W, hid0_b,
           hid1_W, hid1_b, fc_W, fc_b):
    f32 = jnp.float32
    eyeH = jnp.eye(H, dtype=f32)
    Asrc = (att_src[:, :, None] * eyeH[:, None, :]).reshape(H * CATT, H)
    Adst = (att_dst[:, :, None] * eyeH[:, None, :]).reshape(H * CATT, H)
    mask = (jnp.arange(NPC) < N).astype(f32)[:, None]
    xfeat = jnp.concatenate([x_IM, x_strucGlobal, x_textural, x_pressure], -1)
    Wfeat = jnp.concatenate([
        jnp.concatenate([proj_W, jnp.zeros((32, 128), f32)], axis=1),
        jnp.concatenate([jnp.zeros((16, 32), f32),
                         gcn0_W[H * CATT:H * CATT + 16]], axis=1),
    ], axis=0)

    edges_flat = edge_index.reshape(-1).astype(jnp.int32)
    bd_flat = bond_dist.reshape(-1).astype(f32)
    zeros_chunk = jnp.zeros((ZCH,), f32)

    bdm = _bdmax(bond_dist)
    pooled_parts = []
    for g in range(NG):
        (z_flat,) = _sc_build(edges_flat, bd_flat, zeros_chunk, g * SG)
        Z = z_flat.reshape(SG, NCH, ZR, 128)
        pooled_parts.append(
            _main(g, bdm, x_node, xfeat, Z, gat_W, Asrc, Adst,
                  gat_b.reshape(1, -1), Wfeat, proj_b.reshape(1, -1),
                  gcn0_W[:H * CATT], gcn0_W[H * CATT + 16:],
                  gcn0_b.reshape(1, -1),
                  gcn1_W, gcn1_b.reshape(1, -1), mask))
    pooled = jnp.concatenate(pooled_parts, axis=0).reshape(S, 128)
    return _mlp(pooled, hid0_W, hid0_b.reshape(1, -1),
                hid1_W, hid1_b.reshape(1, -1), fc_W, fc_b.reshape(1, -1))

# --- scband reference (transcript-rebuilt; emitter-appended) ---
"""Pipeline reference for scband-cgcnnmodel-49194555408406 (READ-ONLY COPY).

The authoritative reference and input builder live on the scoring server;
editing this copy changes nothing except your own understanding.
"""

import jax, jax.numpy as jnp
import numpy as np

S, N, B = 64, 558, 2048
DIN, H, CATT = 128, 4, 64
D_IM, D_SG, D_TEX, D_PR = 16, 16, 8, 8
D_PROJ = D_IM + D_SG
D_CAT = H * CATT + D_TEX + D_PR + D_PROJ
D_C0, D_C1 = 128, 128
D_H0, D_H1 = 128, 64
D_OUT = 100


def setup_inputs(seed: int = 0):
    key = jax.random.key(seed)
    ks = jax.random.split(key, 30)
    inp = {}
    inp["x_node"] = jax.random.normal(ks[0], (S, N, DIN), jnp.float32)
    inp["x_IM"] = jax.random.normal(ks[1], (S, N, D_IM), jnp.float32)
    inp["x_strucGlobal"] = jax.random.normal(ks[2], (S, N, D_SG), jnp.float32)
    inp["x_textural"] = jax.random.normal(ks[3], (S, N, D_TEX), jnp.float32)
    inp["x_pressure"] = jax.random.normal(ks[4], (S, N, D_PR), jnp.float32)
    src = jax.random.randint(ks[5], (S, 1, B), 0, N)
    off = jax.random.randint(ks[6], (S, 1, B), 1, N)
    dst = (src + off) % N  # guarantee no self-loop edges so cumulative_edgeIndex keeps all B edges
    inp["edge_index"] = jnp.concatenate([src, dst], axis=1).astype(jnp.int32)
    inp["bond_dist"] = jax.random.uniform(ks[7], (S, B), jnp.float32, 0.5, 3.0)
    inp["batchAssign"] = jnp.repeat(jnp.arange(S, dtype=jnp.int32), N)
    inp["n_heads"] = H
    def lin(k, fi, fo):
        return jax.random.normal(k, (fi, fo), jnp.float32) * (1.0 / np.sqrt(fi))
    inp["proj_W"] = lin(ks[8], D_PROJ, D_PROJ)
    inp["proj_b"] = jnp.zeros((D_PROJ,), jnp.float32)
    inp["gat_W"] = lin(ks[9], DIN, H * CATT)
    inp["att_src"] = jax.random.normal(ks[10], (H, CATT), jnp.float32) * 0.1
    inp["att_dst"] = jax.random.normal(ks[11], (H, CATT), jnp.float32) * 0.1
    inp["gat_b"] = jnp.zeros((H * CATT,), jnp.float32)
    inp["gcn0_W"] = lin(ks[12], D_CAT, D_C0)
    inp["gcn0_b"] = jnp.zeros((D_C0,), jnp.float32)
    inp["gcn1_W"] = lin(ks[13], D_C0, D_C1)
    inp["gcn1_b"] = jnp.zeros((D_C1,), jnp.float32)
    inp["hid0_W"] = lin(ks[14], D_C1, D_H0)
    inp["hid0_b"] = jnp.zeros((D_H0,), jnp.float32)
    inp["hid1_W"] = lin(ks[15], D_H0, D_H1)
    inp["hid1_b"] = jnp.zeros((D_H1,), jnp.float32)
    inp["fc_W"] = lin(ks[16], D_H1, D_OUT)
    inp["fc_b"] = jnp.zeros((D_OUT,), jnp.float32)
    return inp


def reference(x_node, x_IM, x_strucGlobal, x_textural, x_pressure, edge_index, bond_dist, batchAssign, n_heads, proj_W, proj_b, gat_W, att_src, att_dst, gat_b, gcn0_W, gcn0_b, gcn1_W, gcn1_b, hid0_W, hid0_b, hid1_W, hid1_b, fc_W, fc_b):
    Sb, Nn, _ = x_node.shape
    M = Sb * Nn
    # DimensionalProjection of concatenated (IM, strucGlobal) per-node globals
    x_sg = jnp.concatenate([x_IM, x_strucGlobal], axis=-1).reshape(M, -1)
    x_sg = x_sg @ proj_W + proj_b
    # cumulative_edgeIndex: offset per structure by s*N and flatten (no self-loop padding present)
    offs = (jnp.arange(Sb) * Nn)[:, None, None]
    ei = jnp.transpose(edge_index + offs, (1, 0, 2)).reshape(2, -1)
    bd = bond_dist.reshape(-1)
    bd = bd / jnp.max(bd)
    src, dst = ei[0], ei[1]
    # PyG adds self-loops by default in GATConv/GCNConv
    loop = jnp.arange(M)
    gsrc = jnp.concatenate([src, loop])
    gdst = jnp.concatenate([dst, loop])
    # GATConv (multi-head, concat heads)
    x = x_node.reshape(M, -1)
    h = (x @ gat_W).reshape(M, H, CATT)
    a_s = jnp.sum(h * att_src, axis=-1)
    a_d = jnp.sum(h * att_dst, axis=-1)
    e = jax.nn.leaky_relu(a_s[gsrc] + a_d[gdst], 0.2)
    emax = jax.ops.segment_max(e, gdst, num_segments=M)
    ee = jnp.exp(e - emax[gdst])
    den = jax.ops.segment_sum(ee, gdst, num_segments=M)
    alpha = ee / (den[gdst] + 1e-16)
    xg = jax.ops.segment_sum(h[gsrc] * alpha[..., None], gdst, num_segments=M).reshape(M, H * CATT) + gat_b
    # concat attention output with textural/pressure/global features
    xc = jnp.concatenate([xg, x_textural.reshape(M, -1), x_pressure.reshape(M, -1), x_sg], axis=-1)
    # GCNConv with edge_weight = normalized bond distance (self-loop weight 1)
    ew = jnp.concatenate([bd, jnp.ones((M,), bd.dtype)])
    deg = jax.ops.segment_sum(ew, gdst, num_segments=M)
    dinv = jnp.where(deg > 0, 1.0 / jnp.sqrt(deg), 0.0)
    norm = dinv[gsrc] * ew * dinv[gdst]
    def gcn(xin, W, b):
        xw = xin @ W
        return jax.ops.segment_sum(xw[gsrc] * norm[:, None], gdst, num_segments=M) + b
    xc = jax.nn.relu(gcn(xc, gcn0_W, gcn0_b))
    xc = jax.nn.relu(gcn(xc, gcn1_W, gcn1_b))
    # global mean pool per structure using batchAssign
    pooled = jax.ops.segment_sum(xc, batchAssign, num_segments=Sb)
    counts = jax.ops.segment_sum(jnp.ones((M,), xc.dtype), batchAssign, num_segments=Sb)
    pooled = pooled / counts[:, None]
    hd = jax.nn.relu(pooled @ hid0_W + hid0_b)
    hd = jax.nn.relu(hd @ hid1_W + hid1_b)
    return hd @ fc_W + fc_b

if __name__ == "__main__":
    import jax
    _d = setup_inputs()
    print(jax.jit(kernel)(*tuple(_d.values())))

</pallas_src>

<mosaic_0001>
#map = affine_map<(d0, d1) -> (0)>
module attributes {stable_mosaic.version = 14 : i64} {
  func.func @sc_build_g16(%arg0: i32, %arg1: i32, %arg2: memref<262144xi32, #tpu.memory_space<hbm>>, %arg3: memref<131072xf32, #tpu.memory_space<hbm>>, %arg4: memref<23040xf32, #tpu.memory_space<hbm>>, %arg5: memref<5898240xf32, #tpu.memory_space<hbm>>, %arg6: memref<128xi32, #tpu.memory_space<vmem>>, %arg7: memref<128xi32, #tpu.memory_space<vmem>>, %arg8: memref<128xi32, #tpu.memory_space<vmem>>, %arg9: memref<128xf32, #tpu.memory_space<vmem>>, %arg10: memref<128xf32, #tpu.memory_space<vmem>>, %arg11: memref<128xi32, #tpu.memory_space<vmem>>, %arg12: memref<128xf32, #tpu.memory_space<vmem>>, %arg13: memref<23040xf32, #tpu.memory_space<vmem>>, %arg14: memref<368640xf32, #tpu.memory_space<vmem_shared>>) attributes {dimension_semantics = [#tpu.dimension_semantics<core_parallel>, #tpu.dimension_semantics<subcore_parallel>], iteration_bounds = array<i64: 2, 16>, scalar_prefetch = 0 : i64, scratch_operands = 9 : i64, tpu.core_type = #tpu.core_type<sc_vector_subcore>, window_params = [{transform_indices = #map}, {transform_indices = #map}, {transform_indices = #map}, {transform_indices = #map}]} {
    "tpu.region"() ({
      %run_scoped3A = tpu.sem_alloc : memref<!tpu.dma_semaphore, #tpu.memory_space<semaphore_mem>>
      tpu.enqueue_dma source(%arg4 : memref<23040xf32, #tpu.memory_space<hbm>>) target(%arg13 : memref<23040xf32, #tpu.memory_space<vmem>>) target_semaphore(%run_scoped3A : memref<!tpu.dma_semaphore, #tpu.memory_space<semaphore_mem>>)
      tpu.wait_dma2 semaphore(%run_scoped3A : memref<!tpu.dma_semaphore, #tpu.memory_space<semaphore_mem>>) src(%arg4 : memref<23040xf32, #tpu.memory_space<hbm>>) dst(%arg13 : memref<23040xf32, #tpu.memory_space<vmem>>)
      tpu.yield
    }) : () -> ()
    %mul3A = arith.constant 23040 : i32
    %mul3A_0 = arith.muli %arg1, %mul3A : i32
    "tpu.region"() ({
      %run_scoped3A = tpu.sem_alloc : memref<!tpu.dma_semaphore, #tpu.memory_space<semaphore_mem>>
      %dma_start3A = tpu.memref_slice %arg14[%mul3A_0] : memref<368640xf32, #tpu.memory_space<vmem_shared>> -> memref<23040xf32, #tpu.memory_space<vmem_shared>>
      %dma_start3A_100 = tpu.memref_slice %arg14[%mul3A_0] : memref<368640xf32, #tpu.memory_space<vmem_shared>> -> memref<23040xf32, #tpu.memory_space<vmem_shared>>
      tpu.enqueue_dma source(%arg13 : memref<23040xf32, #tpu.memory_space<vmem>>) target(%dma_start3A_100 : memref<23040xf32, #tpu.memory_space<vmem_shared>>) target_semaphore(%run_scoped3A : memref<!tpu.dma_semaphore, #tpu.memory_space<semaphore_mem>>)
      %dma_wait3A = tpu.memref_slice %arg14[%mul3A_0] : memref<368640xf32, #tpu.memory_space<vmem_shared>> -> memref<23040xf32, #tpu.memory_space<vmem_shared>>
      %dma_wait3A_101 = tpu.memref_slice %arg14[%mul3A_0] : memref<368640xf32, #tpu.memory_space<vmem_shared>> -> memref<23040xf32, #tpu.memory_space<vmem_shared>>
      tpu.wait_dma2 semaphore(%run_scoped3A : memref<!tpu.dma_semaphore, #tpu.memory_space<semaphore_mem>>) src(%arg13 : memref<23040xf32, #tpu.memory_space<vmem>>) dst(%dma_wait3A_101 : memref<23040xf32, #tpu.memory_space<vmem_shared>>)
      tpu.yield
    }) : () -> ()
    %broadcast_in_dim3A = arith.constant 0 : i32
    %broadcast_in_dim3A_1 = vector.broadcast %broadcast_in_dim3A : i32 to vector<16xi32>
    %swap3A = arith.constant 0 : index
    %swap3A_2 = tpu.vector_load %arg11[%swap3A] {strides = array<i32>} : memref<128xi32, #tpu.memory_space<vmem>>, vector<16xi32>,
    %swap3A_3 = vector.shape_cast %swap3A_2 : vector<16xi32> to vector<16xi32>
    %swap3A_4 = vector.shape_cast %broadcast_in_dim3A_1 : vector<16xi32> to vector<16xi32>
    tpu.vector_store %arg11[%swap3A], %swap3A_4 {strides = array<i32>} : memref<128xi32, #tpu.memory_space<vmem>>, vector<16xi32>,
    %broadcast_in_dim3A_5 = arith.constant 0.000000e+00 : f32
    %broadcast_in_dim3A_6 = vector.broadcast %broadcast_in_dim3A_5 : f32 to vector<16xf32>
    %swap3A_7 = arith.constant 0 : index
    %swap3A_8 = tpu.vector_load %arg12[%swap3A_7] {strides = array<i32>} : memref<128xf32, #tpu.memory_space<vmem>>, vector<16xf32>,
    %swap3A_9 = vector.shape_cast %swap3A_8 : vector<16xf32> to vector<16xf32>
    %swap3A_10 = vector.shape_cast %broadcast_in_dim3A_6 : vector<16xf32> to vector<16xf32>
    tpu.vector_store %arg12[%swap3A_7], %swap3A_10 {strides = array<i32>} : memref<128xf32, #tpu.memory_space<vmem>>, vector<16xf32>,
    %broadcast_in_dim3A_11 = arith.constant 0 : i32
    %broadcast_in_dim3A_12 = vector.broadcast %broadcast_in_dim3A_11 : i32 to vector<16xi32>
    %swap3A_13 = arith.constant 16 : index
    %swap3A_14 = tpu.vector_load %arg11[%swap3A_13] {strides = array<i32>} : memref<128xi32, #tpu.memory_space<vmem>>, vector<16xi32>,
    %swap3A_15 = vector.shape_cast %swap3A_14 : vector<16xi32> to vector<16xi32>
    %swap3A_16 = vector.shape_cast %broadcast_in_dim3A_12 : vector<16xi32> to vector<16xi32>
    tpu.vector_store %arg11[%swap3A_13], %swap3A_16 {strides = array<i32>} : memref<128xi32, #tpu.memory_space<vmem>>, vector<16xi32>,
    %broadcast_in_dim3A_17 = arith.constant 0.000000e+00 : f32
    %broadcast_in_dim3A_18 = vector.broadcast %broadcast_in_dim3A_17 : f32 to vector<16xf32>
    %swap3A_19 = arith.constant 16 : index
    %swap3A_20 = tpu.vector_load %arg12[%swap3A_19] {strides = array<i32>} : memref<128xf32, #tpu.memory_space<vmem>>, vector<16xf32>,
    %swap3A_21 = vector.shape_cast %swap3A_20 : vector<16xf32> to vector<16xf32>
    %swap3A_22 = vector.shape_cast %broadcast_in_dim3A_18 : vector<16xf32> to vector<16xf32>
    tpu.vector_store %arg12[%swap3A_19], %swap3A_22 {strides = array<i32>} : memref<128xf32, #tpu.memory_space<vmem>>, vector<16xf32>,
    %broadcast_in_dim3A_23 = arith.constant 0 : i32
    %broadcast_in_dim3A_24 = vector.broadcast %broadcast_in_dim3A_23 : i32 to vector<16xi32>
    %swap3A_25 = arith.constant 32 : index
    %swap3A_26 = tpu.vector_load %arg11[%swap3A_25] {strides = array<i32>} : memref<128xi32, #tpu.memory_space<vmem>>, vector<16xi32>,
    %swap3A_27 = vector.shape_cast %swap3A_26 : vector<16xi32> to vector<16xi32>
    %swap3A_28 = vector.shape_cast %broadcast_in_dim3A_24 : vector<16xi32> to vector<16xi32>
    tpu.vector_store %arg11[%swap3A_25], %swap3A_28 {strides = array<i32>} : memref<128xi32, #tpu.memory_space<vmem>>, vector<16xi32>,
    %broadcast_in_dim3A_29 = arith.constant 0.000000e+00 : f32
    %broadcast_in_dim3A_30 = vector.broadcast %broadcast_in_dim3A_29 : f32 to vector<16xf32>
    %swap3A_31 = arith.constant 32 : index
    %swap3A_32 = tpu.vector_load %arg12[%swap3A_31] {strides = array<i32>} : memref<128xf32, #tpu.memory_space<vmem>>, vector<16xf32>,
    %swap3A_33 = vector.shape_cast %swap3A_32 : vector<16xf32> to vector<16xf32>
    %swap3A_34 = vector.shape_cast %broadcast_in_dim3A_30 : vector<16xf32> to vector<16xf32>
    tpu.vector_store %arg12[%swap3A_31], %swap3A_34 {strides = array<i32>} : memref<128xf32, #tpu.memory_space<vmem>>, vector<16xf32>,
    %broadcast_in_dim3A_35 = arith.constant 0 : i32
    %broadcast_in_dim3A_36 = vector.broadcast %broadcast_in_dim3A_35 : i32 to vector<16xi32>
    %swap3A_37 = arith.constant 48 : index
    %swap3A_38 = tpu.vector_load %arg11[%swap3A_37] {strides = array<i32>} : memref<128xi32, #tpu.memory_space<vmem>>, vector<16xi32>,
    %swap3A_39 = vector.shape_cast %swap3A_38 : vector<16xi32> to vector<16xi32>
    %swap3A_40 = vector.shape_cast %broadcast_in_dim3A_36 : vector<16xi32> to vector<16xi32>
    tpu.vector_store %arg11[%swap3A_37], %swap3A_40 {strides = array<i32>} : memref<128xi32, #tpu.memory_space<vmem>>, vector<16xi32>,
    %broadcast_in_dim3A_41 = arith.constant 0.000000e+00 : f32
    %broadcast_in_dim3A_42 = vector.broadcast %broadcast_in_dim3A_41 : f32 to vector<16xf32>
    %swap3A_43 = arith.constant 48 : index
    %swap3A_44 = tpu.vector_load %arg12[%swap3A_43] {strides = array<i32>} : memref<128xf32, #tpu.memory_space<vmem>>, vector<16xf32>,
    %swap3A_45 = vector.shape_cast %swap3A_44 : vector<16xf32> to vector<16xf32>
    %swap3A_46 = vector.shape_cast %broadcast_in_dim3A_42 : vector<16xf32> to vector<16xf32>
    tpu.vector_store %arg12[%swap3A_43], %swap3A_46 {strides = array<i32>} : memref<128xf32, #tpu.memory_space<vmem>>, vector<16xf32>,
    %broadcast_in_dim3A_47 = arith.constant 0 : i32
    %broadcast_in_dim3A_48 = vector.broadcast %broadcast_in_dim3A_47 : i32 to vector<16xi32>
    %swap3A_49 = arith.constant 64 : index
    %swap3A_50 = tpu.vector_load %arg11[%swap3A_49] {strides = array<i32>} : memref<128xi32, #tpu.memory_space<vmem>>, vector<16xi32>,
    %swap3A_51 = vector.shape_cast %swap3A_50 : vector<16xi32> to vector<16xi32>
    %swap3A_52 = vector.shape_cast %broadcast_in_dim3A_48 : vector<16xi32> to vector<16xi32>
    tpu.vector_store %arg11[%swap3A_49], %swap3A_52 {strides = array<i32>} : memref<128xi32, #tpu.memory_space<vmem>>, vector<16xi32>,
    %broadcast_in_dim3A_53 = arith.constant 0.000000e+00 : f32
    %broadcast_in_dim3A_54 = vector.broadcast %broadcast_in_dim3A_53 : f32 to vector<16xf32>
    %swap3A_55 = arith.constant 64 : index
    %swap3A_56 = tpu.vector_load %arg12[%swap3A_55] {strides = array<i32>} : memref<128xf32, #tpu.memory_space<vmem>>, vector<16xf32>,
    %swap3A_57 = vector.shape_cast %swap3A_56 : vector<16xf32> to vector<16xf32>
    %swap3A_58 = vector.shape_cast %broadcast_in_dim3A_54 : vector<16xf32> to vector<16xf32>
    tpu.vector_store %arg12[%swap3A_55], %swap3A_58 {strides = array<i32>} : memref<128xf32, #tpu.memory_space<vmem>>, vector<16xf32>,
    %broadcast_in_dim3A_59 = arith.constant 0 : i32
    %broadcast_in_dim3A_60 = vector.broadcast %broadcast_in_dim3A_59 : i32 to vector<16xi32>
    %swap3A_61 = arith.constant 80 : index
    %swap3A_62 = tpu.vector_load %arg11[%swap3A_61] {strides = array<i32>} : memref<128xi32, #tpu.memory_space<vmem>>, vector<16xi32>,
    %swap3A_63 = vector.shape_cast %swap3A_62 : vector<16xi32> to vector<16xi32>
    %swap3A_64 = vector.shape_cast %broadcast_in_dim3A_60 : vector<16xi32> to vector<16xi32>
    tpu.vector_store %arg11[%swap3A_61], %swap3A_64 {strides = array<i32>} : memref<128xi32, #tpu.memory_space<vmem>>, vector<16xi32>,
    %broadcast_in_dim3A_65 = arith.constant 0.000000e+00 : f32
    %broadcast_in_dim3A_66 = vector.broadcast %broadcast_in_dim3A_65 : f32 to vector<16xf32>
    %swap3A_67 = arith.constant 80 : index
    %swap3A_68 = tpu.vector_load %arg12[%swap3A_67] {strides = array<i32>} : memref<128xf32, #tpu.memory_space<vmem>>, vector<16xf32>,
    %swap3A_69 = vector.shape_cast %swap3A_68 : vector<16xf32> to vector<16xf32>
    %swap3A_70 = vector.shape_cast %broadcast_in_dim3A_66 : vector<16xf32> to vector<16xf32>
    tpu.vector_store %arg12[%swap3A_67], %swap3A_70 {strides = array<i32>} : memref<128xf32, #tpu.memory_space<vmem>>, vector<16xf32>,
    %broadcast_in_dim3A_71 = arith.constant 0 : i32
    %broadcast_in_dim3A_72 = vector.broadcast %broadcast_in_dim3A_71 : i32 to vector<16xi32>
    %swap3A_73 = arith.constant 96 : index
    %swap3A_74 = tpu.vector_load %arg11[%swap3A_73] {strides = array<i32>} : memref<128xi32, #tpu.memory_space<vmem>>, vector<16xi32>,
    %swap3A_75 = vector.shape_cast %swap3A_74 : vector<16xi32> to vector<16xi32>
    %swap3A_76 = vector.shape_cast %broadcast_in_dim3A_72 : vector<16xi32> to vector<16xi32>
    tpu.vector_store %arg11[%swap3A_73], %swap3A_76 {strides = array<i32>} : memref<128xi32, #tpu.memory_space<vmem>>, vector<16xi32>,
    %broadcast_in_dim3A_77 = arith.constant 0.000000e+00 : f32
    %broadcast_in_dim3A_78 = vector.broadcast %broadcast_in_dim3A_77 : f32 to vector<16xf32>
    %swap3A_79 = arith.constant 96 : index
    %swap3A_80 = tpu.vector_load %arg12[%swap3A_79] {strides = array<i32>} : memref<128xf32, #tpu.memory_space<vmem>>, vector<16xf32>,
    %swap3A_81 = vector.shape_cast %swap3A_80 : vector<16xf32> to vector<16xf32>
    %swap3A_82 = vector.shape_cast %broadcast_in_dim3A_78 : vector<16xf32> to vector<16xf32>
    tpu.vector_store %arg12[%swap3A_79], %swap3A_82 {strides = array<i32>} : memref<128xf32, #tpu.memory_space<vmem>>, vector<16xf32>,
    %broadcast_in_dim3A_83 = arith.constant 0 : i32
    %broadcast_in_dim3A_84 = vector.broadcast %broadcast_in_dim3A_83 : i32 to vector<16xi32>
    %swap3A_85 = arith.constant 112 : index
    %swap3A_86 = tpu.vector_load %arg11[%swap3A_85] {strides = array<i32>} : memref<128xi32, #tpu.memory_space<vmem>>, vector<16xi32>,
    %swap3A_87 = vector.shape_cast %swap3A_86 : vector<16xi32> to vector<16xi32>
    %swap3A_88 = vector.shape_cast %broadcast_in_dim3A_84 : vector<16xi32> to vector<16xi32>
    tpu.vector_store %arg11[%swap3A_85], %swap3A_88 {strides = array<i32>} : memref<128xi32, #tpu.memory_space<vmem>>, vector<16xi32>,
    %broadcast_in_dim3A_89 = arith.constant 0.000000e+00 : f32
    %broadcast_in_dim3A_90 = vector.broadcast %broadcast_in_dim3A_89 : f32 to vector<16xf32>
    %swap3A_91 = arith.constant 112 : index
    %swap3A_92 = tpu.vector_load %arg12[%swap3A_91] {strides = array<i32>} : memref<128xf32, #tpu.memory_space<vmem>>, vector<16xf32>,
    %swap3A_93 = vector.shape_cast %swap3A_92 : vector<16xf32> to vector<16xf32>
    %swap3A_94 = vector.shape_cast %broadcast_in_dim3A_90 : vector<16xf32> to vector<16xf32>
    tpu.vector_store %arg12[%swap3A_91], %swap3A_94 {strides = array<i32>} : memref<128xf32, #tpu.memory_space<vmem>>, vector<16xf32>,
    %barrier3A = arith.constant 0 : index
    tpu.barrier barrier_id(%barrier3A)
    %scan3A = arith.constant 0 : i32
    %scan3A_95 = arith.constant 0 : i32
    %scan3A_96 = arith.constant 8 : i32
    %scan3A_97 = arith.addi %scan3A_95, %scan3A_96 : i32
    %scan3A_98 = arith.constant 1 : i32
    scf.for %scan3A_100 = %scan3A_95 to %scan3A_97 step %scan3A_98  : i32 {
      %mul3A_101 = arith.constant 8 : i32
      %mul3A_102 = arith.muli %arg0, %mul3A_101 : i32
      %add3A = arith.constant 16 : i32
      %add3A_103 = arith.addi %add3A, %mul3A_102 : i32
      %add3A_104 = arith.addi %add3A_103, %scan3A_100 : i32
      %mul3A_105 = arith.constant 4096 : i32
      %mul3A_106 = arith.muli %add3A_104, %mul3A_105 : i32
      %mul3A_107 = arith.constant 128 : i32
      %mul3A_108 = arith.muli %arg1, %mul3A_107 : i32
      %add3A_109 = arith.addi %mul3A_106, %mul3A_108 : i32
      "tpu.region"() ({
        %run_scoped3A = tpu.sem_alloc : memref<!tpu.dma_semaphore, #tpu.memory_space<semaphore_mem>>
        %dma_start3A = tpu.memref_slice %arg2[%add3A_109] : memref<262144xi32, #tpu.memory_space<hbm>> -> memref<128xi32, #tpu.memory_space<hbm>>
        %dma_start3A_563 = tpu.memref_slice %arg2[%add3A_109] : memref<262144xi32, #tpu.memory_space<hbm>> -> memref<128xi32, #tpu.memory_space<hbm>>
        tpu.enqueue_dma source(%dma_start3A_563 : memref<128xi32, #tpu.memory_space<hbm>>) target(%arg6 : memref<128xi32, #tpu.memory_space<vmem>>) target_semaphore(%run_scoped3A : memref<!tpu.dma_semaphore, #tpu.memory_space<semaphore_mem>>)
        %dma_wait3A = tpu.memref_slice %arg2[%add3A_109] : memref<262144xi32, #tpu.memory_space<hbm>> -> memref<128xi32, #tpu.memory_space<hbm>>
        %dma_wait3A_564 = tpu.memref_slice %arg2[%add3A_109] : memref<262144xi32, #tpu.memory_space<hbm>> -> memref<128xi32, #tpu.memory_space<hbm>>
        tpu.wait_dma2 semaphore(%run_scoped3A : memref<!tpu.dma_semaphore, #tpu.memory_space<semaphore_mem>>) src(%dma_wait3A_564 : memref<128xi32, #tpu.memory_space<hbm>>) dst(%arg6 : memref<128xi32, #tpu.memory_space<vmem>>)
        tpu.yield
      }) : () -> ()
      %add3A_110 = arith.constant 2048 : i32
      %add3A_111 = arith.addi %add3A_109, %add3A_110 : i32
      "tpu.region"() ({
        %run_scoped3A = tpu.sem_alloc : memref<!tpu.dma_semaphore, #tpu.memory_space<semaphore_mem>>
        %dma_start3A = tpu.memref_slice %arg2[%add3A_111] : memref<262144xi32, #tpu.memory_space<hbm>> -> memref<128xi32, #tpu.memory_space<hbm>>
        %dma_start3A_563 = tpu.memref_slice %arg2[%add3A_111] : memref<262144xi32, #tpu.memory_space<hbm>> -> memref<128xi32, #tpu.memory_space<hbm>>
        tpu.enqueue_dma source(%dma_start3A_563 : memref<128xi32, #tpu.memory_space<hbm>>) target(%arg7 : memref<128xi32, #tpu.memory_space<vmem>>) target_semaphore(%run_scoped3A : memref<!tpu.dma_semaphore, #tpu.memory_space<semaphore_mem>>)
        %dma_wait3A = tpu.memref_slice %arg2[%add3A_111] : memref<262144xi32, #tpu.memory_space<hbm>> -> memref<128xi32, #tpu.memory_space<hbm>>
        %dma_wait3A_564 = tpu.memref_slice %arg2[%add3A_111] : memref<262144xi32, #tpu.memory_space<hbm>> -> memref<128xi32, #tpu.memory_space<hbm>>
        tpu.wait_dma2 semaphore(%run_scoped3A : memref<!tpu.dma_semaphore, #tpu.memory_space<semaphore_mem>>) src(%dma_wait3A_564 : memref<128xi32, #tpu.memory_space<hbm>>) dst(%arg7 : memref<128xi32, #tpu.memory_space<vmem>>)
        tpu.yield
      }) : () -> ()
      %mul3A_112 = arith.constant 2048 : i32
      %mul3A_113 = arith.muli %add3A_104, %mul3A_112 : i32
      %mul3A_114 = arith.constant 128 : i32
      %mul3A_115 = arith.muli %arg1, %mul3A_114 : i32
      %add3A_116 = arith.addi %mul3A_113, %mul3A_115 : i32
      "tpu.region"() ({
        %run_scoped3A = tpu.sem_alloc : memref<!tpu.dma_semaphore, #tpu.memory_space<semaphore_mem>>
        %dma_start3A = tpu.memref_slice %arg3[%add3A_116] : memref<131072xf32, #tpu.memory_space<hbm>> -> memref<128xf32, #tpu.memory_space<hbm>>
        %dma_start3A_563 = tpu.memref_slice %arg3[%add3A_116] : memref<131072xf32, #tpu.memory_space<hbm>> -> memref<128xf32, #tpu.memory_space<hbm>>
        tpu.enqueue_dma source(%dma_start3A_563 : memref<128xf32, #tpu.memory_space<hbm>>) target(%arg9 : memref<128xf32, #tpu.memory_space<vmem>>) target_semaphore(%run_scoped3A : memref<!tpu.dma_semaphore, #tpu.memory_space<semaphore_mem>>)
        %dma_wait3A = tpu.memref_slice %arg3[%add3A_116] : memref<131072xf32, #tpu.memory_space<hbm>> -> memref<128xf32, #tpu.memory_space<hbm>>
        %dma_wait3A_564 = tpu.memref_slice %arg3[%add3A_116] : memref<131072xf32, #tpu.memory_space<hbm>> -> memref<128xf32, #tpu.memory_space<hbm>>
        tpu.wait_dma2 semaphore(%run_scoped3A : memref<!tpu.dma_semaphore, #tpu.memory_space<semaphore_mem>>) src(%dma_wait3A_564 : memref<128xf32, #tpu.memory_space<hbm>>) dst(%arg9 : memref<128xf32, #tpu.memory_space<vmem>>)
        tpu.yield
      }) : () -> ()
      %get3A = arith.constant 0 : index
      %get3A_117 = tpu.vector_load %arg6[%get3A] {strides = array<i32>} : memref<128xi32, #tpu.memory_space<vmem>>, vector<16xi32>,
      %get3A_118 = vector.shape_cast %get3A_117 : vector<16xi32> to vector<16xi32>
      %get3A_119 = arith.constant 0 : index
      %get3A_120 = tpu.vector_load %arg7[%get3A_119] {strides = array<i32>} : memref<128xi32, #tpu.memory_space<vmem>>, vector<16xi32>,
      %get3A_121 = vector.shape_cast %get3A_120 : vector<16xi32> to vector<16xi32>
      %shift_right_logical3A = arith.constant 7 : i32
      %shift_right_logical3A_122 = vector.broadcast %shift_right_logical3A : i32 to vector<16xi32>
      %shift_right_logical3A_123 = arith.shrui %get3A_118, %shift_right_logical3A_122 : vector<16xi32>
      %mul3A_124 = arith.constant 73728 : i32
      %mul3A_125 = vector.broadcast %mul3A_124 : i32 to vector<16xi32>
      %mul3A_126 = arith.muli %shift_right_logical3A_123, %mul3A_125 : vector<16xi32>
      %shift_left3A = arith.constant 7 : i32
      %shift_left3A_127 = vector.broadcast %shift_left3A : i32 to vector<16xi32>
      %shift_left3A_128 = arith.shli %get3A_121, %shift_left3A_127 : vector<16xi32>
      %add3A_129 = arith.addi %mul3A_126, %shift_left3A_128 : vector<16xi32>
      %and3A = arith.constant 127 : i32
      %and3A_130 = vector.broadcast %and3A : i32 to vector<16xi32>
      %and3A_131 = arith.andi %get3A_118, %and3A_130 : vector<16xi32>
      %add3A_132 = arith.addi %add3A_129, %and3A_131 : vector<16xi32>
      %swap3A_133 = arith.constant 0 : index
      %swap3A_134 = tpu.vector_load %arg8[%swap3A_133] {strides = array<i32>} : memref<128xi32, #tpu.memory_space<vmem>>, vector<16xi32>,
      %swap3A_135 = vector.shape_cast %swap3A_134 : vector<16xi32> to vector<16xi32>
      %swap3A_136 = vector.shape_cast %add3A_132 : vector<16xi32> to vector<16xi32>
      tpu.vector_store %arg8[%swap3A_133], %swap3A_136 {strides = array<i32>} : memref<128xi32, #tpu.memory_space<vmem>>, vector<16xi32>,
      %get3A_137 = arith.constant 0 : index
      %get3A_138 = tpu.vector_load %arg9[%get3A_137] {strides = array<i32>} : memref<128xf32, #tpu.memory_space<vmem>>, vector<16xf32>,
      %get3A_139 = vector.shape_cast %get3A_138 : vector<16xf32> to vector<16xf32>
      %add3A_140 = arith.constant 6.400000e+01 : f32
      %add3A_141 = vector.broadcast %add3A_140 : f32 to vector<16xf32>
      %add3A_142 = arith.addf %get3A_139, %add3A_141 : vector<16xf32>
      %swap3A_143 = arith.constant 0 : index
      %swap3A_144 = tpu.vector_load %arg9[%swap3A_143] {strides = array<i32>} : memref<128xf32, #tpu.memory_space<vmem>>, vector<16xf32>,
      %swap3A_145 = vector.shape_cast %swap3A_144 : vector<16xf32> to vector<16xf32>
      %swap3A_146 = vector.shape_cast %add3A_142 : vector<16xf32> to vector<16xf32>
      tpu.vector_store %arg9[%swap3A_143], %swap3A_146 {strides = array<i32>} : memref<128xf32, #tpu.memory_space<vmem>>, vector<16xf32>,
      %sub3A = arith.constant 0.000000e+00 : f32
      %sub3A_147 = vector.broadcast %sub3A : f32 to vector<16xf32>
      %sub3A_148 = arith.subf %sub3A_147, %add3A_142 : vector<16xf32>
      %swap3A_149 = arith.constant 0 : index
      %swap3A_150 = tpu.vector_load %arg10[%swap3A_149] {strides = array<i32>} : memref<128xf32, #tpu.memory_space<vmem>>, vector<16xf32>,
      %swap3A_151 = vector.shape_cast %swap3A_150 : vector<16xf32> to vector<16xf32>
      %swap3A_152 = vector.shape_cast %sub3A_148 : vector<16xf32> to vector<16xf32>
      tpu.vector_store %arg10[%swap3A_149], %swap3A_152 {strides = array<i32>} : memref<128xf32, #tpu.memory_space<vmem>>, vector<16xf32>,
      %get3A_153 = arith.constant 16 : index
      %get3A_154 = tpu.vector_load %arg6[%get3A_153] {strides = array<i32>} : memref<128xi32, #tpu.memory_space<vmem>>, vector<16xi32>,
      %get3A_155 = vector.shape_cast %get3A_154 : vector<16xi32> to vector<16xi32>
      %get3A_156 = arith.constant 16 : index
      %get3A_157 = tpu.vector_load %arg7[%get3A_156] {strides = array<i32>} : memref<128xi32, #tpu.memory_space<vmem>>, vector<16xi32>,
      %get3A_158 = vector.shape_cast %get3A_157 : vector<16xi32> to vector<16xi32>
      %shift_right_logical3A_159 = arith.constant 7 : i32
      %shift_right_logical3A_160 = vector.broadcast %shift_right_logical3A_159 : i32 to vector<16xi32>
      %shift_right_logical3A_161 = arith.shrui %get3A_155, %shift_right_logical3A_160 : vector<16xi32>
      %mul3A_162 = arith.constant 73728 : i32
      %mul3A_163 = vector.broadcast %mul3A_162 : i32 to vector<16xi32>
      %mul3A_164 = arith.muli %shift_right_logical3A_161, %mul3A_163 : vector<16xi32>
      %shift_left3A_165 = arith.constant 7 : i32
      %shift_left3A_166 = vector.broadcast %shift_left3A_165 : i32 to vector<16xi32>
      %shift_left3A_167 = arith.shli %get3A_158, %shift_left3A_166 : vector<16xi32>
      %add3A_168 = arith.addi %mul3A_164, %shift_left3A_167 : vector<16xi32>
      %and3A_169 = arith.constant 127 : i32
      %and3A_170 = vector.broadcast %and3A_169 : i32 to vector<16xi32>
      %and3A_171 = arith.andi %get3A_155, %and3A_170 : vector<16xi32>
      %add3A_172 = arith.addi %add3A_168, %and3A_171 : vector<16xi32>
      %swap3A_173 = arith.constant 16 : index
      %swap3A_174 = tpu.vector_load %arg8[%swap3A_173] {strides = array<i32>} : memref<128xi32, #tpu.memory_space<vmem>>, vector<16xi32>,
      %swap3A_175 = vector.shape_cast %swap3A_174 : vector<16xi32> to vector<16xi32>
      %swap3A_176 = vector.shape_cast %add3A_172 : vector<16xi32> to vector<16xi32>
      tpu.vector_store %arg8[%swap3A_173], %swap3A_176 {strides = array<i32>} : memref<128xi32, #tpu.memory_space<vmem>>, vector<16xi32>,
      %get3A_177 = arith.constant 16 : index
      %get3A_178 = tpu.vector_load %arg9[%get3A_177] {strides = array<i32>} : memref<128xf32, #tpu.memory_space<vmem>>, vector<16xf32>,
      %get3A_179 = vector.shape_cast %get3A_178 : vector<16xf32> to vector<16xf32>
      %add3A_180 = arith.constant 6.400000e+01 : f32
      %add3A_181 = vector.broadcast %add3A_180 : f32 to vector<16xf32>
      %add3A_182 = arith.addf %get3A_179, %add3A_181 : vector<16xf32>
      %swap3A_183 = arith.constant 16 : index
      %swap3A_184 = tpu.vector_load %arg9[%swap3A_183] {strides = array<i32>} : memref<128xf32, #tpu.memory_space<vmem>>, vector<16xf32>,
      %swap3A_185 = vector.shape_cast %swap3A_184 : vector<16xf32> to vector<16xf32>
      %swap3A_186 = vector.shape_cast %add3A_182 : vector<16xf32> to vector<16xf32>
      tpu.vector_store %arg9[%swap3A_183], %swap3A_186 {strides = array<i32>} : memref<128xf32, #tpu.memory_space<vmem>>, vector<16xf32>,
      %sub3A_187 = arith.constant 0.000000e+00 : f32
      %sub3A_188 = vector.broadcast %sub3A_187 : f32 to vector<16xf32>
      %sub3A_189 = arith.subf %sub3A_188, %add3A_182 : vector<16xf32>
      %swap3A_190 = arith.constant 16 : index
      %swap3A_191 = tpu.vector_load %arg10[%swap3A_190] {strides = array<i32>} : memref<128xf32, #tpu.memory_space<vmem>>, vector<16xf32>,
      %swap3A_192 = vector.shape_cast %swap3A_191 : vector<16xf32> to vector<16xf32>
      %swap3A_193 = vector.shape_cast %sub3A_189 : vector<16xf32> to vector<16xf32>
      tpu.vector_store %arg10[%swap3A_190], %swap3A_193 {strides = array<i32>} : memref<128xf32, #tpu.memory_space<vmem>>, vector<16xf32>,
      %get3A_194 = arith.constant 32 : index
      %get3A_195 = tpu.vector_load %arg6[%get3A_194] {strides = array<i32>} : memref<128xi32, #tpu.memory_space<vmem>>, vector<16xi32>,
      %get3A_196 = vector.shape_cast %get3A_195 : vector<16xi32> to vector<16xi32>
      %get3A_197 = arith.constant 32 : index
      %get3A_198 = tpu.vector_load %arg7[%get3A_197] {strides = array<i32>} : memref<128xi32, #tpu.memory_space<vmem>>, vector<16xi32>,
      %get3A_199 = vector.shape_cast %get3A_198 : vector<16xi32> to vector<16xi32>
      %shift_right_logical3A_200 = arith.constant 7 : i32
      %shift_right_logical3A_201 = vector.broadcast %shift_right_logical3A_200 : i32 to vector<16xi32>
      %shift_right_logical3A_202 = arith.shrui %get3A_196, %shift_right_logical3A_201 : vector<16xi32>
      %mul3A_203 = arith.constant 73728 : i32
      %mul3A_204 = vector.broadcast %mul3A_203 : i32 to vector<16xi32>
      %mul3A_205 = arith.muli %shift_right_logical3A_202, %mul3A_204 : vector<16xi32>
      %shift_left3A_206 = arith.constant 7 : i32
      %shift_left3A_207 = vector.broadcast %shift_left3A_206 : i32 to vector<16xi32>
      %shift_left3A_208 = arith.shli %get3A_199, %shift_left3A_207 : vector<16xi32>
      %add3A_209 = arith.addi %mul3A_205, %shift_left3A_208 : vector<16xi32>
      %and3A_210 = arith.constant 127 : i32
      %and3A_211 = vector.broadcast %and3A_210 : i32 to vector<16xi32>
      %and3A_212 = arith.andi %get3A_196, %and3A_211 : vector<16xi32>
      %add3A_213 = arith.addi %add3A_209, %and3A_212 : vector<16xi32>
      %swap3A_214 = arith.constant 32 : index
      %swap3A_215 = tpu.vector_load %arg8[%swap3A_214] {strides = array<i32>} : memref<128xi32, #tpu.memory_space<vmem>>, vector<16xi32>,
      %swap3A_216 = vector.shape_cast %swap3A_215 : vector<16xi32> to vector<16xi32>
      %swap3A_217 = vector.shape_cast %add3A_213 : vector<16xi32> to vector<16xi32>
      tpu.vector_store %arg8[%swap3A_214], %swap3A_217 {strides = array<i32>} : memref<128xi32, #tpu.memory_space<vmem>>, vector<16xi32>,
      %get3A_218 = arith.constant 32 : index
      %get3A_219 = tpu.vector_load %arg9[%get3A_218] {strides = array<i32>} : memref<128xf32, #tpu.memory_space<vmem>>, vector<16xf32>,
      %get3A_220 = vector.shape_cast %get3A_219 : vector<16xf32> to vector<16xf32>
      %add3A_221 = arith.constant 6.400000e+01 : f32
      %add3A_222 = vector.broadcast %add3A_221 : f32 to vector<16xf32>
      %add3A_223 = arith.addf %get3A_220, %add3A_222 : vector<16xf32>
      %swap3A_224 = arith.constant 32 : index
      %swap3A_225 = tpu.vector_load %arg9[%swap3A_224] {strides = array<i32>} : memref<128xf32, #tpu.memory_space<vmem>>, vector<16xf32>,
      %swap3A_226 = vector.shape_cast %swap3A_225 : vector<16xf32> to vector<16xf32>
      %swap3A_227 = vector.shape_cast %add3A_223 : vector<16xf32> to vector<16xf32>
      tpu.vector_store %arg9[%swap3A_224], %swap3A_227 {strides = array<i32>} : memref<128xf32, #tpu.memory_space<vmem>>, vector<16xf32>,
      %sub3A_228 = arith.constant 0.000000e+00 : f32
      %sub3A_229 = vector.broadcast %sub3A_228 : f32 to vector<16xf32>
      %sub3A_230 = arith.subf %sub3A_229, %add3A_223 : vector<16xf32>
      %swap3A_231 = arith.constant 32 : index
      %swap3A_232 = tpu.vector_load %arg10[%swap3A_231] {strides = array<i32>} : memref<128xf32, #tpu.memory_space<vmem>>, vector<16xf32>,
      %swap3A_233 = vector.shape_cast %swap3A_232 : vector<16xf32> to vector<16xf32>
      %swap3A_234 = vector.shape_cast %sub3A_230 : vector<16xf32> to vector<16xf32>
      tpu.vector_store %arg10[%swap3A_231], %swap3A_234 {strides = array<i32>} : memref<128xf32, #tpu.memory_space<vmem>>, vector<16xf32>,
      %get3A_235 = arith.constant 48 : index
      %get3A_236 = tpu.vector_load %arg6[%get3A_235] {strides = array<i32>} : memref<128xi32, #tpu.memory_space<vmem>>, vector<16xi32>,
      %get3A_237 = vector.shape_cast %get3A_236 : vector<16xi32> to vector<16xi32>
      %get3A_238 = arith.constant 48 : index
      %get3A_239 = tpu.vector_load %arg7[%get3A_238] {strides = array<i32>} : memref<128xi32, #tpu.memory_space<vmem>>, vector<16xi32>,
      %get3A_240 = vector.shape_cast %get3A_239 : vector<16xi32> to vector<16xi32>
      %shift_right_logical3A_241 = arith.constant 7 : i32
      %shift_right_logical3A_242 = vector.broadcast %shift_right_logical3A_241 : i32 to vector<16xi32>
      %shift_right_logical3A_243 = arith.shrui %get3A_237, %shift_right_logical3A_242 : vector<16xi32>
      %mul3A_244 = arith.constant 73728 : i32
      %mul3A_245 = vector.broadcast %mul3A_244 : i32 to vector<16xi32>
      %mul3A_246 = arith.muli %shift_right_logical3A_243, %mul3A_245 : vector<16xi32>
      %shift_left3A_247 = arith.constant 7 : i32
      %shift_left3A_248 = vector.broadcast %shift_left3A_247 : i32 to vector<16xi32>
      %shift_left3A_249 = arith.shli %get3A_240, %shift_left3A_248 : vector<16xi32>
      %add3A_250 = arith.addi %mul3A_246, %shift_left3A_249 : vector<16xi32>
      %and3A_251 = arith.constant 127 : i32
      %and3A_252 = vector.broadcast %and3A_251 : i32 to vector<16xi32>
      %and3A_253 = arith.andi %get3A_237, %and3A_252 : vector<16xi32>
      %add3A_254 = arith.addi %add3A_250, %and3A_253 : vector<16xi32>
      %swap3A_255 = arith.constant 48 : index
      %swap3A_256 = tpu.vector_load %arg8[%swap3A_255] {strides = array<i32>} : memref<128xi32, #tpu.memory_space<vmem>>, vector<16xi32>,
      %swap3A_257 = vector.shape_cast %swap3A_256 : vector<16xi32> to vector<16xi32>
      %swap3A_258 = vector.shape_cast %add3A_254 : vector<16xi32> to vector<16xi32>
      tpu.vector_store %arg8[%swap3A_255], %swap3A_258 {strides = array<i32>} : memref<128xi32, #tpu.memory_space<vmem>>, vector<16xi32>,
      %get3A_259 = arith.constant 48 : index
      %get3A_260 = tpu.vector_load %arg9[%get3A_259] {strides = array<i32>} : memref<128xf32, #tpu.memory_space<vmem>>, vector<16xf32>,
      %get3A_261 = vector.shape_cast %get3A_260 : vector<16xf32> to vector<16xf32>
      %add3A_262 = arith.constant 6.400000e+01 : f32
      %add3A_263 = vector.broadcast %add3A_262 : f32 to vector<16xf32>
      %add3A_264 = arith.addf %get3A_261, %add3A_263 : vector<16xf32>
      %swap3A_265 = arith.constant 48 : index
      %swap3A_266 = tpu.vector_load %arg9[%swap3A_265] {strides = array<i32>} : memref<128xf32, #tpu.memory_space<vmem>>, vector<16xf32>,
      %swap3A_267 = vector.shape_cast %swap3A_266 : vector<16xf32> to vector<16xf32>
      %swap3A_268 = vector.shape_cast %add3A_264 : vector<16xf32> to vector<16xf32>
      tpu.vector_store %arg9[%swap3A_265], %swap3A_268 {strides = array<i32>} : memref<128xf32, #tpu.memory_space<vmem>>, vector<16xf32>,
      %sub3A_269 = arith.constant 0.000000e+00 : f32
      %sub3A_270 = vector.broadcast %sub3A_269 : f32 to vector<16xf32>
      %sub3A_271 = arith.subf %sub3A_270, %add3A_264 : vector<16xf32>
      %swap3A_272 = arith.constant 48 : index
      %swap3A_273 = tpu.vector_load %arg10[%swap3A_272] {strides = array<i32>} : memref<128xf32, #tpu.memory_space<vmem>>, vector<16xf32>,
      %swap3A_274 = vector.shape_cast %swap3A_273 : vector<16xf32> to vector<16xf32>
      %swap3A_275 = vector.shape_cast %sub3A_271 : vector<16xf32> to vector<16xf32>
      tpu.vector_store %arg10[%swap3A_272], %swap3A_275 {strides = array<i32>} : memref<128xf32, #tpu.memory_space<vmem>>, vector<16xf32>,
      %get3A_276 = arith.constant 64 : index
      %get3A_277 = tpu.vector_load %arg6[%get3A_276] {strides = array<i32>} : memref<128xi32, #tpu.memory_space<vmem>>, vector<16xi32>,
      %get3A_278 = vector.shape_cast %get3A_277 : vector<16xi32> to vector<16xi32>
      %get3A_279 = arith.constant 64 : index
      %get3A_280 = tpu.vector_load %arg7[%get3A_279] {strides = array<i32>} : memref<128xi32, #tpu.memory_space<vmem>>, vector<16xi32>,
      %get3A_281 = vector.shape_cast %get3A_280 : vector<16xi32> to vector<16xi32>
      %shift_right_logical3A_282 = arith.constant 7 : i32
      %shift_right_logical3A_283 = vector.broadcast %shift_right_logical3A_282 : i32 to vector<16xi32>
      %shift_right_logical3A_284 = arith.shrui %get3A_278, %shift_right_logical3A_283 : vector<16xi32>
      %mul3A_285 = arith.constant 73728 : i32
      %mul3A_286 = vector.broadcast %mul3A_285 : i32 to vector<16xi32>
      %mul3A_287 = arith.muli %shift_right_logical3A_284, %mul3A_286 : vector<16xi32>
      %shift_left3A_288 = arith.constant 7 : i32
      %shift_left3A_289 = vector.broadcast %shift_left3A_288 : i32 to vector<16xi32>
      %shift_left3A_290 = arith.shli %get3A_281, %shift_left3A_289 : vector<16xi32>
      %add3A_291 = arith.addi %mul3A_287, %shift_left3A_290 : vector<16xi32>
      %and3A_292 = arith.constant 127 : i32
      %and3A_293 = vector.broadcast %and3A_292 : i32 to vector<16xi32>
      %and3A_294 = arith.andi %get3A_278, %and3A_293 : vector<16xi32>
      %add3A_295 = arith.addi %add3A_291, %and3A_294 : vector<16xi32>
      %swap3A_296 = arith.constant 64 : index
      %swap3A_297 = tpu.vector_load %arg8[%swap3A_296] {strides = array<i32>} : memref<128xi32, #tpu.memory_space<vmem>>, vector<16xi32>,
      %swap3A_298 = vector.shape_cast %swap3A_297 : vector<16xi32> to vector<16xi32>
      %swap3A_299 = vector.shape_cast %add3A_295 : vector<16xi32> to vector<16xi32>
      tpu.vector_store %arg8[%swap3A_296], %swap3A_299 {strides = array<i32>} : memref<128xi32, #tpu.memory_space<vmem>>, vector<16xi32>,
      %get3A_300 = arith.constant 64 : index
      %get3A_301 = tpu.vector_load %arg9[%get3A_300] {strides = array<i32>} : memref<128xf32, #tpu.memory_space<vmem>>, vector<16xf32>,
      %get3A_302 = vector.shape_cast %get3A_301 : vector<16xf32> to vector<16xf32>
      %add3A_303 = arith.constant 6.400000e+01 : f32
      %add3A_304 = vector.broadcast %add3A_303 : f32 to vector<16xf32>
      %add3A_305 = arith.addf %get3A_302, %add3A_304 : vector<16xf32>
      %swap3A_306 = arith.constant 64 : index
      %swap3A_307 = tpu.vector_load %arg9[%swap3A_306] {strides = array<i32>} : memref<128xf32, #tpu.memory_space<vmem>>, vector<16xf32>,
      %swap3A_308 = vector.shape_cast %swap3A_307 : vector<16xf32> to vector<16xf32>
      %swap3A_309 = vector.shape_cast %add3A_305 : vector<16xf32> to vector<16xf32>
      tpu.vector_store %arg9[%swap3A_306], %swap3A_309 {strides = array<i32>} : memref<128xf32, #tpu.memory_space<vmem>>, vector<16xf32>,
      %sub3A_310 = arith.constant 0.000000e+00 : f32
      %sub3A_311 = vector.broadcast %sub3A_310 : f32 to vector<16xf32>
      %sub3A_312 = arith.subf %sub3A_311, %add3A_305 : vector<16xf32>
      %swap3A_313 = arith.constant 64 : index
      %swap3A_314 = tpu.vector_load %arg10[%swap3A_313] {strides = array<i32>} : memref<128xf32, #tpu.memory_space<vmem>>, vector<16xf32>,
      %swap3A_315 = vector.shape_cast %swap3A_314 : vector<16xf32> to vector<16xf32>
      %swap3A_316 = vector.shape_cast %sub3A_312 : vector<16xf32> to vector<16xf32>
      tpu.vector_store %arg10[%swap3A_313], %swap3A_316 {strides = array<i32>} : memref<128xf32, #tpu.memory_space<vmem>>, vector<16xf32>,
      %get3A_317 = arith.constant 80 : index
      %get3A_318 = tpu.vector_load %arg6[%get3A_317] {strides = array<i32>} : memref<128xi32, #tpu.memory_space<vmem>>, vector<16xi32>,
      %get3A_319 = vector.shape_cast %get3A_318 : vector<16xi32> to vector<16xi32>
      %get3A_320 = arith.constant 80 : index
      %get3A_321 = tpu.vector_load %arg7[%get3A_320] {strides = array<i32>} : memref<128xi32, #tpu.memory_space<vmem>>, vector<16xi32>,
      %get3A_322 = vector.shape_cast %get3A_321 : vector<16xi32> to vector<16xi32>
      %shift_right_logical3A_323 = arith.constant 7 : i32
      %shift_right_logical3A_324 = vector.broadcast %shift_right_logical3A_323 : i32 to vector<16xi32>
      %shift_right_logical3A_325 = arith.shrui %get3A_319, %shift_right_logical3A_324 : vector<16xi32>
      %mul3A_326 = arith.constant 73728 : i32
      %mul3A_327 = vector.broadcast %mul3A_326 : i32 to vector<16xi32>
      %mul3A_328 = arith.muli %shift_right_logical3A_325, %mul3A_327 : vector<16xi32>
      %shift_left3A_329 = arith.constant 7 : i32
      %shift_left3A_330 = vector.broadcast %shift_left3A_329 : i32 to vector<16xi32>
      %shift_left3A_331 = arith.shli %get3A_322, %shift_left3A_330 : vector<16xi32>
      %add3A_332 = arith.addi %mul3A_328, %shift_left3A_331 : vector<16xi32>
      %and3A_333 = arith.constant 127 : i32
      %and3A_334 = vector.broadcast %and3A_333 : i32 to vector<16xi32>
      %and3A_335 = arith.andi %get3A_319, %and3A_334 : vector<16xi32>
      %add3A_336 = arith.addi %add3A_332, %and3A_335 : vector<16xi32>
      %swap3A_337 = arith.constant 80 : index
      %swap3A_338 = tpu.vector_load %arg8[%swap3A_337] {strides = array<i32>} : memref<128xi32, #tpu.memory_space<vmem>>, vector<16xi32>,
      %swap3A_339 = vector.shape_cast %swap3A_338 : vector<16xi32> to vector<16xi32>
      %swap3A_340 = vector.shape_cast %add3A_336 : vector<16xi32> to vector<16xi32>
      tpu.vector_store %arg8[%swap3A_337], %swap3A_340 {strides = array<i32>} : memref<128xi32, #tpu.memory_space<vmem>>, vector<16xi32>,
      %get3A_341 = arith.constant 80 : index
      %get3A_342 = tpu.vector_load %arg9[%get3A_341] {strides = array<i32>} : memref<128xf32, #tpu.memory_space<vmem>>, vector<16xf32>,
      %get3A_343 = vector.shape_cast %get3A_342 : vector<16xf32> to vector<16xf32>
      %add3A_344 = arith.constant 6.400000e+01 : f32
      %add3A_345 = vector.broadcast %add3A_344 : f32 to vector<16xf32>
      %add3A_346 = arith.addf %get3A_343, %add3A_345 : vector<16xf32>
      %swap3A_347 = arith.constant 80 : index
      %swap3A_348 = tpu.vector_load %arg9[%swap3A_347] {strides = array<i32>} : memref<128xf32, #tpu.memory_space<vmem>>, vector<16xf32>,
      %swap3A_349 = vector.shape_cast %swap3A_348 : vector<16xf32> to vector<16xf32>
      %swap3A_350 = vector.shape_cast %add3A_346 : vector<16xf32> to vector<16xf32>
      tpu.vector_store %arg9[%swap3A_347], %swap3A_350 {strides = array<i32>} : memref<128xf32, #tpu.memory_space<vmem>>, vector<16xf32>,
      %sub3A_351 = arith.constant 0.000000e+00 : f32
      %sub3A_352 = vector.broadcast %sub3A_351 : f32 to vector<16xf32>
      %sub3A_353 = arith.subf %sub3A_352, %add3A_346 : vector<16xf32>
      %swap3A_354 = arith.constant 80 : index
      %swap3A_355 = tpu.vector_load %arg10[%swap3A_354] {strides = array<i32>} : memref<128xf32, #tpu.memory_space<vmem>>, vector<16xf32>,
      %swap3A_356 = vector.shape_cast %swap3A_355 : vector<16xf32> to vector<16xf32>
      %swap3A_357 = vector.shape_cast %sub3A_353 : vector<16xf32> to vector<16xf32>
      tpu.vector_store %arg10[%swap3A_354], %swap3A_357 {strides = array<i32>} : memref<128xf32, #tpu.memory_space<vmem>>, vector<16xf32>,
      %get3A_358 = arith.constant 96 : index
      %get3A_359 = tpu.vector_load %arg6[%get3A_358] {strides = array<i32>} : memref<128xi32, #tpu.memory_space<vmem>>, vector<16xi32>,
      %get3A_360 = vector.shape_cast %get3A_359 : vector<16xi32> to vector<16xi32>
      %get3A_361 = arith.constant 96 : index
      %get3A_362 = tpu.vector_load %arg7[%get3A_361] {strides = array<i32>} : memref<128xi32, #tpu.memory_space<vmem>>, vector<16xi32>,
      %get3A_363 = vector.shape_cast %get3A_362 : vector<16xi32> to vector<16xi32>
      %shift_right_logical3A_364 = arith.constant 7 : i32
      %shift_right_logical3A_365 = vector.broadcast %shift_right_logical3A_364 : i32 to vector<16xi32>
      %shift_right_logical3A_366 = arith.shrui %get3A_360, %shift_right_logical3A_365 : vector<16xi32>
      %mul3A_367 = arith.constant 73728 : i32
      %mul3A_368 = vector.broadcast %mul3A_367 : i32 to vector<16xi32>
      %mul3A_369 = arith.muli %shift_right_logical3A_366, %mul3A_368 : vector<16xi32>
      %shift_left3A_370 = arith.constant 7 : i32
      %shift_left3A_371 = vector.broadcast %shift_left3A_370 : i32 to vector<16xi32>
      %shift_left3A_372 = arith.shli %get3A_363, %shift_left3A_371 : vector<16xi32>
      %add3A_373 = arith.addi %mul3A_369, %shift_left3A_372 : vector<16xi32>
      %and3A_374 = arith.constant 127 : i32
      %and3A_375 = vector.broadcast %and3A_374 : i32 to vector<16xi32>
      %and3A_376 = arith.andi %get3A_360, %and3A_375 : vector<16xi32>
      %add3A_377 = arith.addi %add3A_373, %and3A_376 : vector<16xi32>
      %swap3A_378 = arith.constant 96 : index
      %swap3A_379 = tpu.vector_load %arg8[%swap3A_378] {strides = array<i32>} : memref<128xi32, #tpu.memory_space<vmem>>, vector<16xi32>,
      %swap3A_380 = vector.shape_cast %swap3A_379 : vector<16xi32> to vector<16xi32>
      %swap3A_381 = vector.shape_cast %add3A_377 : vector<16xi32> to vector<16xi32>
      tpu.vector_store %arg8[%swap3A_378], %swap3A_381 {strides = array<i32>} : memref<128xi32, #tpu.memory_space<vmem>>, vector<16xi32>,
      %get3A_382 = arith.constant 96 : index
      %get3A_383 = tpu.vector_load %arg9[%get3A_382] {strides = array<i32>} : memref<128xf32, #tpu.memory_space<vmem>>, vector<16xf32>,
      %get3A_384 = vector.shape_cast %get3A_383 : vector<16xf32> to vector<16xf32>
      %add3A_385 = arith.constant 6.400000e+01 : f32
      %add3A_386 = vector.broadcast %add3A_385 : f32 to vector<16xf32>
      %add3A_387 = arith.addf %get3A_384, %add3A_386 : vector<16xf32>
      %swap3A_388 = arith.constant 96 : index
      %swap3A_389 = tpu.vector_load %arg9[%swap3A_388] {strides = array<i32>} : memref<128xf32, #tpu.memory_space<vmem>>, vector<16xf32>,
      %swap3A_390 = vector.shape_cast %swap3A_389 : vector<16xf32> to vector<16xf32>
      %swap3A_391 = vector.shape_cast %add3A_387 : vector<16xf32> to vector<16xf32>
      tpu.vector_store %arg9[%swap3A_388], %swap3A_391 {strides = array<i32>} : memref<128xf32, #tpu.memory_space<vmem>>, vector<16xf32>,
      %sub3A_392 = arith.constant 0.000000e+00 : f32
      %sub3A_393 = vector.broadcast %sub3A_392 : f32 to vector<16xf32>
      %sub3A_394 = arith.subf %sub3A_393, %add3A_387 : vector<16xf32>
      %swap3A_395 = arith.constant 96 : index
      %swap3A_396 = tpu.vector_load %arg10[%swap3A_395] {strides = array<i32>} : memref<128xf32, #tpu.memory_space<vmem>>, vector<16xf32>,
      %swap3A_397 = vector.shape_cast %swap3A_396 : vector<16xf32> to vector<16xf32>
      %swap3A_398 = vector.shape_cast %sub3A_394 : vector<16xf32> to vector<16xf32>
      tpu.vector_store %arg10[%swap3A_395], %swap3A_398 {strides = array<i32>} : memref<128xf32, #tpu.memory_space<vmem>>, vector<16xf32>,
      %get3A_399 = arith.constant 112 : index
      %get3A_400 = tpu.vector_load %arg6[%get3A_399] {strides = array<i32>} : memref<128xi32, #tpu.memory_space<vmem>>, vector<16xi32>,
      %get3A_401 = vector.shape_cast %get3A_400 : vector<16xi32> to vector<16xi32>
      %get3A_402 = arith.constant 112 : index
      %get3A_403 = tpu.vector_load %arg7[%get3A_402] {strides = array<i32>} : memref<128xi32, #tpu.memory_space<vmem>>, vector<16xi32>,
      %get3A_404 = vector.shape_cast %get3A_403 : vector<16xi32> to vector<16xi32>
      %shift_right_logical3A_405 = arith.constant 7 : i32
      %shift_right_logical3A_406 = vector.broadcast %shift_right_logical3A_405 : i32 to vector<16xi32>
      %shift_right_logical3A_407 = arith.shrui %get3A_401, %shift_right_logical3A_406 : vector<16xi32>
      %mul3A_408 = arith.constant 73728 : i32
      %mul3A_409 = vector.broadcast %mul3A_408 : i32 to vector<16xi32>
      %mul3A_410 = arith.muli %shift_right_logical3A_407, %mul3A_409 : vector<16xi32>
      %shift_left3A_411 = arith.constant 7 : i32
      %shift_left3A_412 = vector.broadcast %shift_left3A_411 : i32 to vector<16xi32>
      %shift_left3A_413 = arith.shli %get3A_404, %shift_left3A_412 : vector<16xi32>
      %add3A_414 = arith.addi %mul3A_410, %shift_left3A_413 : vector<16xi32>
      %and3A_415 = arith.constant 127 : i32
      %and3A_416 = vector.broadcast %and3A_415 : i32 to vector<16xi32>
      %and3A_417 = arith.andi %get3A_401, %and3A_416 : vector<16xi32>
      %add3A_418 = arith.addi %add3A_414, %and3A_417 : vector<16xi32>
      %swap3A_419 = arith.constant 112 : index
      %swap3A_420 = tpu.vector_load %arg8[%swap3A_419] {strides = array<i32>} : memref<128xi32, #tpu.memory_space<vmem>>, vector<16xi32>,
      %swap3A_421 = vector.shape_cast %swap3A_420 : vector<16xi32> to vector<16xi32>
      %swap3A_422 = vector.shape_cast %add3A_418 : vector<16xi32> to vector<16xi32>
      tpu.vector_store %arg8[%swap3A_419], %swap3A_422 {strides = array<i32>} : memref<128xi32, #tpu.memory_space<vmem>>, vector<16xi32>,
      %get3A_423 = arith.constant 112 : index
      %get3A_424 = tpu.vector_load %arg9[%get3A_423] {strides = array<i32>} : memref<128xf32, #tpu.memory_space<vmem>>, vector<16xf32>,
      %get3A_425 = vector.shape_cast %get3A_424 : vector<16xf32> to vector<16xf32>
      %add3A_426 = arith.constant 6.400000e+01 : f32
      %add3A_427 = vector.broadcast %add3A_426 : f32 to vector<16xf32>
      %add3A_428 = arith.addf %get3A_425, %add3A_427 : vector<16xf32>
      %swap3A_429 = arith.constant 112 : index
      %swap3A_430 = tpu.vector_load %arg9[%swap3A_429] {strides = array<i32>} : memref<128xf32, #tpu.memory_space<vmem>>, vector<16xf32>,
      %swap3A_431 = vector.shape_cast %swap3A_430 : vector<16xf32> to vector<16xf32>
      %swap3A_432 = vector.shape_cast %add3A_428 : vector<16xf32> to vector<16xf32>
      tpu.vector_store %arg9[%swap3A_429], %swap3A_432 {strides = array<i32>} : memref<128xf32, #tpu.memory_space<vmem>>, vector<16xf32>,
      %sub3A_433 = arith.constant 0.000000e+00 : f32
      %sub3A_434 = vector.broadcast %sub3A_433 : f32 to vector<16xf32>
      %sub3A_435 = arith.subf %sub3A_434, %add3A_428 : vector<16xf32>
      %swap3A_436 = arith.constant 112 : index
      %swap3A_437 = tpu.vector_load %arg10[%swap3A_436] {strides = array<i32>} : memref<128xf32, #tpu.memory_space<vmem>>, vector<16xf32>,
      %swap3A_438 = vector.shape_cast %swap3A_437 : vector<16xf32> to vector<16xf32>
      %swap3A_439 = vector.shape_cast %sub3A_435 : vector<16xf32> to vector<16xf32>
      tpu.vector_store %arg10[%swap3A_436], %swap3A_439 {strides = array<i32>} : memref<128xf32, #tpu.memory_space<vmem>>, vector<16xf32>,
      "tpu.region"() ({
        %run_scoped3A = tpu.sem_alloc : memref<!tpu.dma_semaphore, #tpu.memory_space<semaphore_mem>>
        %dma_start3A = arith.constant 0 : i32
        %dma_start3A_563 = tpu.memref_slice %arg14[%dma_start3A] : memref<368640xf32, #tpu.memory_space<vmem_shared>> -> memref<368640xf32, #tpu.memory_space<vmem_shared>>
        tpu.enqueue_indirect_dma source(%arg12 : memref<128xf32, #tpu.memory_space<vmem>>) target(%dma_start3A_563 : memref<368640xf32, #tpu.memory_space<vmem_shared>>) offsets(%arg11 : memref<128xi32, #tpu.memory_space<vmem>>) semaphore(%run_scoped3A : memref<!tpu.dma_semaphore, #tpu.memory_space<semaphore_mem>>) {add = true}
        %dma_wait3A = arith.constant 0 : i32
        %dma_wait3A_564 = tpu.memref_slice %arg14[%dma_wait3A] : memref<368640xf32, #tpu.memory_space<vmem_shared>> -> memref<368640xf32, #tpu.memory_space<vmem_shared>>
        tpu.wait_indirect_dma semaphore(%run_scoped3A : memref<!tpu.dma_semaphore, #tpu.memory_space<semaphore_mem>>) src(%arg12 : memref<128xf32, #tpu.memory_space<vmem>>) dst(%dma_wait3A_564 : memref<368640xf32, #tpu.memory_space<vmem_shared>>)
        tpu.yield
      }) : () -> ()
      "tpu.region"() ({
        %run_scoped3A = tpu.sem_alloc : memref<!tpu.dma_semaphore, #tpu.memory_space<semaphore_mem>>
        %dma_start3A = arith.constant 0 : i32
        %dma_start3A_563 = tpu.memref_slice %arg14[%dma_start3A] : memref<368640xf32, #tpu.memory_space<vmem_shared>> -> memref<368640xf32, #tpu.memory_space<vmem_shared>>
        tpu.enqueue_indirect_dma source(%arg9 : memref<128xf32, #tpu.memory_space<vmem>>) target(%dma_start3A_563 : memref<368640xf32, #tpu.memory_space<vmem_shared>>) offsets(%arg8 : memref<128xi32, #tpu.memory_space<vmem>>) semaphore(%run_scoped3A : memref<!tpu.dma_semaphore, #tpu.memory_space<semaphore_mem>>) {add = true}
        %dma_wait3A = arith.constant 0 : i32
        %dma_wait3A_564 = tpu.memref_slice %arg14[%dma_wait3A] : memref<368640xf32, #tpu.memory_space<vmem_shared>> -> memref<368640xf32, #tpu.memory_space<vmem_shared>>
        tpu.wait_indirect_dma semaphore(%run_scoped3A : memref<!tpu.dma_semaphore, #tpu.memory_space<semaphore_mem>>) src(%arg9 : memref<128xf32, #tpu.memory_space<vmem>>) dst(%dma_wait3A_564 : memref<368640xf32, #tpu.memory_space<vmem_shared>>)
        tpu.yield
      }) : () -> ()
      %barrier3A_440 = arith.constant 0 : index
      tpu.barrier barrier_id(%barrier3A_440)
      %mul3A_441 = arith.constant 23040 : i32
      %mul3A_442 = arith.muli %arg1, %mul3A_441 : i32
      %sub3A_443 = arith.constant 16 : i32
      %sub3A_444 = arith.subi %add3A_104, %sub3A_443 : i32
      %mul3A_445 = arith.constant 368640 : i32
      %mul3A_446 = arith.muli %sub3A_444, %mul3A_445 : i32
      %mul3A_447 = arith.constant 23040 : i32
      %mul3A_448 = arith.muli %arg1, %mul3A_447 : i32
      %add3A_449 = arith.addi %mul3A_446, %mul3A_448 : i32
      "tpu.region"() ({
        %run_scoped3A = tpu.sem_alloc : memref<!tpu.dma_semaphore, #tpu.memory_space<semaphore_mem>>
        %dma_start3A = tpu.memref_slice %arg5[%add3A_449] : memref<5898240xf32, #tpu.memory_space<hbm>> -> memref<23040xf32, #tpu.memory_space<hbm>>
        %dma_start3A_563 = tpu.memref_slice %arg14[%mul3A_442] : memref<368640xf32, #tpu.memory_space<vmem_shared>> -> memref<23040xf32, #tpu.memory_space<vmem_shared>>
        tpu.enqueue_dma source(%dma_start3A_563 : memref<23040xf32, #tpu.memory_space<vmem_shared>>) target(%dma_start3A : memref<23040xf32, #tpu.memory_space<hbm>>) target_semaphore(%run_scoped3A : memref<!tpu.dma_semaphore, #tpu.memory_space<semaphore_mem>>)
        %dma_wait3A = tpu.memref_slice %arg5[%add3A_449] : memref<5898240xf32, #tpu.memory_space<hbm>> -> memref<23040xf32, #tpu.memory_space<hbm>>
        %dma_wait3A_564 = tpu.memref_slice %arg14[%mul3A_442] : memref<368640xf32, #tpu.memory_space<vmem_shared>> -> memref<23040xf32, #tpu.memory_space<vmem_shared>>
        tpu.wait_dma2 semaphore(%run_scoped3A : memref<!tpu.dma_semaphore, #tpu.memory_space<semaphore_mem>>) src(%dma_wait3A_564 : memref<23040xf32, #tpu.memory_space<vmem_shared>>) dst(%dma_wait3A : memref<23040xf32, #tpu.memory_space<hbm>>)
        tpu.yield
      }) : () -> ()
      %get3A_450 = arith.constant 0 : index
      %get3A_451 = tpu.vector_load %arg8[%get3A_450] {strides = array<i32>} : memref<128xi32, #tpu.memory_space<vmem>>, vector<16xi32>,
      %get3A_452 = vector.shape_cast %get3A_451 : vector<16xi32> to vector<16xi32>
      %swap3A_453 = arith.constant 0 : index
      %swap3A_454 = tpu.vector_load %arg11[%swap3A_453] {strides = array<i32>} : memref<128xi32, #tpu.memory_space<vmem>>, vector<16xi32>,
      %swap3A_455 = vector.shape_cast %swap3A_454 : vector<16xi32> to vector<16xi32>
      %swap3A_456 = vector.shape_cast %get3A_452 : vector<16xi32> to vector<16xi32>
      tpu.vector_store %arg11[%swap3A_453], %swap3A_456 {strides = array<i32>} : memref<128xi32, #tpu.memory_space<vmem>>, vector<16xi32>,
      %get3A_457 = arith.constant 0 : index
      %get3A_458 = tpu.vector_load %arg10[%get3A_457] {strides = array<i32>} : memref<128xf32, #tpu.memory_space<vmem>>, vector<16xf32>,
      %get3A_459 = vector.shape_cast %get3A_458 : vector<16xf32> to vector<16xf32>
      %swap3A_460 = arith.constant 0 : index
      %swap3A_461 = tpu.vector_load %arg12[%swap3A_460] {strides = array<i32>} : memref<128xf32, #tpu.memory_space<vmem>>, vector<16xf32>,
      %swap3A_462 = vector.shape_cast %swap3A_461 : vector<16xf32> to vector<16xf32>
      %swap3A_463 = vector.shape_cast %get3A_459 : vector<16xf32> to vector<16xf32>
      tpu.vector_store %arg12[%swap3A_460], %swap3A_463 {strides = array<i32>} : memref<128xf32, #tpu.memory_space<vmem>>, vector<16xf32>,
      %get3A_464 = arith.constant 16 : index
      %get3A_465 = tpu.vector_load %arg8[%get3A_464] {strides = array<i32>} : memref<128xi32, #tpu.memory_space<vmem>>, vector<16xi32>,
      %get3A_466 = vector.shape_cast %get3A_465 : vector<16xi32> to vector<16xi32>
      %swap3A_467 = arith.constant 16 : index
      %swap3A_468 = tpu.vector_load %arg11[%swap3A_467] {strides = array<i32>} : memref<128xi32, #tpu.memory_space<vmem>>, vector<16xi32>,
      %swap3A_469 = vector.shape_cast %swap3A_468 : vector<16xi32> to vector<16xi32>
      %swap3A_470 = vector.shape_cast %get3A_466 : vector<16xi32> to vector<16xi32>
      tpu.vector_store %arg11[%swap3A_467], %swap3A_470 {strides = array<i32>} : memref<128xi32, #tpu.memory_space<vmem>>, vector<16xi32>,
      %get3A_471 = arith.constant 16 : index
      %get3A_472 = tpu.vector_load %arg10[%get3A_471] {strides = array<i32>} : memref<128xf32, #tpu.memory_space<vmem>>, vector<16xf32>,
      %get3A_473 = vector.shape_cast %get3A_472 : vector<16xf32> to vector<16xf32>
      %swap3A_474 = arith.constant 16 : index
      %swap3A_475 = tpu.vector_load %arg12[%swap3A_474] {strides = array<i32>} : memref<128xf32, #tpu.memory_space<vmem>>, vector<16xf32>,
      %swap3A_476 = vector.shape_cast %swap3A_475 : vector<16xf32> to vector<16xf32>
      %swap3A_477 = vector.shape_cast %get3A_473 : vector<16xf32> to vector<16xf32>
      tpu.vector_store %arg12[%swap3A_474], %swap3A_477 {strides = array<i32>} : memref<128xf32, #tpu.memory_space<vmem>>, vector<16xf32>,
      %get3A_478 = arith.constant 32 : index
      %get3A_479 = tpu.vector_load %arg8[%get3A_478] {strides = array<i32>} : memref<128xi32, #tpu.memory_space<vmem>>, vector<16xi32>,
      %get3A_480 = vector.shape_cast %get3A_479 : vector<16xi32> to vector<16xi32>
      %swap3A_481 = arith.constant 32 : index
      %swap3A_482 = tpu.vector_load %arg11[%swap3A_481] {strides = array<i32>} : memref<128xi32, #tpu.memory_space<vmem>>, vector<16xi32>,
      %swap3A_483 = vector.shape_cast %swap3A_482 : vector<16xi32> to vector<16xi32>
      %swap3A_484 = vector.shape_cast %get3A_480 : vector<16xi32> to vector<16xi32>
      tpu.vector_store %arg11[%swap3A_481], %swap3A_484 {strides = array<i32>} : memref<128xi32, #tpu.memory_space<vmem>>, vector<16xi32>,
      %get3A_485 = arith.constant 32 : index
      %get3A_486 = tpu.vector_load %arg10[%get3A_485] {strides = array<i32>} : memref<128xf32, #tpu.memory_space<vmem>>, vector<16xf32>,
      %get3A_487 = vector.shape_cast %get3A_486 : vector<16xf32> to vector<16xf32>
      %swap3A_488 = arith.constant 32 : index
      %swap3A_489 = tpu.vector_load %arg12[%swap3A_488] {strides = array<i32>} : memref<128xf32, #tpu.memory_space<vmem>>, vector<16xf32>,
      %swap3A_490 = vector.shape_cast %swap3A_489 : vector<16xf32> to vector<16xf32>
      %swap3A_491 = vector.shape_cast %get3A_487 : vector<16xf32> to vector<16xf32>
      tpu.vector_store %arg12[%swap3A_488], %swap3A_491 {strides = array<i32>} : memref<128xf32, #tpu.memory_space<vmem>>, vector<16xf32>,
      %get3A_492 = arith.constant 48 : index
      %get3A_493 = tpu.vector_load %arg8[%get3A_492] {strides = array<i32>} : memref<128xi32, #tpu.memory_space<vmem>>, vector<16xi32>,
      %get3A_494 = vector.shape_cast %get3A_493 : vector<16xi32> to vector<16xi32>
      %swap3A_495 = arith.constant 48 : index
      %swap3A_496 = tpu.vector_load %arg11[%swap3A_495] {strides = array<i32>} : memref<128xi32, #tpu.memory_space<vmem>>, vector<16xi32>,
      %swap3A_497 = vector.shape_cast %swap3A_496 : vector<16xi32> to vector<16xi32>
      %swap3A_498 = vector.shape_cast %get3A_494 : vector<16xi32> to vector<16xi32>
      tpu.vector_store %arg11[%swap3A_495], %swap3A_498 {strides = array<i32>} : memref<128xi32, #tpu.memory_space<vmem>>, vector<16xi32>,
      %get3A_499 = arith.constant 48 : index
      %get3A_500 = tpu.vector_load %arg10[%get3A_499] {strides = array<i32>} : memref<128xf32, #tpu.memory_space<vmem>>, vector<16xf32>,
      %get3A_501 = vector.shape_cast %get3A_500 : vector<16xf32> to vector<16xf32>
      %swap3A_502 = arith.constant 48 : index
      %swap3A_503 = tpu.vector_load %arg12[%swap3A_502] {strides = array<i32>} : memref<128xf32, #tpu.memory_space<vmem>>, vector<16xf32>,
      %swap3A_504 = vector.shape_cast %swap3A_503 : vector<16xf32> to vector<16xf32>
      %swap3A_505 = vector.shape_cast %get3A_501 : vector<16xf32> to vector<16xf32>
      tpu.vector_store %arg12[%swap3A_502], %swap3A_505 {strides = array<i32>} : memref<128xf32, #tpu.memory_space<vmem>>, vector<16xf32>,
      %get3A_506 = arith.constant 64 : index
      %get3A_507 = tpu.vector_load %arg8[%get3A_506] {strides = array<i32>} : memref<128xi32, #tpu.memory_space<vmem>>, vector<16xi32>,
      %get3A_508 = vector.shape_cast %get3A_507 : vector<16xi32> to vector<16xi32>
      %swap3A_509 = arith.constant 64 : index
      %swap3A_510 = tpu.vector_load %arg11[%swap3A_509] {strides = array<i32>} : memref<128xi32, #tpu.memory_space<vmem>>, vector<16xi32>,
      %swap3A_511 = vector.shape_cast %swap3A_510 : vector<16xi32> to vector<16xi32>
      %swap3A_512 = vector.shape_cast %get3A_508 : vector<16xi32> to vector<16xi32>
      tpu.vector_store %arg11[%swap3A_509], %swap3A_512 {strides = array<i32>} : memref<128xi32, #tpu.memory_space<vmem>>, vector<16xi32>,
      %get3A_513 = arith.constant 64 : index
      %get3A_514 = tpu.vector_load %arg10[%get3A_513] {strides = array<i32>} : memref<128xf32, #tpu.memory_space<vmem>>, vector<16xf32>,
      %get3A_515 = vector.shape_cast %get3A_514 : vector<16xf32> to vector<16xf32>
      %swap3A_516 = arith.constant 64 : index
      %swap3A_517 = tpu.vector_load %arg12[%swap3A_516] {strides = array<i32>} : memref<128xf32, #tpu.memory_space<vmem>>, vector<16xf32>,
      %swap3A_518 = vector.shape_cast %swap3A_517 : vector<16xf32> to vector<16xf32>
      %swap3A_519 = vector.shape_cast %get3A_515 : vector<16xf32> to vector<16xf32>
      tpu.vector_store %arg12[%swap3A_516], %swap3A_519 {strides = array<i32>} : memref<128xf32, #tpu.memory_space<vmem>>, vector<16xf32>,
      %get3A_520 = arith.constant 80 : index
      %get3A_521 = tpu.vector_load %arg8[%get3A_520] {strides = array<i32>} : memref<128xi32, #tpu.memory_space<vmem>>, vector<16xi32>,
      %get3A_522 = vector.shape_cast %get3A_521 : vector<16xi32> to vector<16xi32>
      %swap3A_523 = arith.constant 80 : index
      %swap3A_524 = tpu.vector_load %arg11[%swap3A_523] {strides = array<i32>} : memref<128xi32, #tpu.memory_space<vmem>>, vector<16xi32>,
      %swap3A_525 = vector.shape_cast %swap3A_524 : vector<16xi32> to vector<16xi32>
      %swap3A_526 = vector.shape_cast %get3A_522 : vector<16xi32> to vector<16xi32>
      tpu.vector_store %arg11[%swap3A_523], %swap3A_526 {strides = array<i32>} : memref<128xi32, #tpu.memory_space<vmem>>, vector<16xi32>,
      %get3A_527 = arith.constant 80 : index
      %get3A_528 = tpu.vector_load %arg10[%get3A_527] {strides = array<i32>} : memref<128xf32, #tpu.memory_space<vmem>>, vector<16xf32>,
      %get3A_529 = vector.shape_cast %get3A_528 : vector<16xf32> to vector<16xf32>
      %swap3A_530 = arith.constant 80 : index
      %swap3A_531 = tpu.vector_load %arg12[%swap3A_530] {strides = array<i32>} : memref<128xf32, #tpu.memory_space<vmem>>, vector<16xf32>,
      %swap3A_532 = vector.shape_cast %swap3A_531 : vector<16xf32> to vector<16xf32>
      %swap3A_533 = vector.shape_cast %get3A_529 : vector<16xf32> to vector<16xf32>
      tpu.vector_store %arg12[%swap3A_530], %swap3A_533 {strides = array<i32>} : memref<128xf32, #tpu.memory_space<vmem>>, vector<16xf32>,
      %get3A_534 = arith.constant 96 : index
      %get3A_535 = tpu.vector_load %arg8[%get3A_534] {strides = array<i32>} : memref<128xi32, #tpu.memory_space<vmem>>, vector<16xi32>,
      %get3A_536 = vector.shape_cast %get3A_535 : vector<16xi32> to vector<16xi32>
      %swap3A_537 = arith.constant 96 : index
      %swap3A_538 = tpu.vector_load %arg11[%swap3A_537] {strides = array<i32>} : memref<128xi32, #tpu.memory_space<vmem>>, vector<16xi32>,
      %swap3A_539 = vector.shape_cast %swap3A_538 : vector<16xi32> to vector<16xi32>
      %swap3A_540 = vector.shape_cast %get3A_536 : vector<16xi32> to vector<16xi32>
      tpu.vector_store %arg11[%swap3A_537], %swap3A_540 {strides = array<i32>} : memref<128xi32, #tpu.memory_space<vmem>>, vector<16xi32>,
      %get3A_541 = arith.constant 96 : index
      %get3A_542 = tpu.vector_load %arg10[%get3A_541] {strides = array<i32>} : memref<128xf32, #tpu.memory_space<vmem>>, vector<16xf32>,
      %get3A_543 = vector.shape_cast %get3A_542 : vector<16xf32> to vector<16xf32>
      %swap3A_544 = arith.constant 96 : index
      %swap3A_545 = tpu.vector_load %arg12[%swap3A_544] {strides = array<i32>} : memref<128xf32, #tpu.memory_space<vmem>>, vector<16xf32>,
      %swap3A_546 = vector.shape_cast %swap3A_545 : vector<16xf32> to vector<16xf32>
      %swap3A_547 = vector.shape_cast %get3A_543 : vector<16xf32> to vector<16xf32>
      tpu.vector_store %arg12[%swap3A_544], %swap3A_547 {strides = array<i32>} : memref<128xf32, #tpu.memory_space<vmem>>, vector<16xf32>,
      %get3A_548 = arith.constant 112 : index
      %get3A_549 = tpu.vector_load %arg8[%get3A_548] {strides = array<i32>} : memref<128xi32, #tpu.memory_space<vmem>>, vector<16xi32>,
      %get3A_550 = vector.shape_cast %get3A_549 : vector<16xi32> to vector<16xi32>
      %swap3A_551 = arith.constant 112 : index
      %swap3A_552 = tpu.vector_load %arg11[%swap3A_551] {strides = array<i32>} : memref<128xi32, #tpu.memory_space<vmem>>, vector<16xi32>,
      %swap3A_553 = vector.shape_cast %swap3A_552 : vector<16xi32> to vector<16xi32>
      %swap3A_554 = vector.shape_cast %get3A_550 : vector<16xi32> to vector<16xi32>
      tpu.vector_store %arg11[%swap3A_551], %swap3A_554 {strides = array<i32>} : memref<128xi32, #tpu.memory_space<vmem>>, vector<16xi32>,
      %get3A_555 = arith.constant 112 : index
      %get3A_556 = tpu.vector_load %arg10[%get3A_555] {strides = array<i32>} : memref<128xf32, #tpu.memory_space<vmem>>, vector<16xf32>,
      %get3A_557 = vector.shape_cast %get3A_556 : vector<16xf32> to vector<16xf32>
      %swap3A_558 = arith.constant 112 : index
      %swap3A_559 = tpu.vector_load %arg12[%swap3A_558] {strides = array<i32>} : memref<128xf32, #tpu.memory_space<vmem>>, vector<16xf32>,
      %swap3A_560 = vector.shape_cast %swap3A_559 : vector<16xf32> to vector<16xf32>
      %swap3A_561 = vector.shape_cast %get3A_557 : vector<16xf32> to vector<16xf32>
      tpu.vector_store %arg12[%swap3A_558], %swap3A_561 {strides = array<i32>} : memref<128xf32, #tpu.memory_space<vmem>>, vector<16xf32>,
      %barrier3A_562 = arith.constant 0 : index
      tpu.barrier barrier_id(%barrier3A_562)
    }
    %scan3A_99 = arith.constant 8 : i32
    return
  }
}

#map = affine_map<(d0, d1) -> (0)>
module attributes {stable_mosaic.version = 14 : i64} {
  func.func @sc_build_g48(%arg0: i32, %arg1: i32, %arg2: memref<262144xi32, #tpu.memory_space<hbm>>, %arg3: memref<131072xf32, #tpu.memory_space<hbm>>, %arg4: memref<23040xf32, #tpu.memory_space<hbm>>, %arg5: memref<5898240xf32, #tpu.memory_space<hbm>>, %arg6: memref<128xi32, #tpu.memory_space<vmem>>, %arg7: memref<128xi32, #tpu.memory_space<vmem>>, %arg8: memref<128xi32, #tpu.memory_space<vmem>>, %arg9: memref<128xf32, #tpu.memory_space<vmem>>, %arg10: memref<128xf32, #tpu.memory_space<vmem>>, %arg11: memref<128xi32, #tpu.memory_space<vmem>>, %arg12: memref<128xf32, #tpu.memory_space<vmem>>, %arg13: memref<23040xf32, #tpu.memory_space<vmem>>, %arg14: memref<368640xf32, #tpu.memory_space<vmem_shared>>) attributes {dimension_semantics = [#tpu.dimension_semantics<core_parallel>, #tpu.dimension_semantics<subcore_parallel>], iteration_bounds = array<i64: 2, 16>, scalar_prefetch = 0 : i64, scratch_operands = 9 : i64, tpu.core_type = #tpu.core_type<sc_vector_subcore>, window_params = [{transform_indices = #map}, {transform_indices = #map}, {transform_indices = #map}, {transform_indices = #map}]} {
    "tpu.region"() ({
      %run_scoped3A = tpu.sem_alloc : memref<!tpu.dma_semaphore, #tpu.memory_space<semaphore_mem>>
      tpu.enqueue_dma source(%arg4 : memref<23040xf32, #tpu.memory_space<hbm>>) target(%arg13 : memref<23040xf32, #tpu.memory_space<vmem>>) target_semaphore(%run_scoped3A : memref<!tpu.dma_semaphore, #tpu.memory_space<semaphore_mem>>)
      tpu.wait_dma2 semaphore(%run_scoped3A : memref<!tpu.dma_semaphore, #tpu.memory_space<semaphore_mem>>) src(%arg4 : memref<23040xf32, #tpu.memory_space<hbm>>) dst(%arg13 : memref<23040xf32, #tpu.memory_space<vmem>>)
      tpu.yield
    }) : () -> ()
    %mul3A = arith.constant 23040 : i32
    %mul3A_0 = arith.muli %arg1, %mul3A : i32
    "tpu.region"() ({
      %run_scoped3A = tpu.sem_alloc : memref<!tpu.dma_semaphore, #tpu.memory_space<semaphore_mem>>
      %dma_start3A = tpu.memref_slice %arg14[%mul3A_0] : memref<368640xf32, #tpu.memory_space<vmem_shared>> -> memref<23040xf32, #tpu.memory_space<vmem_shared>>
      %dma_start3A_100 = tpu.memref_slice %arg14[%mul3A_0] : memref<368640xf32, #tpu.memory_space<vmem_shared>> -> memref<23040xf32, #tpu.memory_space<vmem_shared>>
      tpu.enqueue_dma source(%arg13 : memref<23040xf32, #tpu.memory_space<vmem>>) target(%dma_start3A_100 : memref<23040xf32, #tpu.memory_space<vmem_shared>>) target_semaphore(%run_scoped3A : memref<!tpu.dma_semaphore, #tpu.memory_space<semaphore_mem>>)
      %dma_wait3A = tpu.memref_slice %arg14[%mul3A_0] : memref<368640xf32, #tpu.memory_space<vmem_shared>> -> memref<23040xf32, #tpu.memory_space<vmem_shared>>
      %dma_wait3A_101 = tpu.memref_slice %arg14[%mul3A_0] : memref<368640xf32, #tpu.memory_space<vmem_shared>> -> memref<23040xf32, #tpu.memory_space<vmem_shared>>
      tpu.wait_dma2 semaphore(%run_scoped3A : memref<!tpu.dma_semaphore, #tpu.memory_space<semaphore_mem>>) src(%arg13 : memref<23040xf32, #tpu.memory_space<vmem>>) dst(%dma_wait3A_101 : memref<23040xf32, #tpu.memory_space<vmem_shared>>)
      tpu.yield
    }) : () -> ()
    %broadcast_in_dim3A = arith.constant 0 : i32
    %broadcast_in_dim3A_1 = vector.broadcast %broadcast_in_dim3A : i32 to vector<16xi32>
    %swap3A = arith.constant 0 : index
    %swap3A_2 = tpu.vector_load %arg11[%swap3A] {strides = array<i32>} : memref<128xi32, #tpu.memory_space<vmem>>, vector<16xi32>,
    %swap3A_3 = vector.shape_cast %swap3A_2 : vector<16xi32> to vector<16xi32>
    %swap3A_4 = vector.shape_cast %broadcast_in_dim3A_1 : vector<16xi32> to vector<16xi32>
    tpu.vector_store %arg11[%swap3A], %swap3A_4 {strides = array<i32>} : memref<128xi32, #tpu.memory_space<vmem>>, vector<16xi32>,
    %broadcast_in_dim3A_5 = arith.constant 0.000000e+00 : f32
    %broadcast_in_dim3A_6 = vector.broadcast %broadcast_in_dim3A_5 : f32 to vector<16xf32>
    %swap3A_7 = arith.constant 0 : index
    %swap3A_8 = tpu.vector_load %arg12[%swap3A_7] {strides = array<i32>} : memref<128xf32, #tpu.memory_space<vmem>>, vector<16xf32>,
    %swap3A_9 = vector.shape_cast %swap3A_8 : vector<16xf32> to vector<16xf32>
    %swap3A_10 = vector.shape_cast %broadcast_in_dim3A_6 : vector<16xf32> to vector<16xf32>
    tpu.vector_store %arg12[%swap3A_7], %swap3A_10 {strides = array<i32>} : memref<128xf32, #tpu.memory_space<vmem>>, vector<16xf32>,
    %broadcast_in_dim3A_11 = arith.constant 0 : i32
    %broadcast_in_dim3A_12 = vector.broadcast %broadcast_in_dim3A_11 : i32 to vector<16xi32>
    %swap3A_13 = arith.constant 16 : index
    %swap3A_14 = tpu.vector_load %arg11[%swap3A_13] {strides = array<i32>} : memref<128xi32, #tpu.memory_space<vmem>>, vector<16xi32>,
    %swap3A_15 = vector.shape_cast %swap3A_14 : vector<16xi32> to vector<16xi32>
    %swap3A_16 = vector.shape_cast %broadcast_in_dim3A_12 : vector<16xi32> to vector<16xi32>
    tpu.vector_store %arg11[%swap3A_13], %swap3A_16 {strides = array<i32>} : memref<128xi32, #tpu.memory_space<vmem>>, vector<16xi32>,
    %broadcast_in_dim3A_17 = arith.constant 0.000000e+00 : f32
    %broadcast_in_dim3A_18 = vector.broadcast %broadcast_in_dim3A_17 : f32 to vector<16xf32>
    %swap3A_19 = arith.constant 16 : index
    %swap3A_20 = tpu.vector_load %arg12[%swap3A_19] {strides = array<i32>} : memref<128xf32, #tpu.memory_space<vmem>>, vector<16xf32>,
    %swap3A_21 = vector.shape_cast %swap3A_20 : vector<16xf32> to vector<16xf32>
    %swap3A_22 = vector.shape_cast %broadcast_in_dim3A_18 : vector<16xf32> to vector<16xf32>
    tpu.vector_store %arg12[%swap3A_19], %swap3A_22 {strides = array<i32>} : memref<128xf32, #tpu.memory_space<vmem>>, vector<16xf32>,
    %broadcast_in_dim3A_23 = arith.constant 0 : i32
    %broadcast_in_dim3A_24 = vector.broadcast %broadcast_in_dim3A_23 : i32 to vector<16xi32>
    %swap3A_25 = arith.constant 32 : index
    %swap3A_26 = tpu.vector_load %arg11[%swap3A_25] {strides = array<i32>} : memref<128xi32, #tpu.memory_space<vmem>>, vector<16xi32>,
    %swap3A_27 = vector.shape_cast %swap3A_26 : vector<16xi32> to vector<16xi32>
    %swap3A_28 = vector.shape_cast %broadcast_in_dim3A_24 : vector<16xi32> to vector<16xi32>
    tpu.vector_store %arg11[%swap3A_25], %swap3A_28 {strides = array<i32>} : memref<128xi32, #tpu.memory_space<vmem>>, vector<16xi32>,
    %broadcast_in_dim3A_29 = arith.constant 0.000000e+00 : f32
    %broadcast_in_dim3A_30 = vector.broadcast %broadcast_in_dim3A_29 : f32 to vector<16xf32>
    %swap3A_31 = arith.constant 32 : index
    %swap3A_32 = tpu.vector_load %arg12[%swap3A_31] {strides = array<i32>} : memref<128xf32, #tpu.memory_space<vmem>>, vector<16xf32>,
    %swap3A_33 = vector.shape_cast %swap3A_32 : vector<16xf32> to vector<16xf32>
    %swap3A_34 = vector.shape_cast %broadcast_in_dim3A_30 : vector<16xf32> to vector<16xf32>
    tpu.vector_store %arg12[%swap3A_31], %swap3A_34 {strides = array<i32>} : memref<128xf32, #tpu.memory_space<vmem>>, vector<16xf32>,
    %broadcast_in_dim3A_35 = arith.constant 0 : i32
    %broadcast_in_dim3A_36 = vector.broadcast %broadcast_in_dim3A_35 : i32 to vector<16xi32>
    %swap3A_37 = arith.constant 48 : index
    %swap3A_38 = tpu.vector_load %arg11[%swap3A_37] {strides = array<i32>} : memref<128xi32, #tpu.memory_space<vmem>>, vector<16xi32>,
    %swap3A_39 = vector.shape_cast %swap3A_38 : vector<16xi32> to vector<16xi32>
    %swap3A_40 = vector.shape_cast %broadcast_in_dim3A_36 : vector<16xi32> to vector<16xi32>
    tpu.vector_store %arg11[%swap3A_37], %swap3A_40 {strides = array<i32>} : memref<128xi32, #tpu.memory_space<vmem>>, vector<16xi32>,
    %broadcast_in_dim3A_41 = arith.constant 0.000000e+00 : f32
    %broadcast_in_dim3A_42 = vector.broadcast %broadcast_in_dim3A_41 : f32 to vector<16xf32>
    %swap3A_43 = arith.constant 48 : index
    %swap3A_44 = tpu.vector_load %arg12[%swap3A_43] {strides = array<i32>} : memref<128xf32, #tpu.memory_space<vmem>>, vector<16xf32>,
    %swap3A_45 = vector.shape_cast %swap3A_44 : vector<16xf32> to vector<16xf32>
    %swap3A_46 = vector.shape_cast %broadcast_in_dim3A_42 : vector<16xf32> to vector<16xf32>
    tpu.vector_store %arg12[%swap3A_43], %swap3A_46 {strides = array<i32>} : memref<128xf32, #tpu.memory_space<vmem>>, vector<16xf32>,
    %broadcast_in_dim3A_47 = arith.constant 0 : i32
    %broadcast_in_dim3A_48 = vector.broadcast %broadcast_in_dim3A_47 : i32 to vector<16xi32>
    %swap3A_49 = arith.constant 64 : index
    %swap3A_50 = tpu.vector_load %arg11[%swap3A_49] {strides = array<i32>} : memref<128xi32, #tpu.memory_space<vmem>>, vector<16xi32>,
    %swap3A_51 = vector.shape_cast %swap3A_50 : vector<16xi32> to vector<16xi32>
    %swap3A_52 = vector.shape_cast %broadcast_in_dim3A_48 : vector<16xi32> to vector<16xi32>
    tpu.vector_store %arg11[%swap3A_49], %swap3A_52 {strides = array<i32>} : memref<128xi32, #tpu.memory_space<vmem>>, vector<16xi32>,
    %broadcast_in_dim3A_53 = arith.constant 0.000000e+00 : f32
    %broadcast_in_dim3A_54 = vector.broadcast %broadcast_in_dim3A_53 : f32 to vector<16xf32>
    %swap3A_55 = arith.constant 64 : index
    %swap3A_56 = tpu.vector_load %arg12[%swap3A_55] {strides = array<i32>} : memref<128xf32, #tpu.memory_space<vmem>>, vector<16xf32>,
    %swap3A_57 = vector.shape_cast %swap3A_56 : vector<16xf32> to vector<16xf32>
    %swap3A_58 = vector.shape_cast %broadcast_in_dim3A_54 : vector<16xf32> to vector<16xf32>
    tpu.vector_store %arg12[%swap3A_55], %swap3A_58 {strides = array<i32>} : memref<128xf32, #tpu.memory_space<vmem>>, vector<16xf32>,
    %broadcast_in_dim3A_59 = arith.constant 0 : i32
    %broadcast_in_dim3A_60 = vector.broadcast %broadcast_in_dim3A_59 : i32 to vector<16xi32>
    %swap3A_61 = arith.constant 80 : index
    %swap3A_62 = tpu.vector_load %arg11[%swap3A_61] {strides = array<i32>} : memref<128xi32, #tpu.memory_space<vmem>>, vector<16xi32>,
    %swap3A_63 = vector.shape_cast %swap3A_62 : vector<16xi32> to vector<16xi32>
    %swap3A_64 = vector.shape_cast %broadcast_in_dim3A_60 : vector<16xi32> to vector<16xi32>
    tpu.vector_store %arg11[%swap3A_61], %swap3A_64 {strides = array<i32>} : memref<128xi32, #tpu.memory_space<vmem>>, vector<16xi32>,
    %broadcast_in_dim3A_65 = arith.constant 0.000000e+00 : f32
    %broadcast_in_dim3A_66 = vector.broadcast %broadcast_in_dim3A_65 : f32 to vector<16xf32>
    %swap3A_67 = arith.constant 80 : index
    %swap3A_68 = tpu.vector_load %arg12[%swap3A_67] {strides = array<i32>} : memref<128xf32, #tpu.memory_space<vmem>>, vector<16xf32>,
    %swap3A_69 = vector.shape_cast %swap3A_68 : vector<16xf32> to vector<16xf32>
    %swap3A_70 = vector.shape_cast %broadcast_in_dim3A_66 : vector<16xf32> to vector<16xf32>
    tpu.vector_store %arg12[%swap3A_67], %swap3A_70 {strides = array<i32>} : memref<128xf32, #tpu.memory_space<vmem>>, vector<16xf32>,
    %broadcast_in_dim3A_71 = arith.constant 0 : i32
    %broadcast_in_dim3A_72 = vector.broadcast %broadcast_in_dim3A_71 : i32 to vector<16xi32>
    %swap3A_73 = arith.constant 96 : index
    %swap3A_74 = tpu.vector_load %arg11[%swap3A_73] {strides = array<i32>} : memref<128xi32, #tpu.memory_space<vmem>>, vector<16xi32>,
    %swap3A_75 = vector.shape_cast %swap3A_74 : vector<16xi32> to vector<16xi32>
    %swap3A_76 = vector.shape_cast %broadcast_in_dim3A_72 : vector<16xi32> to vector<16xi32>
    tpu.vector_store %arg11[%swap3A_73], %swap3A_76 {strides = array<i32>} : memref<128xi32, #tpu.memory_space<vmem>>, vector<16xi32>,
    %broadcast_in_dim3A_77 = arith.constant 0.000000e+00 : f32
    %broadcast_in_dim3A_78 = vector.broadcast %broadcast_in_dim3A_77 : f32 to vector<16xf32>
    %swap3A_79 = arith.constant 96 : index
    %swap3A_80 = tpu.vector_load %arg12[%swap3A_79] {strides = array<i32>} : memref<128xf32, #tpu.memory_space<vmem>>, vector<16xf32>,
    %swap3A_81 = vector.shape_cast %swap3A_80 : vector<16xf32> to vector<16xf32>
    %swap3A_82 = vector.shape_cast %broadcast_in_dim3A_78 : vector<16xf32> to vector<16xf32>
    tpu.vector_store %arg12[%swap3A_79], %swap3A_82 {strides = array<i32>} : memref<128xf32, #tpu.memory_space<vmem>>, vector<16xf32>,
    %broadcast_in_dim3A_83 = arith.constant 0 : i32
    %broadcast_in_dim3A_84 = vector.broadcast %broadcast_in_dim3A_83 : i32 to vector<16xi32>
    %swap3A_85 = arith.constant 112 : index
    %swap3A_86 = tpu.vector_load %arg11[%swap3A_85] {strides = array<i32>} : memref<128xi32, #tpu.memory_space<vmem>>, vector<16xi32>,
    %swap3A_87 = vector.shape_cast %swap3A_86 : vector<16xi32> to vector<16xi32>
    %swap3A_88 = vector.shape_cast %broadcast_in_dim3A_84 : vector<16xi32> to vector<16xi32>
    tpu.vector_store %arg11[%swap3A_85], %swap3A_88 {strides = array<i32>} : memref<128xi32, #tpu.memory_space<vmem>>, vector<16xi32>,
    %broadcast_in_dim3A_89 = arith.constant 0.000000e+00 : f32
    %broadcast_in_dim3A_90 = vector.broadcast %broadcast_in_dim3A_89 : f32 to vector<16xf32>
    %swap3A_91 = arith.constant 112 : index
    %swap3A_92 = tpu.vector_load %arg12[%swap3A_91] {strides = array<i32>} : memref<128xf32, #tpu.memory_space<vmem>>, vector<16xf32>,
    %swap3A_93 = vector.shape_cast %swap3A_92 : vector<16xf32> to vector<16xf32>
    %swap3A_94 = vector.shape_cast %broadcast_in_dim3A_90 : vector<16xf32> to vector<16xf32>
    tpu.vector_store %arg12[%swap3A_91], %swap3A_94 {strides = array<i32>} : memref<128xf32, #tpu.memory_space<vmem>>, vector<16xf32>,
    %barrier3A = arith.constant 0 : index
    tpu.barrier barrier_id(%barrier3A)
    %scan3A = arith.constant 0 : i32
    %scan3A_95 = arith.constant 0 : i32
    %scan3A_96 = arith.constant 8 : i32
    %scan3A_97 = arith.addi %scan3A_95, %scan3A_96 : i32
    %scan3A_98 = arith.constant 1 : i32
    scf.for %scan3A_100 = %scan3A_95 to %scan3A_97 step %scan3A_98  : i32 {
      %mul3A_101 = arith.constant 8 : i32
      %mul3A_102 = arith.muli %arg0, %mul3A_101 : i32
      %add3A = arith.constant 48 : i32
      %add3A_103 = arith.addi %add3A, %mul3A_102 : i32
      %add3A_104 = arith.addi %add3A_103, %scan3A_100 : i32
      %mul3A_105 = arith.constant 4096 : i32
      %mul3A_106 = arith.muli %add3A_104, %mul3A_105 : i32
      %mul3A_107 = arith.constant 128 : i32
      %mul3A_108 = arith.muli %arg1, %mul3A_107 : i32
      %add3A_109 = arith.addi %mul3A_106, %mul3A_108 : i32
      "tpu.region"() ({
        %run_scoped3A = tpu.sem_alloc : memref<!tpu.dma_semaphore, #tpu.memory_space<semaphore_mem>>
        %dma_start3A = tpu.memref_slice %arg2[%add3A_109] : memref<262144xi32, #tpu.memory_space<hbm>> -> memref<128xi32, #tpu.memory_space<hbm>>
        %dma_start3A_563 = tpu.memref_slice %arg2[%add3A_109] : memref<262144xi32, #tpu.memory_space<hbm>> -> memref<128xi32, #tpu.memory_space<hbm>>
        tpu.enqueue_dma source(%dma_start3A_563 : memref<128xi32, #tpu.memory_space<hbm>>) target(%arg6 : memref<128xi32, #tpu.memory_space<vmem>>) target_semaphore(%run_scoped3A : memref<!tpu.dma_semaphore, #tpu.memory_space<semaphore_mem>>)
        %dma_wait3A = tpu.memref_slice %arg2[%add3A_109] : memref<262144xi32, #tpu.memory_space<hbm>> -> memref<128xi32, #tpu.memory_space<hbm>>
        %dma_wait3A_564 = tpu.memref_slice %arg2[%add3A_109] : memref<262144xi32, #tpu.memory_space<hbm>> -> memref<128xi32, #tpu.memory_space<hbm>>
        tpu.wait_dma2 semaphore(%run_scoped3A : memref<!tpu.dma_semaphore, #tpu.memory_space<semaphore_mem>>) src(%dma_wait3A_564 : memref<128xi32, #tpu.memory_space<hbm>>) dst(%arg6 : memref<128xi32, #tpu.memory_space<vmem>>)
        tpu.yield
      }) : () -> ()
      %add3A_110 = arith.constant 2048 : i32
      %add3A_111 = arith.addi %add3A_109, %add3A_110 : i32
      "tpu.region"() ({
        %run_scoped3A = tpu.sem_alloc : memref<!tpu.dma_semaphore, #tpu.memory_space<semaphore_mem>>
        %dma_start3A = tpu.memref_slice %arg2[%add3A_111] : memref<262144xi32, #tpu.memory_space<hbm>> -> memref<128xi32, #tpu.memory_space<hbm>>
        %dma_start3A_563 = tpu.memref_slice %arg2[%add3A_111] : memref<262144xi32, #tpu.memory_space<hbm>> -> memref<128xi32, #tpu.memory_space<hbm>>
        tpu.enqueue_dma source(%dma_start3A_563 : memref<128xi32, #tpu.memory_space<hbm>>) target(%arg7 : memref<128xi32, #tpu.memory_space<vmem>>) target_semaphore(%run_scoped3A : memref<!tpu.dma_semaphore, #tpu.memory_space<semaphore_mem>>)
        %dma_wait3A = tpu.memref_slice %arg2[%add3A_111] : memref<262144xi32, #tpu.memory_space<hbm>> -> memref<128xi32, #tpu.memory_space<hbm>>
        %dma_wait3A_564 = tpu.memref_slice %arg2[%add3A_111] : memref<262144xi32, #tpu.memory_space<hbm>> -> memref<128xi32, #tpu.memory_space<hbm>>
        tpu.wait_dma2 semaphore(%run_scoped3A : memref<!tpu.dma_semaphore, #tpu.memory_space<semaphore_mem>>) src(%dma_wait3A_564 : memref<128xi32, #tpu.memory_space<hbm>>) dst(%arg7 : memref<128xi32, #tpu.memory_space<vmem>>)
        tpu.yield
      }) : () -> ()
      %mul3A_112 = arith.constant 2048 : i32
      %mul3A_113 = arith.muli %add3A_104, %mul3A_112 : i32
      %mul3A_114 = arith.constant 128 : i32
      %mul3A_115 = arith.muli %arg1, %mul3A_114 : i32
      %add3A_116 = arith.addi %mul3A_113, %mul3A_115 : i32
      "tpu.region"() ({
        %run_scoped3A = tpu.sem_alloc : memref<!tpu.dma_semaphore, #tpu.memory_space<semaphore_mem>>
        %dma_start3A = tpu.memref_slice %arg3[%add3A_116] : memref<131072xf32, #tpu.memory_space<hbm>> -> memref<128xf32, #tpu.memory_space<hbm>>
        %dma_start3A_563 = tpu.memref_slice %arg3[%add3A_116] : memref<131072xf32, #tpu.memory_space<hbm>> -> memref<128xf32, #tpu.memory_space<hbm>>
        tpu.enqueue_dma source(%dma_start3A_563 : memref<128xf32, #tpu.memory_space<hbm>>) target(%arg9 : memref<128xf32, #tpu.memory_space<vmem>>) target_semaphore(%run_scoped3A : memref<!tpu.dma_semaphore, #tpu.memory_space<semaphore_mem>>)
        %dma_wait3A = tpu.memref_slice %arg3[%add3A_116] : memref<131072xf32, #tpu.memory_space<hbm>> -> memref<128xf32, #tpu.memory_space<hbm>>
        %dma_wait3A_564 = tpu.memref_slice %arg3[%add3A_116] : memref<131072xf32, #tpu.memory_space<hbm>> -> memref<128xf32, #tpu.memory_space<hbm>>
        tpu.wait_dma2 semaphore(%run_scoped3A : memref<!tpu.dma_semaphore, #tpu.memory_space<semaphore_mem>>) src(%dma_wait3A_564 : memref<128xf32, #tpu.memory_space<hbm>>) dst(%arg9 : memref<128xf32, #tpu.memory_space<vmem>>)
        tpu.yield
      }) : () -> ()
      %get3A = arith.constant 0 : index
      %get3A_117 = tpu.vector_load %arg6[%get3A] {strides = array<i32>} : memref<128xi32, #tpu.memory_space<vmem>>, vector<16xi32>,
      %get3A_118 = vector.shape_cast %get3A_117 : vector<16xi32> to vector<16xi32>
      %get3A_119 = arith.constant 0 : index
      %get3A_120 = tpu.vector_load %arg7[%get3A_119] {strides = array<i32>} : memref<128xi32, #tpu.memory_space<vmem>>, vector<16xi32>,
      %get3A_121 = vector.shape_cast %get3A_120 : vector<16xi32> to vector<16xi32>
      %shift_right_logical3A = arith.constant 7 : i32
      %shift_right_logical3A_122 = vector.broadcast %shift_right_logical3A : i32 to vector<16xi32>
      %shift_right_logical3A_123 = arith.shrui %get3A_118, %shift_right_logical3A_122 : vector<16xi32>
      %mul3A_124 = arith.constant 73728 : i32
      %mul3A_125 = vector.broadcast %mul3A_124 : i32 to vector<16xi32>
      %mul3A_126 = arith.muli %shift_right_logical3A_123, %mul3A_125 : vector<16xi32>
      %shift_left3A = arith.constant 7 : i32
      %shift_left3A_127 = vector.broadcast %shift_left3A : i32 to vector<16xi32>
      %shift_left3A_128 = arith.shli %get3A_121, %shift_left3A_127 : vector<16xi32>
      %add3A_129 = arith.addi %mul3A_126, %shift_left3A_128 : vector<16xi32>
      %and3A = arith.constant 127 : i32
      %and3A_130 = vector.broadcast %and3A : i32 to vector<16xi32>
      %and3A_131 = arith.andi %get3A_118, %and3A_130 : vector<16xi32>
      %add3A_132 = arith.addi %add3A_129, %and3A_131 : vector<16xi32>
      %swap3A_133 = arith.constant 0 : index
      %swap3A_134 = tpu.vector_load %arg8[%swap3A_133] {strides = array<i32>} : memref<128xi32, #tpu.memory_space<vmem>>, vector<16xi32>,
      %swap3A_135 = vector.shape_cast %swap3A_134 : vector<16xi32> to vector<16xi32>
      %swap3A_136 = vector.shape_cast %add3A_132 : vector<16xi32> to vector<16xi32>
      tpu.vector_store %arg8[%swap3A_133], %swap3A_136 {strides = array<i32>} : memref<128xi32, #tpu.memory_space<vmem>>, vector<16xi32>,
      %get3A_137 = arith.constant 0 : index
      %get3A_138 = tpu.vector_load %arg9[%get3A_137] {strides = array<i32>} : memref<128xf32, #tpu.memory_space<vmem>>, vector<16xf32>,
      %get3A_139 = vector.shape_cast %get3A_138 : vector<16xf32> to vector<16xf32>
      %add3A_140 = arith.constant 6.400000e+01 : f32
      %add3A_141 = vector.broadcast %add3A_140 : f32 to vector<16xf32>
      %add3A_142 = arith.addf %get3A_139, %add3A_141 : vector<16xf32>
      %swap3A_143 = arith.constant 0 : index
      %swap3A_144 = tpu.vector_load %arg9[%swap3A_143] {strides = array<i32>} : memref<128xf32, #tpu.memory_space<vmem>>, vector<16xf32>,
      %swap3A_145 = vector.shape_cast %swap3A_144 : vector<16xf32> to vector<16xf32>
      %swap3A_146 = vector.shape_cast %add3A_142 : vector<16xf32> to vector<16xf32>
      tpu.vector_store %arg9[%swap3A_143], %swap3A_146 {strides = array<i32>} : memref<128xf32, #tpu.memory_space<vmem>>, vector<16xf32>,
      %sub3A = arith.constant 0.000000e+00 : f32
      %sub3A_147 = vector.broadcast %sub3A : f32 to vector<16xf32>
      %sub3A_148 = arith.subf %sub3A_147, %add3A_142 : vector<16xf32>
      %swap3A_149 = arith.constant 0 : index
      %swap3A_150 = tpu.vector_load %arg10[%swap3A_149] {strides = array<i32>} : memref<128xf32, #tpu.memory_space<vmem>>, vector<16xf32>,
      %swap3A_151 = vector.shape_cast %swap3A_150 : vector<16xf32> to vector<16xf32>
      %swap3A_152 = vector.shape_cast %sub3A_148 : vector<16xf32> to vector<16xf32>
      tpu.vector_store %arg10[%swap3A_149], %swap3A_152 {strides = array<i32>} : memref<128xf32, #tpu.memory_space<vmem>>, vector<16xf32>,
      %get3A_153 = arith.constant 16 : index
      %get3A_154 = tpu.vector_load %arg6[%get3A_153] {strides = array<i32>} : memref<128xi32, #tpu.memory_space<vmem>>, vector<16xi32>,
      %get3A_155 = vector.shape_cast %get3A_154 : vector<16xi32> to vector<16xi32>
      %get3A_156 = arith.constant 16 : index
      %get3A_157 = tpu.vector_load %arg7[%get3A_156] {strides = array<i32>} : memref<128xi32, #tpu.memory_space<vmem>>, vector<16xi32>,
      %get3A_158 = vector.shape_cast %get3A_157 : vector<16xi32> to vector<16xi32>
      %shift_right_logical3A_159 = arith.constant 7 : i32
      %shift_right_logical3A_160 = vector.broadcast %shift_right_logical3A_159 : i32 to vector<16xi32>
      %shift_right_logical3A_161 = arith.shrui %get3A_155, %shift_right_logical3A_160 : vector<16xi32>
      %mul3A_162 = arith.constant 73728 : i32
      %mul3A_163 = vector.broadcast %mul3A_162 : i32 to vector<16xi32>
      %mul3A_164 = arith.muli %shift_right_logical3A_161, %mul3A_163 : vector<16xi32>
      %shift_left3A_165 = arith.constant 7 : i32
      %shift_left3A_166 = vector.broadcast %shift_left3A_165 : i32 to vector<16xi32>
      %shift_left3A_167 = arith.shli %get3A_158, %shift_left3A_166 : vector<16xi32>
      %add3A_168 = arith.addi %mul3A_164, %shift_left3A_167 : vector<16xi32>
      %and3A_169 = arith.constant 127 : i32
      %and3A_170 = vector.broadcast %and3A_169 : i32 to vector<16xi32>
      %and3A_171 = arith.andi %get3A_155, %and3A_170 : vector<16xi32>
      %add3A_172 = arith.addi %add3A_168, %and3A_171 : vector<16xi32>
      %swap3A_173 = arith.constant 16 : index
      %swap3A_174 = tpu.vector_load %arg8[%swap3A_173] {strides = array<i32>} : memref<128xi32, #tpu.memory_space<vmem>>, vector<16xi32>,
      %swap3A_175 = vector.shape_cast %swap3A_174 : vector<16xi32> to vector<16xi32>
      %swap3A_176 = vector.shape_cast %add3A_172 : vector<16xi32> to vector<16xi32>
      tpu.vector_store %arg8[%swap3A_173], %swap3A_176 {strides = array<i32>} : memref<128xi32, #tpu.memory_space<vmem>>, vector<16xi32>,
      %get3A_177 = arith.constant 16 : index
      %get3A_178 = tpu.vector_load %arg9[%get3A_177] {strides = array<i32>} : memref<128xf32, #tpu.memory_space<vmem>>, vector<16xf32>,
      %get3A_179 = vector.shape_cast %get3A_178 : vector<16xf32> to vector<16xf32>
      %add3A_180 = arith.constant 6.400000e+01 : f32
      %add3A_181 = vector.broadcast %add3A_180 : f32 to vector<16xf32>
      %add3A_182 = arith.addf %get3A_179, %add3A_181 : vector<16xf32>
      %swap3A_183 = arith.constant 16 : index
      %swap3A_184 = tpu.vector_load %arg9[%swap3A_183] {strides = array<i32>} : memref<128xf32, #tpu.memory_space<vmem>>, vector<16xf32>,
      %swap3A_185 = vector.shape_cast %swap3A_184 : vector<16xf32> to vector<16xf32>
      %swap3A_186 = vector.shape_cast %add3A_182 : vector<16xf32> to vector<16xf32>
      tpu.vector_store %arg9[%swap3A_183], %swap3A_186 {strides = array<i32>} : memref<128xf32, #tpu.memory_space<vmem>>, vector<16xf32>,
      %sub3A_187 = arith.constant 0.000000e+00 : f32
      %sub3A_188 = vector.broadcast %sub3A_187 : f32 to vector<16xf32>
      %sub3A_189 = arith.subf %sub3A_188, %add3A_182 : vector<16xf32>
      %swap3A_190 = arith.constant 16 : index
      %swap3A_191 = tpu.vector_load %arg10[%swap3A_190] {strides = array<i32>} : memref<128xf32, #tpu.memory_space<vmem>>, vector<16xf32>,
      %swap3A_192 = vector.shape_cast %swap3A_191 : vector<16xf32> to vector<16xf32>
      %swap3A_193 = vector.shape_cast %sub3A_189 : vector<16xf32> to vector<16xf32>
      tpu.vector_store %arg10[%swap3A_190], %swap3A_193 {strides = array<i32>} : memref<128xf32, #tpu.memory_space<vmem>>, vector<16xf32>,
      %get3A_194 = arith.constant 32 : index
      %get3A_195 = tpu.vector_load %arg6[%get3A_194] {strides = array<i32>} : memref<128xi32, #tpu.memory_space<vmem>>, vector<16xi32>,
      %get3A_196 = vector.shape_cast %get3A_195 : vector<16xi32> to vector<16xi32>
      %get3A_197 = arith.constant 32 : index
      %get3A_198 = tpu.vector_load %arg7[%get3A_197] {strides = array<i32>} : memref<128xi32, #tpu.memory_space<vmem>>, vector<16xi32>,
      %get3A_199 = vector.shape_cast %get3A_198 : vector<16xi32> to vector<16xi32>
      %shift_right_logical3A_200 = arith.constant 7 : i32
      %shift_right_logical3A_201 = vector.broadcast %shift_right_logical3A_200 : i32 to vector<16xi32>
      %shift_right_logical3A_202 = arith.shrui %get3A_196, %shift_right_logical3A_201 : vector<16xi32>
      %mul3A_203 = arith.constant 73728 : i32
      %mul3A_204 = vector.broadcast %mul3A_203 : i32 to vector<16xi32>
      %mul3A_205 = arith.muli %shift_right_logical3A_202, %mul3A_204 : vector<16xi32>
      %shift_left3A_206 = arith.constant 7 : i32
      %shift_left3A_207 = vector.broadcast %shift_left3A_206 : i32 to vector<16xi32>
      %shift_left3A_208 = arith.shli %get3A_199, %shift_left3A_207 : vector<16xi32>
      %add3A_209 = arith.addi %mul3A_205, %shift_left3A_208 : vector<16xi32>
      %and3A_210 = arith.constant 127 : i32
      %and3A_211 = vector.broadcast %and3A_210 : i32 to vector<16xi32>
      %and3A_212 = arith.andi %get3A_196, %and3A_211 : vector<16xi32>
      %add3A_213 = arith.addi %add3A_209, %and3A_212 : vector<16xi32>
      %swap3A_214 = arith.constant 32 : index
      %swap3A_215 = tpu.vector_load %arg8[%swap3A_214] {strides = array<i32>} : memref<128xi32, #tpu.memory_space<vmem>>, vector<16xi32>,
      %swap3A_216 = vector.shape_cast %swap3A_215 : vector<16xi32> to vector<16xi32>
      %swap3A_217 = vector.shape_cast %add3A_213 : vector<16xi32> to vector<16xi32>
      tpu.vector_store %arg8[%swap3A_214], %swap3A_217 {strides = array<i32>} : memref<128xi32, #tpu.memory_space<vmem>>, vector<16xi32>,
      %get3A_218 = arith.constant 32 : index
      %get3A_219 = tpu.vector_load %arg9[%get3A_218] {strides = array<i32>} : memref<128xf32, #tpu.memory_space<vmem>>, vector<16xf32>,
      %get3A_220 = vector.shape_cast %get3A_219 : vector<16xf32> to vector<16xf32>
      %add3A_221 = arith.constant 6.400000e+01 : f32
      %add3A_222 = vector.broadcast %add3A_221 : f32 to vector<16xf32>
      %add3A_223 = arith.addf %get3A_220, %add3A_222 : vector<16xf32>
      %swap3A_224 = arith.constant 32 : index
      %swap3A_225 = tpu.vector_load %arg9[%swap3A_224] {strides = array<i32>} : memref<128xf32, #tpu.memory_space<vmem>>, vector<16xf32>,
      %swap3A_226 = vector.shape_cast %swap3A_225 : vector<16xf32> to vector<16xf32>
      %swap3A_227 = vector.shape_cast %add3A_223 : vector<16xf32> to vector<16xf32>
      tpu.vector_store %arg9[%swap3A_224], %swap3A_227 {strides = array<i32>} : memref<128xf32, #tpu.memory_space<vmem>>, vector<16xf32>,
      %sub3A_228 = arith.constant 0.000000e+00 : f32
      %sub3A_229 = vector.broadcast %sub3A_228 : f32 to vector<16xf32>
      %sub3A_230 = arith.subf %sub3A_229, %add3A_223 : vector<16xf32>
      %swap3A_231 = arith.constant 32 : index
      %swap3A_232 = tpu.vector_load %arg10[%swap3A_231] {strides = array<i32>} : memref<128xf32, #tpu.memory_space<vmem>>, vector<16xf32>,
      %swap3A_233 = vector.shape_cast %swap3A_232 : vector<16xf32> to vector<16xf32>
      %swap3A_234 = vector.shape_cast %sub3A_230 : vector<16xf32> to vector<16xf32>
      tpu.vector_store %arg10[%swap3A_231], %swap3A_234 {strides = array<i32>} : memref<128xf32, #tpu.memory_space<vmem>>, vector<16xf32>,
      %get3A_235 = arith.constant 48 : index
      %get3A_236 = tpu.vector_load %arg6[%get3A_235] {strides = array<i32>} : memref<128xi32, #tpu.memory_space<vmem>>, vector<16xi32>,
      %get3A_237 = vector.shape_cast %get3A_236 : vector<16xi32> to vector<16xi32>
      %get3A_238 = arith.constant 48 : index
      %get3A_239 = tpu.vector_load %arg7[%get3A_238] {strides = array<i32>} : memref<128xi32, #tpu.memory_space<vmem>>, vector<16xi32>,
      %get3A_240 = vector.shape_cast %get3A_239 : vector<16xi32> to vector<16xi32>
      %shift_right_logical3A_241 = arith.constant 7 : i32
      %shift_right_logical3A_242 = vector.broadcast %shift_right_logical3A_241 : i32 to vector<16xi32>
      %shift_right_logical3A_243 = arith.shrui %get3A_237, %shift_right_logical3A_242 : vector<16xi32>
      %mul3A_244 = arith.constant 73728 : i32
      %mul3A_245 = vector.broadcast %mul3A_244 : i32 to vector<16xi32>
      %mul3A_246 = arith.muli %shift_right_logical3A_243, %mul3A_245 : vector<16xi32>
      %shift_left3A_247 = arith.constant 7 : i32
      %shift_left3A_248 = vector.broadcast %shift_left3A_247 : i32 to vector<16xi32>
      %shift_left3A_249 = arith.shli %get3A_240, %shift_left3A_248 : vector<16xi32>
      %add3A_250 = arith.addi %mul3A_246, %shift_left3A_249 : vector<16xi32>
      %and3A_251 = arith.constant 127 : i32
      %and3A_252 = vector.broadcast %and3A_251 : i32 to vector<16xi32>
      %and3A_253 = arith.andi %get3A_237, %and3A_252 : vector<16xi32>
      %add3A_254 = arith.addi %add3A_250, %and3A_253 : vector<16xi32>
      %swap3A_255 = arith.constant 48 : index
      %swap3A_256 = tpu.vector_load %arg8[%swap3A_255] {strides = array<i32>} : memref<128xi32, #tpu.memory_space<vmem>>, vector<16xi32>,
      %swap3A_257 = vector.shape_cast %swap3A_256 : vector<16xi32> to vector<16xi32>
      %swap3A_258 = vector.shape_cast %add3A_254 : vector<16xi32> to vector<16xi32>
      tpu.vector_store %arg8[%swap3A_255], %swap3A_258 {strides = array<i32>} : memref<128xi32, #tpu.memory_space<vmem>>, vector<16xi32>,
      %get3A_259 = arith.constant 48 : index
      %get3A_260 = tpu.vector_load %arg9[%get3A_259] {strides = array<i32>} : memref<128xf32, #tpu.memory_space<vmem>>, vector<16xf32>,
      %get3A_261 = vector.shape_cast %get3A_260 : vector<16xf32> to vector<16xf32>
      %add3A_262 = arith.constant 6.400000e+01 : f32
      %add3A_263 = vector.broadcast %add3A_262 : f32 to vector<16xf32>
      %add3A_264 = arith.addf %get3A_261, %add3A_263 : vector<16xf32>
      %swap3A_265 = arith.constant 48 : index
      %swap3A_266 = tpu.vector_load %arg9[%swap3A_265] {strides = array<i32>} : memref<128xf32, #tpu.memory_space<vmem>>, vector<16xf32>,
      %swap3A_267 = vector.shape_cast %swap3A_266 : vector<16xf32> to vector<16xf32>
      %swap3A_268 = vector.shape_cast %add3A_264 : vector<16xf32> to vector<16xf32>
      tpu.vector_store %arg9[%swap3A_265], %swap3A_268 {strides = array<i32>} : memref<128xf32, #tpu.memory_space<vmem>>, vector<16xf32>,
      %sub3A_269 = arith.constant 0.000000e+00 : f32
      %sub3A_270 = vector.broadcast %sub3A_269 : f32 to vector<16xf32>
      %sub3A_271 = arith.subf %sub3A_270, %add3A_264 : vector<16xf32>
      %swap3A_272 = arith.constant 48 : index
      %swap3A_273 = tpu.vector_load %arg10[%swap3A_272] {strides = array<i32>} : memref<128xf32, #tpu.memory_space<vmem>>, vector<16xf32>,
      %swap3A_274 = vector.shape_cast %swap3A_273 : vector<16xf32> to vector<16xf32>
      %swap3A_275 = vector.shape_cast %sub3A_271 : vector<16xf32> to vector<16xf32>
      tpu.vector_store %arg10[%swap3A_272], %swap3A_275 {strides = array<i32>} : memref<128xf32, #tpu.memory_space<vmem>>, vector<16xf32>,
      %get3A_276 = arith.constant 64 : index
      %get3A_277 = tpu.vector_load %arg6[%get3A_276] {strides = array<i32>} : memref<128xi32, #tpu.memory_space<vmem>>, vector<16xi32>,
      %get3A_278 = vector.shape_cast %get3A_277 : vector<16xi32> to vector<16xi32>
      %get3A_279 = arith.constant 64 : index
      %get3A_280 = tpu.vector_load %arg7[%get3A_279] {strides = array<i32>} : memref<128xi32, #tpu.memory_space<vmem>>, vector<16xi32>,
      %get3A_281 = vector.shape_cast %get3A_280 : vector<16xi32> to vector<16xi32>
      %shift_right_logical3A_282 = arith.constant 7 : i32
      %shift_right_logical3A_283 = vector.broadcast %shift_right_logical3A_282 : i32 to vector<16xi32>
      %shift_right_logical3A_284 = arith.shrui %get3A_278, %shift_right_logical3A_283 : vector<16xi32>
      %mul3A_285 = arith.constant 73728 : i32
      %mul3A_286 = vector.broadcast %mul3A_285 : i32 to vector<16xi32>
      %mul3A_287 = arith.muli %shift_right_logical3A_284, %mul3A_286 : vector<16xi32>
      %shift_left3A_288 = arith.constant 7 : i32
      %shift_left3A_289 = vector.broadcast %shift_left3A_288 : i32 to vector<16xi32>
      %shift_left3A_290 = arith.shli %get3A_281, %shift_left3A_289 : vector<16xi32>
      %add3A_291 = arith.addi %mul3A_287, %shift_left3A_290 : vector<16xi32>
      %and3A_292 = arith.constant 127 : i32
      %and3A_293 = vector.broadcast %and3A_292 : i32 to vector<16xi32>
      %and3A_294 = arith.andi %get3A_278, %and3A_293 : vector<16xi32>
      %add3A_295 = arith.addi %add3A_291, %and3A_294 : vector<16xi32>
      %swap3A_296 = arith.constant 64 : index
      %swap3A_297 = tpu.vector_load %arg8[%swap3A_296] {strides = array<i32>} : memref<128xi32, #tpu.memory_space<vmem>>, vector<16xi32>,
      %swap3A_298 = vector.shape_cast %swap3A_297 : vector<16xi32> to vector<16xi32>
      %swap3A_299 = vector.shape_cast %add3A_295 : vector<16xi32> to vector<16xi32>
      tpu.vector_store %arg8[%swap3A_296], %swap3A_299 {strides = array<i32>} : memref<128xi32, #tpu.memory_space<vmem>>, vector<16xi32>,
      %get3A_300 = arith.constant 64 : index
      %get3A_301 = tpu.vector_load %arg9[%get3A_300] {strides = array<i32>} : memref<128xf32, #tpu.memory_space<vmem>>, vector<16xf32>,
      %get3A_302 = vector.shape_cast %get3A_301 : vector<16xf32> to vector<16xf32>
      %add3A_303 = arith.constant 6.400000e+01 : f32
      %add3A_304 = vector.broadcast %add3A_303 : f32 to vector<16xf32>
      %add3A_305 = arith.addf %get3A_302, %add3A_304 : vector<16xf32>
      %swap3A_306 = arith.constant 64 : index
      %swap3A_307 = tpu.vector_load %arg9[%swap3A_306] {strides = array<i32>} : memref<128xf32, #tpu.memory_space<vmem>>, vector<16xf32>,
      %swap3A_308 = vector.shape_cast %swap3A_307 : vector<16xf32> to vector<16xf32>
      %swap3A_309 = vector.shape_cast %add3A_305 : vector<16xf32> to vector<16xf32>
      tpu.vector_store %arg9[%swap3A_306], %swap3A_309 {strides = array<i32>} : memref<128xf32, #tpu.memory_space<vmem>>, vector<16xf32>,
      %sub3A_310 = arith.constant 0.000000e+00 : f32
      %sub3A_311 = vector.broadcast %sub3A_310 : f32 to vector<16xf32>
      %sub3A_312 = arith.subf %sub3A_311, %add3A_305 : vector<16xf32>
      %swap3A_313 = arith.constant 64 : index
      %swap3A_314 = tpu.vector_load %arg10[%swap3A_313] {strides = array<i32>} : memref<128xf32, #tpu.memory_space<vmem>>, vector<16xf32>,
      %swap3A_315 = vector.shape_cast %swap3A_314 : vector<16xf32> to vector<16xf32>
      %swap3A_316 = vector.shape_cast %sub3A_312 : vector<16xf32> to vector<16xf32>
      tpu.vector_store %arg10[%swap3A_313], %swap3A_316 {strides = array<i32>} : memref<128xf32, #tpu.memory_space<vmem>>, vector<16xf32>,
      %get3A_317 = arith.constant 80 : index
      %get3A_318 = tpu.vector_load %arg6[%get3A_317] {strides = array<i32>} : memref<128xi32, #tpu.memory_space<vmem>>, vector<16xi32>,
      %get3A_319 = vector.shape_cast %get3A_318 : vector<16xi32> to vector<16xi32>
      %get3A_320 = arith.constant 80 : index
      %get3A_321 = tpu.vector_load %arg7[%get3A_320] {strides = array<i32>} : memref<128xi32, #tpu.memory_space<vmem>>, vector<16xi32>,
      %get3A_322 = vector.shape_cast %get3A_321 : vector<16xi32> to vector<16xi32>
      %shift_right_logical3A_323 = arith.constant 7 : i32
      %shift_right_logical3A_324 = vector.broadcast %shift_right_logical3A_323 : i32 to vector<16xi32>
      %shift_right_logical3A_325 = arith.shrui %get3A_319, %shift_right_logical3A_324 : vector<16xi32>
      %mul3A_326 = arith.constant 73728 : i32
      %mul3A_327 = vector.broadcast %mul3A_326 : i32 to vector<16xi32>
      %mul3A_328 = arith.muli %shift_right_logical3A_325, %mul3A_327 : vector<16xi32>
      %shift_left3A_329 = arith.constant 7 : i32
      %shift_left3A_330 = vector.broadcast %shift_left3A_329 : i32 to vector<16xi32>
      %shift_left3A_331 = arith.shli %get3A_322, %shift_left3A_330 : vector<16xi32>
      %add3A_332 = arith.addi %mul3A_328, %shift_left3A_331 : vector<16xi32>
      %and3A_333 = arith.constant 127 : i32
      %and3A_334 = vector.broadcast %and3A_333 : i32 to vector<16xi32>
      %and3A_335 = arith.andi %get3A_319, %and3A_334 : vector<16xi32>
      %add3A_336 = arith.addi %add3A_332, %and3A_335 : vector<16xi32>
      %swap3A_337 = arith.constant 80 : index
      %swap3A_338 = tpu.vector_load %arg8[%swap3A_337] {strides = array<i32>} : memref<128xi32, #tpu.memory_space<vmem>>, vector<16xi32>,
      %swap3A_339 = vector.shape_cast %swap3A_338 : vector<16xi32> to vector<16xi32>
      %swap3A_340 = vector.shape_cast %add3A_336 : vector<16xi32> to vector<16xi32>
      tpu.vector_store %arg8[%swap3A_337], %swap3A_340 {strides = array<i32>} : memref<128xi32, #tpu.memory_space<vmem>>, vector<16xi32>,
      %get3A_341 = arith.constant 80 : index
      %get3A_342 = tpu.vector_load %arg9[%get3A_341] {strides = array<i32>} : memref<128xf32, #tpu.memory_space<vmem>>, vector<16xf32>,
      %get3A_343 = vector.shape_cast %get3A_342 : vector<16xf32> to vector<16xf32>
      %add3A_344 = arith.constant 6.400000e+01 : f32
      %add3A_345 = vector.broadcast %add3A_344 : f32 to vector<16xf32>
      %add3A_346 = arith.addf %get3A_343, %add3A_345 : vector<16xf32>
      %swap3A_347 = arith.constant 80 : index
      %swap3A_348 = tpu.vector_load %arg9[%swap3A_347] {strides = array<i32>} : memref<128xf32, #tpu.memory_space<vmem>>, vector<16xf32>,
      %swap3A_349 = vector.shape_cast %swap3A_348 : vector<16xf32> to vector<16xf32>
      %swap3A_350 = vector.shape_cast %add3A_346 : vector<16xf32> to vector<16xf32>
      tpu.vector_store %arg9[%swap3A_347], %swap3A_350 {strides = array<i32>} : memref<128xf32, #tpu.memory_space<vmem>>, vector<16xf32>,
      %sub3A_351 = arith.constant 0.000000e+00 : f32
      %sub3A_352 = vector.broadcast %sub3A_351 : f32 to vector<16xf32>
      %sub3A_353 = arith.subf %sub3A_352, %add3A_346 : vector<16xf32>
      %swap3A_354 = arith.constant 80 : index
      %swap3A_355 = tpu.vector_load %arg10[%swap3A_354] {strides = array<i32>} : memref<128xf32, #tpu.memory_space<vmem>>, vector<16xf32>,
      %swap3A_356 = vector.shape_cast %swap3A_355 : vector<16xf32> to vector<16xf32>
      %swap3A_357 = vector.shape_cast %sub3A_353 : vector<16xf32> to vector<16xf32>
      tpu.vector_store %arg10[%swap3A_354], %swap3A_357 {strides = array<i32>} : memref<128xf32, #tpu.memory_space<vmem>>, vector<16xf32>,
      %get3A_358 = arith.constant 96 : index
      %get3A_359 = tpu.vector_load %arg6[%get3A_358] {strides = array<i32>} : memref<128xi32, #tpu.memory_space<vmem>>, vector<16xi32>,
      %get3A_360 = vector.shape_cast %get3A_359 : vector<16xi32> to vector<16xi32>
      %get3A_361 = arith.constant 96 : index
      %get3A_362 = tpu.vector_load %arg7[%get3A_361] {strides = array<i32>} : memref<128xi32, #tpu.memory_space<vmem>>, vector<16xi32>,
      %get3A_363 = vector.shape_cast %get3A_362 : vector<16xi32> to vector<16xi32>
      %shift_right_logical3A_364 = arith.constant 7 : i32
      %shift_right_logical3A_365 = vector.broadcast %shift_right_logical3A_364 : i32 to vector<16xi32>
      %shift_right_logical3A_366 = arith.shrui %get3A_360, %shift_right_logical3A_365 : vector<16xi32>
      %mul3A_367 = arith.constant 73728 : i32
      %mul3A_368 = vector.broadcast %mul3A_367 : i32 to vector<16xi32>
      %mul3A_369 = arith.muli %shift_right_logical3A_366, %mul3A_368 : vector<16xi32>
      %shift_left3A_370 = arith.constant 7 : i32
      %shift_left3A_371 = vector.broadcast %shift_left3A_370 : i32 to vector<16xi32>
      %shift_left3A_372 = arith.shli %get3A_363, %shift_left3A_371 : vector<16xi32>
      %add3A_373 = arith.addi %mul3A_369, %shift_left3A_372 : vector<16xi32>
      %and3A_374 = arith.constant 127 : i32
      %and3A_375 = vector.broadcast %and3A_374 : i32 to vector<16xi32>
      %and3A_376 = arith.andi %get3A_360, %and3A_375 : vector<16xi32>
      %add3A_377 = arith.addi %add3A_373, %and3A_376 : vector<16xi32>
      %swap3A_378 = arith.constant 96 : index
      %swap3A_379 = tpu.vector_load %arg8[%swap3A_378] {strides = array<i32>} : memref<128xi32, #tpu.memory_space<vmem>>, vector<16xi32>,
      %swap3A_380 = vector.shape_cast %swap3A_379 : vector<16xi32> to vector<16xi32>
      %swap3A_381 = vector.shape_cast %add3A_377 : vector<16xi32> to vector<16xi32>
      tpu.vector_store %arg8[%swap3A_378], %swap3A_381 {strides = array<i32>} : memref<128xi32, #tpu.memory_space<vmem>>, vector<16xi32>,
      %get3A_382 = arith.constant 96 : index
      %get3A_383 = tpu.vector_load %arg9[%get3A_382] {strides = array<i32>} : memref<128xf32, #tpu.memory_space<vmem>>, vector<16xf32>,
      %get3A_384 = vector.shape_cast %get3A_383 : vector<16xf32> to vector<16xf32>
      %add3A_385 = arith.constant 6.400000e+01 : f32
      %add3A_386 = vector.broadcast %add3A_385 : f32 to vector<16xf32>
      %add3A_387 = arith.addf %get3A_384, %add3A_386 : vector<16xf32>
      %swap3A_388 = arith.constant 96 : index
      %swap3A_389 = tpu.vector_load %arg9[%swap3A_388] {strides = array<i32>} : memref<128xf32, #tpu.memory_space<vmem>>, vector<16xf32>,
      %swap3A_390 = vector.shape_cast %swap3A_389 : vector<16xf32> to vector<16xf32>
      %swap3A_391 = vector.shape_cast %add3A_387 : vector<16xf32> to vector<16xf32>
      tpu.vector_store %arg9[%swap3A_388], %swap3A_391 {strides = array<i32>} : memref<128xf32, #tpu.memory_space<vmem>>, vector<16xf32>,
      %sub3A_392 = arith.constant 0.000000e+00 : f32
      %sub3A_393 = vector.broadcast %sub3A_392 : f32 to vector<16xf32>
      %sub3A_394 = arith.subf %sub3A_393, %add3A_387 : vector<16xf32>
      %swap3A_395 = arith.constant 96 : index
      %swap3A_396 = tpu.vector_load %arg10[%swap3A_395] {strides = array<i32>} : memref<128xf32, #tpu.memory_space<vmem>>, vector<16xf32>,
      %swap3A_397 = vector.shape_cast %swap3A_396 : vector<16xf32> to vector<16xf32>
      %swap3A_398 = vector.shape_cast %sub3A_394 : vector<16xf32> to vector<16xf32>
      tpu.vector_store %arg10[%swap3A_395], %swap3A_398 {strides = array<i32>} : memref<128xf32, #tpu.memory_space<vmem>>, vector<16xf32>,
      %get3A_399 = arith.constant 112 : index
      %get3A_400 = tpu.vector_load %arg6[%get3A_399] {strides = array<i32>} : memref<128xi32, #tpu.memory_space<vmem>>, vector<16xi32>,
      %get3A_401 = vector.shape_cast %get3A_400 : vector<16xi32> to vector<16xi32>
      %get3A_402 = arith.constant 112 : index
      %get3A_403 = tpu.vector_load %arg7[%get3A_402] {strides = array<i32>} : memref<128xi32, #tpu.memory_space<vmem>>, vector<16xi32>,
      %get3A_404 = vector.shape_cast %get3A_403 : vector<16xi32> to vector<16xi32>
      %shift_right_logical3A_405 = arith.constant 7 : i32
      %shift_right_logical3A_406 = vector.broadcast %shift_right_logical3A_405 : i32 to vector<16xi32>
      %shift_right_logical3A_407 = arith.shrui %get3A_401, %shift_right_logical3A_406 : vector<16xi32>
      %mul3A_408 = arith.constant 73728 : i32
      %mul3A_409 = vector.broadcast %mul3A_408 : i32 to vector<16xi32>
      %mul3A_410 = arith.muli %shift_right_logical3A_407, %mul3A_409 : vector<16xi32>
      %shift_left3A_411 = arith.constant 7 : i32
      %shift_left3A_412 = vector.broadcast %shift_left3A_411 : i32 to vector<16xi32>
      %shift_left3A_413 = arith.shli %get3A_404, %shift_left3A_412 : vector<16xi32>
      %add3A_414 = arith.addi %mul3A_410, %shift_left3A_413 : vector<16xi32>
      %and3A_415 = arith.constant 127 : i32
      %and3A_416 = vector.broadcast %and3A_415 : i32 to vector<16xi32>
      %and3A_417 = arith.andi %get3A_401, %and3A_416 : vector<16xi32>
      %add3A_418 = arith.addi %add3A_414, %and3A_417 : vector<16xi32>
      %swap3A_419 = arith.constant 112 : index
      %swap3A_420 = tpu.vector_load %arg8[%swap3A_419] {strides = array<i32>} : memref<128xi32, #tpu.memory_space<vmem>>, vector<16xi32>,
      %swap3A_421 = vector.shape_cast %swap3A_420 : vector<16xi32> to vector<16xi32>
      %swap3A_422 = vector.shape_cast %add3A_418 : vector<16xi32> to vector<16xi32>
      tpu.vector_store %arg8[%swap3A_419], %swap3A_422 {strides = array<i32>} : memref<128xi32, #tpu.memory_space<vmem>>, vector<16xi32>,
      %get3A_423 = arith.constant 112 : index
      %get3A_424 = tpu.vector_load %arg9[%get3A_423] {strides = array<i32>} : memref<128xf32, #tpu.memory_space<vmem>>, vector<16xf32>,
      %get3A_425 = vector.shape_cast %get3A_424 : vector<16xf32> to vector<16xf32>
      %add3A_426 = arith.constant 6.400000e+01 : f32
      %add3A_427 = vector.broadcast %add3A_426 : f32 to vector<16xf32>
      %add3A_428 = arith.addf %get3A_425, %add3A_427 : vector<16xf32>
      %swap3A_429 = arith.constant 112 : index
      %swap3A_430 = tpu.vector_load %arg9[%swap3A_429] {strides = array<i32>} : memref<128xf32, #tpu.memory_space<vmem>>, vector<16xf32>,
      %swap3A_431 = vector.shape_cast %swap3A_430 : vector<16xf32> to vector<16xf32>
      %swap3A_432 = vector.shape_cast %add3A_428 : vector<16xf32> to vector<16xf32>
      tpu.vector_store %arg9[%swap3A_429], %swap3A_432 {strides = array<i32>} : memref<128xf32, #tpu.memory_space<vmem>>, vector<16xf32>,
      %sub3A_433 = arith.constant 0.000000e+00 : f32
      %sub3A_434 = vector.broadcast %sub3A_433 : f32 to vector<16xf32>
      %sub3A_435 = arith.subf %sub3A_434, %add3A_428 : vector<16xf32>
      %swap3A_436 = arith.constant 112 : index
      %swap3A_437 = tpu.vector_load %arg10[%swap3A_436] {strides = array<i32>} : memref<128xf32, #tpu.memory_space<vmem>>, vector<16xf32>,
      %swap3A_438 = vector.shape_cast %swap3A_437 : vector<16xf32> to vector<16xf32>
      %swap3A_439 = vector.shape_cast %sub3A_435 : vector<16xf32> to vector<16xf32>
      tpu.vector_store %arg10[%swap3A_436], %swap3A_439 {strides = array<i32>} : memref<128xf32, #tpu.memory_space<vmem>>, vector<16xf32>,
      "tpu.region"() ({
        %run_scoped3A = tpu.sem_alloc : memref<!tpu.dma_semaphore, #tpu.memory_space<semaphore_mem>>
        %dma_start3A = arith.constant 0 : i32
        %dma_start3A_563 = tpu.memref_slice %arg14[%dma_start3A] : memref<368640xf32, #tpu.memory_space<vmem_shared>> -> memref<368640xf32, #tpu.memory_space<vmem_shared>>
        tpu.enqueue_indirect_dma source(%arg12 : memref<128xf32, #tpu.memory_space<vmem>>) target(%dma_start3A_563 : memref<368640xf32, #tpu.memory_space<vmem_shared>>) offsets(%arg11 : memref<128xi32, #tpu.memory_space<vmem>>) semaphore(%run_scoped3A : memref<!tpu.dma_semaphore, #tpu.memory_space<semaphore_mem>>) {add = true}
        %dma_wait3A = arith.constant 0 : i32
        %dma_wait3A_564 = tpu.memref_slice %arg14[%dma_wait3A] : memref<368640xf32, #tpu.memory_space<vmem_shared>> -> memref<368640xf32, #tpu.memory_space<vmem_shared>>
        tpu.wait_indirect_dma semaphore(%run_scoped3A : memref<!tpu.dma_semaphore, #tpu.memory_space<semaphore_mem>>) src(%arg12 : memref<128xf32, #tpu.memory_space<vmem>>) dst(%dma_wait3A_564 : memref<368640xf32, #tpu.memory_space<vmem_shared>>)
        tpu.yield
      }) : () -> ()
      "tpu.region"() ({
        %run_scoped3A = tpu.sem_alloc : memref<!tpu.dma_semaphore, #tpu.memory_space<semaphore_mem>>
        %dma_start3A = arith.constant 0 : i32
        %dma_start3A_563 = tpu.memref_slice %arg14[%dma_start3A] : memref<368640xf32, #tpu.memory_space<vmem_shared>> -> memref<368640xf32, #tpu.memory_space<vmem_shared>>
        tpu.enqueue_indirect_dma source(%arg9 : memref<128xf32, #tpu.memory_space<vmem>>) target(%dma_start3A_563 : memref<368640xf32, #tpu.memory_space<vmem_shared>>) offsets(%arg8 : memref<128xi32, #tpu.memory_space<vmem>>) semaphore(%run_scoped3A : memref<!tpu.dma_semaphore, #tpu.memory_space<semaphore_mem>>) {add = true}
        %dma_wait3A = arith.constant 0 : i32
        %dma_wait3A_564 = tpu.memref_slice %arg14[%dma_wait3A] : memref<368640xf32, #tpu.memory_space<vmem_shared>> -> memref<368640xf32, #tpu.memory_space<vmem_shared>>
        tpu.wait_indirect_dma semaphore(%run_scoped3A : memref<!tpu.dma_semaphore, #tpu.memory_space<semaphore_mem>>) src(%arg9 : memref<128xf32, #tpu.memory_space<vmem>>) dst(%dma_wait3A_564 : memref<368640xf32, #tpu.memory_space<vmem_shared>>)
        tpu.yield
      }) : () -> ()
      %barrier3A_440 = arith.constant 0 : index
      tpu.barrier barrier_id(%barrier3A_440)
      %mul3A_441 = arith.constant 23040 : i32
      %mul3A_442 = arith.muli %arg1, %mul3A_441 : i32
      %sub3A_443 = arith.constant 48 : i32
      %sub3A_444 = arith.subi %add3A_104, %sub3A_443 : i32
      %mul3A_445 = arith.constant 368640 : i32
      %mul3A_446 = arith.muli %sub3A_444, %mul3A_445 : i32
      %mul3A_447 = arith.constant 23040 : i32
      %mul3A_448 = arith.muli %arg1, %mul3A_447 : i32
      %add3A_449 = arith.addi %mul3A_446, %mul3A_448 : i32
      "tpu.region"() ({
        %run_scoped3A = tpu.sem_alloc : memref<!tpu.dma_semaphore, #tpu.memory_space<semaphore_mem>>
        %dma_start3A = tpu.memref_slice %arg5[%add3A_449] : memref<5898240xf32, #tpu.memory_space<hbm>> -> memref<23040xf32, #tpu.memory_space<hbm>>
        %dma_start3A_563 = tpu.memref_slice %arg14[%mul3A_442] : memref<368640xf32, #tpu.memory_space<vmem_shared>> -> memref<23040xf32, #tpu.memory_space<vmem_shared>>
        tpu.enqueue_dma source(%dma_start3A_563 : memref<23040xf32, #tpu.memory_space<vmem_shared>>) target(%dma_start3A : memref<23040xf32, #tpu.memory_space<hbm>>) target_semaphore(%run_scoped3A : memref<!tpu.dma_semaphore, #tpu.memory_space<semaphore_mem>>)
        %dma_wait3A = tpu.memref_slice %arg5[%add3A_449] : memref<5898240xf32, #tpu.memory_space<hbm>> -> memref<23040xf32, #tpu.memory_space<hbm>>
        %dma_wait3A_564 = tpu.memref_slice %arg14[%mul3A_442] : memref<368640xf32, #tpu.memory_space<vmem_shared>> -> memref<23040xf32, #tpu.memory_space<vmem_shared>>
        tpu.wait_dma2 semaphore(%run_scoped3A : memref<!tpu.dma_semaphore, #tpu.memory_space<semaphore_mem>>) src(%dma_wait3A_564 : memref<23040xf32, #tpu.memory_space<vmem_shared>>) dst(%dma_wait3A : memref<23040xf32, #tpu.memory_space<hbm>>)
        tpu.yield
      }) : () -> ()
      %get3A_450 = arith.constant 0 : index
      %get3A_451 = tpu.vector_load %arg8[%get3A_450] {strides = array<i32>} : memref<128xi32, #tpu.memory_space<vmem>>, vector<16xi32>,
      %get3A_452 = vector.shape_cast %get3A_451 : vector<16xi32> to vector<16xi32>
      %swap3A_453 = arith.constant 0 : index
      %swap3A_454 = tpu.vector_load %arg11[%swap3A_453] {strides = array<i32>} : memref<128xi32, #tpu.memory_space<vmem>>, vector<16xi32>,
      %swap3A_455 = vector.shape_cast %swap3A_454 : vector<16xi32> to vector<16xi32>
      %swap3A_456 = vector.shape_cast %get3A_452 : vector<16xi32> to vector<16xi32>
      tpu.vector_store %arg11[%swap3A_453], %swap3A_456 {strides = array<i32>} : memref<128xi32, #tpu.memory_space<vmem>>, vector<16xi32>,
      %get3A_457 = arith.constant 0 : index
      %get3A_458 = tpu.vector_load %arg10[%get3A_457] {strides = array<i32>} : memref<128xf32, #tpu.memory_space<vmem>>, vector<16xf32>,
      %get3A_459 = vector.shape_cast %get3A_458 : vector<16xf32> to vector<16xf32>
      %swap3A_460 = arith.constant 0 : index
      %swap3A_461 = tpu.vector_load %arg12[%swap3A_460] {strides = array<i32>} : memref<128xf32, #tpu.memory_space<vmem>>, vector<16xf32>,
      %swap3A_462 = vector.shape_cast %swap3A_461 : vector<16xf32> to vector<16xf32>
      %swap3A_463 = vector.shape_cast %get3A_459 : vector<16xf32> to vector<16xf32>
      tpu.vector_store %arg12[%swap3A_460], %swap3A_463 {strides = array<i32>} : memref<128xf32, #tpu.memory_space<vmem>>, vector<16xf32>,
      %get3A_464 = arith.constant 16 : index
      %get3A_465 = tpu.vector_load %arg8[%get3A_464] {strides = array<i32>} : memref<128xi32, #tpu.memory_space<vmem>>, vector<16xi32>,
      %get3A_466 = vector.shape_cast %get3A_465 : vector<16xi32> to vector<16xi32>
      %swap3A_467 = arith.constant 16 : index
      %swap3A_468 = tpu.vector_load %arg11[%swap3A_467] {strides = array<i32>} : memref<128xi32, #tpu.memory_space<vmem>>, vector<16xi32>,
      %swap3A_469 = vector.shape_cast %swap3A_468 : vector<16xi32> to vector<16xi32>
      %swap3A_470 = vector.shape_cast %get3A_466 : vector<16xi32> to vector<16xi32>
      tpu.vector_store %arg11[%swap3A_467], %swap3A_470 {strides = array<i32>} : memref<128xi32, #tpu.memory_space<vmem>>, vector<16xi32>,
      %get3A_471 = arith.constant 16 : index
      %get3A_472 = tpu.vector_load %arg10[%get3A_471] {strides = array<i32>} : memref<128xf32, #tpu.memory_space<vmem>>, vector<16xf32>,
      %get3A_473 = vector.shape_cast %get3A_472 : vector<16xf32> to vector<16xf32>
      %swap3A_474 = arith.constant 16 : index
      %swap3A_475 = tpu.vector_load %arg12[%swap3A_474] {strides = array<i32>} : memref<128xf32, #tpu.memory_space<vmem>>, vector<16xf32>,
      %swap3A_476 = vector.shape_cast %swap3A_475 : vector<16xf32> to vector<16xf32>
      %swap3A_477 = vector.shape_cast %get3A_473 : vector<16xf32> to vector<16xf32>
      tpu.vector_store %arg12[%swap3A_474], %swap3A_477 {strides = array<i32>} : memref<128xf32, #tpu.memory_space<vmem>>, vector<16xf32>,
      %get3A_478 = arith.constant 32 : index
      %get3A_479 = tpu.vector_load %arg8[%get3A_478] {strides = array<i32>} : memref<128xi32, #tpu.memory_space<vmem>>, vector<16xi32>,
      %get3A_480 = vector.shape_cast %get3A_479 : vector<16xi32> to vector<16xi32>
      %swap3A_481 = arith.constant 32 : index
      %swap3A_482 = tpu.vector_load %arg11[%swap3A_481] {strides = array<i32>} : memref<128xi32, #tpu.memory_space<vmem>>, vector<16xi32>,
      %swap3A_483 = vector.shape_cast %swap3A_482 : vector<16xi32> to vector<16xi32>
      %swap3A_484 = vector.shape_cast %get3A_480 : vector<16xi32> to vector<16xi32>
      tpu.vector_store %arg11[%swap3A_481], %swap3A_484 {strides = array<i32>} : memref<128xi32, #tpu.memory_space<vmem>>, vector<16xi32>,
      %get3A_485 = arith.constant 32 : index
      %get3A_486 = tpu.vector_load %arg10[%get3A_485] {strides = array<i32>} : memref<128xf32, #tpu.memory_space<vmem>>, vector<16xf32>,
      %get3A_487 = vector.shape_cast %get3A_486 : vector<16xf32> to vector<16xf32>
      %swap3A_488 = arith.constant 32 : index
      %swap3A_489 = tpu.vector_load %arg12[%swap3A_488] {strides = array<i32>} : memref<128xf32, #tpu.memory_space<vmem>>, vector<16xf32>,
      %swap3A_490 = vector.shape_cast %swap3A_489 : vector<16xf32> to vector<16xf32>
      %swap3A_491 = vector.shape_cast %get3A_487 : vector<16xf32> to vector<16xf32>
      tpu.vector_store %arg12[%swap3A_488], %swap3A_491 {strides = array<i32>} : memref<128xf32, #tpu.memory_space<vmem>>, vector<16xf32>,
      %get3A_492 = arith.constant 48 : index
      %get3A_493 = tpu.vector_load %arg8[%get3A_492] {strides = array<i32>} : memref<128xi32, #tpu.memory_space<vmem>>, vector<16xi32>,
      %get3A_494 = vector.shape_cast %get3A_493 : vector<16xi32> to vector<16xi32>
      %swap3A_495 = arith.constant 48 : index
      %swap3A_496 = tpu.vector_load %arg11[%swap3A_495] {strides = array<i32>} : memref<128xi32, #tpu.memory_space<vmem>>, vector<16xi32>,
      %swap3A_497 = vector.shape_cast %swap3A_496 : vector<16xi32> to vector<16xi32>
      %swap3A_498 = vector.shape_cast %get3A_494 : vector<16xi32> to vector<16xi32>
      tpu.vector_store %arg11[%swap3A_495], %swap3A_498 {strides = array<i32>} : memref<128xi32, #tpu.memory_space<vmem>>, vector<16xi32>,
      %get3A_499 = arith.constant 48 : index
      %get3A_500 = tpu.vector_load %arg10[%get3A_499] {strides = array<i32>} : memref<128xf32, #tpu.memory_space<vmem>>, vector<16xf32>,
      %get3A_501 = vector.shape_cast %get3A_500 : vector<16xf32> to vector<16xf32>
      %swap3A_502 = arith.constant 48 : index
      %swap3A_503 = tpu.vector_load %arg12[%swap3A_502] {strides = array<i32>} : memref<128xf32, #tpu.memory_space<vmem>>, vector<16xf32>,
      %swap3A_504 = vector.shape_cast %swap3A_503 : vector<16xf32> to vector<16xf32>
      %swap3A_505 = vector.shape_cast %get3A_501 : vector<16xf32> to vector<16xf32>
      tpu.vector_store %arg12[%swap3A_502], %swap3A_505 {strides = array<i32>} : memref<128xf32, #tpu.memory_space<vmem>>, vector<16xf32>,
      %get3A_506 = arith.constant 64 : index
      %get3A_507 = tpu.vector_load %arg8[%get3A_506] {strides = array<i32>} : memref<128xi32, #tpu.memory_space<vmem>>, vector<16xi32>,
      %get3A_508 = vector.shape_cast %get3A_507 : vector<16xi32> to vector<16xi32>
      %swap3A_509 = arith.constant 64 : index
      %swap3A_510 = tpu.vector_load %arg11[%swap3A_509] {strides = array<i32>} : memref<128xi32, #tpu.memory_space<vmem>>, vector<16xi32>,
      %swap3A_511 = vector.shape_cast %swap3A_510 : vector<16xi32> to vector<16xi32>
      %swap3A_512 = vector.shape_cast %get3A_508 : vector<16xi32> to vector<16xi32>
      tpu.vector_store %arg11[%swap3A_509], %swap3A_512 {strides = array<i32>} : memref<128xi32, #tpu.memory_space<vmem>>, vector<16xi32>,
      %get3A_513 = arith.constant 64 : index
      %get3A_514 = tpu.vector_load %arg10[%get3A_513] {strides = array<i32>} : memref<128xf32, #tpu.memory_space<vmem>>, vector<16xf32>,
      %get3A_515 = vector.shape_cast %get3A_514 : vector<16xf32> to vector<16xf32>
      %swap3A_516 = arith.constant 64 : index
      %swap3A_517 = tpu.vector_load %arg12[%swap3A_516] {strides = array<i32>} : memref<128xf32, #tpu.memory_space<vmem>>, vector<16xf32>,
      %swap3A_518 = vector.shape_cast %swap3A_517 : vector<16xf32> to vector<16xf32>
      %swap3A_519 = vector.shape_cast %get3A_515 : vector<16xf32> to vector<16xf32>
      tpu.vector_store %arg12[%swap3A_516], %swap3A_519 {strides = array<i32>} : memref<128xf32, #tpu.memory_space<vmem>>, vector<16xf32>,
      %get3A_520 = arith.constant 80 : index
      %get3A_521 = tpu.vector_load %arg8[%get3A_520] {strides = array<i32>} : memref<128xi32, #tpu.memory_space<vmem>>, vector<16xi32>,
      %get3A_522 = vector.shape_cast %get3A_521 : vector<16xi32> to vector<16xi32>
      %swap3A_523 = arith.constant 80 : index
      %swap3A_524 = tpu.vector_load %arg11[%swap3A_523] {strides = array<i32>} : memref<128xi32, #tpu.memory_space<vmem>>, vector<16xi32>,
      %swap3A_525 = vector.shape_cast %swap3A_524 : vector<16xi32> to vector<16xi32>
      %swap3A_526 = vector.shape_cast %get3A_522 : vector<16xi32> to vector<16xi32>
      tpu.vector_store %arg11[%swap3A_523], %swap3A_526 {strides = array<i32>} : memref<128xi32, #tpu.memory_space<vmem>>, vector<16xi32>,
      %get3A_527 = arith.constant 80 : index
      %get3A_528 = tpu.vector_load %arg10[%get3A_527] {strides = array<i32>} : memref<128xf32, #tpu.memory_space<vmem>>, vector<16xf32>,
      %get3A_529 = vector.shape_cast %get3A_528 : vector<16xf32> to vector<16xf32>
      %swap3A_530 = arith.constant 80 : index
      %swap3A_531 = tpu.vector_load %arg12[%swap3A_530] {strides = array<i32>} : memref<128xf32, #tpu.memory_space<vmem>>, vector<16xf32>,
      %swap3A_532 = vector.shape_cast %swap3A_531 : vector<16xf32> to vector<16xf32>
      %swap3A_533 = vector.shape_cast %get3A_529 : vector<16xf32> to vector<16xf32>
      tpu.vector_store %arg12[%swap3A_530], %swap3A_533 {strides = array<i32>} : memref<128xf32, #tpu.memory_space<vmem>>, vector<16xf32>,
      %get3A_534 = arith.constant 96 : index
      %get3A_535 = tpu.vector_load %arg8[%get3A_534] {strides = array<i32>} : memref<128xi32, #tpu.memory_space<vmem>>, vector<16xi32>,
      %get3A_536 = vector.shape_cast %get3A_535 : vector<16xi32> to vector<16xi32>
      %swap3A_537 = arith.constant 96 : index
      %swap3A_538 = tpu.vector_load %arg11[%swap3A_537] {strides = array<i32>} : memref<128xi32, #tpu.memory_space<vmem>>, vector<16xi32>,
      %swap3A_539 = vector.shape_cast %swap3A_538 : vector<16xi32> to vector<16xi32>
      %swap3A_540 = vector.shape_cast %get3A_536 : vector<16xi32> to vector<16xi32>
      tpu.vector_store %arg11[%swap3A_537], %swap3A_540 {strides = array<i32>} : memref<128xi32, #tpu.memory_space<vmem>>, vector<16xi32>,
      %get3A_541 = arith.constant 96 : index
      %get3A_542 = tpu.vector_load %arg10[%get3A_541] {strides = array<i32>} : memref<128xf32, #tpu.memory_space<vmem>>, vector<16xf32>,
      %get3A_543 = vector.shape_cast %get3A_542 : vector<16xf32> to vector<16xf32>
      %swap3A_544 = arith.constant 96 : index
      %swap3A_545 = tpu.vector_load %arg12[%swap3A_544] {strides = array<i32>} : memref<128xf32, #tpu.memory_space<vmem>>, vector<16xf32>,
      %swap3A_546 = vector.shape_cast %swap3A_545 : vector<16xf32> to vector<16xf32>
      %swap3A_547 = vector.shape_cast %get3A_543 : vector<16xf32> to vector<16xf32>
      tpu.vector_store %arg12[%swap3A_544], %swap3A_547 {strides = array<i32>} : memref<128xf32, #tpu.memory_space<vmem>>, vector<16xf32>,
      %get3A_548 = arith.constant 112 : index
      %get3A_549 = tpu.vector_load %arg8[%get3A_548] {strides = array<i32>} : memref<128xi32, #tpu.memory_space<vmem>>, vector<16xi32>,
      %get3A_550 = vector.shape_cast %get3A_549 : vector<16xi32> to vector<16xi32>
      %swap3A_551 = arith.constant 112 : index
      %swap3A_552 = tpu.vector_load %arg11[%swap3A_551] {strides = array<i32>} : memref<128xi32, #tpu.memory_space<vmem>>, vector<16xi32>,
      %swap3A_553 = vector.shape_cast %swap3A_552 : vector<16xi32> to vector<16xi32>
      %swap3A_554 = vector.shape_cast %get3A_550 : vector<16xi32> to vector<16xi32>
      tpu.vector_store %arg11[%swap3A_551], %swap3A_554 {strides = array<i32>} : memref<128xi32, #tpu.memory_space<vmem>>, vector<16xi32>,
      %get3A_555 = arith.constant 112 : index
      %get3A_556 = tpu.vector_load %arg10[%get3A_555] {strides = array<i32>} : memref<128xf32, #tpu.memory_space<vmem>>, vector<16xf32>,
      %get3A_557 = vector.shape_cast %get3A_556 : vector<16xf32> to vector<16xf32>
      %swap3A_558 = arith.constant 112 : index
      %swap3A_559 = tpu.vector_load %arg12[%swap3A_558] {strides = array<i32>} : memref<128xf32, #tpu.memory_space<vmem>>, vector<16xf32>,
      %swap3A_560 = vector.shape_cast %swap3A_559 : vector<16xf32> to vector<16xf32>
      %swap3A_561 = vector.shape_cast %get3A_557 : vector<16xf32> to vector<16xf32>
      tpu.vector_store %arg12[%swap3A_558], %swap3A_561 {strides = array<i32>} : memref<128xf32, #tpu.memory_space<vmem>>, vector<16xf32>,
      %barrier3A_562 = arith.constant 0 : index
      tpu.barrier barrier_id(%barrier3A_562)
    }
    %scan3A_99 = arith.constant 8 : i32
    return
  }
}

#map = affine_map<(d0, d1) -> (0)>
module attributes {stable_mosaic.version = 14 : i64} {
  func.func @sc_build_g0(%arg0: i32, %arg1: i32, %arg2: memref<262144xi32, #tpu.memory_space<hbm>>, %arg3: memref<131072xf32, #tpu.memory_space<hbm>>, %arg4: memref<23040xf32, #tpu.memory_space<hbm>>, %arg5: memref<5898240xf32, #tpu.memory_space<hbm>>, %arg6: memref<128xi32, #tpu.memory_space<vmem>>, %arg7: memref<128xi32, #tpu.memory_space<vmem>>, %arg8: memref<128xi32, #tpu.memory_space<vmem>>, %arg9: memref<128xf32, #tpu.memory_space<vmem>>, %arg10: memref<128xf32, #tpu.memory_space<vmem>>, %arg11: memref<128xi32, #tpu.memory_space<vmem>>, %arg12: memref<128xf32, #tpu.memory_space<vmem>>, %arg13: memref<23040xf32, #tpu.memory_space<vmem>>, %arg14: memref<368640xf32, #tpu.memory_space<vmem_shared>>) attributes {dimension_semantics = [#tpu.dimension_semantics<core_parallel>, #tpu.dimension_semantics<subcore_parallel>], iteration_bounds = array<i64: 2, 16>, scalar_prefetch = 0 : i64, scratch_operands = 9 : i64, tpu.core_type = #tpu.core_type<sc_vector_subcore>, window_params = [{transform_indices = #map}, {transform_indices = #map}, {transform_indices = #map}, {transform_indices = #map}]} {
    "tpu.region"() ({
      %run_scoped3A = tpu.sem_alloc : memref<!tpu.dma_semaphore, #tpu.memory_space<semaphore_mem>>
      tpu.enqueue_dma source(%arg4 : memref<23040xf32, #tpu.memory_space<hbm>>) target(%arg13 : memref<23040xf32, #tpu.memory_space<vmem>>) target_semaphore(%run_scoped3A : memref<!tpu.dma_semaphore, #tpu.memory_space<semaphore_mem>>)
      tpu.wait_dma2 semaphore(%run_scoped3A : memref<!tpu.dma_semaphore, #tpu.memory_space<semaphore_mem>>) src(%arg4 : memref<23040xf32, #tpu.memory_space<hbm>>) dst(%arg13 : memref<23040xf32, #tpu.memory_space<vmem>>)
      tpu.yield
    }) : () -> ()
    %mul3A = arith.constant 23040 : i32
    %mul3A_0 = arith.muli %arg1, %mul3A : i32
    "tpu.region"() ({
      %run_scoped3A = tpu.sem_alloc : memref<!tpu.dma_semaphore, #tpu.memory_space<semaphore_mem>>
      %dma_start3A = tpu.memref_slice %arg14[%mul3A_0] : memref<368640xf32, #tpu.memory_space<vmem_shared>> -> memref<23040xf32, #tpu.memory_space<vmem_shared>>
      %dma_start3A_100 = tpu.memref_slice %arg14[%mul3A_0] : memref<368640xf32, #tpu.memory_space<vmem_shared>> -> memref<23040xf32, #tpu.memory_space<vmem_shared>>
      tpu.enqueue_dma source(%arg13 : memref<23040xf32, #tpu.memory_space<vmem>>) target(%dma_start3A_100 : memref<23040xf32, #tpu.memory_space<vmem_shared>>) target_semaphore(%run_scoped3A : memref<!tpu.dma_semaphore, #tpu.memory_space<semaphore_mem>>)
      %dma_wait3A = tpu.memref_slice %arg14[%mul3A_0] : memref<368640xf32, #tpu.memory_space<vmem_shared>> -> memref<23040xf32, #tpu.memory_space<vmem_shared>>
      %dma_wait3A_101 = tpu.memref_slice %arg14[%mul3A_0] : memref<368640xf32, #tpu.memory_space<vmem_shared>> -> memref<23040xf32, #tpu.memory_space<vmem_shared>>
      tpu.wait_dma2 semaphore(%run_scoped3A : memref<!tpu.dma_semaphore, #tpu.memory_space<semaphore_mem>>) src(%arg13 : memref<23040xf32, #tpu.memory_space<vmem>>) dst(%dma_wait3A_101 : memref<23040xf32, #tpu.memory_space<vmem_shared>>)
      tpu.yield
    }) : () -> ()
    %broadcast_in_dim3A = arith.constant 0 : i32
    %broadcast_in_dim3A_1 = vector.broadcast %broadcast_in_dim3A : i32 to vector<16xi32>
    %swap3A = arith.constant 0 : index
    %swap3A_2 = tpu.vector_load %arg11[%swap3A] {strides = array<i32>} : memref<128xi32, #tpu.memory_space<vmem>>, vector<16xi32>,
    %swap3A_3 = vector.shape_cast %swap3A_2 : vector<16xi32> to vector<16xi32>
    %swap3A_4 = vector.shape_cast %broadcast_in_dim3A_1 : vector<16xi32> to vector<16xi32>
    tpu.vector_store %arg11[%swap3A], %swap3A_4 {strides = array<i32>} : memref<128xi32, #tpu.memory_space<vmem>>, vector<16xi32>,
    %broadcast_in_dim3A_5 = arith.constant 0.000000e+00 : f32
    %broadcast_in_dim3A_6 = vector.broadcast %broadcast_in_dim3A_5 : f32 to vector<16xf32>
    %swap3A_7 = arith.constant 0 : index
    %swap3A_8 = tpu.vector_load %arg12[%swap3A_7] {strides = array<i32>} : memref<128xf32, #tpu.memory_space<vmem>>, vector<16xf32>,
    %swap3A_9 = vector.shape_cast %swap3A_8 : vector<16xf32> to vector<16xf32>
    %swap3A_10 = vector.shape_cast %broadcast_in_dim3A_6 : vector<16xf32> to vector<16xf32>
    tpu.vector_store %arg12[%swap3A_7], %swap3A_10 {strides = array<i32>} : memref<128xf32, #tpu.memory_space<vmem>>, vector<16xf32>,
    %broadcast_in_dim3A_11 = arith.constant 0 : i32
    %broadcast_in_dim3A_12 = vector.broadcast %broadcast_in_dim3A_11 : i32 to vector<16xi32>
    %swap3A_13 = arith.constant 16 : index
    %swap3A_14 = tpu.vector_load %arg11[%swap3A_13] {strides = array<i32>} : memref<128xi32, #tpu.memory_space<vmem>>, vector<16xi32>,
    %swap3A_15 = vector.shape_cast %swap3A_14 : vector<16xi32> to vector<16xi32>
    %swap3A_16 = vector.shape_cast %broadcast_in_dim3A_12 : vector<16xi32> to vector<16xi32>
    tpu.vector_store %arg11[%swap3A_13], %swap3A_16 {strides = array<i32>} : memref<128xi32, #tpu.memory_space<vmem>>, vector<16xi32>,
    %broadcast_in_dim3A_17 = arith.constant 0.000000e+00 : f32
    %broadcast_in_dim3A_18 = vector.broadcast %broadcast_in_dim3A_17 : f32 to vector<16xf32>
    %swap3A_19 = arith.constant 16 : index
    %swap3A_20 = tpu.vector_load %arg12[%swap3A_19] {strides = array<i32>} : memref<128xf32, #tpu.memory_space<vmem>>, vector<16xf32>,
    %swap3A_21 = vector.shape_cast %swap3A_20 : vector<16xf32> to vector<16xf32>
    %swap3A_22 = vector.shape_cast %broadcast_in_dim3A_18 : vector<16xf32> to vector<16xf32>
    tpu.vector_store %arg12[%swap3A_19], %swap3A_22 {strides = array<i32>} : memref<128xf32, #tpu.memory_space<vmem>>, vector<16xf32>,
    %broadcast_in_dim3A_23 = arith.constant 0 : i32
    %broadcast_in_dim3A_24 = vector.broadcast %broadcast_in_dim3A_23 : i32 to vector<16xi32>
    %swap3A_25 = arith.constant 32 : index
    %swap3A_26 = tpu.vector_load %arg11[%swap3A_25] {strides = array<i32>} : memref<128xi32, #tpu.memory_space<vmem>>, vector<16xi32>,
    %swap3A_27 = vector.shape_cast %swap3A_26 : vector<16xi32> to vector<16xi32>
    %swap3A_28 = vector.shape_cast %broadcast_in_dim3A_24 : vector<16xi32> to vector<16xi32>
    tpu.vector_store %arg11[%swap3A_25], %swap3A_28 {strides = array<i32>} : memref<128xi32, #tpu.memory_space<vmem>>, vector<16xi32>,
    %broadcast_in_dim3A_29 = arith.constant 0.000000e+00 : f32
    %broadcast_in_dim3A_30 = vector.broadcast %broadcast_in_dim3A_29 : f32 to vector<16xf32>
    %swap3A_31 = arith.constant 32 : index
    %swap3A_32 = tpu.vector_load %arg12[%swap3A_31] {strides = array<i32>} : memref<128xf32, #tpu.memory_space<vmem>>, vector<16xf32>,
    %swap3A_33 = vector.shape_cast %swap3A_32 : vector<16xf32> to vector<16xf32>
    %swap3A_34 = vector.shape_cast %broadcast_in_dim3A_30 : vector<16xf32> to vector<16xf32>
    tpu.vector_store %arg12[%swap3A_31], %swap3A_34 {strides = array<i32>} : memref<128xf32, #tpu.memory_space<vmem>>, vector<16xf32>,
    %broadcast_in_dim3A_35 = arith.constant 0 : i32
    %broadcast_in_dim3A_36 = vector.broadcast %broadcast_in_dim3A_35 : i32 to vector<16xi32>
    %swap3A_37 = arith.constant 48 : index
    %swap3A_38 = tpu.vector_load %arg11[%swap3A_37] {strides = array<i32>} : memref<128xi32, #tpu.memory_space<vmem>>, vector<16xi32>,
    %swap3A_39 = vector.shape_cast %swap3A_38 : vector<16xi32> to vector<16xi32>
    %swap3A_40 = vector.shape_cast %broadcast_in_dim3A_36 : vector<16xi32> to vector<16xi32>
    tpu.vector_store %arg11[%swap3A_37], %swap3A_40 {strides = array<i32>} : memref<128xi32, #tpu.memory_space<vmem>>, vector<16xi32>,
    %broadcast_in_dim3A_41 = arith.constant 0.000000e+00 : f32
    %broadcast_in_dim3A_42 = vector.broadcast %broadcast_in_dim3A_41 : f32 to vector<16xf32>
    %swap3A_43 = arith.constant 48 : index
    %swap3A_44 = tpu.vector_load %arg12[%swap3A_43] {strides = array<i32>} : memref<128xf32, #tpu.memory_space<vmem>>, vector<16xf32>,
    %swap3A_45 = vector.shape_cast %swap3A_44 : vector<16xf32> to vector<16xf32>
    %swap3A_46 = vector.shape_cast %broadcast_in_dim3A_42 : vector<16xf32> to vector<16xf32>
    tpu.vector_store %arg12[%swap3A_43], %swap3A_46 {strides = array<i32>} : memref<128xf32, #tpu.memory_space<vmem>>, vector<16xf32>,
    %broadcast_in_dim3A_47 = arith.constant 0 : i32
    %broadcast_in_dim3A_48 = vector.broadcast %broadcast_in_dim3A_47 : i32 to vector<16xi32>
    %swap3A_49 = arith.constant 64 : index
    %swap3A_50 = tpu.vector_load %arg11[%swap3A_49] {strides = array<i32>} : memref<128xi32, #tpu.memory_space<vmem>>, vector<16xi32>,
    %swap3A_51 = vector.shape_cast %swap3A_50 : vector<16xi32> to vector<16xi32>
    %swap3A_52 = vector.shape_cast %broadcast_in_dim3A_48 : vector<16xi32> to vector<16xi32>
    tpu.vector_store %arg11[%swap3A_49], %swap3A_52 {strides = array<i32>} : memref<128xi32, #tpu.memory_space<vmem>>, vector<16xi32>,
    %broadcast_in_dim3A_53 = arith.constant 0.000000e+00 : f32
    %broadcast_in_dim3A_54 = vector.broadcast %broadcast_in_dim3A_53 : f32 to vector<16xf32>
    %swap3A_55 = arith.constant 64 : index
    %swap3A_56 = tpu.vector_load %arg12[%swap3A_55] {strides = array<i32>} : memref<128xf32, #tpu.memory_space<vmem>>, vector<16xf32>,
    %swap3A_57 = vector.shape_cast %swap3A_56 : vector<16xf32> to vector<16xf32>
    %swap3A_58 = vector.shape_cast %broadcast_in_dim3A_54 : vector<16xf32> to vector<16xf32>
    tpu.vector_store %arg12[%swap3A_55], %swap3A_58 {strides = array<i32>} : memref<128xf32, #tpu.memory_space<vmem>>, vector<16xf32>,
    %broadcast_in_dim3A_59 = arith.constant 0 : i32
    %broadcast_in_dim3A_60 = vector.broadcast %broadcast_in_dim3A_59 : i32 to vector<16xi32>
    %swap3A_61 = arith.constant 80 : index
    %swap3A_62 = tpu.vector_load %arg11[%swap3A_61] {strides = array<i32>} : memref<128xi32, #tpu.memory_space<vmem>>, vector<16xi32>,
    %swap3A_63 = vector.shape_cast %swap3A_62 : vector<16xi32> to vector<16xi32>
    %swap3A_64 = vector.shape_cast %broadcast_in_dim3A_60 : vector<16xi32> to vector<16xi32>
    tpu.vector_store %arg11[%swap3A_61], %swap3A_64 {strides = array<i32>} : memref<128xi32, #tpu.memory_space<vmem>>, vector<16xi32>,
    %broadcast_in_dim3A_65 = arith.constant 0.000000e+00 : f32
    %broadcast_in_dim3A_66 = vector.broadcast %broadcast_in_dim3A_65 : f32 to vector<16xf32>
    %swap3A_67 = arith.constant 80 : index
    %swap3A_68 = tpu.vector_load %arg12[%swap3A_67] {strides = array<i32>} : memref<128xf32, #tpu.memory_space<vmem>>, vector<16xf32>,
    %swap3A_69 = vector.shape_cast %swap3A_68 : vector<16xf32> to vector<16xf32>
    %swap3A_70 = vector.shape_cast %broadcast_in_dim3A_66 : vector<16xf32> to vector<16xf32>
    tpu.vector_store %arg12[%swap3A_67], %swap3A_70 {strides = array<i32>} : memref<128xf32, #tpu.memory_space<vmem>>, vector<16xf32>,
    %broadcast_in_dim3A_71 = arith.constant 0 : i32
    %broadcast_in_dim3A_72 = vector.broadcast %broadcast_in_dim3A_71 : i32 to vector<16xi32>
    %swap3A_73 = arith.constant 96 : index
    %swap3A_74 = tpu.vector_load %arg11[%swap3A_73] {strides = array<i32>} : memref<128xi32, #tpu.memory_space<vmem>>, vector<16xi32>,
    %swap3A_75 = vector.shape_cast %swap3A_74 : vector<16xi32> to vector<16xi32>
    %swap3A_76 = vector.shape_cast %broadcast_in_dim3A_72 : vector<16xi32> to vector<16xi32>
    tpu.vector_store %arg11[%swap3A_73], %swap3A_76 {strides = array<i32>} : memref<128xi32, #tpu.memory_space<vmem>>, vector<16xi32>,
    %broadcast_in_dim3A_77 = arith.constant 0.000000e+00 : f32
    %broadcast_in_dim3A_78 = vector.broadcast %broadcast_in_dim3A_77 : f32 to vector<16xf32>
    %swap3A_79 = arith.constant 96 : index
    %swap3A_80 = tpu.vector_load %arg12[%swap3A_79] {strides = array<i32>} : memref<128xf32, #tpu.memory_space<vmem>>, vector<16xf32>,
    %swap3A_81 = vector.shape_cast %swap3A_80 : vector<16xf32> to vector<16xf32>
    %swap3A_82 = vector.shape_cast %broadcast_in_dim3A_78 : vector<16xf32> to vector<16xf32>
    tpu.vector_store %arg12[%swap3A_79], %swap3A_82 {strides = array<i32>} : memref<128xf32, #tpu.memory_space<vmem>>, vector<16xf32>,
    %broadcast_in_dim3A_83 = arith.constant 0 : i32
    %broadcast_in_dim3A_84 = vector.broadcast %broadcast_in_dim3A_83 : i32 to vector<16xi32>
    %swap3A_85 = arith.constant 112 : index
    %swap3A_86 = tpu.vector_load %arg11[%swap3A_85] {strides = array<i32>} : memref<128xi32, #tpu.memory_space<vmem>>, vector<16xi32>,
    %swap3A_87 = vector.shape_cast %swap3A_86 : vector<16xi32> to vector<16xi32>
    %swap3A_88 = vector.shape_cast %broadcast_in_dim3A_84 : vector<16xi32> to vector<16xi32>
    tpu.vector_store %arg11[%swap3A_85], %swap3A_88 {strides = array<i32>} : memref<128xi32, #tpu.memory_space<vmem>>, vector<16xi32>,
    %broadcast_in_dim3A_89 = arith.constant 0.000000e+00 : f32
    %broadcast_in_dim3A_90 = vector.broadcast %broadcast_in_dim3A_89 : f32 to vector<16xf32>
    %swap3A_91 = arith.constant 112 : index
    %swap3A_92 = tpu.vector_load %arg12[%swap3A_91] {strides = array<i32>} : memref<128xf32, #tpu.memory_space<vmem>>, vector<16xf32>,
    %swap3A_93 = vector.shape_cast %swap3A_92 : vector<16xf32> to vector<16xf32>
    %swap3A_94 = vector.shape_cast %broadcast_in_dim3A_90 : vector<16xf32> to vector<16xf32>
    tpu.vector_store %arg12[%swap3A_91], %swap3A_94 {strides = array<i32>} : memref<128xf32, #tpu.memory_space<vmem>>, vector<16xf32>,
    %barrier3A = arith.constant 0 : index
    tpu.barrier barrier_id(%barrier3A)
    %scan3A = arith.constant 0 : i32
    %scan3A_95 = arith.constant 0 : i32
    %scan3A_96 = arith.constant 8 : i32
    %scan3A_97 = arith.addi %scan3A_95, %scan3A_96 : i32
    %scan3A_98 = arith.constant 1 : i32
    scf.for %scan3A_100 = %scan3A_95 to %scan3A_97 step %scan3A_98  : i32 {
      %mul3A_101 = arith.constant 8 : i32
      %mul3A_102 = arith.muli %arg0, %mul3A_101 : i32
      %add3A = arith.constant 0 : i32
      %add3A_103 = arith.addi %add3A, %mul3A_102 : i32
      %add3A_104 = arith.addi %add3A_103, %scan3A_100 : i32
      %mul3A_105 = arith.constant 4096 : i32
      %mul3A_106 = arith.muli %add3A_104, %mul3A_105 : i32
      %mul3A_107 = arith.constant 128 : i32
      %mul3A_108 = arith.muli %arg1, %mul3A_107 : i32
      %add3A_109 = arith.addi %mul3A_106, %mul3A_108 : i32
      "tpu.region"() ({
        %run_scoped3A = tpu.sem_alloc : memref<!tpu.dma_semaphore, #tpu.memory_space<semaphore_mem>>
        %dma_start3A = tpu.memref_slice %arg2[%add3A_109] : memref<262144xi32, #tpu.memory_space<hbm>> -> memref<128xi32, #tpu.memory_space<hbm>>
        %dma_start3A_563 = tpu.memref_slice %arg2[%add3A_109] : memref<262144xi32, #tpu.memory_space<hbm>> -> memref<128xi32, #tpu.memory_space<hbm>>
        tpu.enqueue_dma source(%dma_start3A_563 : memref<128xi32, #tpu.memory_space<hbm>>) target(%arg6 : memref<128xi32, #tpu.memory_space<vmem>>) target_semaphore(%run_scoped3A : memref<!tpu.dma_semaphore, #tpu.memory_space<semaphore_mem>>)
        %dma_wait3A = tpu.memref_slice %arg2[%add3A_109] : memref<262144xi32, #tpu.memory_space<hbm>> -> memref<128xi32, #tpu.memory_space<hbm>>
        %dma_wait3A_564 = tpu.memref_slice %arg2[%add3A_109] : memref<262144xi32, #tpu.memory_space<hbm>> -> memref<128xi32, #tpu.memory_space<hbm>>
        tpu.wait_dma2 semaphore(%run_scoped3A : memref<!tpu.dma_semaphore, #tpu.memory_space<semaphore_mem>>) src(%dma_wait3A_564 : memref<128xi32, #tpu.memory_space<hbm>>) dst(%arg6 : memref<128xi32, #tpu.memory_space<vmem>>)
        tpu.yield
      }) : () -> ()
      %add3A_110 = arith.constant 2048 : i32
      %add3A_111 = arith.addi %add3A_109, %add3A_110 : i32
      "tpu.region"() ({
        %run_scoped3A = tpu.sem_alloc : memref<!tpu.dma_semaphore, #tpu.memory_space<semaphore_mem>>
        %dma_start3A = tpu.memref_slice %arg2[%add3A_111] : memref<262144xi32, #tpu.memory_space<hbm>> -> memref<128xi32, #tpu.memory_space<hbm>>
        %dma_start3A_563 = tpu.memref_slice %arg2[%add3A_111] : memref<262144xi32, #tpu.memory_space<hbm>> -> memref<128xi32, #tpu.memory_space<hbm>>
        tpu.enqueue_dma source(%dma_start3A_563 : memref<128xi32, #tpu.memory_space<hbm>>) target(%arg7 : memref<128xi32, #tpu.memory_space<vmem>>) target_semaphore(%run_scoped3A : memref<!tpu.dma_semaphore, #tpu.memory_space<semaphore_mem>>)
        %dma_wait3A = tpu.memref_slice %arg2[%add3A_111] : memref<262144xi32, #tpu.memory_space<hbm>> -> memref<128xi32, #tpu.memory_space<hbm>>
        %dma_wait3A_564 = tpu.memref_slice %arg2[%add3A_111] : memref<262144xi32, #tpu.memory_space<hbm>> -> memref<128xi32, #tpu.memory_space<hbm>>
        tpu.wait_dma2 semaphore(%run_scoped3A : memref<!tpu.dma_semaphore, #tpu.memory_space<semaphore_mem>>) src(%dma_wait3A_564 : memref<128xi32, #tpu.memory_space<hbm>>) dst(%arg7 : memref<128xi32, #tpu.memory_space<vmem>>)
        tpu.yield
      }) : () -> ()
      %mul3A_112 = arith.constant 2048 : i32
      %mul3A_113 = arith.muli %add3A_104, %mul3A_112 : i32
      %mul3A_114 = arith.constant 128 : i32
      %mul3A_115 = arith.muli %arg1, %mul3A_114 : i32
      %add3A_116 = arith.addi %mul3A_113, %mul3A_115 : i32
      "tpu.region"() ({
        %run_scoped3A = tpu.sem_alloc : memref<!tpu.dma_semaphore, #tpu.memory_space<semaphore_mem>>
        %dma_start3A = tpu.memref_slice %arg3[%add3A_116] : memref<131072xf32, #tpu.memory_space<hbm>> -> memref<128xf32, #tpu.memory_space<hbm>>
        %dma_start3A_563 = tpu.memref_slice %arg3[%add3A_116] : memref<131072xf32, #tpu.memory_space<hbm>> -> memref<128xf32, #tpu.memory_space<hbm>>
        tpu.enqueue_dma source(%dma_start3A_563 : memref<128xf32, #tpu.memory_space<hbm>>) target(%arg9 : memref<128xf32, #tpu.memory_space<vmem>>) target_semaphore(%run_scoped3A : memref<!tpu.dma_semaphore, #tpu.memory_space<semaphore_mem>>)
        %dma_wait3A = tpu.memref_slice %arg3[%add3A_116] : memref<131072xf32, #tpu.memory_space<hbm>> -> memref<128xf32, #tpu.memory_space<hbm>>
        %dma_wait3A_564 = tpu.memref_slice %arg3[%add3A_116] : memref<131072xf32, #tpu.memory_space<hbm>> -> memref<128xf32, #tpu.memory_space<hbm>>
        tpu.wait_dma2 semaphore(%run_scoped3A : memref<!tpu.dma_semaphore, #tpu.memory_space<semaphore_mem>>) src(%dma_wait3A_564 : memref<128xf32, #tpu.memory_space<hbm>>) dst(%arg9 : memref<128xf32, #tpu.memory_space<vmem>>)
        tpu.yield
      }) : () -> ()
      %get3A = arith.constant 0 : index
      %get3A_117 = tpu.vector_load %arg6[%get3A] {strides = array<i32>} : memref<128xi32, #tpu.memory_space<vmem>>, vector<16xi32>,
      %get3A_118 = vector.shape_cast %get3A_117 : vector<16xi32> to vector<16xi32>
      %get3A_119 = arith.constant 0 : index
      %get3A_120 = tpu.vector_load %arg7[%get3A_119] {strides = array<i32>} : memref<128xi32, #tpu.memory_space<vmem>>, vector<16xi32>,
      %get3A_121 = vector.shape_cast %get3A_120 : vector<16xi32> to vector<16xi32>
      %shift_right_logical3A = arith.constant 7 : i32
      %shift_right_logical3A_122 = vector.broadcast %shift_right_logical3A : i32 to vector<16xi32>
      %shift_right_logical3A_123 = arith.shrui %get3A_118, %shift_right_logical3A_122 : vector<16xi32>
      %mul3A_124 = arith.constant 73728 : i32
      %mul3A_125 = vector.broadcast %mul3A_124 : i32 to vector<16xi32>
      %mul3A_126 = arith.muli %shift_right_logical3A_123, %mul3A_125 : vector<16xi32>
      %shift_left3A = arith.constant 7 : i32
      %shift_left3A_127 = vector.broadcast %shift_left3A : i32 to vector<16xi32>
      %shift_left3A_128 = arith.shli %get3A_121, %shift_left3A_127 : vector<16xi32>
      %add3A_129 = arith.addi %mul3A_126, %shift_left3A_128 : vector<16xi32>
      %and3A = arith.constant 127 : i32
      %and3A_130 = vector.broadcast %and3A : i32 to vector<16xi32>
      %and3A_131 = arith.andi %get3A_118, %and3A_130 : vector<16xi32>
      %add3A_132 = arith.addi %add3A_129, %and3A_131 : vector<16xi32>
      %swap3A_133 = arith.constant 0 : index
      %swap3A_134 = tpu.vector_load %arg8[%swap3A_133] {strides = array<i32>} : memref<128xi32, #tpu.memory_space<vmem>>, vector<16xi32>,
      %swap3A_135 = vector.shape_cast %swap3A_134 : vector<16xi32> to vector<16xi32>
      %swap3A_136 = vector.shape_cast %add3A_132 : vector<16xi32> to vector<16xi32>
      tpu.vector_store %arg8[%swap3A_133], %swap3A_136 {strides = array<i32>} : memref<128xi32, #tpu.memory_space<vmem>>, vector<16xi32>,
      %get3A_137 = arith.constant 0 : index
      %get3A_138 = tpu.vector_load %arg9[%get3A_137] {strides = array<i32>} : memref<128xf32, #tpu.memory_space<vmem>>, vector<16xf32>,
      %get3A_139 = vector.shape_cast %get3A_138 : vector<16xf32> to vector<16xf32>
      %add3A_140 = arith.constant 6.400000e+01 : f32
      %add3A_141 = vector.broadcast %add3A_140 : f32 to vector<16xf32>
      %add3A_142 = arith.addf %get3A_139, %add3A_141 : vector<16xf32>
      %swap3A_143 = arith.constant 0 : index
      %swap3A_144 = tpu.vector_load %arg9[%swap3A_143] {strides = array<i32>} : memref<128xf32, #tpu.memory_space<vmem>>, vector<16xf32>,
      %swap3A_145 = vector.shape_cast %swap3A_144 : vector<16xf32> to vector<16xf32>
      %swap3A_146 = vector.shape_cast %add3A_142 : vector<16xf32> to vector<16xf32>
      tpu.vector_store %arg9[%swap3A_143], %swap3A_146 {strides = array<i32>} : memref<128xf32, #tpu.memory_space<vmem>>, vector<16xf32>,
      %sub3A = arith.constant 0.000000e+00 : f32
      %sub3A_147 = vector.broadcast %sub3A : f32 to vector<16xf32>
      %sub3A_148 = arith.subf %sub3A_147, %add3A_142 : vector<16xf32>
      %swap3A_149 = arith.constant 0 : index
      %swap3A_150 = tpu.vector_load %arg10[%swap3A_149] {strides = array<i32>} : memref<128xf32, #tpu.memory_space<vmem>>, vector<16xf32>,
      %swap3A_151 = vector.shape_cast %swap3A_150 : vector<16xf32> to vector<16xf32>
      %swap3A_152 = vector.shape_cast %sub3A_148 : vector<16xf32> to vector<16xf32>
      tpu.vector_store %arg10[%swap3A_149], %swap3A_152 {strides = array<i32>} : memref<128xf32, #tpu.memory_space<vmem>>, vector<16xf32>,
      %get3A_153 = arith.constant 16 : index
      %get3A_154 = tpu.vector_load %arg6[%get3A_153] {strides = array<i32>} : memref<128xi32, #tpu.memory_space<vmem>>, vector<16xi32>,
      %get3A_155 = vector.shape_cast %get3A_154 : vector<16xi32> to vector<16xi32>
      %get3A_156 = arith.constant 16 : index
      %get3A_157 = tpu.vector_load %arg7[%get3A_156] {strides = array<i32>} : memref<128xi32, #tpu.memory_space<vmem>>, vector<16xi32>,
      %get3A_158 = vector.shape_cast %get3A_157 : vector<16xi32> to vector<16xi32>
      %shift_right_logical3A_159 = arith.constant 7 : i32
      %shift_right_logical3A_160 = vector.broadcast %shift_right_logical3A_159 : i32 to vector<16xi32>
      %shift_right_logical3A_161 = arith.shrui %get3A_155, %shift_right_logical3A_160 : vector<16xi32>
      %mul3A_162 = arith.constant 73728 : i32
      %mul3A_163 = vector.broadcast %mul3A_162 : i32 to vector<16xi32>
      %mul3A_164 = arith.muli %shift_right_logical3A_161, %mul3A_163 : vector<16xi32>
      %shift_left3A_165 = arith.constant 7 : i32
      %shift_left3A_166 = vector.broadcast %shift_left3A_165 : i32 to vector<16xi32>
      %shift_left3A_167 = arith.shli %get3A_158, %shift_left3A_166 : vector<16xi32>
      %add3A_168 = arith.addi %mul3A_164, %shift_left3A_167 : vector<16xi32>
      %and3A_169 = arith.constant 127 : i32
      %and3A_170 = vector.broadcast %and3A_169 : i32 to vector<16xi32>
      %and3A_171 = arith.andi %get3A_155, %and3A_170 : vector<16xi32>
      %add3A_172 = arith.addi %add3A_168, %and3A_171 : vector<16xi32>
      %swap3A_173 = arith.constant 16 : index
      %swap3A_174 = tpu.vector_load %arg8[%swap3A_173] {strides = array<i32>} : memref<128xi32, #tpu.memory_space<vmem>>, vector<16xi32>,
      %swap3A_175 = vector.shape_cast %swap3A_174 : vector<16xi32> to vector<16xi32>
      %swap3A_176 = vector.shape_cast %add3A_172 : vector<16xi32> to vector<16xi32>
      tpu.vector_store %arg8[%swap3A_173], %swap3A_176 {strides = array<i32>} : memref<128xi32, #tpu.memory_space<vmem>>, vector<16xi32>,
      %get3A_177 = arith.constant 16 : index
      %get3A_178 = tpu.vector_load %arg9[%get3A_177] {strides = array<i32>} : memref<128xf32, #tpu.memory_space<vmem>>, vector<16xf32>,
      %get3A_179 = vector.shape_cast %get3A_178 : vector<16xf32> to vector<16xf32>
      %add3A_180 = arith.constant 6.400000e+01 : f32
      %add3A_181 = vector.broadcast %add3A_180 : f32 to vector<16xf32>
      %add3A_182 = arith.addf %get3A_179, %add3A_181 : vector<16xf32>
      %swap3A_183 = arith.constant 16 : index
      %swap3A_184 = tpu.vector_load %arg9[%swap3A_183] {strides = array<i32>} : memref<128xf32, #tpu.memory_space<vmem>>, vector<16xf32>,
      %swap3A_185 = vector.shape_cast %swap3A_184 : vector<16xf32> to vector<16xf32>
      %swap3A_186 = vector.shape_cast %add3A_182 : vector<16xf32> to vector<16xf32>
      tpu.vector_store %arg9[%swap3A_183], %swap3A_186 {strides = array<i32>} : memref<128xf32, #tpu.memory_space<vmem>>, vector<16xf32>,
      %sub3A_187 = arith.constant 0.000000e+00 : f32
      %sub3A_188 = vector.broadcast %sub3A_187 : f32 to vector<16xf32>
      %sub3A_189 = arith.subf %sub3A_188, %add3A_182 : vector<16xf32>
      %swap3A_190 = arith.constant 16 : index
      %swap3A_191 = tpu.vector_load %arg10[%swap3A_190] {strides = array<i32>} : memref<128xf32, #tpu.memory_space<vmem>>, vector<16xf32>,
      %swap3A_192 = vector.shape_cast %swap3A_191 : vector<16xf32> to vector<16xf32>
      %swap3A_193 = vector.shape_cast %sub3A_189 : vector<16xf32> to vector<16xf32>
      tpu.vector_store %arg10[%swap3A_190], %swap3A_193 {strides = array<i32>} : memref<128xf32, #tpu.memory_space<vmem>>, vector<16xf32>,
      %get3A_194 = arith.constant 32 : index
      %get3A_195 = tpu.vector_load %arg6[%get3A_194] {strides = array<i32>} : memref<128xi32, #tpu.memory_space<vmem>>, vector<16xi32>,
      %get3A_196 = vector.shape_cast %get3A_195 : vector<16xi32> to vector<16xi32>
      %get3A_197 = arith.constant 32 : index
      %get3A_198 = tpu.vector_load %arg7[%get3A_197] {strides = array<i32>} : memref<128xi32, #tpu.memory_space<vmem>>, vector<16xi32>,
      %get3A_199 = vector.shape_cast %get3A_198 : vector<16xi32> to vector<16xi32>
      %shift_right_logical3A_200 = arith.constant 7 : i32
      %shift_right_logical3A_201 = vector.broadcast %shift_right_logical3A_200 : i32 to vector<16xi32>
      %shift_right_logical3A_202 = arith.shrui %get3A_196, %shift_right_logical3A_201 : vector<16xi32>
      %mul3A_203 = arith.constant 73728 : i32
      %mul3A_204 = vector.broadcast %mul3A_203 : i32 to vector<16xi32>
      %mul3A_205 = arith.muli %shift_right_logical3A_202, %mul3A_204 : vector<16xi32>
      %shift_left3A_206 = arith.constant 7 : i32
      %shift_left3A_207 = vector.broadcast %shift_left3A_206 : i32 to vector<16xi32>
      %shift_left3A_208 = arith.shli %get3A_199, %shift_left3A_207 : vector<16xi32>
      %add3A_209 = arith.addi %mul3A_205, %shift_left3A_208 : vector<16xi32>
      %and3A_210 = arith.constant 127 : i32
      %and3A_211 = vector.broadcast %and3A_210 : i32 to vector<16xi32>
      %and3A_212 = arith.andi %get3A_196, %and3A_211 : vector<16xi32>
      %add3A_213 = arith.addi %add3A_209, %and3A_212 : vector<16xi32>
      %swap3A_214 = arith.constant 32 : index
      %swap3A_215 = tpu.vector_load %arg8[%swap3A_214] {strides = array<i32>} : memref<128xi32, #tpu.memory_space<vmem>>, vector<16xi32>,
      %swap3A_216 = vector.shape_cast %swap3A_215 : vector<16xi32> to vector<16xi32>
      %swap3A_217 = vector.shape_cast %add3A_213 : vector<16xi32> to vector<16xi32>
      tpu.vector_store %arg8[%swap3A_214], %swap3A_217 {strides = array<i32>} : memref<128xi32, #tpu.memory_space<vmem>>, vector<16xi32>,
      %get3A_218 = arith.constant 32 : index
      %get3A_219 = tpu.vector_load %arg9[%get3A_218] {strides = array<i32>} : memref<128xf32, #tpu.memory_space<vmem>>, vector<16xf32>,
      %get3A_220 = vector.shape_cast %get3A_219 : vector<16xf32> to vector<16xf32>
      %add3A_221 = arith.constant 6.400000e+01 : f32
      %add3A_222 = vector.broadcast %add3A_221 : f32 to vector<16xf32>
      %add3A_223 = arith.addf %get3A_220, %add3A_222 : vector<16xf32>
      %swap3A_224 = arith.constant 32 : index
      %swap3A_225 = tpu.vector_load %arg9[%swap3A_224] {strides = array<i32>} : memref<128xf32, #tpu.memory_space<vmem>>, vector<16xf32>,
      %swap3A_226 = vector.shape_cast %swap3A_225 : vector<16xf32> to vector<16xf32>
      %swap3A_227 = vector.shape_cast %add3A_223 : vector<16xf32> to vector<16xf32>
      tpu.vector_store %arg9[%swap3A_224], %swap3A_227 {strides = array<i32>} : memref<128xf32, #tpu.memory_space<vmem>>, vector<16xf32>,
      %sub3A_228 = arith.constant 0.000000e+00 : f32
      %sub3A_229 = vector.broadcast %sub3A_228 : f32 to vector<16xf32>
      %sub3A_230 = arith.subf %sub3A_229, %add3A_223 : vector<16xf32>
      %swap3A_231 = arith.constant 32 : index
      %swap3A_232 = tpu.vector_load %arg10[%swap3A_231] {strides = array<i32>} : memref<128xf32, #tpu.memory_space<vmem>>, vector<16xf32>,
      %swap3A_233 = vector.shape_cast %swap3A_232 : vector<16xf32> to vector<16xf32>
      %swap3A_234 = vector.shape_cast %sub3A_230 : vector<16xf32> to vector<16xf32>
      tpu.vector_store %arg10[%swap3A_231], %swap3A_234 {strides = array<i32>} : memref<128xf32, #tpu.memory_space<vmem>>, vector<16xf32>,
      %get3A_235 = arith.constant 48 : index
      %get3A_236 = tpu.vector_load %arg6[%get3A_235] {strides = array<i32>} : memref<128xi32, #tpu.memory_space<vmem>>, vector<16xi32>,
      %get3A_237 = vector.shape_cast %get3A_236 : vector<16xi32> to vector<16xi32>
      %get3A_238 = arith.constant 48 : index
      %get3A_239 = tpu.vector_load %arg7[%get3A_238] {strides = array<i32>} : memref<128xi32, #tpu.memory_space<vmem>>, vector<16xi32>,
      %get3A_240 = vector.shape_cast %get3A_239 : vector<16xi32> to vector<16xi32>
      %shift_right_logical3A_241 = arith.constant 7 : i32
      %shift_right_logical3A_242 = vector.broadcast %shift_right_logical3A_241 : i32 to vector<16xi32>
      %shift_right_logical3A_243 = arith.shrui %get3A_237, %shift_right_logical3A_242 : vector<16xi32>
      %mul3A_244 = arith.constant 73728 : i32
      %mul3A_245 = vector.broadcast %mul3A_244 : i32 to vector<16xi32>
      %mul3A_246 = arith.muli %shift_right_logical3A_243, %mul3A_245 : vector<16xi32>
      %shift_left3A_247 = arith.constant 7 : i32
      %shift_left3A_248 = vector.broadcast %shift_left3A_247 : i32 to vector<16xi32>
      %shift_left3A_249 = arith.shli %get3A_240, %shift_left3A_248 : vector<16xi32>
      %add3A_250 = arith.addi %mul3A_246, %shift_left3A_249 : vector<16xi32>
      %and3A_251 = arith.constant 127 : i32
      %and3A_252 = vector.broadcast %and3A_251 : i32 to vector<16xi32>
      %and3A_253 = arith.andi %get3A_237, %and3A_252 : vector<16xi32>
      %add3A_254 = arith.addi %add3A_250, %and3A_253 : vector<16xi32>
      %swap3A_255 = arith.constant 48 : index
      %swap3A_256 = tpu.vector_load %arg8[%swap3A_255] {strides = array<i32>} : memref<128xi32, #tpu.memory_space<vmem>>, vector<16xi32>,
      %swap3A_257 = vector.shape_cast %swap3A_256 : vector<16xi32> to vector<16xi32>
      %swap3A_258 = vector.shape_cast %add3A_254 : vector<16xi32> to vector<16xi32>
      tpu.vector_store %arg8[%swap3A_255], %swap3A_258 {strides = array<i32>} : memref<128xi32, #tpu.memory_space<vmem>>, vector<16xi32>,
      %get3A_259 = arith.constant 48 : index
      %get3A_260 = tpu.vector_load %arg9[%get3A_259] {strides = array<i32>} : memref<128xf32, #tpu.memory_space<vmem>>, vector<16xf32>,
      %get3A_261 = vector.shape_cast %get3A_260 : vector<16xf32> to vector<16xf32>
      %add3A_262 = arith.constant 6.400000e+01 : f32
      %add3A_263 = vector.broadcast %add3A_262 : f32 to vector<16xf32>
      %add3A_264 = arith.addf %get3A_261, %add3A_263 : vector<16xf32>
      %swap3A_265 = arith.constant 48 : index
      %swap3A_266 = tpu.vector_load %arg9[%swap3A_265] {strides = array<i32>} : memref<128xf32, #tpu.memory_space<vmem>>, vector<16xf32>,
      %swap3A_267 = vector.shape_cast %swap3A_266 : vector<16xf32> to vector<16xf32>
      %swap3A_268 = vector.shape_cast %add3A_264 : vector<16xf32> to vector<16xf32>
      tpu.vector_store %arg9[%swap3A_265], %swap3A_268 {strides = array<i32>} : memref<128xf32, #tpu.memory_space<vmem>>, vector<16xf32>,
      %sub3A_269 = arith.constant 0.000000e+00 : f32
      %sub3A_270 = vector.broadcast %sub3A_269 : f32 to vector<16xf32>
      %sub3A_271 = arith.subf %sub3A_270, %add3A_264 : vector<16xf32>
      %swap3A_272 = arith.constant 48 : index
      %swap3A_273 = tpu.vector_load %arg10[%swap3A_272] {strides = array<i32>} : memref<128xf32, #tpu.memory_space<vmem>>, vector<16xf32>,
      %swap3A_274 = vector.shape_cast %swap3A_273 : vector<16xf32> to vector<16xf32>
      %swap3A_275 = vector.shape_cast %sub3A_271 : vector<16xf32> to vector<16xf32>
      tpu.vector_store %arg10[%swap3A_272], %swap3A_275 {strides = array<i32>} : memref<128xf32, #tpu.memory_space<vmem>>, vector<16xf32>,
      %get3A_276 = arith.constant 64 : index
      %get3A_277 = tpu.vector_load %arg6[%get3A_276] {strides = array<i32>} : memref<128xi32, #tpu.memory_space<vmem>>, vector<16xi32>,
      %get3A_278 = vector.shape_cast %get3A_277 : vector<16xi32> to vector<16xi32>
      %get3A_279 = arith.constant 64 : index
      %get3A_280 = tpu.vector_load %arg7[%get3A_279] {strides = array<i32>} : memref<128xi32, #tpu.memory_space<vmem>>, vector<16xi32>,
      %get3A_281 = vector.shape_cast %get3A_280 : vector<16xi32> to vector<16xi32>
      %shift_right_logical3A_282 = arith.constant 7 : i32
      %shift_right_logical3A_283 = vector.broadcast %shift_right_logical3A_282 : i32 to vector<16xi32>
      %shift_right_logical3A_284 = arith.shrui %get3A_278, %shift_right_logical3A_283 : vector<16xi32>
      %mul3A_285 = arith.constant 73728 : i32
      %mul3A_286 = vector.broadcast %mul3A_285 : i32 to vector<16xi32>
      %mul3A_287 = arith.muli %shift_right_logical3A_284, %mul3A_286 : vector<16xi32>
      %shift_left3A_288 = arith.constant 7 : i32
      %shift_left3A_289 = vector.broadcast %shift_left3A_288 : i32 to vector<16xi32>
      %shift_left3A_290 = arith.shli %get3A_281, %shift_left3A_289 : vector<16xi32>
      %add3A_291 = arith.addi %mul3A_287, %shift_left3A_290 : vector<16xi32>
      %and3A_292 = arith.constant 127 : i32
      %and3A_293 = vector.broadcast %and3A_292 : i32 to vector<16xi32>
      %and3A_294 = arith.andi %get3A_278, %and3A_293 : vector<16xi32>
      %add3A_295 = arith.addi %add3A_291, %and3A_294 : vector<16xi32>
      %swap3A_296 = arith.constant 64 : index
      %swap3A_297 = tpu.vector_load %arg8[%swap3A_296] {strides = array<i32>} : memref<128xi32, #tpu.memory_space<vmem>>, vector<16xi32>,
      %swap3A_298 = vector.shape_cast %swap3A_297 : vector<16xi32> to vector<16xi32>
      %swap3A_299 = vector.shape_cast %add3A_295 : vector<16xi32> to vector<16xi32>
      tpu.vector_store %arg8[%swap3A_296], %swap3A_299 {strides = array<i32>} : memref<128xi32, #tpu.memory_space<vmem>>, vector<16xi32>,
      %get3A_300 = arith.constant 64 : index
      %get3A_301 = tpu.vector_load %arg9[%get3A_300] {strides = array<i32>} : memref<128xf32, #tpu.memory_space<vmem>>, vector<16xf32>,
      %get3A_302 = vector.shape_cast %get3A_301 : vector<16xf32> to vector<16xf32>
      %add3A_303 = arith.constant 6.400000e+01 : f32
      %add3A_304 = vector.broadcast %add3A_303 : f32 to vector<16xf32>
      %add3A_305 = arith.addf %get3A_302, %add3A_304 : vector<16xf32>
      %swap3A_306 = arith.constant 64 : index
      %swap3A_307 = tpu.vector_load %arg9[%swap3A_306] {strides = array<i32>} : memref<128xf32, #tpu.memory_space<vmem>>, vector<16xf32>,
      %swap3A_308 = vector.shape_cast %swap3A_307 : vector<16xf32> to vector<16xf32>
      %swap3A_309 = vector.shape_cast %add3A_305 : vector<16xf32> to vector<16xf32>
      tpu.vector_store %arg9[%swap3A_306], %swap3A_309 {strides = array<i32>} : memref<128xf32, #tpu.memory_space<vmem>>, vector<16xf32>,
      %sub3A_310 = arith.constant 0.000000e+00 : f32
      %sub3A_311 = vector.broadcast %sub3A_310 : f32 to vector<16xf32>
      %sub3A_312 = arith.subf %sub3A_311, %add3A_305 : vector<16xf32>
      %swap3A_313 = arith.constant 64 : index
      %swap3A_314 = tpu.vector_load %arg10[%swap3A_313] {strides = array<i32>} : memref<128xf32, #tpu.memory_space<vmem>>, vector<16xf32>,
      %swap3A_315 = vector.shape_cast %swap3A_314 : vector<16xf32> to vector<16xf32>
      %swap3A_316 = vector.shape_cast %sub3A_312 : vector<16xf32> to vector<16xf32>
      tpu.vector_store %arg10[%swap3A_313], %swap3A_316 {strides = array<i32>} : memref<128xf32, #tpu.memory_space<vmem>>, vector<16xf32>,
      %get3A_317 = arith.constant 80 : index
      %get3A_318 = tpu.vector_load %arg6[%get3A_317] {strides = array<i32>} : memref<128xi32, #tpu.memory_space<vmem>>, vector<16xi32>,
      %get3A_319 = vector.shape_cast %get3A_318 : vector<16xi32> to vector<16xi32>
      %get3A_320 = arith.constant 80 : index
      %get3A_321 = tpu.vector_load %arg7[%get3A_320] {strides = array<i32>} : memref<128xi32, #tpu.memory_space<vmem>>, vector<16xi32>,
      %get3A_322 = vector.shape_cast %get3A_321 : vector<16xi32> to vector<16xi32>
      %shift_right_logical3A_323 = arith.constant 7 : i32
      %shift_right_logical3A_324 = vector.broadcast %shift_right_logical3A_323 : i32 to vector<16xi32>
      %shift_right_logical3A_325 = arith.shrui %get3A_319, %shift_right_logical3A_324 : vector<16xi32>
      %mul3A_326 = arith.constant 73728 : i32
      %mul3A_327 = vector.broadcast %mul3A_326 : i32 to vector<16xi32>
      %mul3A_328 = arith.muli %shift_right_logical3A_325, %mul3A_327 : vector<16xi32>
      %shift_left3A_329 = arith.constant 7 : i32
      %shift_left3A_330 = vector.broadcast %shift_left3A_329 : i32 to vector<16xi32>
      %shift_left3A_331 = arith.shli %get3A_322, %shift_left3A_330 : vector<16xi32>
      %add3A_332 = arith.addi %mul3A_328, %shift_left3A_331 : vector<16xi32>
      %and3A_333 = arith.constant 127 : i32
      %and3A_334 = vector.broadcast %and3A_333 : i32 to vector<16xi32>
      %and3A_335 = arith.andi %get3A_319, %and3A_334 : vector<16xi32>
      %add3A_336 = arith.addi %add3A_332, %and3A_335 : vector<16xi32>
      %swap3A_337 = arith.constant 80 : index
      %swap3A_338 = tpu.vector_load %arg8[%swap3A_337] {strides = array<i32>} : memref<128xi32, #tpu.memory_space<vmem>>, vector<16xi32>,
      %swap3A_339 = vector.shape_cast %swap3A_338 : vector<16xi32> to vector<16xi32>
      %swap3A_340 = vector.shape_cast %add3A_336 : vector<16xi32> to vector<16xi32>
      tpu.vector_store %arg8[%swap3A_337], %swap3A_340 {strides = array<i32>} : memref<128xi32, #tpu.memory_space<vmem>>, vector<16xi32>,
      %get3A_341 = arith.constant 80 : index
      %get3A_342 = tpu.vector_load %arg9[%get3A_341] {strides = array<i32>} : memref<128xf32, #tpu.memory_space<vmem>>, vector<16xf32>,
      %get3A_343 = vector.shape_cast %get3A_342 : vector<16xf32> to vector<16xf32>
      %add3A_344 = arith.constant 6.400000e+01 : f32
      %add3A_345 = vector.broadcast %add3A_344 : f32 to vector<16xf32>
      %add3A_346 = arith.addf %get3A_343, %add3A_345 : vector<16xf32>
      %swap3A_347 = arith.constant 80 : index
      %swap3A_348 = tpu.vector_load %arg9[%swap3A_347] {strides = array<i32>} : memref<128xf32, #tpu.memory_space<vmem>>, vector<16xf32>,
      %swap3A_349 = vector.shape_cast %swap3A_348 : vector<16xf32> to vector<16xf32>
      %swap3A_350 = vector.shape_cast %add3A_346 : vector<16xf32> to vector<16xf32>
      tpu.vector_store %arg9[%swap3A_347], %swap3A_350 {strides = array<i32>} : memref<128xf32, #tpu.memory_space<vmem>>, vector<16xf32>,
      %sub3A_351 = arith.constant 0.000000e+00 : f32
      %sub3A_352 = vector.broadcast %sub3A_351 : f32 to vector<16xf32>
      %sub3A_353 = arith.subf %sub3A_352, %add3A_346 : vector<16xf32>
      %swap3A_354 = arith.constant 80 : index
      %swap3A_355 = tpu.vector_load %arg10[%swap3A_354] {strides = array<i32>} : memref<128xf32, #tpu.memory_space<vmem>>, vector<16xf32>,
      %swap3A_356 = vector.shape_cast %swap3A_355 : vector<16xf32> to vector<16xf32>
      %swap3A_357 = vector.shape_cast %sub3A_353 : vector<16xf32> to vector<16xf32>
      tpu.vector_store %arg10[%swap3A_354], %swap3A_357 {strides = array<i32>} : memref<128xf32, #tpu.memory_space<vmem>>, vector<16xf32>,
      %get3A_358 = arith.constant 96 : index
      %get3A_359 = tpu.vector_load %arg6[%get3A_358] {strides = array<i32>} : memref<128xi32, #tpu.memory_space<vmem>>, vector<16xi32>,
      %get3A_360 = vector.shape_cast %get3A_359 : vector<16xi32> to vector<16xi32>
      %get3A_361 = arith.constant 96 : index
      %get3A_362 = tpu.vector_load %arg7[%get3A_361] {strides = array<i32>} : memref<128xi32, #tpu.memory_space<vmem>>, vector<16xi32>,
      %get3A_363 = vector.shape_cast %get3A_362 : vector<16xi32> to vector<16xi32>
      %shift_right_logical3A_364 = arith.constant 7 : i32
      %shift_right_logical3A_365 = vector.broadcast %shift_right_logical3A_364 : i32 to vector<16xi32>
      %shift_right_logical3A_366 = arith.shrui %get3A_360, %shift_right_logical3A_365 : vector<16xi32>
      %mul3A_367 = arith.constant 73728 : i32
      %mul3A_368 = vector.broadcast %mul3A_367 : i32 to vector<16xi32>
      %mul3A_369 = arith.muli %shift_right_logical3A_366, %mul3A_368 : vector<16xi32>
      %shift_left3A_370 = arith.constant 7 : i32
      %shift_left3A_371 = vector.broadcast %shift_left3A_370 : i32 to vector<16xi32>
      %shift_left3A_372 = arith.shli %get3A_363, %shift_left3A_371 : vector<16xi32>
      %add3A_373 = arith.addi %mul3A_369, %shift_left3A_372 : vector<16xi32>
      %and3A_374 = arith.constant 127 : i32
      %and3A_375 = vector.broadcast %and3A_374 : i32 to vector<16xi32>
      %and3A_376 = arith.andi %get3A_360, %and3A_375 : vector<16xi32>
      %add3A_377 = arith.addi %add3A_373, %and3A_376 : vector<16xi32>
      %swap3A_378 = arith.constant 96 : index
      %swap3A_379 = tpu.vector_load %arg8[%swap3A_378] {strides = array<i32>} : memref<128xi32, #tpu.memory_space<vmem>>, vector<16xi32>,
      %swap3A_380 = vector.shape_cast %swap3A_379 : vector<16xi32> to vector<16xi32>
      %swap3A_381 = vector.shape_cast %add3A_377 : vector<16xi32> to vector<16xi32>
      tpu.vector_store %arg8[%swap3A_378], %swap3A_381 {strides = array<i32>} : memref<128xi32, #tpu.memory_space<vmem>>, vector<16xi32>,
      %get3A_382 = arith.constant 96 : index
      %get3A_383 = tpu.vector_load %arg9[%get3A_382] {strides = array<i32>} : memref<128xf32, #tpu.memory_space<vmem>>, vector<16xf32>,
      %get3A_384 = vector.shape_cast %get3A_383 : vector<16xf32> to vector<16xf32>
      %add3A_385 = arith.constant 6.400000e+01 : f32
      %add3A_386 = vector.broadcast %add3A_385 : f32 to vector<16xf32>
      %add3A_387 = arith.addf %get3A_384, %add3A_386 : vector<16xf32>
      %swap3A_388 = arith.constant 96 : index
      %swap3A_389 = tpu.vector_load %arg9[%swap3A_388] {strides = array<i32>} : memref<128xf32, #tpu.memory_space<vmem>>, vector<16xf32>,
      %swap3A_390 = vector.shape_cast %swap3A_389 : vector<16xf32> to vector<16xf32>
      %swap3A_391 = vector.shape_cast %add3A_387 : vector<16xf32> to vector<16xf32>
      tpu.vector_store %arg9[%swap3A_388], %swap3A_391 {strides = array<i32>} : memref<128xf32, #tpu.memory_space<vmem>>, vector<16xf32>,
      %sub3A_392 = arith.constant 0.000000e+00 : f32
      %sub3A_393 = vector.broadcast %sub3A_392 : f32 to vector<16xf32>
      %sub3A_394 = arith.subf %sub3A_393, %add3A_387 : vector<16xf32>
      %swap3A_395 = arith.constant 96 : index
      %swap3A_396 = tpu.vector_load %arg10[%swap3A_395] {strides = array<i32>} : memref<128xf32, #tpu.memory_space<vmem>>, vector<16xf32>,
      %swap3A_397 = vector.shape_cast %swap3A_396 : vector<16xf32> to vector<16xf32>
      %swap3A_398 = vector.shape_cast %sub3A_394 : vector<16xf32> to vector<16xf32>
      tpu.vector_store %arg10[%swap3A_395], %swap3A_398 {strides = array<i32>} : memref<128xf32, #tpu.memory_space<vmem>>, vector<16xf32>,
      %get3A_399 = arith.constant 112 : index
      %get3A_400 = tpu.vector_load %arg6[%get3A_399] {strides = array<i32>} : memref<128xi32, #tpu.memory_space<vmem>>, vector<16xi32>,
      %get3A_401 = vector.shape_cast %get3A_400 : vector<16xi32> to vector<16xi32>
      %get3A_402 = arith.constant 112 : index
      %get3A_403 = tpu.vector_load %arg7[%get3A_402] {strides = array<i32>} : memref<128xi32, #tpu.memory_space<vmem>>, vector<16xi32>,
      %get3A_404 = vector.shape_cast %get3A_403 : vector<16xi32> to vector<16xi32>
      %shift_right_logical3A_405 = arith.constant 7 : i32
      %shift_right_logical3A_406 = vector.broadcast %shift_right_logical3A_405 : i32 to vector<16xi32>
      %shift_right_logical3A_407 = arith.shrui %get3A_401, %shift_right_logical3A_406 : vector<16xi32>
      %mul3A_408 = arith.constant 73728 : i32
      %mul3A_409 = vector.broadcast %mul3A_408 : i32 to vector<16xi32>
      %mul3A_410 = arith.muli %shift_right_logical3A_407, %mul3A_409 : vector<16xi32>
      %shift_left3A_411 = arith.constant 7 : i32
      %shift_left3A_412 = vector.broadcast %shift_left3A_411 : i32 to vector<16xi32>
      %shift_left3A_413 = arith.shli %get3A_404, %shift_left3A_412 : vector<16xi32>
      %add3A_414 = arith.addi %mul3A_410, %shift_left3A_413 : vector<16xi32>
      %and3A_415 = arith.constant 127 : i32
      %and3A_416 = vector.broadcast %and3A_415 : i32 to vector<16xi32>
      %and3A_417 = arith.andi %get3A_401, %and3A_416 : vector<16xi32>
      %add3A_418 = arith.addi %add3A_414, %and3A_417 : vector<16xi32>
      %swap3A_419 = arith.constant 112 : index
      %swap3A_420 = tpu.vector_load %arg8[%swap3A_419] {strides = array<i32>} : memref<128xi32, #tpu.memory_space<vmem>>, vector<16xi32>,
      %swap3A_421 = vector.shape_cast %swap3A_420 : vector<16xi32> to vector<16xi32>
      %swap3A_422 = vector.shape_cast %add3A_418 : vector<16xi32> to vector<16xi32>
      tpu.vector_store %arg8[%swap3A_419], %swap3A_422 {strides = array<i32>} : memref<128xi32, #tpu.memory_space<vmem>>, vector<16xi32>,
      %get3A_423 = arith.constant 112 : index
      %get3A_424 = tpu.vector_load %arg9[%get3A_423] {strides = array<i32>} : memref<128xf32, #tpu.memory_space<vmem>>, vector<16xf32>,
      %get3A_425 = vector.shape_cast %get3A_424 : vector<16xf32> to vector<16xf32>
      %add3A_426 = arith.constant 6.400000e+01 : f32
      %add3A_427 = vector.broadcast %add3A_426 : f32 to vector<16xf32>
      %add3A_428 = arith.addf %get3A_425, %add3A_427 : vector<16xf32>
      %swap3A_429 = arith.constant 112 : index
      %swap3A_430 = tpu.vector_load %arg9[%swap3A_429] {strides = array<i32>} : memref<128xf32, #tpu.memory_space<vmem>>, vector<16xf32>,
      %swap3A_431 = vector.shape_cast %swap3A_430 : vector<16xf32> to vector<16xf32>
      %swap3A_432 = vector.shape_cast %add3A_428 : vector<16xf32> to vector<16xf32>
      tpu.vector_store %arg9[%swap3A_429], %swap3A_432 {strides = array<i32>} : memref<128xf32, #tpu.memory_space<vmem>>, vector<16xf32>,
      %sub3A_433 = arith.constant 0.000000e+00 : f32
      %sub3A_434 = vector.broadcast %sub3A_433 : f32 to vector<16xf32>
      %sub3A_435 = arith.subf %sub3A_434, %add3A_428 : vector<16xf32>
      %swap3A_436 = arith.constant 112 : index
      %swap3A_437 = tpu.vector_load %arg10[%swap3A_436] {strides = array<i32>} : memref<128xf32, #tpu.memory_space<vmem>>, vector<16xf32>,
      %swap3A_438 = vector.shape_cast %swap3A_437 : vector<16xf32> to vector<16xf32>
      %swap3A_439 = vector.shape_cast %sub3A_435 : vector<16xf32> to vector<16xf32>
      tpu.vector_store %arg10[%swap3A_436], %swap3A_439 {strides = array<i32>} : memref<128xf32, #tpu.memory_space<vmem>>, vector<16xf32>,
      "tpu.region"() ({
        %run_scoped3A = tpu.sem_alloc : memref<!tpu.dma_semaphore, #tpu.memory_space<semaphore_mem>>
        %dma_start3A = arith.constant 0 : i32
        %dma_start3A_563 = tpu.memref_slice %arg14[%dma_start3A] : memref<368640xf32, #tpu.memory_space<vmem_shared>> -> memref<368640xf32, #tpu.memory_space<vmem_shared>>
        tpu.enqueue_indirect_dma source(%arg12 : memref<128xf32, #tpu.memory_space<vmem>>) target(%dma_start3A_563 : memref<368640xf32, #tpu.memory_space<vmem_shared>>) offsets(%arg11 : memref<128xi32, #tpu.memory_space<vmem>>) semaphore(%run_scoped3A : memref<!tpu.dma_semaphore, #tpu.memory_space<semaphore_mem>>) {add = true}
        %dma_wait3A = arith.constant 0 : i32
        %dma_wait3A_564 = tpu.memref_slice %arg14[%dma_wait3A] : memref<368640xf32, #tpu.memory_space<vmem_shared>> -> memref<368640xf32, #tpu.memory_space<vmem_shared>>
        tpu.wait_indirect_dma semaphore(%run_scoped3A : memref<!tpu.dma_semaphore, #tpu.memory_space<semaphore_mem>>) src(%arg12 : memref<128xf32, #tpu.memory_space<vmem>>) dst(%dma_wait3A_564 : memref<368640xf32, #tpu.memory_space<vmem_shared>>)
        tpu.yield
      }) : () -> ()
      "tpu.region"() ({
        %run_scoped3A = tpu.sem_alloc : memref<!tpu.dma_semaphore, #tpu.memory_space<semaphore_mem>>
        %dma_start3A = arith.constant 0 : i32
        %dma_start3A_563 = tpu.memref_slice %arg14[%dma_start3A] : memref<368640xf32, #tpu.memory_space<vmem_shared>> -> memref<368640xf32, #tpu.memory_space<vmem_shared>>
        tpu.enqueue_indirect_dma source(%arg9 : memref<128xf32, #tpu.memory_space<vmem>>) target(%dma_start3A_563 : memref<368640xf32, #tpu.memory_space<vmem_shared>>) offsets(%arg8 : memref<128xi32, #tpu.memory_space<vmem>>) semaphore(%run_scoped3A : memref<!tpu.dma_semaphore, #tpu.memory_space<semaphore_mem>>) {add = true}
        %dma_wait3A = arith.constant 0 : i32
        %dma_wait3A_564 = tpu.memref_slice %arg14[%dma_wait3A] : memref<368640xf32, #tpu.memory_space<vmem_shared>> -> memref<368640xf32, #tpu.memory_space<vmem_shared>>
        tpu.wait_indirect_dma semaphore(%run_scoped3A : memref<!tpu.dma_semaphore, #tpu.memory_space<semaphore_mem>>) src(%arg9 : memref<128xf32, #tpu.memory_space<vmem>>) dst(%dma_wait3A_564 : memref<368640xf32, #tpu.memory_space<vmem_shared>>)
        tpu.yield
      }) : () -> ()
      %barrier3A_440 = arith.constant 0 : index
      tpu.barrier barrier_id(%barrier3A_440)
      %mul3A_441 = arith.constant 23040 : i32
      %mul3A_442 = arith.muli %arg1, %mul3A_441 : i32
      %sub3A_443 = arith.constant 0 : i32
      %sub3A_444 = arith.subi %add3A_104, %sub3A_443 : i32
      %mul3A_445 = arith.constant 368640 : i32
      %mul3A_446 = arith.muli %sub3A_444, %mul3A_445 : i32
      %mul3A_447 = arith.constant 23040 : i32
      %mul3A_448 = arith.muli %arg1, %mul3A_447 : i32
      %add3A_449 = arith.addi %mul3A_446, %mul3A_448 : i32
      "tpu.region"() ({
        %run_scoped3A = tpu.sem_alloc : memref<!tpu.dma_semaphore, #tpu.memory_space<semaphore_mem>>
        %dma_start3A = tpu.memref_slice %arg5[%add3A_449] : memref<5898240xf32, #tpu.memory_space<hbm>> -> memref<23040xf32, #tpu.memory_space<hbm>>
        %dma_start3A_563 = tpu.memref_slice %arg14[%mul3A_442] : memref<368640xf32, #tpu.memory_space<vmem_shared>> -> memref<23040xf32, #tpu.memory_space<vmem_shared>>
        tpu.enqueue_dma source(%dma_start3A_563 : memref<23040xf32, #tpu.memory_space<vmem_shared>>) target(%dma_start3A : memref<23040xf32, #tpu.memory_space<hbm>>) target_semaphore(%run_scoped3A : memref<!tpu.dma_semaphore, #tpu.memory_space<semaphore_mem>>)
        %dma_wait3A = tpu.memref_slice %arg5[%add3A_449] : memref<5898240xf32, #tpu.memory_space<hbm>> -> memref<23040xf32, #tpu.memory_space<hbm>>
        %dma_wait3A_564 = tpu.memref_slice %arg14[%mul3A_442] : memref<368640xf32, #tpu.memory_space<vmem_shared>> -> memref<23040xf32, #tpu.memory_space<vmem_shared>>
        tpu.wait_dma2 semaphore(%run_scoped3A : memref<!tpu.dma_semaphore, #tpu.memory_space<semaphore_mem>>) src(%dma_wait3A_564 : memref<23040xf32, #tpu.memory_space<vmem_shared>>) dst(%dma_wait3A : memref<23040xf32, #tpu.memory_space<hbm>>)
        tpu.yield
      }) : () -> ()
      %get3A_450 = arith.constant 0 : index
      %get3A_451 = tpu.vector_load %arg8[%get3A_450] {strides = array<i32>} : memref<128xi32, #tpu.memory_space<vmem>>, vector<16xi32>,
      %get3A_452 = vector.shape_cast %get3A_451 : vector<16xi32> to vector<16xi32>
      %swap3A_453 = arith.constant 0 : index
      %swap3A_454 = tpu.vector_load %arg11[%swap3A_453] {strides = array<i32>} : memref<128xi32, #tpu.memory_space<vmem>>, vector<16xi32>,
      %swap3A_455 = vector.shape_cast %swap3A_454 : vector<16xi32> to vector<16xi32>
      %swap3A_456 = vector.shape_cast %get3A_452 : vector<16xi32> to vector<16xi32>
      tpu.vector_store %arg11[%swap3A_453], %swap3A_456 {strides = array<i32>} : memref<128xi32, #tpu.memory_space<vmem>>, vector<16xi32>,
      %get3A_457 = arith.constant 0 : index
      %get3A_458 = tpu.vector_load %arg10[%get3A_457] {strides = array<i32>} : memref<128xf32, #tpu.memory_space<vmem>>, vector<16xf32>,
      %get3A_459 = vector.shape_cast %get3A_458 : vector<16xf32> to vector<16xf32>
      %swap3A_460 = arith.constant 0 : index
      %swap3A_461 = tpu.vector_load %arg12[%swap3A_460] {strides = array<i32>} : memref<128xf32, #tpu.memory_space<vmem>>, vector<16xf32>,
      %swap3A_462 = vector.shape_cast %swap3A_461 : vector<16xf32> to vector<16xf32>
      %swap3A_463 = vector.shape_cast %get3A_459 : vector<16xf32> to vector<16xf32>
      tpu.vector_store %arg12[%swap3A_460], %swap3A_463 {strides = array<i32>} : memref<128xf32, #tpu.memory_space<vmem>>, vector<16xf32>,
      %get3A_464 = arith.constant 16 : index
      %get3A_465 = tpu.vector_load %arg8[%get3A_464] {strides = array<i32>} : memref<128xi32, #tpu.memory_space<vmem>>, vector<16xi32>,
      %get3A_466 = vector.shape_cast %get3A_465 : vector<16xi32> to vector<16xi32>
      %swap3A_467 = arith.constant 16 : index
      %swap3A_468 = tpu.vector_load %arg11[%swap3A_467] {strides = array<i32>} : memref<128xi32, #tpu.memory_space<vmem>>, vector<16xi32>,
      %swap3A_469 = vector.shape_cast %swap3A_468 : vector<16xi32> to vector<16xi32>
      %swap3A_470 = vector.shape_cast %get3A_466 : vector<16xi32> to vector<16xi32>
      tpu.vector_store %arg11[%swap3A_467], %swap3A_470 {strides = array<i32>} : memref<128xi32, #tpu.memory_space<vmem>>, vector<16xi32>,
      %get3A_471 = arith.constant 16 : index
      %get3A_472 = tpu.vector_load %arg10[%get3A_471] {strides = array<i32>} : memref<128xf32, #tpu.memory_space<vmem>>, vector<16xf32>,
      %get3A_473 = vector.shape_cast %get3A_472 : vector<16xf32> to vector<16xf32>
      %swap3A_474 = arith.constant 16 : index
      %swap3A_475 = tpu.vector_load %arg12[%swap3A_474] {strides = array<i32>} : memref<128xf32, #tpu.memory_space<vmem>>, vector<16xf32>,
      %swap3A_476 = vector.shape_cast %swap3A_475 : vector<16xf32> to vector<16xf32>
      %swap3A_477 = vector.shape_cast %get3A_473 : vector<16xf32> to vector<16xf32>
      tpu.vector_store %arg12[%swap3A_474], %swap3A_477 {strides = array<i32>} : memref<128xf32, #tpu.memory_space<vmem>>, vector<16xf32>,
      %get3A_478 = arith.constant 32 : index
      %get3A_479 = tpu.vector_load %arg8[%get3A_478] {strides = array<i32>} : memref<128xi32, #tpu.memory_space<vmem>>, vector<16xi32>,
      %get3A_480 = vector.shape_cast %get3A_479 : vector<16xi32> to vector<16xi32>
      %swap3A_481 = arith.constant 32 : index
      %swap3A_482 = tpu.vector_load %arg11[%swap3A_481] {strides = array<i32>} : memref<128xi32, #tpu.memory_space<vmem>>, vector<16xi32>,
      %swap3A_483 = vector.shape_cast %swap3A_482 : vector<16xi32> to vector<16xi32>
      %swap3A_484 = vector.shape_cast %get3A_480 : vector<16xi32> to vector<16xi32>
      tpu.vector_store %arg11[%swap3A_481], %swap3A_484 {strides = array<i32>} : memref<128xi32, #tpu.memory_space<vmem>>, vector<16xi32>,
      %get3A_485 = arith.constant 32 : index
      %get3A_486 = tpu.vector_load %arg10[%get3A_485] {strides = array<i32>} : memref<128xf32, #tpu.memory_space<vmem>>, vector<16xf32>,
      %get3A_487 = vector.shape_cast %get3A_486 : vector<16xf32> to vector<16xf32>
      %swap3A_488 = arith.constant 32 : index
      %swap3A_489 = tpu.vector_load %arg12[%swap3A_488] {strides = array<i32>} : memref<128xf32, #tpu.memory_space<vmem>>, vector<16xf32>,
      %swap3A_490 = vector.shape_cast %swap3A_489 : vector<16xf32> to vector<16xf32>
      %swap3A_491 = vector.shape_cast %get3A_487 : vector<16xf32> to vector<16xf32>
      tpu.vector_store %arg12[%swap3A_488], %swap3A_491 {strides = array<i32>} : memref<128xf32, #tpu.memory_space<vmem>>, vector<16xf32>,
      %get3A_492 = arith.constant 48 : index
      %get3A_493 = tpu.vector_load %arg8[%get3A_492] {strides = array<i32>} : memref<128xi32, #tpu.memory_space<vmem>>, vector<16xi32>,
      %get3A_494 = vector.shape_cast %get3A_493 : vector<16xi32> to vector<16xi32>
      %swap3A_495 = arith.constant 48 : index
      %swap3A_496 = tpu.vector_load %arg11[%swap3A_495] {strides = array<i32>} : memref<128xi32, #tpu.memory_space<vmem>>, vector<16xi32>,
      %swap3A_497 = vector.shape_cast %swap3A_496 : vector<16xi32> to vector<16xi32>
      %swap3A_498 = vector.shape_cast %get3A_494 : vector<16xi32> to vector<16xi32>
      tpu.vector_store %arg11[%swap3A_495], %swap3A_498 {strides = array<i32>} : memref<128xi32, #tpu.memory_space<vmem>>, vector<16xi32>,
      %get3A_499 = arith.constant 48 : index
      %get3A_500 = tpu.vector_load %arg10[%get3A_499] {strides = array<i32>} : memref<128xf32, #tpu.memory_space<vmem>>, vector<16xf32>,
      %get3A_501 = vector.shape_cast %get3A_500 : vector<16xf32> to vector<16xf32>
      %swap3A_502 = arith.constant 48 : index
      %swap3A_503 = tpu.vector_load %arg12[%swap3A_502] {strides = array<i32>} : memref<128xf32, #tpu.memory_space<vmem>>, vector<16xf32>,
      %swap3A_504 = vector.shape_cast %swap3A_503 : vector<16xf32> to vector<16xf32>
      %swap3A_505 = vector.shape_cast %get3A_501 : vector<16xf32> to vector<16xf32>
      tpu.vector_store %arg12[%swap3A_502], %swap3A_505 {strides = array<i32>} : memref<128xf32, #tpu.memory_space<vmem>>, vector<16xf32>,
      %get3A_506 = arith.constant 64 : index
      %get3A_507 = tpu.vector_load %arg8[%get3A_506] {strides = array<i32>} : memref<128xi32, #tpu.memory_space<vmem>>, vector<16xi32>,
      %get3A_508 = vector.shape_cast %get3A_507 : vector<16xi32> to vector<16xi32>
      %swap3A_509 = arith.constant 64 : index
      %swap3A_510 = tpu.vector_load %arg11[%swap3A_509] {strides = array<i32>} : memref<128xi32, #tpu.memory_space<vmem>>, vector<16xi32>,
      %swap3A_511 = vector.shape_cast %swap3A_510 : vector<16xi32> to vector<16xi32>
      %swap3A_512 = vector.shape_cast %get3A_508 : vector<16xi32> to vector<16xi32>
      tpu.vector_store %arg11[%swap3A_509], %swap3A_512 {strides = array<i32>} : memref<128xi32, #tpu.memory_space<vmem>>, vector<16xi32>,
      %get3A_513 = arith.constant 64 : index
      %get3A_514 = tpu.vector_load %arg10[%get3A_513] {strides = array<i32>} : memref<128xf32, #tpu.memory_space<vmem>>, vector<16xf32>,
      %get3A_515 = vector.shape_cast %get3A_514 : vector<16xf32> to vector<16xf32>
      %swap3A_516 = arith.constant 64 : index
      %swap3A_517 = tpu.vector_load %arg12[%swap3A_516] {strides = array<i32>} : memref<128xf32, #tpu.memory_space<vmem>>, vector<16xf32>,
      %swap3A_518 = vector.shape_cast %swap3A_517 : vector<16xf32> to vector<16xf32>
      %swap3A_519 = vector.shape_cast %get3A_515 : vector<16xf32> to vector<16xf32>
      tpu.vector_store %arg12[%swap3A_516], %swap3A_519 {strides = array<i32>} : memref<128xf32, #tpu.memory_space<vmem>>, vector<16xf32>,
      %get3A_520 = arith.constant 80 : index
      %get3A_521 = tpu.vector_load %arg8[%get3A_520] {strides = array<i32>} : memref<128xi32, #tpu.memory_space<vmem>>, vector<16xi32>,
      %get3A_522 = vector.shape_cast %get3A_521 : vector<16xi32> to vector<16xi32>
      %swap3A_523 = arith.constant 80 : index
      %swap3A_524 = tpu.vector_load %arg11[%swap3A_523] {strides = array<i32>} : memref<128xi32, #tpu.memory_space<vmem>>, vector<16xi32>,
      %swap3A_525 = vector.shape_cast %swap3A_524 : vector<16xi32> to vector<16xi32>
      %swap3A_526 = vector.shape_cast %get3A_522 : vector<16xi32> to vector<16xi32>
      tpu.vector_store %arg11[%swap3A_523], %swap3A_526 {strides = array<i32>} : memref<128xi32, #tpu.memory_space<vmem>>, vector<16xi32>,
      %get3A_527 = arith.constant 80 : index
      %get3A_528 = tpu.vector_load %arg10[%get3A_527] {strides = array<i32>} : memref<128xf32, #tpu.memory_space<vmem>>, vector<16xf32>,
      %get3A_529 = vector.shape_cast %get3A_528 : vector<16xf32> to vector<16xf32>
      %swap3A_530 = arith.constant 80 : index
      %swap3A_531 = tpu.vector_load %arg12[%swap3A_530] {strides = array<i32>} : memref<128xf32, #tpu.memory_space<vmem>>, vector<16xf32>,
      %swap3A_532 = vector.shape_cast %swap3A_531 : vector<16xf32> to vector<16xf32>
      %swap3A_533 = vector.shape_cast %get3A_529 : vector<16xf32> to vector<16xf32>
      tpu.vector_store %arg12[%swap3A_530], %swap3A_533 {strides = array<i32>} : memref<128xf32, #tpu.memory_space<vmem>>, vector<16xf32>,
      %get3A_534 = arith.constant 96 : index
      %get3A_535 = tpu.vector_load %arg8[%get3A_534] {strides = array<i32>} : memref<128xi32, #tpu.memory_space<vmem>>, vector<16xi32>,
      %get3A_536 = vector.shape_cast %get3A_535 : vector<16xi32> to vector<16xi32>
      %swap3A_537 = arith.constant 96 : index
      %swap3A_538 = tpu.vector_load %arg11[%swap3A_537] {strides = array<i32>} : memref<128xi32, #tpu.memory_space<vmem>>, vector<16xi32>,
      %swap3A_539 = vector.shape_cast %swap3A_538 : vector<16xi32> to vector<16xi32>
      %swap3A_540 = vector.shape_cast %get3A_536 : vector<16xi32> to vector<16xi32>
      tpu.vector_store %arg11[%swap3A_537], %swap3A_540 {strides = array<i32>} : memref<128xi32, #tpu.memory_space<vmem>>, vector<16xi32>,
      %get3A_541 = arith.constant 96 : index
      %get3A_542 = tpu.vector_load %arg10[%get3A_541] {strides = array<i32>} : memref<128xf32, #tpu.memory_space<vmem>>, vector<16xf32>,
      %get3A_543 = vector.shape_cast %get3A_542 : vector<16xf32> to vector<16xf32>
      %swap3A_544 = arith.constant 96 : index
      %swap3A_545 = tpu.vector_load %arg12[%swap3A_544] {strides = array<i32>} : memref<128xf32, #tpu.memory_space<vmem>>, vector<16xf32>,
      %swap3A_546 = vector.shape_cast %swap3A_545 : vector<16xf32> to vector<16xf32>
      %swap3A_547 = vector.shape_cast %get3A_543 : vector<16xf32> to vector<16xf32>
      tpu.vector_store %arg12[%swap3A_544], %swap3A_547 {strides = array<i32>} : memref<128xf32, #tpu.memory_space<vmem>>, vector<16xf32>,
      %get3A_548 = arith.constant 112 : index
      %get3A_549 = tpu.vector_load %arg8[%get3A_548] {strides = array<i32>} : memref<128xi32, #tpu.memory_space<vmem>>, vector<16xi32>,
      %get3A_550 = vector.shape_cast %get3A_549 : vector<16xi32> to vector<16xi32>
      %swap3A_551 = arith.constant 112 : index
      %swap3A_552 = tpu.vector_load %arg11[%swap3A_551] {strides = array<i32>} : memref<128xi32, #tpu.memory_space<vmem>>, vector<16xi32>,
      %swap3A_553 = vector.shape_cast %swap3A_552 : vector<16xi32> to vector<16xi32>
      %swap3A_554 = vector.shape_cast %get3A_550 : vector<16xi32> to vector<16xi32>
      tpu.vector_store %arg11[%swap3A_551], %swap3A_554 {strides = array<i32>} : memref<128xi32, #tpu.memory_space<vmem>>, vector<16xi32>,
      %get3A_555 = arith.constant 112 : index
      %get3A_556 = tpu.vector_load %arg10[%get3A_555] {strides = array<i32>} : memref<128xf32, #tpu.memory_space<vmem>>, vector<16xf32>,
      %get3A_557 = vector.shape_cast %get3A_556 : vector<16xf32> to vector<16xf32>
      %swap3A_558 = arith.constant 112 : index
      %swap3A_559 = tpu.vector_load %arg12[%swap3A_558] {strides = array<i32>} : memref<128xf32, #tpu.memory_space<vmem>>, vector<16xf32>,
      %swap3A_560 = vector.shape_cast %swap3A_559 : vector<16xf32> to vector<16xf32>
      %swap3A_561 = vector.shape_cast %get3A_557 : vector<16xf32> to vector<16xf32>
      tpu.vector_store %arg12[%swap3A_558], %swap3A_561 {strides = array<i32>} : memref<128xf32, #tpu.memory_space<vmem>>, vector<16xf32>,
      %barrier3A_562 = arith.constant 0 : index
      tpu.barrier barrier_id(%barrier3A_562)
    }
    %scan3A_99 = arith.constant 8 : i32
    return
  }
}

#map = affine_map<(d0, d1) -> (0)>
module attributes {stable_mosaic.version = 14 : i64} {
  func.func @sc_build_g32(%arg0: i32, %arg1: i32, %arg2: memref<262144xi32, #tpu.memory_space<hbm>>, %arg3: memref<131072xf32, #tpu.memory_space<hbm>>, %arg4: memref<23040xf32, #tpu.memory_space<hbm>>, %arg5: memref<5898240xf32, #tpu.memory_space<hbm>>, %arg6: memref<128xi32, #tpu.memory_space<vmem>>, %arg7: memref<128xi32, #tpu.memory_space<vmem>>, %arg8: memref<128xi32, #tpu.memory_space<vmem>>, %arg9: memref<128xf32, #tpu.memory_space<vmem>>, %arg10: memref<128xf32, #tpu.memory_space<vmem>>, %arg11: memref<128xi32, #tpu.memory_space<vmem>>, %arg12: memref<128xf32, #tpu.memory_space<vmem>>, %arg13: memref<23040xf32, #tpu.memory_space<vmem>>, %arg14: memref<368640xf32, #tpu.memory_space<vmem_shared>>) attributes {dimension_semantics = [#tpu.dimension_semantics<core_parallel>, #tpu.dimension_semantics<subcore_parallel>], iteration_bounds = array<i64: 2, 16>, scalar_prefetch = 0 : i64, scratch_operands = 9 : i64, tpu.core_type = #tpu.core_type<sc_vector_subcore>, window_params = [{transform_indices = #map}, {transform_indices = #map}, {transform_indices = #map}, {transform_indices = #map}]} {
    "tpu.region"() ({
      %run_scoped3A = tpu.sem_alloc : memref<!tpu.dma_semaphore, #tpu.memory_space<semaphore_mem>>
      tpu.enqueue_dma source(%arg4 : memref<23040xf32, #tpu.memory_space<hbm>>) target(%arg13 : memref<23040xf32, #tpu.memory_space<vmem>>) target_semaphore(%run_scoped3A : memref<!tpu.dma_semaphore, #tpu.memory_space<semaphore_mem>>)
      tpu.wait_dma2 semaphore(%run_scoped3A : memref<!tpu.dma_semaphore, #tpu.memory_space<semaphore_mem>>) src(%arg4 : memref<23040xf32, #tpu.memory_space<hbm>>) dst(%arg13 : memref<23040xf32, #tpu.memory_space<vmem>>)
      tpu.yield
    }) : () -> ()
    %mul3A = arith.constant 23040 : i32
    %mul3A_0 = arith.muli %arg1, %mul3A : i32
    "tpu.region"() ({
      %run_scoped3A = tpu.sem_alloc : memref<!tpu.dma_semaphore, #tpu.memory_space<semaphore_mem>>
      %dma_start3A = tpu.memref_slice %arg14[%mul3A_0] : memref<368640xf32, #tpu.memory_space<vmem_shared>> -> memref<23040xf32, #tpu.memory_space<vmem_shared>>
      %dma_start3A_100 = tpu.memref_slice %arg14[%mul3A_0] : memref<368640xf32, #tpu.memory_space<vmem_shared>> -> memref<23040xf32, #tpu.memory_space<vmem_shared>>
      tpu.enqueue_dma source(%arg13 : memref<23040xf32, #tpu.memory_space<vmem>>) target(%dma_start3A_100 : memref<23040xf32, #tpu.memory_space<vmem_shared>>) target_semaphore(%run_scoped3A : memref<!tpu.dma_semaphore, #tpu.memory_space<semaphore_mem>>)
      %dma_wait3A = tpu.memref_slice %arg14[%mul3A_0] : memref<368640xf32, #tpu.memory_space<vmem_shared>> -> memref<23040xf32, #tpu.memory_space<vmem_shared>>
      %dma_wait3A_101 = tpu.memref_slice %arg14[%mul3A_0] : memref<368640xf32, #tpu.memory_space<vmem_shared>> -> memref<23040xf32, #tpu.memory_space<vmem_shared>>
      tpu.wait_dma2 semaphore(%run_scoped3A : memref<!tpu.dma_semaphore, #tpu.memory_space<semaphore_mem>>) src(%arg13 : memref<23040xf32, #tpu.memory_space<vmem>>) dst(%dma_wait3A_101 : memref<23040xf32, #tpu.memory_space<vmem_shared>>)
      tpu.yield
    }) : () -> ()
    %broadcast_in_dim3A = arith.constant 0 : i32
    %broadcast_in_dim3A_1 = vector.broadcast %broadcast_in_dim3A : i32 to vector<16xi32>
    %swap3A = arith.constant 0 : index
    %swap3A_2 = tpu.vector_load %arg11[%swap3A] {strides = array<i32>} : memref<128xi32, #tpu.memory_space<vmem>>, vector<16xi32>,
    %swap3A_3 = vector.shape_cast %swap3A_2 : vector<16xi32> to vector<16xi32>
    %swap3A_4 = vector.shape_cast %broadcast_in_dim3A_1 : vector<16xi32> to vector<16xi32>
    tpu.vector_store %arg11[%swap3A], %swap3A_4 {strides = array<i32>} : memref<128xi32, #tpu.memory_space<vmem>>, vector<16xi32>,
    %broadcast_in_dim3A_5 = arith.constant 0.000000e+00 : f32
    %broadcast_in_dim3A_6 = vector.broadcast %broadcast_in_dim3A_5 : f32 to vector<16xf32>
    %swap3A_7 = arith.constant 0 : index
    %swap3A_8 = tpu.vector_load %arg12[%swap3A_7] {strides = array<i32>} : memref<128xf32, #tpu.memory_space<vmem>>, vector<16xf32>,
    %swap3A_9 = vector.shape_cast %swap3A_8 : vector<16xf32> to vector<16xf32>
    %swap3A_10 = vector.shape_cast %broadcast_in_dim3A_6 : vector<16xf32> to vector<16xf32>
    tpu.vector_store %arg12[%swap3A_7], %swap3A_10 {strides = array<i32>} : memref<128xf32, #tpu.memory_space<vmem>>, vector<16xf32>,
    %broadcast_in_dim3A_11 = arith.constant 0 : i32
    %broadcast_in_dim3A_12 = vector.broadcast %broadcast_in_dim3A_11 : i32 to vector<16xi32>
    %swap3A_13 = arith.constant 16 : index
    %swap3A_14 = tpu.vector_load %arg11[%swap3A_13] {strides = array<i32>} : memref<128xi32, #tpu.memory_space<vmem>>, vector<16xi32>,
    %swap3A_15 = vector.shape_cast %swap3A_14 : vector<16xi32> to vector<16xi32>
    %swap3A_16 = vector.shape_cast %broadcast_in_dim3A_12 : vector<16xi32> to vector<16xi32>
    tpu.vector_store %arg11[%swap3A_13], %swap3A_16 {strides = array<i32>} : memref<128xi32, #tpu.memory_space<vmem>>, vector<16xi32>,
    %broadcast_in_dim3A_17 = arith.constant 0.000000e+00 : f32
    %broadcast_in_dim3A_18 = vector.broadcast %broadcast_in_dim3A_17 : f32 to vector<16xf32>
    %swap3A_19 = arith.constant 16 : index
    %swap3A_20 = tpu.vector_load %arg12[%swap3A_19] {strides = array<i32>} : memref<128xf32, #tpu.memory_space<vmem>>, vector<16xf32>,
    %swap3A_21 = vector.shape_cast %swap3A_20 : vector<16xf32> to vector<16xf32>
    %swap3A_22 = vector.shape_cast %broadcast_in_dim3A_18 : vector<16xf32> to vector<16xf32>
    tpu.vector_store %arg12[%swap3A_19], %swap3A_22 {strides = array<i32>} : memref<128xf32, #tpu.memory_space<vmem>>, vector<16xf32>,
    %broadcast_in_dim3A_23 = arith.constant 0 : i32
    %broadcast_in_dim3A_24 = vector.broadcast %broadcast_in_dim3A_23 : i32 to vector<16xi32>
    %swap3A_25 = arith.constant 32 : index
    %swap3A_26 = tpu.vector_load %arg11[%swap3A_25] {strides = array<i32>} : memref<128xi32, #tpu.memory_space<vmem>>, vector<16xi32>,
    %swap3A_27 = vector.shape_cast %swap3A_26 : vector<16xi32> to vector<16xi32>
    %swap3A_28 = vector.shape_cast %broadcast_in_dim3A_24 : vector<16xi32> to vector<16xi32>
    tpu.vector_store %arg11[%swap3A_25], %swap3A_28 {strides = array<i32>} : memref<128xi32, #tpu.memory_space<vmem>>, vector<16xi32>,
    %broadcast_in_dim3A_29 = arith.constant 0.000000e+00 : f32
    %broadcast_in_dim3A_30 = vector.broadcast %broadcast_in_dim3A_29 : f32 to vector<16xf32>
    %swap3A_31 = arith.constant 32 : index
    %swap3A_32 = tpu.vector_load %arg12[%swap3A_31] {strides = array<i32>} : memref<128xf32, #tpu.memory_space<vmem>>, vector<16xf32>,
    %swap3A_33 = vector.shape_cast %swap3A_32 : vector<16xf32> to vector<16xf32>
    %swap3A_34 = vector.shape_cast %broadcast_in_dim3A_30 : vector<16xf32> to vector<16xf32>
    tpu.vector_store %arg12[%swap3A_31], %swap3A_34 {strides = array<i32>} : memref<128xf32, #tpu.memory_space<vmem>>, vector<16xf32>,
    %broadcast_in_dim3A_35 = arith.constant 0 : i32
    %broadcast_in_dim3A_36 = vector.broadcast %broadcast_in_dim3A_35 : i32 to vector<16xi32>
    %swap3A_37 = arith.constant 48 : index
    %swap3A_38 = tpu.vector_load %arg11[%swap3A_37] {strides = array<i32>} : memref<128xi32, #tpu.memory_space<vmem>>, vector<16xi32>,
    %swap3A_39 = vector.shape_cast %swap3A_38 : vector<16xi32> to vector<16xi32>
    %swap3A_40 = vector.shape_cast %broadcast_in_dim3A_36 : vector<16xi32> to vector<16xi32>
    tpu.vector_store %arg11[%swap3A_37], %swap3A_40 {strides = array<i32>} : memref<128xi32, #tpu.memory_space<vmem>>, vector<16xi32>,
    %broadcast_in_dim3A_41 = arith.constant 0.000000e+00 : f32
    %broadcast_in_dim3A_42 = vector.broadcast %broadcast_in_dim3A_41 : f32 to vector<16xf32>
    %swap3A_43 = arith.constant 48 : index
    %swap3A_44 = tpu.vector_load %arg12[%swap3A_43] {strides = array<i32>} : memref<128xf32, #tpu.memory_space<vmem>>, vector<16xf32>,
    %swap3A_45 = vector.shape_cast %swap3A_44 : vector<16xf32> to vector<16xf32>
    %swap3A_46 = vector.shape_cast %broadcast_in_dim3A_42 : vector<16xf32> to vector<16xf32>
    tpu.vector_store %arg12[%swap3A_43], %swap3A_46 {strides = array<i32>} : memref<128xf32, #tpu.memory_space<vmem>>, vector<16xf32>,
    %broadcast_in_dim3A_47 = arith.constant 0 : i32
    %broadcast_in_dim3A_48 = vector.broadcast %broadcast_in_dim3A_47 : i32 to vector<16xi32>
    %swap3A_49 = arith.constant 64 : index
    %swap3A_50 = tpu.vector_load %arg11[%swap3A_49] {strides = array<i32>} : memref<128xi32, #tpu.memory_space<vmem>>, vector<16xi32>,
    %swap3A_51 = vector.shape_cast %swap3A_50 : vector<16xi32> to vector<16xi32>
    %swap3A_52 = vector.shape_cast %broadcast_in_dim3A_48 : vector<16xi32> to vector<16xi32>
    tpu.vector_store %arg11[%swap3A_49], %swap3A_52 {strides = array<i32>} : memref<128xi32, #tpu.memory_space<vmem>>, vector<16xi32>,
    %broadcast_in_dim3A_53 = arith.constant 0.000000e+00 : f32
    %broadcast_in_dim3A_54 = vector.broadcast %broadcast_in_dim3A_53 : f32 to vector<16xf32>
    %swap3A_55 = arith.constant 64 : index
    %swap3A_56 = tpu.vector_load %arg12[%swap3A_55] {strides = array<i32>} : memref<128xf32, #tpu.memory_space<vmem>>, vector<16xf32>,
    %swap3A_57 = vector.shape_cast %swap3A_56 : vector<16xf32> to vector<16xf32>
    %swap3A_58 = vector.shape_cast %broadcast_in_dim3A_54 : vector<16xf32> to vector<16xf32>
    tpu.vector_store %arg12[%swap3A_55], %swap3A_58 {strides = array<i32>} : memref<128xf32, #tpu.memory_space<vmem>>, vector<16xf32>,
    %broadcast_in_dim3A_59 = arith.constant 0 : i32
    %broadcast_in_dim3A_60 = vector.broadcast %broadcast_in_dim3A_59 : i32 to vector<16xi32>
    %swap3A_61 = arith.constant 80 : index
    %swap3A_62 = tpu.vector_load %arg11[%swap3A_61] {strides = array<i32>} : memref<128xi32, #tpu.memory_space<vmem>>, vector<16xi32>,
    %swap3A_63 = vector.shape_cast %swap3A_62 : vector<16xi32> to vector<16xi32>
    %swap3A_64 = vector.shape_cast %broadcast_in_dim3A_60 : vector<16xi32> to vector<16xi32>
    tpu.vector_store %arg11[%swap3A_61], %swap3A_64 {strides = array<i32>} : memref<128xi32, #tpu.memory_space<vmem>>, vector<16xi32>,
    %broadcast_in_dim3A_65 = arith.constant 0.000000e+00 : f32
    %broadcast_in_dim3A_66 = vector.broadcast %broadcast_in_dim3A_65 : f32 to vector<16xf32>
    %swap3A_67 = arith.constant 80 : index
    %swap3A_68 = tpu.vector_load %arg12[%swap3A_67] {strides = array<i32>} : memref<128xf32, #tpu.memory_space<vmem>>, vector<16xf32>,
    %swap3A_69 = vector.shape_cast %swap3A_68 : vector<16xf32> to vector<16xf32>
    %swap3A_70 = vector.shape_cast %broadcast_in_dim3A_66 : vector<16xf32> to vector<16xf32>
    tpu.vector_store %arg12[%swap3A_67], %swap3A_70 {strides = array<i32>} : memref<128xf32, #tpu.memory_space<vmem>>, vector<16xf32>,
    %broadcast_in_dim3A_71 = arith.constant 0 : i32
    %broadcast_in_dim3A_72 = vector.broadcast %broadcast_in_dim3A_71 : i32 to vector<16xi32>
    %swap3A_73 = arith.constant 96 : index
    %swap3A_74 = tpu.vector_load %arg11[%swap3A_73] {strides = array<i32>} : memref<128xi32, #tpu.memory_space<vmem>>, vector<16xi32>,
    %swap3A_75 = vector.shape_cast %swap3A_74 : vector<16xi32> to vector<16xi32>
    %swap3A_76 = vector.shape_cast %broadcast_in_dim3A_72 : vector<16xi32> to vector<16xi32>
    tpu.vector_store %arg11[%swap3A_73], %swap3A_76 {strides = array<i32>} : memref<128xi32, #tpu.memory_space<vmem>>, vector<16xi32>,
    %broadcast_in_dim3A_77 = arith.constant 0.000000e+00 : f32
    %broadcast_in_dim3A_78 = vector.broadcast %broadcast_in_dim3A_77 : f32 to vector<16xf32>
    %swap3A_79 = arith.constant 96 : index
    %swap3A_80 = tpu.vector_load %arg12[%swap3A_79] {strides = array<i32>} : memref<128xf32, #tpu.memory_space<vmem>>, vector<16xf32>,
    %swap3A_81 = vector.shape_cast %swap3A_80 : vector<16xf32> to vector<16xf32>
    %swap3A_82 = vector.shape_cast %broadcast_in_dim3A_78 : vector<16xf32> to vector<16xf32>
    tpu.vector_store %arg12[%swap3A_79], %swap3A_82 {strides = array<i32>} : memref<128xf32, #tpu.memory_space<vmem>>, vector<16xf32>,
    %broadcast_in_dim3A_83 = arith.constant 0 : i32
    %broadcast_in_dim3A_84 = vector.broadcast %broadcast_in_dim3A_83 : i32 to vector<16xi32>
    %swap3A_85 = arith.constant 112 : index
    %swap3A_86 = tpu.vector_load %arg11[%swap3A_85] {strides = array<i32>} : memref<128xi32, #tpu.memory_space<vmem>>, vector<16xi32>,
    %swap3A_87 = vector.shape_cast %swap3A_86 : vector<16xi32> to vector<16xi32>
    %swap3A_88 = vector.shape_cast %broadcast_in_dim3A_84 : vector<16xi32> to vector<16xi32>
    tpu.vector_store %arg11[%swap3A_85], %swap3A_88 {strides = array<i32>} : memref<128xi32, #tpu.memory_space<vmem>>, vector<16xi32>,
    %broadcast_in_dim3A_89 = arith.constant 0.000000e+00 : f32
    %broadcast_in_dim3A_90 = vector.broadcast %broadcast_in_dim3A_89 : f32 to vector<16xf32>
    %swap3A_91 = arith.constant 112 : index
    %swap3A_92 = tpu.vector_load %arg12[%swap3A_91] {strides = array<i32>} : memref<128xf32, #tpu.memory_space<vmem>>, vector<16xf32>,
    %swap3A_93 = vector.shape_cast %swap3A_92 : vector<16xf32> to vector<16xf32>
    %swap3A_94 = vector.shape_cast %broadcast_in_dim3A_90 : vector<16xf32> to vector<16xf32>
    tpu.vector_store %arg12[%swap3A_91], %swap3A_94 {strides = array<i32>} : memref<128xf32, #tpu.memory_space<vmem>>, vector<16xf32>,
    %barrier3A = arith.constant 0 : index
    tpu.barrier barrier_id(%barrier3A)
    %scan3A = arith.constant 0 : i32
    %scan3A_95 = arith.constant 0 : i32
    %scan3A_96 = arith.constant 8 : i32
    %scan3A_97 = arith.addi %scan3A_95, %scan3A_96 : i32
    %scan3A_98 = arith.constant 1 : i32
    scf.for %scan3A_100 = %scan3A_95 to %scan3A_97 step %scan3A_98  : i32 {
      %mul3A_101 = arith.constant 8 : i32
      %mul3A_102 = arith.muli %arg0, %mul3A_101 : i32
      %add3A = arith.constant 32 : i32
      %add3A_103 = arith.addi %add3A, %mul3A_102 : i32
      %add3A_104 = arith.addi %add3A_103, %scan3A_100 : i32
      %mul3A_105 = arith.constant 4096 : i32
      %mul3A_106 = arith.muli %add3A_104, %mul3A_105 : i32
      %mul3A_107 = arith.constant 128 : i32
      %mul3A_108 = arith.muli %arg1, %mul3A_107 : i32
      %add3A_109 = arith.addi %mul3A_106, %mul3A_108 : i32
      "tpu.region"() ({
        %run_scoped3A = tpu.sem_alloc : memref<!tpu.dma_semaphore, #tpu.memory_space<semaphore_mem>>
        %dma_start3A = tpu.memref_slice %arg2[%add3A_109] : memref<262144xi32, #tpu.memory_space<hbm>> -> memref<128xi32, #tpu.memory_space<hbm>>
        %dma_start3A_563 = tpu.memref_slice %arg2[%add3A_109] : memref<262144xi32, #tpu.memory_space<hbm>> -> memref<128xi32, #tpu.memory_space<hbm>>
        tpu.enqueue_dma source(%dma_start3A_563 : memref<128xi32, #tpu.memory_space<hbm>>) target(%arg6 : memref<128xi32, #tpu.memory_space<vmem>>) target_semaphore(%run_scoped3A : memref<!tpu.dma_semaphore, #tpu.memory_space<semaphore_mem>>)
        %dma_wait3A = tpu.memref_slice %arg2[%add3A_109] : memref<262144xi32, #tpu.memory_space<hbm>> -> memref<128xi32, #tpu.memory_space<hbm>>
        %dma_wait3A_564 = tpu.memref_slice %arg2[%add3A_109] : memref<262144xi32, #tpu.memory_space<hbm>> -> memref<128xi32, #tpu.memory_space<hbm>>
        tpu.wait_dma2 semaphore(%run_scoped3A : memref<!tpu.dma_semaphore, #tpu.memory_space<semaphore_mem>>) src(%dma_wait3A_564 : memref<128xi32, #tpu.memory_space<hbm>>) dst(%arg6 : memref<128xi32, #tpu.memory_space<vmem>>)
        tpu.yield
      }) : () -> ()
      %add3A_110 = arith.constant 2048 : i32
      %add3A_111 = arith.addi %add3A_109, %add3A_110 : i32
      "tpu.region"() ({
        %run_scoped3A = tpu.sem_alloc : memref<!tpu.dma_semaphore, #tpu.memory_space<semaphore_mem>>
        %dma_start3A = tpu.memref_slice %arg2[%add3A_111] : memref<262144xi32, #tpu.memory_space<hbm>> -> memref<128xi32, #tpu.memory_space<hbm>>
        %dma_start3A_563 = tpu.memref_slice %arg2[%add3A_111] : memref<262144xi32, #tpu.memory_space<hbm>> -> memref<128xi32, #tpu.memory_space<hbm>>
        tpu.enqueue_dma source(%dma_start3A_563 : memref<128xi32, #tpu.memory_space<hbm>>) target(%arg7 : memref<128xi32, #tpu.memory_space<vmem>>) target_semaphore(%run_scoped3A : memref<!tpu.dma_semaphore, #tpu.memory_space<semaphore_mem>>)
        %dma_wait3A = tpu.memref_slice %arg2[%add3A_111] : memref<262144xi32, #tpu.memory_space<hbm>> -> memref<128xi32, #tpu.memory_space<hbm>>
        %dma_wait3A_564 = tpu.memref_slice %arg2[%add3A_111] : memref<262144xi32, #tpu.memory_space<hbm>> -> memref<128xi32, #tpu.memory_space<hbm>>
        tpu.wait_dma2 semaphore(%run_scoped3A : memref<!tpu.dma_semaphore, #tpu.memory_space<semaphore_mem>>) src(%dma_wait3A_564 : memref<128xi32, #tpu.memory_space<hbm>>) dst(%arg7 : memref<128xi32, #tpu.memory_space<vmem>>)
        tpu.yield
      }) : () -> ()
      %mul3A_112 = arith.constant 2048 : i32
      %mul3A_113 = arith.muli %add3A_104, %mul3A_112 : i32
      %mul3A_114 = arith.constant 128 : i32
      %mul3A_115 = arith.muli %arg1, %mul3A_114 : i32
      %add3A_116 = arith.addi %mul3A_113, %mul3A_115 : i32
      "tpu.region"() ({
        %run_scoped3A = tpu.sem_alloc : memref<!tpu.dma_semaphore, #tpu.memory_space<semaphore_mem>>
        %dma_start3A = tpu.memref_slice %arg3[%add3A_116] : memref<131072xf32, #tpu.memory_space<hbm>> -> memref<128xf32, #tpu.memory_space<hbm>>
        %dma_start3A_563 = tpu.memref_slice %arg3[%add3A_116] : memref<131072xf32, #tpu.memory_space<hbm>> -> memref<128xf32, #tpu.memory_space<hbm>>
        tpu.enqueue_dma source(%dma_start3A_563 : memref<128xf32, #tpu.memory_space<hbm>>) target(%arg9 : memref<128xf32, #tpu.memory_space<vmem>>) target_semaphore(%run_scoped3A : memref<!tpu.dma_semaphore, #tpu.memory_space<semaphore_mem>>)
        %dma_wait3A = tpu.memref_slice %arg3[%add3A_116] : memref<131072xf32, #tpu.memory_space<hbm>> -> memref<128xf32, #tpu.memory_space<hbm>>
        %dma_wait3A_564 = tpu.memref_slice %arg3[%add3A_116] : memref<131072xf32, #tpu.memory_space<hbm>> -> memref<128xf32, #tpu.memory_space<hbm>>
        tpu.wait_dma2 semaphore(%run_scoped3A : memref<!tpu.dma_semaphore, #tpu.memory_space<semaphore_mem>>) src(%dma_wait3A_564 : memref<128xf32, #tpu.memory_space<hbm>>) dst(%arg9 : memref<128xf32, #tpu.memory_space<vmem>>)
        tpu.yield
      }) : () -> ()
      %get3A = arith.constant 0 : index
      %get3A_117 = tpu.vector_load %arg6[%get3A] {strides = array<i32>} : memref<128xi32, #tpu.memory_space<vmem>>, vector<16xi32>,
      %get3A_118 = vector.shape_cast %get3A_117 : vector<16xi32> to vector<16xi32>
      %get3A_119 = arith.constant 0 : index
      %get3A_120 = tpu.vector_load %arg7[%get3A_119] {strides = array<i32>} : memref<128xi32, #tpu.memory_space<vmem>>, vector<16xi32>,
      %get3A_121 = vector.shape_cast %get3A_120 : vector<16xi32> to vector<16xi32>
      %shift_right_logical3A = arith.constant 7 : i32
      %shift_right_logical3A_122 = vector.broadcast %shift_right_logical3A : i32 to vector<16xi32>
      %shift_right_logical3A_123 = arith.shrui %get3A_118, %shift_right_logical3A_122 : vector<16xi32>
      %mul3A_124 = arith.constant 73728 : i32
      %mul3A_125 = vector.broadcast %mul3A_124 : i32 to vector<16xi32>
      %mul3A_126 = arith.muli %shift_right_logical3A_123, %mul3A_125 : vector<16xi32>
      %shift_left3A = arith.constant 7 : i32
      %shift_left3A_127 = vector.broadcast %shift_left3A : i32 to vector<16xi32>
      %shift_left3A_128 = arith.shli %get3A_121, %shift_left3A_127 : vector<16xi32>
      %add3A_129 = arith.addi %mul3A_126, %shift_left3A_128 : vector<16xi32>
      %and3A = arith.constant 127 : i32
      %and3A_130 = vector.broadcast %and3A : i32 to vector<16xi32>
      %and3A_131 = arith.andi %get3A_118, %and3A_130 : vector<16xi32>
      %add3A_132 = arith.addi %add3A_129, %and3A_131 : vector<16xi32>
      %swap3A_133 = arith.constant 0 : index
      %swap3A_134 = tpu.vector_load %arg8[%swap3A_133] {strides = array<i32>} : memref<128xi32, #tpu.memory_space<vmem>>, vector<16xi32>,
      %swap3A_135 = vector.shape_cast %swap3A_134 : vector<16xi32> to vector<16xi32>
      %swap3A_136 = vector.shape_cast %add3A_132 : vector<16xi32> to vector<16xi32>
      tpu.vector_store %arg8[%swap3A_133], %swap3A_136 {strides = array<i32>} : memref<128xi32, #tpu.memory_space<vmem>>, vector<16xi32>,
      %get3A_137 = arith.constant 0 : index
      %get3A_138 = tpu.vector_load %arg9[%get3A_137] {strides = array<i32>} : memref<128xf32, #tpu.memory_space<vmem>>, vector<16xf32>,
      %get3A_139 = vector.shape_cast %get3A_138 : vector<16xf32> to vector<16xf32>
      %add3A_140 = arith.constant 6.400000e+01 : f32
      %add3A_141 = vector.broadcast %add3A_140 : f32 to vector<16xf32>
      %add3A_142 = arith.addf %get3A_139, %add3A_141 : vector<16xf32>
      %swap3A_143 = arith.constant 0 : index
      %swap3A_144 = tpu.vector_load %arg9[%swap3A_143] {strides = array<i32>} : memref<128xf32, #tpu.memory_space<vmem>>, vector<16xf32>,
      %swap3A_145 = vector.shape_cast %swap3A_144 : vector<16xf32> to vector<16xf32>
      %swap3A_146 = vector.shape_cast %add3A_142 : vector<16xf32> to vector<16xf32>
      tpu.vector_store %arg9[%swap3A_143], %swap3A_146 {strides = array<i32>} : memref<128xf32, #tpu.memory_space<vmem>>, vector<16xf32>,
      %sub3A = arith.constant 0.000000e+00 : f32
      %sub3A_147 = vector.broadcast %sub3A : f32 to vector<16xf32>
      %sub3A_148 = arith.subf %sub3A_147, %add3A_142 : vector<16xf32>
      %swap3A_149 = arith.constant 0 : index
      %swap3A_150 = tpu.vector_load %arg10[%swap3A_149] {strides = array<i32>} : memref<128xf32, #tpu.memory_space<vmem>>, vector<16xf32>,
      %swap3A_151 = vector.shape_cast %swap3A_150 : vector<16xf32> to vector<16xf32>
      %swap3A_152 = vector.shape_cast %sub3A_148 : vector<16xf32> to vector<16xf32>
      tpu.vector_store %arg10[%swap3A_149], %swap3A_152 {strides = array<i32>} : memref<128xf32, #tpu.memory_space<vmem>>, vector<16xf32>,
      %get3A_153 = arith.constant 16 : index
      %get3A_154 = tpu.vector_load %arg6[%get3A_153] {strides = array<i32>} : memref<128xi32, #tpu.memory_space<vmem>>, vector<16xi32>,
      %get3A_155 = vector.shape_cast %get3A_154 : vector<16xi32> to vector<16xi32>
      %get3A_156 = arith.constant 16 : index
      %get3A_157 = tpu.vector_load %arg7[%get3A_156] {strides = array<i32>} : memref<128xi32, #tpu.memory_space<vmem>>, vector<16xi32>,
      %get3A_158 = vector.shape_cast %get3A_157 : vector<16xi32> to vector<16xi32>
      %shift_right_logical3A_159 = arith.constant 7 : i32
      %shift_right_logical3A_160 = vector.broadcast %shift_right_logical3A_159 : i32 to vector<16xi32>
      %shift_right_logical3A_161 = arith.shrui %get3A_155, %shift_right_logical3A_160 : vector<16xi32>
      %mul3A_162 = arith.constant 73728 : i32
      %mul3A_163 = vector.broadcast %mul3A_162 : i32 to vector<16xi32>
      %mul3A_164 = arith.muli %shift_right_logical3A_161, %mul3A_163 : vector<16xi32>
      %shift_left3A_165 = arith.constant 7 : i32
      %shift_left3A_166 = vector.broadcast %shift_left3A_165 : i32 to vector<16xi32>
      %shift_left3A_167 = arith.shli %get3A_158, %shift_left3A_166 : vector<16xi32>
      %add3A_168 = arith.addi %mul3A_164, %shift_left3A_167 : vector<16xi32>
      %and3A_169 = arith.constant 127 : i32
      %and3A_170 = vector.broadcast %and3A_169 : i32 to vector<16xi32>
      %and3A_171 = arith.andi %get3A_155, %and3A_170 : vector<16xi32>
      %add3A_172 = arith.addi %add3A_168, %and3A_171 : vector<16xi32>
      %swap3A_173 = arith.constant 16 : index
      %swap3A_174 = tpu.vector_load %arg8[%swap3A_173] {strides = array<i32>} : memref<128xi32, #tpu.memory_space<vmem>>, vector<16xi32>,
      %swap3A_175 = vector.shape_cast %swap3A_174 : vector<16xi32> to vector<16xi32>
      %swap3A_176 = vector.shape_cast %add3A_172 : vector<16xi32> to vector<16xi32>
      tpu.vector_store %arg8[%swap3A_173], %swap3A_176 {strides = array<i32>} : memref<128xi32, #tpu.memory_space<vmem>>, vector<16xi32>,
      %get3A_177 = arith.constant 16 : index
      %get3A_178 = tpu.vector_load %arg9[%get3A_177] {strides = array<i32>} : memref<128xf32, #tpu.memory_space<vmem>>, vector<16xf32>,
      %get3A_179 = vector.shape_cast %get3A_178 : vector<16xf32> to vector<16xf32>
      %add3A_180 = arith.constant 6.400000e+01 : f32
      %add3A_181 = vector.broadcast %add3A_180 : f32 to vector<16xf32>
      %add3A_182 = arith.addf %get3A_179, %add3A_181 : vector<16xf32>
      %swap3A_183 = arith.constant 16 : index
      %swap3A_184 = tpu.vector_load %arg9[%swap3A_183] {strides = array<i32>} : memref<128xf32, #tpu.memory_space<vmem>>, vector<16xf32>,
      %swap3A_185 = vector.shape_cast %swap3A_184 : vector<16xf32> to vector<16xf32>
      %swap3A_186 = vector.shape_cast %add3A_182 : vector<16xf32> to vector<16xf32>
      tpu.vector_store %arg9[%swap3A_183], %swap3A_186 {strides = array<i32>} : memref<128xf32, #tpu.memory_space<vmem>>, vector<16xf32>,
      %sub3A_187 = arith.constant 0.000000e+00 : f32
      %sub3A_188 = vector.broadcast %sub3A_187 : f32 to vector<16xf32>
      %sub3A_189 = arith.subf %sub3A_188, %add3A_182 : vector<16xf32>
      %swap3A_190 = arith.constant 16 : index
      %swap3A_191 = tpu.vector_load %arg10[%swap3A_190] {strides = array<i32>} : memref<128xf32, #tpu.memory_space<vmem>>, vector<16xf32>,
      %swap3A_192 = vector.shape_cast %swap3A_191 : vector<16xf32> to vector<16xf32>
      %swap3A_193 = vector.shape_cast %sub3A_189 : vector<16xf32> to vector<16xf32>
      tpu.vector_store %arg10[%swap3A_190], %swap3A_193 {strides = array<i32>} : memref<128xf32, #tpu.memory_space<vmem>>, vector<16xf32>,
      %get3A_194 = arith.constant 32 : index
      %get3A_195 = tpu.vector_load %arg6[%get3A_194] {strides = array<i32>} : memref<128xi32, #tpu.memory_space<vmem>>, vector<16xi32>,
      %get3A_196 = vector.shape_cast %get3A_195 : vector<16xi32> to vector<16xi32>
      %get3A_197 = arith.constant 32 : index
      %get3A_198 = tpu.vector_load %arg7[%get3A_197] {strides = array<i32>} : memref<128xi32, #tpu.memory_space<vmem>>, vector<16xi32>,
      %get3A_199 = vector.shape_cast %get3A_198 : vector<16xi32> to vector<16xi32>
      %shift_right_logical3A_200 = arith.constant 7 : i32
      %shift_right_logical3A_201 = vector.broadcast %shift_right_logical3A_200 : i32 to vector<16xi32>
      %shift_right_logical3A_202 = arith.shrui %get3A_196, %shift_right_logical3A_201 : vector<16xi32>
      %mul3A_203 = arith.constant 73728 : i32
      %mul3A_204 = vector.broadcast %mul3A_203 : i32 to vector<16xi32>
      %mul3A_205 = arith.muli %shift_right_logical3A_202, %mul3A_204 : vector<16xi32>
      %shift_left3A_206 = arith.constant 7 : i32
      %shift_left3A_207 = vector.broadcast %shift_left3A_206 : i32 to vector<16xi32>
      %shift_left3A_208 = arith.shli %get3A_199, %shift_left3A_207 : vector<16xi32>
      %add3A_209 = arith.addi %mul3A_205, %shift_left3A_208 : vector<16xi32>
      %and3A_210 = arith.constant 127 : i32
      %and3A_211 = vector.broadcast %and3A_210 : i32 to vector<16xi32>
      %and3A_212 = arith.andi %get3A_196, %and3A_211 : vector<16xi32>
      %add3A_213 = arith.addi %add3A_209, %and3A_212 : vector<16xi32>
      %swap3A_214 = arith.constant 32 : index
      %swap3A_215 = tpu.vector_load %arg8[%swap3A_214] {strides = array<i32>} : memref<128xi32, #tpu.memory_space<vmem>>, vector<16xi32>,
      %swap3A_216 = vector.shape_cast %swap3A_215 : vector<16xi32> to vector<16xi32>
      %swap3A_217 = vector.shape_cast %add3A_213 : vector<16xi32> to vector<16xi32>
      tpu.vector_store %arg8[%swap3A_214], %swap3A_217 {strides = array<i32>} : memref<128xi32, #tpu.memory_space<vmem>>, vector<16xi32>,
      %get3A_218 = arith.constant 32 : index
      %get3A_219 = tpu.vector_load %arg9[%get3A_218] {strides = array<i32>} : memref<128xf32, #tpu.memory_space<vmem>>, vector<16xf32>,
      %get3A_220 = vector.shape_cast %get3A_219 : vector<16xf32> to vector<16xf32>
      %add3A_221 = arith.constant 6.400000e+01 : f32
      %add3A_222 = vector.broadcast %add3A_221 : f32 to vector<16xf32>
      %add3A_223 = arith.addf %get3A_220, %add3A_222 : vector<16xf32>
      %swap3A_224 = arith.constant 32 : index
      %swap3A_225 = tpu.vector_load %arg9[%swap3A_224] {strides = array<i32>} : memref<128xf32, #tpu.memory_space<vmem>>, vector<16xf32>,
      %swap3A_226 = vector.shape_cast %swap3A_225 : vector<16xf32> to vector<16xf32>
      %swap3A_227 = vector.shape_cast %add3A_223 : vector<16xf32> to vector<16xf32>
      tpu.vector_store %arg9[%swap3A_224], %swap3A_227 {strides = array<i32>} : memref<128xf32, #tpu.memory_space<vmem>>, vector<16xf32>,
      %sub3A_228 = arith.constant 0.000000e+00 : f32
      %sub3A_229 = vector.broadcast %sub3A_228 : f32 to vector<16xf32>
      %sub3A_230 = arith.subf %sub3A_229, %add3A_223 : vector<16xf32>
      %swap3A_231 = arith.constant 32 : index
      %swap3A_232 = tpu.vector_load %arg10[%swap3A_231] {strides = array<i32>} : memref<128xf32, #tpu.memory_space<vmem>>, vector<16xf32>,
      %swap3A_233 = vector.shape_cast %swap3A_232 : vector<16xf32> to vector<16xf32>
      %swap3A_234 = vector.shape_cast %sub3A_230 : vector<16xf32> to vector<16xf32>
      tpu.vector_store %arg10[%swap3A_231], %swap3A_234 {strides = array<i32>} : memref<128xf32, #tpu.memory_space<vmem>>, vector<16xf32>,
      %get3A_235 = arith.constant 48 : index
      %get3A_236 = tpu.vector_load %arg6[%get3A_235] {strides = array<i32>} : memref<128xi32, #tpu.memory_space<vmem>>, vector<16xi32>,
      %get3A_237 = vector.shape_cast %get3A_236 : vector<16xi32> to vector<16xi32>
      %get3A_238 = arith.constant 48 : index
      %get3A_239 = tpu.vector_load %arg7[%get3A_238] {strides = array<i32>} : memref<128xi32, #tpu.memory_space<vmem>>, vector<16xi32>,
      %get3A_240 = vector.shape_cast %get3A_239 : vector<16xi32> to vector<16xi32>
      %shift_right_logical3A_241 = arith.constant 7 : i32
      %shift_right_logical3A_242 = vector.broadcast %shift_right_logical3A_241 : i32 to vector<16xi32>
      %shift_right_logical3A_243 = arith.shrui %get3A_237, %shift_right_logical3A_242 : vector<16xi32>
      %mul3A_244 = arith.constant 73728 : i32
      %mul3A_245 = vector.broadcast %mul3A_244 : i32 to vector<16xi32>
      %mul3A_246 = arith.muli %shift_right_logical3A_243, %mul3A_245 : vector<16xi32>
      %shift_left3A_247 = arith.constant 7 : i32
      %shift_left3A_248 = vector.broadcast %shift_left3A_247 : i32 to vector<16xi32>
      %shift_left3A_249 = arith.shli %get3A_240, %shift_left3A_248 : vector<16xi32>
      %add3A_250 = arith.addi %mul3A_246, %shift_left3A_249 : vector<16xi32>
      %and3A_251 = arith.constant 127 : i32
      %and3A_252 = vector.broadcast %and3A_251 : i32 to vector<16xi32>
      %and3A_253 = arith.andi %get3A_237, %and3A_252 : vector<16xi32>
      %add3A_254 = arith.addi %add3A_250, %and3A_253 : vector<16xi32>
      %swap3A_255 = arith.constant 48 : index
      %swap3A_256 = tpu.vector_load %arg8[%swap3A_255] {strides = array<i32>} : memref<128xi32, #tpu.memory_space<vmem>>, vector<16xi32>,
      %swap3A_257 = vector.shape_cast %swap3A_256 : vector<16xi32> to vector<16xi32>
      %swap3A_258 = vector.shape_cast %add3A_254 : vector<16xi32> to vector<16xi32>
      tpu.vector_store %arg8[%swap3A_255], %swap3A_258 {strides = array<i32>} : memref<128xi32, #tpu.memory_space<vmem>>, vector<16xi32>,
      %get3A_259 = arith.constant 48 : index
      %get3A_260 = tpu.vector_load %arg9[%get3A_259] {strides = array<i32>} : memref<128xf32, #tpu.memory_space<vmem>>, vector<16xf32>,
      %get3A_261 = vector.shape_cast %get3A_260 : vector<16xf32> to vector<16xf32>
      %add3A_262 = arith.constant 6.400000e+01 : f32
      %add3A_263 = vector.broadcast %add3A_262 : f32 to vector<16xf32>
      %add3A_264 = arith.addf %get3A_261, %add3A_263 : vector<16xf32>
      %swap3A_265 = arith.constant 48 : index
      %swap3A_266 = tpu.vector_load %arg9[%swap3A_265] {strides = array<i32>} : memref<128xf32, #tpu.memory_space<vmem>>, vector<16xf32>,
      %swap3A_267 = vector.shape_cast %swap3A_266 : vector<16xf32> to vector<16xf32>
      %swap3A_268 = vector.shape_cast %add3A_264 : vector<16xf32> to vector<16xf32>
      tpu.vector_store %arg9[%swap3A_265], %swap3A_268 {strides = array<i32>} : memref<128xf32, #tpu.memory_space<vmem>>, vector<16xf32>,
      %sub3A_269 = arith.constant 0.000000e+00 : f32
      %sub3A_270 = vector.broadcast %sub3A_269 : f32 to vector<16xf32>
      %sub3A_271 = arith.subf %sub3A_270, %add3A_264 : vector<16xf32>
      %swap3A_272 = arith.constant 48 : index
      %swap3A_273 = tpu.vector_load %arg10[%swap3A_272] {strides = array<i32>} : memref<128xf32, #tpu.memory_space<vmem>>, vector<16xf32>,
      %swap3A_274 = vector.shape_cast %swap3A_273 : vector<16xf32> to vector<16xf32>
      %swap3A_275 = vector.shape_cast %sub3A_271 : vector<16xf32> to vector<16xf32>
      tpu.vector_store %arg10[%swap3A_272], %swap3A_275 {strides = array<i32>} : memref<128xf32, #tpu.memory_space<vmem>>, vector<16xf32>,
      %get3A_276 = arith.constant 64 : index
      %get3A_277 = tpu.vector_load %arg6[%get3A_276] {strides = array<i32>} : memref<128xi32, #tpu.memory_space<vmem>>, vector<16xi32>,
      %get3A_278 = vector.shape_cast %get3A_277 : vector<16xi32> to vector<16xi32>
      %get3A_279 = arith.constant 64 : index
      %get3A_280 = tpu.vector_load %arg7[%get3A_279] {strides = array<i32>} : memref<128xi32, #tpu.memory_space<vmem>>, vector<16xi32>,
      %get3A_281 = vector.shape_cast %get3A_280 : vector<16xi32> to vector<16xi32>
      %shift_right_logical3A_282 = arith.constant 7 : i32
      %shift_right_logical3A_283 = vector.broadcast %shift_right_logical3A_282 : i32 to vector<16xi32>
      %shift_right_logical3A_284 = arith.shrui %get3A_278, %shift_right_logical3A_283 : vector<16xi32>
      %mul3A_285 = arith.constant 73728 : i32
      %mul3A_286 = vector.broadcast %mul3A_285 : i32 to vector<16xi32>
      %mul3A_287 = arith.muli %shift_right_logical3A_284, %mul3A_286 : vector<16xi32>
      %shift_left3A_288 = arith.constant 7 : i32
      %shift_left3A_289 = vector.broadcast %shift_left3A_288 : i32 to vector<16xi32>
      %shift_left3A_290 = arith.shli %get3A_281, %shift_left3A_289 : vector<16xi32>
      %add3A_291 = arith.addi %mul3A_287, %shift_left3A_290 : vector<16xi32>
      %and3A_292 = arith.constant 127 : i32
      %and3A_293 = vector.broadcast %and3A_292 : i32 to vector<16xi32>
      %and3A_294 = arith.andi %get3A_278, %and3A_293 : vector<16xi32>
      %add3A_295 = arith.addi %add3A_291, %and3A_294 : vector<16xi32>
      %swap3A_296 = arith.constant 64 : index
      %swap3A_297 = tpu.vector_load %arg8[%swap3A_296] {strides = array<i32>} : memref<128xi32, #tpu.memory_space<vmem>>, vector<16xi32>,
      %swap3A_298 = vector.shape_cast %swap3A_297 : vector<16xi32> to vector<16xi32>
      %swap3A_299 = vector.shape_cast %add3A_295 : vector<16xi32> to vector<16xi32>
      tpu.vector_store %arg8[%swap3A_296], %swap3A_299 {strides = array<i32>} : memref<128xi32, #tpu.memory_space<vmem>>, vector<16xi32>,
      %get3A_300 = arith.constant 64 : index
      %get3A_301 = tpu.vector_load %arg9[%get3A_300] {strides = array<i32>} : memref<128xf32, #tpu.memory_space<vmem>>, vector<16xf32>,
      %get3A_302 = vector.shape_cast %get3A_301 : vector<16xf32> to vector<16xf32>
      %add3A_303 = arith.constant 6.400000e+01 : f32
      %add3A_304 = vector.broadcast %add3A_303 : f32 to vector<16xf32>
      %add3A_305 = arith.addf %get3A_302, %add3A_304 : vector<16xf32>
      %swap3A_306 = arith.constant 64 : index
      %swap3A_307 = tpu.vector_load %arg9[%swap3A_306] {strides = array<i32>} : memref<128xf32, #tpu.memory_space<vmem>>, vector<16xf32>,
      %swap3A_308 = vector.shape_cast %swap3A_307 : vector<16xf32> to vector<16xf32>
      %swap3A_309 = vector.shape_cast %add3A_305 : vector<16xf32> to vector<16xf32>
      tpu.vector_store %arg9[%swap3A_306], %swap3A_309 {strides = array<i32>} : memref<128xf32, #tpu.memory_space<vmem>>, vector<16xf32>,
      %sub3A_310 = arith.constant 0.000000e+00 : f32
      %sub3A_311 = vector.broadcast %sub3A_310 : f32 to vector<16xf32>
      %sub3A_312 = arith.subf %sub3A_311, %add3A_305 : vector<16xf32>
      %swap3A_313 = arith.constant 64 : index
      %swap3A_314 = tpu.vector_load %arg10[%swap3A_313] {strides = array<i32>} : memref<128xf32, #tpu.memory_space<vmem>>, vector<16xf32>,
      %swap3A_315 = vector.shape_cast %swap3A_314 : vector<16xf32> to vector<16xf32>
      %swap3A_316 = vector.shape_cast %sub3A_312 : vector<16xf32> to vector<16xf32>
      tpu.vector_store %arg10[%swap3A_313], %swap3A_316 {strides = array<i32>} : memref<128xf32, #tpu.memory_space<vmem>>, vector<16xf32>,
      %get3A_317 = arith.constant 80 : index
      %get3A_318 = tpu.vector_load %arg6[%get3A_317] {strides = array<i32>} : memref<128xi32, #tpu.memory_space<vmem>>, vector<16xi32>,
      %get3A_319 = vector.shape_cast %get3A_318 : vector<16xi32> to vector<16xi32>
      %get3A_320 = arith.constant 80 : index
      %get3A_321 = tpu.vector_load %arg7[%get3A_320] {strides = array<i32>} : memref<128xi32, #tpu.memory_space<vmem>>, vector<16xi32>,
      %get3A_322 = vector.shape_cast %get3A_321 : vector<16xi32> to vector<16xi32>
      %shift_right_logical3A_323 = arith.constant 7 : i32
      %shift_right_logical3A_324 = vector.broadcast %shift_right_logical3A_323 : i32 to vector<16xi32>
      %shift_right_logical3A_325 = arith.shrui %get3A_319, %shift_right_logical3A_324 : vector<16xi32>
      %mul3A_326 = arith.constant 73728 : i32
      %mul3A_327 = vector.broadcast %mul3A_326 : i32 to vector<16xi32>
      %mul3A_328 = arith.muli %shift_right_logical3A_325, %mul3A_327 : vector<16xi32>
      %shift_left3A_329 = arith.constant 7 : i32
      %shift_left3A_330 = vector.broadcast %shift_left3A_329 : i32 to vector<16xi32>
      %shift_left3A_331 = arith.shli %get3A_322, %shift_left3A_330 : vector<16xi32>
      %add3A_332 = arith.addi %mul3A_328, %shift_left3A_331 : vector<16xi32>
      %and3A_333 = arith.constant 127 : i32
      %and3A_334 = vector.broadcast %and3A_333 : i32 to vector<16xi32>
      %and3A_335 = arith.andi %get3A_319, %and3A_334 : vector<16xi32>
      %add3A_336 = arith.addi %add3A_332, %and3A_335 : vector<16xi32>
      %swap3A_337 = arith.constant 80 : index
      %swap3A_338 = tpu.vector_load %arg8[%swap3A_337] {strides = array<i32>} : memref<128xi32, #tpu.memory_space<vmem>>, vector<16xi32>,
      %swap3A_339 = vector.shape_cast %swap3A_338 : vector<16xi32> to vector<16xi32>
      %swap3A_340 = vector.shape_cast %add3A_336 : vector<16xi32> to vector<16xi32>
      tpu.vector_store %arg8[%swap3A_337], %swap3A_340 {strides = array<i32>} : memref<128xi32, #tpu.memory_space<vmem>>, vector<16xi32>,
      %get3A_341 = arith.constant 80 : index
      %get3A_342 = tpu.vector_load %arg9[%get3A_341] {strides = array<i32>} : memref<128xf32, #tpu.memory_space<vmem>>, vector<16xf32>,
      %get3A_343 = vector.shape_cast %get3A_342 : vector<16xf32> to vector<16xf32>
      %add3A_344 = arith.constant 6.400000e+01 : f32
      %add3A_345 = vector.broadcast %add3A_344 : f32 to vector<16xf32>
      %add3A_346 = arith.addf %get3A_343, %add3A_345 : vector<16xf32>
      %swap3A_347 = arith.constant 80 : index
      %swap3A_348 = tpu.vector_load %arg9[%swap3A_347] {strides = array<i32>} : memref<128xf32, #tpu.memory_space<vmem>>, vector<16xf32>,
      %swap3A_349 = vector.shape_cast %swap3A_348 : vector<16xf32> to vector<16xf32>
      %swap3A_350 = vector.shape_cast %add3A_346 : vector<16xf32> to vector<16xf32>
      tpu.vector_store %arg9[%swap3A_347], %swap3A_350 {strides = array<i32>} : memref<128xf32, #tpu.memory_space<vmem>>, vector<16xf32>,
      %sub3A_351 = arith.constant 0.000000e+00 : f32
      %sub3A_352 = vector.broadcast %sub3A_351 : f32 to vector<16xf32>
      %sub3A_353 = arith.subf %sub3A_352, %add3A_346 : vector<16xf32>
      %swap3A_354 = arith.constant 80 : index
      %swap3A_355 = tpu.vector_load %arg10[%swap3A_354] {strides = array<i32>} : memref<128xf32, #tpu.memory_space<vmem>>, vector<16xf32>,
      %swap3A_356 = vector.shape_cast %swap3A_355 : vector<16xf32> to vector<16xf32>
      %swap3A_357 = vector.shape_cast %sub3A_353 : vector<16xf32> to vector<16xf32>
      tpu.vector_store %arg10[%swap3A_354], %swap3A_357 {strides = array<i32>} : memref<128xf32, #tpu.memory_space<vmem>>, vector<16xf32>,
      %get3A_358 = arith.constant 96 : index
      %get3A_359 = tpu.vector_load %arg6[%get3A_358] {strides = array<i32>} : memref<128xi32, #tpu.memory_space<vmem>>, vector<16xi32>,
      %get3A_360 = vector.shape_cast %get3A_359 : vector<16xi32> to vector<16xi32>
      %get3A_361 = arith.constant 96 : index
      %get3A_362 = tpu.vector_load %arg7[%get3A_361] {strides = array<i32>} : memref<128xi32, #tpu.memory_space<vmem>>, vector<16xi32>,
      %get3A_363 = vector.shape_cast %get3A_362 : vector<16xi32> to vector<16xi32>
      %shift_right_logical3A_364 = arith.constant 7 : i32
      %shift_right_logical3A_365 = vector.broadcast %shift_right_logical3A_364 : i32 to vector<16xi32>
      %shift_right_logical3A_366 = arith.shrui %get3A_360, %shift_right_logical3A_365 : vector<16xi32>
      %mul3A_367 = arith.constant 73728 : i32
      %mul3A_368 = vector.broadcast %mul3A_367 : i32 to vector<16xi32>
      %mul3A_369 = arith.muli %shift_right_logical3A_366, %mul3A_368 : vector<16xi32>
      %shift_left3A_370 = arith.constant 7 : i32
      %shift_left3A_371 = vector.broadcast %shift_left3A_370 : i32 to vector<16xi32>
      %shift_left3A_372 = arith.shli %get3A_363, %shift_left3A_371 : vector<16xi32>
      %add3A_373 = arith.addi %mul3A_369, %shift_left3A_372 : vector<16xi32>
      %and3A_374 = arith.constant 127 : i32
      %and3A_375 = vector.broadcast %and3A_374 : i32 to vector<16xi32>
      %and3A_376 = arith.andi %get3A_360, %and3A_375 : vector<16xi32>
      %add3A_377 = arith.addi %add3A_373, %and3A_376 : vector<16xi32>
      %swap3A_378 = arith.constant 96 : index
      %swap3A_379 = tpu.vector_load %arg8[%swap3A_378] {strides = array<i32>} : memref<128xi32, #tpu.memory_space<vmem>>, vector<16xi32>,
      %swap3A_380 = vector.shape_cast %swap3A_379 : vector<16xi32> to vector<16xi32>
      %swap3A_381 = vector.shape_cast %add3A_377 : vector<16xi32> to vector<16xi32>
      tpu.vector_store %arg8[%swap3A_378], %swap3A_381 {strides = array<i32>} : memref<128xi32, #tpu.memory_space<vmem>>, vector<16xi32>,
      %get3A_382 = arith.constant 96 : index
      %get3A_383 = tpu.vector_load %arg9[%get3A_382] {strides = array<i32>} : memref<128xf32, #tpu.memory_space<vmem>>, vector<16xf32>,
      %get3A_384 = vector.shape_cast %get3A_383 : vector<16xf32> to vector<16xf32>
      %add3A_385 = arith.constant 6.400000e+01 : f32
      %add3A_386 = vector.broadcast %add3A_385 : f32 to vector<16xf32>
      %add3A_387 = arith.addf %get3A_384, %add3A_386 : vector<16xf32>
      %swap3A_388 = arith.constant 96 : index
      %swap3A_389 = tpu.vector_load %arg9[%swap3A_388] {strides = array<i32>} : memref<128xf32, #tpu.memory_space<vmem>>, vector<16xf32>,
      %swap3A_390 = vector.shape_cast %swap3A_389 : vector<16xf32> to vector<16xf32>
      %swap3A_391 = vector.shape_cast %add3A_387 : vector<16xf32> to vector<16xf32>
      tpu.vector_store %arg9[%swap3A_388], %swap3A_391 {strides = array<i32>} : memref<128xf32, #tpu.memory_space<vmem>>, vector<16xf32>,
      %sub3A_392 = arith.constant 0.000000e+00 : f32
      %sub3A_393 = vector.broadcast %sub3A_392 : f32 to vector<16xf32>
      %sub3A_394 = arith.subf %sub3A_393, %add3A_387 : vector<16xf32>
      %swap3A_395 = arith.constant 96 : index
      %swap3A_396 = tpu.vector_load %arg10[%swap3A_395] {strides = array<i32>} : memref<128xf32, #tpu.memory_space<vmem>>, vector<16xf32>,
      %swap3A_397 = vector.shape_cast %swap3A_396 : vector<16xf32> to vector<16xf32>
      %swap3A_398 = vector.shape_cast %sub3A_394 : vector<16xf32> to vector<16xf32>
      tpu.vector_store %arg10[%swap3A_395], %swap3A_398 {strides = array<i32>} : memref<128xf32, #tpu.memory_space<vmem>>, vector<16xf32>,
      %get3A_399 = arith.constant 112 : index
      %get3A_400 = tpu.vector_load %arg6[%get3A_399] {strides = array<i32>} : memref<128xi32, #tpu.memory_space<vmem>>, vector<16xi32>,
      %get3A_401 = vector.shape_cast %get3A_400 : vector<16xi32> to vector<16xi32>
      %get3A_402 = arith.constant 112 : index
      %get3A_403 = tpu.vector_load %arg7[%get3A_402] {strides = array<i32>} : memref<128xi32, #tpu.memory_space<vmem>>, vector<16xi32>,
      %get3A_404 = vector.shape_cast %get3A_403 : vector<16xi32> to vector<16xi32>
      %shift_right_logical3A_405 = arith.constant 7 : i32
      %shift_right_logical3A_406 = vector.broadcast %shift_right_logical3A_405 : i32 to vector<16xi32>
      %shift_right_logical3A_407 = arith.shrui %get3A_401, %shift_right_logical3A_406 : vector<16xi32>
      %mul3A_408 = arith.constant 73728 : i32
      %mul3A_409 = vector.broadcast %mul3A_408 : i32 to vector<16xi32>
      %mul3A_410 = arith.muli %shift_right_logical3A_407, %mul3A_409 : vector<16xi32>
      %shift_left3A_411 = arith.constant 7 : i32
      %shift_left3A_412 = vector.broadcast %shift_left3A_411 : i32 to vector<16xi32>
      %shift_left3A_413 = arith.shli %get3A_404, %shift_left3A_412 : vector<16xi32>
      %add3A_414 = arith.addi %mul3A_410, %shift_left3A_413 : vector<16xi32>
      %and3A_415 = arith.constant 127 : i32
      %and3A_416 = vector.broadcast %and3A_415 : i32 to vector<16xi32>
      %and3A_417 = arith.andi %get3A_401, %and3A_416 : vector<16xi32>
      %add3A_418 = arith.addi %add3A_414, %and3A_417 : vector<16xi32>
      %swap3A_419 = arith.constant 112 : index
      %swap3A_420 = tpu.vector_load %arg8[%swap3A_419] {strides = array<i32>} : memref<128xi32, #tpu.memory_space<vmem>>, vector<16xi32>,
      %swap3A_421 = vector.shape_cast %swap3A_420 : vector<16xi32> to vector<16xi32>
      %swap3A_422 = vector.shape_cast %add3A_418 : vector<16xi32> to vector<16xi32>
      tpu.vector_store %arg8[%swap3A_419], %swap3A_422 {strides = array<i32>} : memref<128xi32, #tpu.memory_space<vmem>>, vector<16xi32>,
      %get3A_423 = arith.constant 112 : index
      %get3A_424 = tpu.vector_load %arg9[%get3A_423] {strides = array<i32>} : memref<128xf32, #tpu.memory_space<vmem>>, vector<16xf32>,
      %get3A_425 = vector.shape_cast %get3A_424 : vector<16xf32> to vector<16xf32>
      %add3A_426 = arith.constant 6.400000e+01 : f32
      %add3A_427 = vector.broadcast %add3A_426 : f32 to vector<16xf32>
      %add3A_428 = arith.addf %get3A_425, %add3A_427 : vector<16xf32>
      %swap3A_429 = arith.constant 112 : index
      %swap3A_430 = tpu.vector_load %arg9[%swap3A_429] {strides = array<i32>} : memref<128xf32, #tpu.memory_space<vmem>>, vector<16xf32>,
      %swap3A_431 = vector.shape_cast %swap3A_430 : vector<16xf32> to vector<16xf32>
      %swap3A_432 = vector.shape_cast %add3A_428 : vector<16xf32> to vector<16xf32>
      tpu.vector_store %arg9[%swap3A_429], %swap3A_432 {strides = array<i32>} : memref<128xf32, #tpu.memory_space<vmem>>, vector<16xf32>,
      %sub3A_433 = arith.constant 0.000000e+00 : f32
      %sub3A_434 = vector.broadcast %sub3A_433 : f32 to vector<16xf32>
      %sub3A_435 = arith.subf %sub3A_434, %add3A_428 : vector<16xf32>
      %swap3A_436 = arith.constant 112 : index
      %swap3A_437 = tpu.vector_load %arg10[%swap3A_436] {strides = array<i32>} : memref<128xf32, #tpu.memory_space<vmem>>, vector<16xf32>,
      %swap3A_438 = vector.shape_cast %swap3A_437 : vector<16xf32> to vector<16xf32>
      %swap3A_439 = vector.shape_cast %sub3A_435 : vector<16xf32> to vector<16xf32>
      tpu.vector_store %arg10[%swap3A_436], %swap3A_439 {strides = array<i32>} : memref<128xf32, #tpu.memory_space<vmem>>, vector<16xf32>,
      "tpu.region"() ({
        %run_scoped3A = tpu.sem_alloc : memref<!tpu.dma_semaphore, #tpu.memory_space<semaphore_mem>>
        %dma_start3A = arith.constant 0 : i32
        %dma_start3A_563 = tpu.memref_slice %arg14[%dma_start3A] : memref<368640xf32, #tpu.memory_space<vmem_shared>> -> memref<368640xf32, #tpu.memory_space<vmem_shared>>
        tpu.enqueue_indirect_dma source(%arg12 : memref<128xf32, #tpu.memory_space<vmem>>) target(%dma_start3A_563 : memref<368640xf32, #tpu.memory_space<vmem_shared>>) offsets(%arg11 : memref<128xi32, #tpu.memory_space<vmem>>) semaphore(%run_scoped3A : memref<!tpu.dma_semaphore, #tpu.memory_space<semaphore_mem>>) {add = true}
        %dma_wait3A = arith.constant 0 : i32
        %dma_wait3A_564 = tpu.memref_slice %arg14[%dma_wait3A] : memref<368640xf32, #tpu.memory_space<vmem_shared>> -> memref<368640xf32, #tpu.memory_space<vmem_shared>>
        tpu.wait_indirect_dma semaphore(%run_scoped3A : memref<!tpu.dma_semaphore, #tpu.memory_space<semaphore_mem>>) src(%arg12 : memref<128xf32, #tpu.memory_space<vmem>>) dst(%dma_wait3A_564 : memref<368640xf32, #tpu.memory_space<vmem_shared>>)
        tpu.yield
      }) : () -> ()
      "tpu.region"() ({
        %run_scoped3A = tpu.sem_alloc : memref<!tpu.dma_semaphore, #tpu.memory_space<semaphore_mem>>
        %dma_start3A = arith.constant 0 : i32
        %dma_start3A_563 = tpu.memref_slice %arg14[%dma_start3A] : memref<368640xf32, #tpu.memory_space<vmem_shared>> -> memref<368640xf32, #tpu.memory_space<vmem_shared>>
        tpu.enqueue_indirect_dma source(%arg9 : memref<128xf32, #tpu.memory_space<vmem>>) target(%dma_start3A_563 : memref<368640xf32, #tpu.memory_space<vmem_shared>>) offsets(%arg8 : memref<128xi32, #tpu.memory_space<vmem>>) semaphore(%run_scoped3A : memref<!tpu.dma_semaphore, #tpu.memory_space<semaphore_mem>>) {add = true}
        %dma_wait3A = arith.constant 0 : i32
        %dma_wait3A_564 = tpu.memref_slice %arg14[%dma_wait3A] : memref<368640xf32, #tpu.memory_space<vmem_shared>> -> memref<368640xf32, #tpu.memory_space<vmem_shared>>
        tpu.wait_indirect_dma semaphore(%run_scoped3A : memref<!tpu.dma_semaphore, #tpu.memory_space<semaphore_mem>>) src(%arg9 : memref<128xf32, #tpu.memory_space<vmem>>) dst(%dma_wait3A_564 : memref<368640xf32, #tpu.memory_space<vmem_shared>>)
        tpu.yield
      }) : () -> ()
      %barrier3A_440 = arith.constant 0 : index
      tpu.barrier barrier_id(%barrier3A_440)
      %mul3A_441 = arith.constant 23040 : i32
      %mul3A_442 = arith.muli %arg1, %mul3A_441 : i32
      %sub3A_443 = arith.constant 32 : i32
      %sub3A_444 = arith.subi %add3A_104, %sub3A_443 : i32
      %mul3A_445 = arith.constant 368640 : i32
      %mul3A_446 = arith.muli %sub3A_444, %mul3A_445 : i32
      %mul3A_447 = arith.constant 23040 : i32
      %mul3A_448 = arith.muli %arg1, %mul3A_447 : i32
      %add3A_449 = arith.addi %mul3A_446, %mul3A_448 : i32
      "tpu.region"() ({
        %run_scoped3A = tpu.sem_alloc : memref<!tpu.dma_semaphore, #tpu.memory_space<semaphore_mem>>
        %dma_start3A = tpu.memref_slice %arg5[%add3A_449] : memref<5898240xf32, #tpu.memory_space<hbm>> -> memref<23040xf32, #tpu.memory_space<hbm>>
        %dma_start3A_563 = tpu.memref_slice %arg14[%mul3A_442] : memref<368640xf32, #tpu.memory_space<vmem_shared>> -> memref<23040xf32, #tpu.memory_space<vmem_shared>>
        tpu.enqueue_dma source(%dma_start3A_563 : memref<23040xf32, #tpu.memory_space<vmem_shared>>) target(%dma_start3A : memref<23040xf32, #tpu.memory_space<hbm>>) target_semaphore(%run_scoped3A : memref<!tpu.dma_semaphore, #tpu.memory_space<semaphore_mem>>)
        %dma_wait3A = tpu.memref_slice %arg5[%add3A_449] : memref<5898240xf32, #tpu.memory_space<hbm>> -> memref<23040xf32, #tpu.memory_space<hbm>>
        %dma_wait3A_564 = tpu.memref_slice %arg14[%mul3A_442] : memref<368640xf32, #tpu.memory_space<vmem_shared>> -> memref<23040xf32, #tpu.memory_space<vmem_shared>>
        tpu.wait_dma2 semaphore(%run_scoped3A : memref<!tpu.dma_semaphore, #tpu.memory_space<semaphore_mem>>) src(%dma_wait3A_564 : memref<23040xf32, #tpu.memory_space<vmem_shared>>) dst(%dma_wait3A : memref<23040xf32, #tpu.memory_space<hbm>>)
        tpu.yield
      }) : () -> ()
      %get3A_450 = arith.constant 0 : index
      %get3A_451 = tpu.vector_load %arg8[%get3A_450] {strides = array<i32>} : memref<128xi32, #tpu.memory_space<vmem>>, vector<16xi32>,
      %get3A_452 = vector.shape_cast %get3A_451 : vector<16xi32> to vector<16xi32>
      %swap3A_453 = arith.constant 0 : index
      %swap3A_454 = tpu.vector_load %arg11[%swap3A_453] {strides = array<i32>} : memref<128xi32, #tpu.memory_space<vmem>>, vector<16xi32>,
      %swap3A_455 = vector.shape_cast %swap3A_454 : vector<16xi32> to vector<16xi32>
      %swap3A_456 = vector.shape_cast %get3A_452 : vector<16xi32> to vector<16xi32>
      tpu.vector_store %arg11[%swap3A_453], %swap3A_456 {strides = array<i32>} : memref<128xi32, #tpu.memory_space<vmem>>, vector<16xi32>,
      %get3A_457 = arith.constant 0 : index
      %get3A_458 = tpu.vector_load %arg10[%get3A_457] {strides = array<i32>} : memref<128xf32, #tpu.memory_space<vmem>>, vector<16xf32>,
      %get3A_459 = vector.shape_cast %get3A_458 : vector<16xf32> to vector<16xf32>
      %swap3A_460 = arith.constant 0 : index
      %swap3A_461 = tpu.vector_load %arg12[%swap3A_460] {strides = array<i32>} : memref<128xf32, #tpu.memory_space<vmem>>, vector<16xf32>,
      %swap3A_462 = vector.shape_cast %swap3A_461 : vector<16xf32> to vector<16xf32>
      %swap3A_463 = vector.shape_cast %get3A_459 : vector<16xf32> to vector<16xf32>
      tpu.vector_store %arg12[%swap3A_460], %swap3A_463 {strides = array<i32>} : memref<128xf32, #tpu.memory_space<vmem>>, vector<16xf32>,
      %get3A_464 = arith.constant 16 : index
      %get3A_465 = tpu.vector_load %arg8[%get3A_464] {strides = array<i32>} : memref<128xi32, #tpu.memory_space<vmem>>, vector<16xi32>,
      %get3A_466 = vector.shape_cast %get3A_465 : vector<16xi32> to vector<16xi32>
      %swap3A_467 = arith.constant 16 : index
      %swap3A_468 = tpu.vector_load %arg11[%swap3A_467] {strides = array<i32>} : memref<128xi32, #tpu.memory_space<vmem>>, vector<16xi32>,
      %swap3A_469 = vector.shape_cast %swap3A_468 : vector<16xi32> to vector<16xi32>
      %swap3A_470 = vector.shape_cast %get3A_466 : vector<16xi32> to vector<16xi32>
      tpu.vector_store %arg11[%swap3A_467], %swap3A_470 {strides = array<i32>} : memref<128xi32, #tpu.memory_space<vmem>>, vector<16xi32>,
      %get3A_471 = arith.constant 16 : index
      %get3A_472 = tpu.vector_load %arg10[%get3A_471] {strides = array<i32>} : memref<128xf32, #tpu.memory_space<vmem>>, vector<16xf32>,
      %get3A_473 = vector.shape_cast %get3A_472 : vector<16xf32> to vector<16xf32>
      %swap3A_474 = arith.constant 16 : index
      %swap3A_475 = tpu.vector_load %arg12[%swap3A_474] {strides = array<i32>} : memref<128xf32, #tpu.memory_space<vmem>>, vector<16xf32>,
      %swap3A_476 = vector.shape_cast %swap3A_475 : vector<16xf32> to vector<16xf32>
      %swap3A_477 = vector.shape_cast %get3A_473 : vector<16xf32> to vector<16xf32>
      tpu.vector_store %arg12[%swap3A_474], %swap3A_477 {strides = array<i32>} : memref<128xf32, #tpu.memory_space<vmem>>, vector<16xf32>,
      %get3A_478 = arith.constant 32 : index
      %get3A_479 = tpu.vector_load %arg8[%get3A_478] {strides = array<i32>} : memref<128xi32, #tpu.memory_space<vmem>>, vector<16xi32>,
      %get3A_480 = vector.shape_cast %get3A_479 : vector<16xi32> to vector<16xi32>
      %swap3A_481 = arith.constant 32 : index
      %swap3A_482 = tpu.vector_load %arg11[%swap3A_481] {strides = array<i32>} : memref<128xi32, #tpu.memory_space<vmem>>, vector<16xi32>,
      %swap3A_483 = vector.shape_cast %swap3A_482 : vector<16xi32> to vector<16xi32>
      %swap3A_484 = vector.shape_cast %get3A_480 : vector<16xi32> to vector<16xi32>
      tpu.vector_store %arg11[%swap3A_481], %swap3A_484 {strides = array<i32>} : memref<128xi32, #tpu.memory_space<vmem>>, vector<16xi32>,
      %get3A_485 = arith.constant 32 : index
      %get3A_486 = tpu.vector_load %arg10[%get3A_485] {strides = array<i32>} : memref<128xf32, #tpu.memory_space<vmem>>, vector<16xf32>,
      %get3A_487 = vector.shape_cast %get3A_486 : vector<16xf32> to vector<16xf32>
      %swap3A_488 = arith.constant 32 : index
      %swap3A_489 = tpu.vector_load %arg12[%swap3A_488] {strides = array<i32>} : memref<128xf32, #tpu.memory_space<vmem>>, vector<16xf32>,
      %swap3A_490 = vector.shape_cast %swap3A_489 : vector<16xf32> to vector<16xf32>
      %swap3A_491 = vector.shape_cast %get3A_487 : vector<16xf32> to vector<16xf32>
      tpu.vector_store %arg12[%swap3A_488], %swap3A_491 {strides = array<i32>} : memref<128xf32, #tpu.memory_space<vmem>>, vector<16xf32>,
      %get3A_492 = arith.constant 48 : index
      %get3A_493 = tpu.vector_load %arg8[%get3A_492] {strides = array<i32>} : memref<128xi32, #tpu.memory_space<vmem>>, vector<16xi32>,
      %get3A_494 = vector.shape_cast %get3A_493 : vector<16xi32> to vector<16xi32>
      %swap3A_495 = arith.constant 48 : index
      %swap3A_496 = tpu.vector_load %arg11[%swap3A_495] {strides = array<i32>} : memref<128xi32, #tpu.memory_space<vmem>>, vector<16xi32>,
      %swap3A_497 = vector.shape_cast %swap3A_496 : vector<16xi32> to vector<16xi32>
      %swap3A_498 = vector.shape_cast %get3A_494 : vector<16xi32> to vector<16xi32>
      tpu.vector_store %arg11[%swap3A_495], %swap3A_498 {strides = array<i32>} : memref<128xi32, #tpu.memory_space<vmem>>, vector<16xi32>,
      %get3A_499 = arith.constant 48 : index
      %get3A_500 = tpu.vector_load %arg10[%get3A_499] {strides = array<i32>} : memref<128xf32, #tpu.memory_space<vmem>>, vector<16xf32>,
      %get3A_501 = vector.shape_cast %get3A_500 : vector<16xf32> to vector<16xf32>
      %swap3A_502 = arith.constant 48 : index
      %swap3A_503 = tpu.vector_load %arg12[%swap3A_502] {strides = array<i32>} : memref<128xf32, #tpu.memory_space<vmem>>, vector<16xf32>,
      %swap3A_504 = vector.shape_cast %swap3A_503 : vector<16xf32> to vector<16xf32>
      %swap3A_505 = vector.shape_cast %get3A_501 : vector<16xf32> to vector<16xf32>
      tpu.vector_store %arg12[%swap3A_502], %swap3A_505 {strides = array<i32>} : memref<128xf32, #tpu.memory_space<vmem>>, vector<16xf32>,
      %get3A_506 = arith.constant 64 : index
      %get3A_507 = tpu.vector_load %arg8[%get3A_506] {strides = array<i32>} : memref<128xi32, #tpu.memory_space<vmem>>, vector<16xi32>,
      %get3A_508 = vector.shape_cast %get3A_507 : vector<16xi32> to vector<16xi32>
      %swap3A_509 = arith.constant 64 : index
      %swap3A_510 = tpu.vector_load %arg11[%swap3A_509] {strides = array<i32>} : memref<128xi32, #tpu.memory_space<vmem>>, vector<16xi32>,
      %swap3A_511 = vector.shape_cast %swap3A_510 : vector<16xi32> to vector<16xi32>
      %swap3A_512 = vector.shape_cast %get3A_508 : vector<16xi32> to vector<16xi32>
      tpu.vector_store %arg11[%swap3A_509], %swap3A_512 {strides = array<i32>} : memref<128xi32, #tpu.memory_space<vmem>>, vector<16xi32>,
      %get3A_513 = arith.constant 64 : index
      %get3A_514 = tpu.vector_load %arg10[%get3A_513] {strides = array<i32>} : memref<128xf32, #tpu.memory_space<vmem>>, vector<16xf32>,
      %get3A_515 = vector.shape_cast %get3A_514 : vector<16xf32> to vector<16xf32>
      %swap3A_516 = arith.constant 64 : index
      %swap3A_517 = tpu.vector_load %arg12[%swap3A_516] {strides = array<i32>} : memref<128xf32, #tpu.memory_space<vmem>>, vector<16xf32>,
      %swap3A_518 = vector.shape_cast %swap3A_517 : vector<16xf32> to vector<16xf32>
      %swap3A_519 = vector.shape_cast %get3A_515 : vector<16xf32> to vector<16xf32>
      tpu.vector_store %arg12[%swap3A_516], %swap3A_519 {strides = array<i32>} : memref<128xf32, #tpu.memory_space<vmem>>, vector<16xf32>,
      %get3A_520 = arith.constant 80 : index
      %get3A_521 = tpu.vector_load %arg8[%get3A_520] {strides = array<i32>} : memref<128xi32, #tpu.memory_space<vmem>>, vector<16xi32>,
      %get3A_522 = vector.shape_cast %get3A_521 : vector<16xi32> to vector<16xi32>
      %swap3A_523 = arith.constant 80 : index
      %swap3A_524 = tpu.vector_load %arg11[%swap3A_523] {strides = array<i32>} : memref<128xi32, #tpu.memory_space<vmem>>, vector<16xi32>,
      %swap3A_525 = vector.shape_cast %swap3A_524 : vector<16xi32> to vector<16xi32>
      %swap3A_526 = vector.shape_cast %get3A_522 : vector<16xi32> to vector<16xi32>
      tpu.vector_store %arg11[%swap3A_523], %swap3A_526 {strides = array<i32>} : memref<128xi32, #tpu.memory_space<vmem>>, vector<16xi32>,
      %get3A_527 = arith.constant 80 : index
      %get3A_528 = tpu.vector_load %arg10[%get3A_527] {strides = array<i32>} : memref<128xf32, #tpu.memory_space<vmem>>, vector<16xf32>,
      %get3A_529 = vector.shape_cast %get3A_528 : vector<16xf32> to vector<16xf32>
      %swap3A_530 = arith.constant 80 : index
      %swap3A_531 = tpu.vector_load %arg12[%swap3A_530] {strides = array<i32>} : memref<128xf32, #tpu.memory_space<vmem>>, vector<16xf32>,
      %swap3A_532 = vector.shape_cast %swap3A_531 : vector<16xf32> to vector<16xf32>
      %swap3A_533 = vector.shape_cast %get3A_529 : vector<16xf32> to vector<16xf32>
      tpu.vector_store %arg12[%swap3A_530], %swap3A_533 {strides = array<i32>} : memref<128xf32, #tpu.memory_space<vmem>>, vector<16xf32>,
      %get3A_534 = arith.constant 96 : index
      %get3A_535 = tpu.vector_load %arg8[%get3A_534] {strides = array<i32>} : memref<128xi32, #tpu.memory_space<vmem>>, vector<16xi32>,
      %get3A_536 = vector.shape_cast %get3A_535 : vector<16xi32> to vector<16xi32>
      %swap3A_537 = arith.constant 96 : index
      %swap3A_538 = tpu.vector_load %arg11[%swap3A_537] {strides = array<i32>} : memref<128xi32, #tpu.memory_space<vmem>>, vector<16xi32>,
      %swap3A_539 = vector.shape_cast %swap3A_538 : vector<16xi32> to vector<16xi32>
      %swap3A_540 = vector.shape_cast %get3A_536 : vector<16xi32> to vector<16xi32>
      tpu.vector_store %arg11[%swap3A_537], %swap3A_540 {strides = array<i32>} : memref<128xi32, #tpu.memory_space<vmem>>, vector<16xi32>,
      %get3A_541 = arith.constant 96 : index
      %get3A_542 = tpu.vector_load %arg10[%get3A_541] {strides = array<i32>} : memref<128xf32, #tpu.memory_space<vmem>>, vector<16xf32>,
      %get3A_543 = vector.shape_cast %get3A_542 : vector<16xf32> to vector<16xf32>
      %swap3A_544 = arith.constant 96 : index
      %swap3A_545 = tpu.vector_load %arg12[%swap3A_544] {strides = array<i32>} : memref<128xf32, #tpu.memory_space<vmem>>, vector<16xf32>,
      %swap3A_546 = vector.shape_cast %swap3A_545 : vector<16xf32> to vector<16xf32>
      %swap3A_547 = vector.shape_cast %get3A_543 : vector<16xf32> to vector<16xf32>
      tpu.vector_store %arg12[%swap3A_544], %swap3A_547 {strides = array<i32>} : memref<128xf32, #tpu.memory_space<vmem>>, vector<16xf32>,
      %get3A_548 = arith.constant 112 : index
      %get3A_549 = tpu.vector_load %arg8[%get3A_548] {strides = array<i32>} : memref<128xi32, #tpu.memory_space<vmem>>, vector<16xi32>,
      %get3A_550 = vector.shape_cast %get3A_549 : vector<16xi32> to vector<16xi32>
      %swap3A_551 = arith.constant 112 : index
      %swap3A_552 = tpu.vector_load %arg11[%swap3A_551] {strides = array<i32>} : memref<128xi32, #tpu.memory_space<vmem>>, vector<16xi32>,
      %swap3A_553 = vector.shape_cast %swap3A_552 : vector<16xi32> to vector<16xi32>
      %swap3A_554 = vector.shape_cast %get3A_550 : vector<16xi32> to vector<16xi32>
      tpu.vector_store %arg11[%swap3A_551], %swap3A_554 {strides = array<i32>} : memref<128xi32, #tpu.memory_space<vmem>>, vector<16xi32>,
      %get3A_555 = arith.constant 112 : index
      %get3A_556 = tpu.vector_load %arg10[%get3A_555] {strides = array<i32>} : memref<128xf32, #tpu.memory_space<vmem>>, vector<16xf32>,
      %get3A_557 = vector.shape_cast %get3A_556 : vector<16xf32> to vector<16xf32>
      %swap3A_558 = arith.constant 112 : index
      %swap3A_559 = tpu.vector_load %arg12[%swap3A_558] {strides = array<i32>} : memref<128xf32, #tpu.memory_space<vmem>>, vector<16xf32>,
      %swap3A_560 = vector.shape_cast %swap3A_559 : vector<16xf32> to vector<16xf32>
      %swap3A_561 = vector.shape_cast %get3A_557 : vector<16xf32> to vector<16xf32>
      tpu.vector_store %arg12[%swap3A_558], %swap3A_561 {strides = array<i32>} : memref<128xf32, #tpu.memory_space<vmem>>, vector<16xf32>,
      %barrier3A_562 = arith.constant 0 : index
      tpu.barrier barrier_id(%barrier3A_562)
    }
    %scan3A_99 = arith.constant 8 : i32
    return
  }
}

module attributes {stable_mosaic.version = 14 : i64} {
  func.func @_bdmax_body(%arg0: memref<64x2048xf32, #tpu.memory_space<vmem>>, %arg1: memref<1x1xf32, #tpu.memory_space<smem>>) attributes {dimension_semantics = [], scalar_prefetch = 0 : i64, scratch_operands = 0 : i64, tpu.core_type = #tpu.core_type<tc>} {
    %get3A = arith.constant 0 : index
    %get3A_0 = arith.constant 0 : index
    %get3A_1 = vector.load %arg0[%get3A, %get3A_0] : memref<64x2048xf32, #tpu.memory_space<vmem>>, vector<64x2048xf32>
    %reduce_max3A = vector.shape_cast %get3A_1 : vector<64x2048xf32> to vector<1x64x2048xf32>
    %reduce_max3A_2 = arith.constant dense<0xFF800000> : vector<1xf32>
    %reduce_max3A_3 = vector.multi_reduction <maximumf>, %reduce_max3A, %reduce_max3A_2 [1, 2] : vector<1x64x2048xf32> to vector<1xf32>
    %reduce_max3A_4 = vector.shape_cast %reduce_max3A_3 : vector<1xf32> to vector<1x1x1xf32>
    %reduce_max3A_5 = vector.extract %reduce_max3A_4[0, 0, 0] : f32 from vector<1x1x1xf32>
    %swap3A = arith.constant 0 : index
    %swap3A_6 = arith.constant 0 : index
    %swap3A_7 = memref.load %arg1[%swap3A, %swap3A_6] : memref<1x1xf32, #tpu.memory_space<smem>>
    memref.store %reduce_max3A_5, %arg1[%swap3A, %swap3A_6] : memref<1x1xf32, #tpu.memory_space<smem>>
    return
  }
}

module attributes {stable_mosaic.version = 14 : i64} {
  func.func @gnn_main_g1(%arg0: i32, %arg1: memref<1x1xf32, #tpu.memory_space<smem>>, %arg2: memref<1x558x128xf32, #tpu.memory_space<vmem>>, %arg3: memref<1x558x48xf32, #tpu.memory_space<vmem>>, %arg4: memref<1x5x576x128xf32, #tpu.memory_space<vmem>>, %arg5: memref<128x256xf32, #tpu.memory_space<vmem>>, %arg6: memref<256x4xf32, #tpu.memory_space<vmem>>, %arg7: memref<256x4xf32, #tpu.memory_space<vmem>>, %arg8: memref<1x256xf32, #tpu.memory_space<vmem>>, %arg9: memref<48x160xf32, #tpu.memory_space<vmem>>, %arg10: memref<1x32xf32, #tpu.memory_space<vmem>>, %arg11: memref<256x128xf32, #tpu.memory_space<vmem>>, %arg12: memref<32x128xf32, #tpu.memory_space<vmem>>, %arg13: memref<1x128xf32, #tpu.memory_space<vmem>>, %arg14: memref<128x128xf32, #tpu.memory_space<vmem>>, %arg15: memref<1x128xf32, #tpu.memory_space<vmem>>, %arg16: memref<640x1xf32, #tpu.memory_space<vmem>>, %arg17: memref<1x1x128xf32, #tpu.memory_space<vmem>>) attributes {dimension_semantics = [#tpu.dimension_semantics<arbitrary>], iteration_bounds = array<i64: 16>, scalar_prefetch = 0 : i64, scratch_operands = 0 : i64, tpu.core_type = #tpu.core_type<tc>, window_params = [{transform_indices = @transform_0, window_bounds = array<i64: 1, 1>}, {transform_indices = @transform_1, window_bounds = array<i64: 1, 558, 128>}, {transform_indices = @transform_2, window_bounds = array<i64: 1, 558, 48>}, {transform_indices = @transform_3, window_bounds = array<i64: 1, 5, 576, 128>}, {pipeline_mode = #tpu.pipeline_mode<synchronous>, transform_indices = @transform_4, window_bounds = array<i64: 128, 256>}, {pipeline_mode = #tpu.pipeline_mode<synchronous>, transform_indices = @transform_5, window_bounds = array<i64: 256, 4>}, {pipeline_mode = #tpu.pipeline_mode<synchronous>, transform_indices = @transform_6, window_bounds = array<i64: 256, 4>}, {pipeline_mode = #tpu.pipeline_mode<synchronous>, transform_indices = @transform_7, window_bounds = array<i64: 1, 256>}, {pipeline_mode = #tpu.pipeline_mode<synchronous>, transform_indices = @transform_8, window_bounds = array<i64: 48, 160>}, {pipeline_mode = #tpu.pipeline_mode<synchronous>, transform_indices = @transform_9, window_bounds = array<i64: 1, 32>}, {pipeline_mode = #tpu.pipeline_mode<synchronous>, transform_indices = @transform_10, window_bounds = array<i64: 256, 128>}, {pipeline_mode = #tpu.pipeline_mode<synchronous>, transform_indices = @transform_11, window_bounds = array<i64: 32, 128>}, {pipeline_mode = #tpu.pipeline_mode<synchronous>, transform_indices = @transform_12, window_bounds = array<i64: 1, 128>}, {pipeline_mode = #tpu.pipeline_mode<synchronous>, transform_indices = @transform_13, window_bounds = array<i64: 128, 128>}, {pipeline_mode = #tpu.pipeline_mode<synchronous>, transform_indices = @transform_14, window_bounds = array<i64: 1, 128>}, {pipeline_mode = #tpu.pipeline_mode<synchronous>, transform_indices = @transform_15, window_bounds = array<i64: 640, 1>}, {transform_indices = @transform_16, window_bounds = array<i64: 1, 1, 128>}]} {
    %get3A = arith.constant 0 : index
    %get3A_0 = arith.constant 0 : index
    %get3A_1 = arith.constant 0 : index
    %get3A_2 = vector.load %arg2[%get3A, %get3A_0, %get3A_1] : memref<1x558x128xf32, #tpu.memory_space<vmem>>, vector<1x558x128xf32>
    %get3A_3 = vector.shape_cast %get3A_2 : vector<1x558x128xf32> to vector<558x128xf32>
    %get3A_4 = arith.constant 0 : index
    %get3A_5 = arith.constant 0 : index
    %get3A_6 = vector.load %arg5[%get3A_4, %get3A_5] : memref<128x256xf32, #tpu.memory_space<vmem>>, vector<128x256xf32>
    %dot_general3A = arith.constant dense<0.000000e+00> : vector<558x256xf32>
    %dot_general3A_7 = tpu.matmul %get3A_3, %get3A_6, %dot_general3A {dimension_numbers = #tpu.dot_dimension_numbers<[1], [0], [0], [1], [0, 0, 1, 1], [], []>, transpose_lhs_hint = false} : vector<558x128xf32>, vector<128x256xf32>, vector<558x256xf32> -> vector<558x256xf32>
    %get3A_8 = arith.constant 0 : index
    %get3A_9 = arith.constant 0 : index
    %get3A_10 = vector.load %arg6[%get3A_8, %get3A_9] : memref<256x4xf32, #tpu.memory_space<vmem>>, vector<256x4xf32>
    %dot_general3A_11 = arith.constant dense<0.000000e+00> : vector<558x4xf32>
    %dot_general3A_12 = tpu.matmul %dot_general3A_7, %get3A_10, %dot_general3A_11 {dimension_numbers = #tpu.dot_dimension_numbers<[1], [0], [0], [1], [0, 0, 1, 1], [], []>, transpose_lhs_hint = false} : vector<558x256xf32>, vector<256x4xf32>, vector<558x4xf32> -> vector<558x4xf32>
    %get3A_13 = arith.constant 0 : index
    %get3A_14 = arith.constant 0 : index
    %get3A_15 = vector.load %arg7[%get3A_13, %get3A_14] : memref<256x4xf32, #tpu.memory_space<vmem>>, vector<256x4xf32>
    %dot_general3A_16 = arith.constant dense<0.000000e+00> : vector<558x4xf32>
    %dot_general3A_17 = tpu.matmul %dot_general3A_7, %get3A_15, %dot_general3A_16 {dimension_numbers = #tpu.dot_dimension_numbers<[1], [0], [0], [1], [0, 0, 1, 1], [], []>, transpose_lhs_hint = false} : vector<558x256xf32>, vector<256x4xf32>, vector<558x4xf32> -> vector<558x4xf32>
    %jit3A = arith.constant 0 : i32
    %convert_element_type3A = arith.sitofp %jit3A : i32 to f32
    %pad3A = vector.broadcast %convert_element_type3A : f32 to vector<82x256xf32>
    %pad3A_18 = tpu.concatenate %dot_general3A_7, %pad3A in 0 : vector<558x256xf32>, vector<82x256xf32> -> vector<640x256xf32>
    %get3A_19 = arith.constant 0 : index
    %get3A_20 = arith.constant 0 : index
    %get3A_21 = vector.load %arg6[%get3A_19, %get3A_20] : memref<256x4xf32, #tpu.memory_space<vmem>>, vector<256x4xf32>
    %dot_general3A_22 = arith.constant dense<0.000000e+00> : vector<4x640xf32>
    %dot_general3A_23 = tpu.matmul %get3A_21, %pad3A_18, %dot_general3A_22 {dimension_numbers = #tpu.dot_dimension_numbers<[0], [1], [1], [0], [0, 1, 1, 0], [], []>, transpose_lhs_hint = false} : vector<256x4xf32>, vector<640x256xf32>, vector<4x640xf32> -> vector<4x640xf32>
    %get3A_24 = arith.constant 0 : index
    %get3A_25 = arith.constant 0 : index
    %get3A_26 = arith.constant 0 : index
    %get3A_27 = arith.constant 0 : index
    %get3A_28 = vector.load %arg4[%get3A_24, %get3A_25, %get3A_26, %get3A_27] : memref<1x5x576x128xf32, #tpu.memory_space<vmem>>, vector<1x5x576x128xf32>
    %get3A_29 = vector.shape_cast %get3A_28 : vector<1x5x576x128xf32> to vector<5x576x128xf32>
    %slice3A = vector.extract_strided_slice %get3A_29 {offsets = [0, 0, 0], sizes = [1, 576, 128], strides = [1, 1, 1]} : vector<5x576x128xf32> to vector<1x576x128xf32>
    %squeeze3A = vector.shape_cast %slice3A : vector<1x576x128xf32> to vector<576x128xf32>
    %slice3A_30 = vector.extract_strided_slice %squeeze3A {offsets = [0, 0], sizes = [558, 128], strides = [1, 1]} : vector<576x128xf32> to vector<558x128xf32>
    %max3A = arith.constant 0.000000e+00 : f32
    %max3A_31 = vector.broadcast %max3A : f32 to vector<558x128xf32>
    %max3A_32 = arith.maximumf %slice3A_30, %max3A_31 : vector<558x128xf32>
    %mul3A = arith.constant 1.562500e-02 : f32
    %mul3A_33 = vector.broadcast %mul3A : f32 to vector<558x128xf32>
    %mul3A_34 = arith.mulf %max3A_32, %mul3A_33 : vector<558x128xf32>
    %floor3A = math.floor %mul3A_34 : vector<558x128xf32>
    %mul3A_35 = arith.constant 6.400000e+01 : f32
    %mul3A_36 = vector.broadcast %mul3A_35 : f32 to vector<558x128xf32>
    %mul3A_37 = arith.mulf %mul3A_36, %floor3A : vector<558x128xf32>
    %sub3A = arith.subf %max3A_32, %mul3A_37 : vector<558x128xf32>
    %slice3A_38 = vector.extract_strided_slice %get3A_29 {offsets = [1, 0, 0], sizes = [1, 576, 128], strides = [1, 1, 1]} : vector<5x576x128xf32> to vector<1x576x128xf32>
    %squeeze3A_39 = vector.shape_cast %slice3A_38 : vector<1x576x128xf32> to vector<576x128xf32>
    %slice3A_40 = vector.extract_strided_slice %squeeze3A_39 {offsets = [0, 0], sizes = [558, 128], strides = [1, 1]} : vector<576x128xf32> to vector<558x128xf32>
    %max3A_41 = arith.constant 0.000000e+00 : f32
    %max3A_42 = vector.broadcast %max3A_41 : f32 to vector<558x128xf32>
    %max3A_43 = arith.maximumf %slice3A_40, %max3A_42 : vector<558x128xf32>
    %mul3A_44 = arith.constant 1.562500e-02 : f32
    %mul3A_45 = vector.broadcast %mul3A_44 : f32 to vector<558x128xf32>
    %mul3A_46 = arith.mulf %max3A_43, %mul3A_45 : vector<558x128xf32>
    %floor3A_47 = math.floor %mul3A_46 : vector<558x128xf32>
    %mul3A_48 = arith.constant 6.400000e+01 : f32
    %mul3A_49 = vector.broadcast %mul3A_48 : f32 to vector<558x128xf32>
    %mul3A_50 = arith.mulf %mul3A_49, %floor3A_47 : vector<558x128xf32>
    %sub3A_51 = arith.subf %max3A_43, %mul3A_50 : vector<558x128xf32>
    %slice3A_52 = vector.extract_strided_slice %get3A_29 {offsets = [2, 0, 0], sizes = [1, 576, 128], strides = [1, 1, 1]} : vector<5x576x128xf32> to vector<1x576x128xf32>
    %squeeze3A_53 = vector.shape_cast %slice3A_52 : vector<1x576x128xf32> to vector<576x128xf32>
    %slice3A_54 = vector.extract_strided_slice %squeeze3A_53 {offsets = [0, 0], sizes = [558, 128], strides = [1, 1]} : vector<576x128xf32> to vector<558x128xf32>
    %max3A_55 = arith.constant 0.000000e+00 : f32
    %max3A_56 = vector.broadcast %max3A_55 : f32 to vector<558x128xf32>
    %max3A_57 = arith.maximumf %slice3A_54, %max3A_56 : vector<558x128xf32>
    %mul3A_58 = arith.constant 1.562500e-02 : f32
    %mul3A_59 = vector.broadcast %mul3A_58 : f32 to vector<558x128xf32>
    %mul3A_60 = arith.mulf %max3A_57, %mul3A_59 : vector<558x128xf32>
    %floor3A_61 = math.floor %mul3A_60 : vector<558x128xf32>
    %mul3A_62 = arith.constant 6.400000e+01 : f32
    %mul3A_63 = vector.broadcast %mul3A_62 : f32 to vector<558x128xf32>
    %mul3A_64 = arith.mulf %mul3A_63, %floor3A_61 : vector<558x128xf32>
    %sub3A_65 = arith.subf %max3A_57, %mul3A_64 : vector<558x128xf32>
    %slice3A_66 = vector.extract_strided_slice %get3A_29 {offsets = [3, 0, 0], sizes = [1, 576, 128], strides = [1, 1, 1]} : vector<5x576x128xf32> to vector<1x576x128xf32>
    %squeeze3A_67 = vector.shape_cast %slice3A_66 : vector<1x576x128xf32> to vector<576x128xf32>
    %slice3A_68 = vector.extract_strided_slice %squeeze3A_67 {offsets = [0, 0], sizes = [558, 128], strides = [1, 1]} : vector<576x128xf32> to vector<558x128xf32>
    %max3A_69 = arith.constant 0.000000e+00 : f32
    %max3A_70 = vector.broadcast %max3A_69 : f32 to vector<558x128xf32>
    %max3A_71 = arith.maximumf %slice3A_68, %max3A_70 : vector<558x128xf32>
    %mul3A_72 = arith.constant 1.562500e-02 : f32
    %mul3A_73 = vector.broadcast %mul3A_72 : f32 to vector<558x128xf32>
    %mul3A_74 = arith.mulf %max3A_71, %mul3A_73 : vector<558x128xf32>
    %floor3A_75 = math.floor %mul3A_74 : vector<558x128xf32>
    %mul3A_76 = arith.constant 6.400000e+01 : f32
    %mul3A_77 = vector.broadcast %mul3A_76 : f32 to vector<558x128xf32>
    %mul3A_78 = arith.mulf %mul3A_77, %floor3A_75 : vector<558x128xf32>
    %sub3A_79 = arith.subf %max3A_71, %mul3A_78 : vector<558x128xf32>
    %slice3A_80 = vector.extract_strided_slice %get3A_29 {offsets = [4, 0, 0], sizes = [1, 576, 128], strides = [1, 1, 1]} : vector<5x576x128xf32> to vector<1x576x128xf32>
    %squeeze3A_81 = vector.shape_cast %slice3A_80 : vector<1x576x128xf32> to vector<576x128xf32>
    %slice3A_82 = vector.extract_strided_slice %squeeze3A_81 {offsets = [0, 0], sizes = [558, 128], strides = [1, 1]} : vector<576x128xf32> to vector<558x128xf32>
    %max3A_83 = arith.constant 0.000000e+00 : f32
    %max3A_84 = vector.broadcast %max3A_83 : f32 to vector<558x128xf32>
    %max3A_85 = arith.maximumf %slice3A_82, %max3A_84 : vector<558x128xf32>
    %mul3A_86 = arith.constant 1.562500e-02 : f32
    %mul3A_87 = vector.broadcast %mul3A_86 : f32 to vector<558x128xf32>
    %mul3A_88 = arith.mulf %max3A_85, %mul3A_87 : vector<558x128xf32>
    %floor3A_89 = math.floor %mul3A_88 : vector<558x128xf32>
    %mul3A_90 = arith.constant 6.400000e+01 : f32
    %mul3A_91 = vector.broadcast %mul3A_90 : f32 to vector<558x128xf32>
    %mul3A_92 = arith.mulf %mul3A_91, %floor3A_89 : vector<558x128xf32>
    %sub3A_93 = arith.subf %max3A_85, %mul3A_92 : vector<558x128xf32>
    %concatenate3A = tpu.concatenate %floor3A, %floor3A_47, %floor3A_61, %floor3A_75, %floor3A_89 in 1 : vector<558x128xf32>, vector<558x128xf32>, vector<558x128xf32>, vector<558x128xf32>, vector<558x128xf32> -> vector<558x640xf32>
    %concatenate3A_94 = tpu.concatenate %sub3A, %sub3A_51, %sub3A_65, %sub3A_79, %sub3A_93 in 1 : vector<558x128xf32>, vector<558x128xf32>, vector<558x128xf32>, vector<558x128xf32>, vector<558x128xf32> -> vector<558x640xf32>
    %get3A_95 = arith.constant 0 : index
    %get3A_96 = arith.constant 0 : index
    %get3A_97 = vector.load %arg16[%get3A_95, %get3A_96] : memref<640x1xf32, #tpu.memory_space<vmem>>, vector<640x1xf32>
    %slice3A_98 = vector.extract_strided_slice %dot_general3A_17 {offsets = [0, 0], sizes = [558, 1], strides = [1, 1]} : vector<558x4xf32> to vector<558x1xf32>
    %slice3A_99 = vector.extract_strided_slice %dot_general3A_23 {offsets = [0, 0], sizes = [1, 640], strides = [1, 1]} : vector<4x640xf32> to vector<1x640xf32>
    %add3A = vector.broadcast %slice3A_98 : vector<558x1xf32> to vector<558x640xf32>
    %add3A_100 = vector.broadcast %slice3A_99 : vector<1x640xf32> to vector<558x640xf32>
    %add3A_101 = arith.addf %add3A, %add3A_100 : vector<558x640xf32>
    %mul3A_102 = arith.constant 2.000000e-01 : f32
    %mul3A_103 = vector.broadcast %mul3A_102 : f32 to vector<558x640xf32>
    %mul3A_104 = arith.mulf %mul3A_103, %add3A_101 : vector<558x640xf32>
    %max3A_105 = arith.maximumf %add3A_101, %mul3A_104 : vector<558x640xf32>
    %exp3A = math.exp %max3A_105 : vector<558x640xf32>
    %mul3A_106 = arith.mulf %concatenate3A, %exp3A : vector<558x640xf32>
    %slice3A_107 = vector.extract_strided_slice %dot_general3A_12 {offsets = [0, 0], sizes = [558, 1], strides = [1, 1]} : vector<558x4xf32> to vector<558x1xf32>
    %slice3A_108 = vector.extract_strided_slice %dot_general3A_17 {offsets = [0, 0], sizes = [558, 1], strides = [1, 1]} : vector<558x4xf32> to vector<558x1xf32>
    %add3A_109 = arith.addf %slice3A_107, %slice3A_108 : vector<558x1xf32>
    %mul3A_110 = arith.constant 2.000000e-01 : f32
    %mul3A_111 = vector.broadcast %mul3A_110 : f32 to vector<558x1xf32>
    %mul3A_112 = arith.mulf %mul3A_111, %add3A_109 : vector<558x1xf32>
    %max3A_113 = arith.maximumf %add3A_109, %mul3A_112 : vector<558x1xf32>
    %exp3A_114 = math.exp %max3A_113 : vector<558x1xf32>
    %slice3A_115 = vector.extract_strided_slice %dot_general3A_7 {offsets = [0, 0], sizes = [558, 64], strides = [1, 1]} : vector<558x256xf32> to vector<558x64xf32>
    %slice3A_116 = vector.extract_strided_slice %pad3A_18 {offsets = [0, 0], sizes = [640, 64], strides = [1, 1]} : vector<640x256xf32> to vector<640x64xf32>
    %concatenate3A_117 = tpu.concatenate %slice3A_116, %get3A_97 in 1 : vector<640x64xf32>, vector<640x1xf32> -> vector<640x65xf32>
    %dot_general3A_118 = arith.constant dense<0.000000e+00> : vector<558x65xf32>
    %dot_general3A_119 = tpu.matmul %mul3A_106, %concatenate3A_117, %dot_general3A_118 {dimension_numbers = #tpu.dot_dimension_numbers<[1], [0], [0], [1], [0, 0, 1, 1], [], []>, transpose_lhs_hint = false} : vector<558x640xf32>, vector<640x65xf32>, vector<558x65xf32> -> vector<558x65xf32>
    %slice3A_120 = vector.extract_strided_slice %dot_general3A_119 {offsets = [0, 64], sizes = [558, 1], strides = [1, 1]} : vector<558x65xf32> to vector<558x1xf32>
    %add3A_121 = arith.addf %slice3A_120, %exp3A_114 : vector<558x1xf32>
    %add3A_122 = arith.constant 1.000000e-16 : f32
    %add3A_123 = vector.broadcast %add3A_122 : f32 to vector<558x1xf32>
    %add3A_124 = arith.addf %add3A_121, %add3A_123 : vector<558x1xf32>
    %div3A = arith.constant 1.000000e+00 : f32
    %div3A_125 = vector.broadcast %div3A : f32 to vector<558x1xf32>
    %div3A_126 = arith.divf %div3A_125, %add3A_124 : vector<558x1xf32>
    %slice3A_127 = vector.extract_strided_slice %dot_general3A_119 {offsets = [0, 0], sizes = [558, 64], strides = [1, 1]} : vector<558x65xf32> to vector<558x64xf32>
    %mul3A_128 = vector.broadcast %div3A_126 : vector<558x1xf32> to vector<558x64xf32>
    %mul3A_129 = arith.mulf %mul3A_128, %slice3A_127 : vector<558x64xf32>
    %mul3A_130 = arith.mulf %exp3A_114, %div3A_126 : vector<558x1xf32>
    %mul3A_131 = vector.broadcast %mul3A_130 : vector<558x1xf32> to vector<558x64xf32>
    %mul3A_132 = arith.mulf %mul3A_131, %slice3A_115 : vector<558x64xf32>
    %add3A_133 = arith.addf %mul3A_129, %mul3A_132 : vector<558x64xf32>
    %slice3A_134 = vector.extract_strided_slice %dot_general3A_17 {offsets = [0, 1], sizes = [558, 1], strides = [1, 1]} : vector<558x4xf32> to vector<558x1xf32>
    %slice3A_135 = vector.extract_strided_slice %dot_general3A_23 {offsets = [1, 0], sizes = [1, 640], strides = [1, 1]} : vector<4x640xf32> to vector<1x640xf32>
    %add3A_136 = vector.broadcast %slice3A_134 : vector<558x1xf32> to vector<558x640xf32>
    %add3A_137 = vector.broadcast %slice3A_135 : vector<1x640xf32> to vector<558x640xf32>
    %add3A_138 = arith.addf %add3A_136, %add3A_137 : vector<558x640xf32>
    %mul3A_139 = arith.constant 2.000000e-01 : f32
    %mul3A_140 = vector.broadcast %mul3A_139 : f32 to vector<558x640xf32>
    %mul3A_141 = arith.mulf %mul3A_140, %add3A_138 : vector<558x640xf32>
    %max3A_142 = arith.maximumf %add3A_138, %mul3A_141 : vector<558x640xf32>
    %exp3A_143 = math.exp %max3A_142 : vector<558x640xf32>
    %mul3A_144 = arith.mulf %concatenate3A, %exp3A_143 : vector<558x640xf32>
    %slice3A_145 = vector.extract_strided_slice %dot_general3A_12 {offsets = [0, 1], sizes = [558, 1], strides = [1, 1]} : vector<558x4xf32> to vector<558x1xf32>
    %slice3A_146 = vector.extract_strided_slice %dot_general3A_17 {offsets = [0, 1], sizes = [558, 1], strides = [1, 1]} : vector<558x4xf32> to vector<558x1xf32>
    %add3A_147 = arith.addf %slice3A_145, %slice3A_146 : vector<558x1xf32>
    %mul3A_148 = arith.constant 2.000000e-01 : f32
    %mul3A_149 = vector.broadcast %mul3A_148 : f32 to vector<558x1xf32>
    %mul3A_150 = arith.mulf %mul3A_149, %add3A_147 : vector<558x1xf32>
    %max3A_151 = arith.maximumf %add3A_147, %mul3A_150 : vector<558x1xf32>
    %exp3A_152 = math.exp %max3A_151 : vector<558x1xf32>
    %slice3A_153 = vector.extract_strided_slice %dot_general3A_7 {offsets = [0, 64], sizes = [558, 64], strides = [1, 1]} : vector<558x256xf32> to vector<558x64xf32>
    %slice3A_154 = vector.extract_strided_slice %pad3A_18 {offsets = [0, 64], sizes = [640, 64], strides = [1, 1]} : vector<640x256xf32> to vector<640x64xf32>
    %concatenate3A_155 = tpu.concatenate %slice3A_154, %get3A_97 in 1 : vector<640x64xf32>, vector<640x1xf32> -> vector<640x65xf32>
    %dot_general3A_156 = arith.constant dense<0.000000e+00> : vector<558x65xf32>
    %dot_general3A_157 = tpu.matmul %mul3A_144, %concatenate3A_155, %dot_general3A_156 {dimension_numbers = #tpu.dot_dimension_numbers<[1], [0], [0], [1], [0, 0, 1, 1], [], []>, transpose_lhs_hint = false} : vector<558x640xf32>, vector<640x65xf32>, vector<558x65xf32> -> vector<558x65xf32>
    %slice3A_158 = vector.extract_strided_slice %dot_general3A_157 {offsets = [0, 64], sizes = [558, 1], strides = [1, 1]} : vector<558x65xf32> to vector<558x1xf32>
    %add3A_159 = arith.addf %slice3A_158, %exp3A_152 : vector<558x1xf32>
    %add3A_160 = arith.constant 1.000000e-16 : f32
    %add3A_161 = vector.broadcast %add3A_160 : f32 to vector<558x1xf32>
    %add3A_162 = arith.addf %add3A_159, %add3A_161 : vector<558x1xf32>
    %div3A_163 = arith.constant 1.000000e+00 : f32
    %div3A_164 = vector.broadcast %div3A_163 : f32 to vector<558x1xf32>
    %div3A_165 = arith.divf %div3A_164, %add3A_162 : vector<558x1xf32>
    %slice3A_166 = vector.extract_strided_slice %dot_general3A_157 {offsets = [0, 0], sizes = [558, 64], strides = [1, 1]} : vector<558x65xf32> to vector<558x64xf32>
    %mul3A_167 = vector.broadcast %div3A_165 : vector<558x1xf32> to vector<558x64xf32>
    %mul3A_168 = arith.mulf %mul3A_167, %slice3A_166 : vector<558x64xf32>
    %mul3A_169 = arith.mulf %exp3A_152, %div3A_165 : vector<558x1xf32>
    %mul3A_170 = vector.broadcast %mul3A_169 : vector<558x1xf32> to vector<558x64xf32>
    %mul3A_171 = arith.mulf %mul3A_170, %slice3A_153 : vector<558x64xf32>
    %add3A_172 = arith.addf %mul3A_168, %mul3A_171 : vector<558x64xf32>
    %slice3A_173 = vector.extract_strided_slice %dot_general3A_17 {offsets = [0, 2], sizes = [558, 1], strides = [1, 1]} : vector<558x4xf32> to vector<558x1xf32>
    %slice3A_174 = vector.extract_strided_slice %dot_general3A_23 {offsets = [2, 0], sizes = [1, 640], strides = [1, 1]} : vector<4x640xf32> to vector<1x640xf32>
    %add3A_175 = vector.broadcast %slice3A_173 : vector<558x1xf32> to vector<558x640xf32>
    %add3A_176 = vector.broadcast %slice3A_174 : vector<1x640xf32> to vector<558x640xf32>
    %add3A_177 = arith.addf %add3A_175, %add3A_176 : vector<558x640xf32>
    %mul3A_178 = arith.constant 2.000000e-01 : f32
    %mul3A_179 = vector.broadcast %mul3A_178 : f32 to vector<558x640xf32>
    %mul3A_180 = arith.mulf %mul3A_179, %add3A_177 : vector<558x640xf32>
    %max3A_181 = arith.maximumf %add3A_177, %mul3A_180 : vector<558x640xf32>
    %exp3A_182 = math.exp %max3A_181 : vector<558x640xf32>
    %mul3A_183 = arith.mulf %concatenate3A, %exp3A_182 : vector<558x640xf32>
    %slice3A_184 = vector.extract_strided_slice %dot_general3A_12 {offsets = [0, 2], sizes = [558, 1], strides = [1, 1]} : vector<558x4xf32> to vector<558x1xf32>
    %slice3A_185 = vector.extract_strided_slice %dot_general3A_17 {offsets = [0, 2], sizes = [558, 1], strides = [1, 1]} : vector<558x4xf32> to vector<558x1xf32>
    %add3A_186 = arith.addf %slice3A_184, %slice3A_185 : vector<558x1xf32>
    %mul3A_187 = arith.constant 2.000000e-01 : f32
    %mul3A_188 = vector.broadcast %mul3A_187 : f32 to vector<558x1xf32>
    %mul3A_189 = arith.mulf %mul3A_188, %add3A_186 : vector<558x1xf32>
    %max3A_190 = arith.maximumf %add3A_186, %mul3A_189 : vector<558x1xf32>
    %exp3A_191 = math.exp %max3A_190 : vector<558x1xf32>
    %slice3A_192 = vector.extract_strided_slice %dot_general3A_7 {offsets = [0, 128], sizes = [558, 64], strides = [1, 1]} : vector<558x256xf32> to vector<558x64xf32>
    %slice3A_193 = vector.extract_strided_slice %pad3A_18 {offsets = [0, 128], sizes = [640, 64], strides = [1, 1]} : vector<640x256xf32> to vector<640x64xf32>
    %concatenate3A_194 = tpu.concatenate %slice3A_193, %get3A_97 in 1 : vector<640x64xf32>, vector<640x1xf32> -> vector<640x65xf32>
    %dot_general3A_195 = arith.constant dense<0.000000e+00> : vector<558x65xf32>
    %dot_general3A_196 = tpu.matmul %mul3A_183, %concatenate3A_194, %dot_general3A_195 {dimension_numbers = #tpu.dot_dimension_numbers<[1], [0], [0], [1], [0, 0, 1, 1], [], []>, transpose_lhs_hint = false} : vector<558x640xf32>, vector<640x65xf32>, vector<558x65xf32> -> vector<558x65xf32>
    %slice3A_197 = vector.extract_strided_slice %dot_general3A_196 {offsets = [0, 64], sizes = [558, 1], strides = [1, 1]} : vector<558x65xf32> to vector<558x1xf32>
    %add3A_198 = arith.addf %slice3A_197, %exp3A_191 : vector<558x1xf32>
    %add3A_199 = arith.constant 1.000000e-16 : f32
    %add3A_200 = vector.broadcast %add3A_199 : f32 to vector<558x1xf32>
    %add3A_201 = arith.addf %add3A_198, %add3A_200 : vector<558x1xf32>
    %div3A_202 = arith.constant 1.000000e+00 : f32
    %div3A_203 = vector.broadcast %div3A_202 : f32 to vector<558x1xf32>
    %div3A_204 = arith.divf %div3A_203, %add3A_201 : vector<558x1xf32>
    %slice3A_205 = vector.extract_strided_slice %dot_general3A_196 {offsets = [0, 0], sizes = [558, 64], strides = [1, 1]} : vector<558x65xf32> to vector<558x64xf32>
    %mul3A_206 = vector.broadcast %div3A_204 : vector<558x1xf32> to vector<558x64xf32>
    %mul3A_207 = arith.mulf %mul3A_206, %slice3A_205 : vector<558x64xf32>
    %mul3A_208 = arith.mulf %exp3A_191, %div3A_204 : vector<558x1xf32>
    %mul3A_209 = vector.broadcast %mul3A_208 : vector<558x1xf32> to vector<558x64xf32>
    %mul3A_210 = arith.mulf %mul3A_209, %slice3A_192 : vector<558x64xf32>
    %add3A_211 = arith.addf %mul3A_207, %mul3A_210 : vector<558x64xf32>
    %slice3A_212 = vector.extract_strided_slice %dot_general3A_17 {offsets = [0, 3], sizes = [558, 1], strides = [1, 1]} : vector<558x4xf32> to vector<558x1xf32>
    %slice3A_213 = vector.extract_strided_slice %dot_general3A_23 {offsets = [3, 0], sizes = [1, 640], strides = [1, 1]} : vector<4x640xf32> to vector<1x640xf32>
    %add3A_214 = vector.broadcast %slice3A_212 : vector<558x1xf32> to vector<558x640xf32>
    %add3A_215 = vector.broadcast %slice3A_213 : vector<1x640xf32> to vector<558x640xf32>
    %add3A_216 = arith.addf %add3A_214, %add3A_215 : vector<558x640xf32>
    %mul3A_217 = arith.constant 2.000000e-01 : f32
    %mul3A_218 = vector.broadcast %mul3A_217 : f32 to vector<558x640xf32>
    %mul3A_219 = arith.mulf %mul3A_218, %add3A_216 : vector<558x640xf32>
    %max3A_220 = arith.maximumf %add3A_216, %mul3A_219 : vector<558x640xf32>
    %exp3A_221 = math.exp %max3A_220 : vector<558x640xf32>
    %mul3A_222 = arith.mulf %concatenate3A, %exp3A_221 : vector<558x640xf32>
    %slice3A_223 = vector.extract_strided_slice %dot_general3A_12 {offsets = [0, 3], sizes = [558, 1], strides = [1, 1]} : vector<558x4xf32> to vector<558x1xf32>
    %slice3A_224 = vector.extract_strided_slice %dot_general3A_17 {offsets = [0, 3], sizes = [558, 1], strides = [1, 1]} : vector<558x4xf32> to vector<558x1xf32>
    %add3A_225 = arith.addf %slice3A_223, %slice3A_224 : vector<558x1xf32>
    %mul3A_226 = arith.constant 2.000000e-01 : f32
    %mul3A_227 = vector.broadcast %mul3A_226 : f32 to vector<558x1xf32>
    %mul3A_228 = arith.mulf %mul3A_227, %add3A_225 : vector<558x1xf32>
    %max3A_229 = arith.maximumf %add3A_225, %mul3A_228 : vector<558x1xf32>
    %exp3A_230 = math.exp %max3A_229 : vector<558x1xf32>
    %slice3A_231 = vector.extract_strided_slice %dot_general3A_7 {offsets = [0, 192], sizes = [558, 64], strides = [1, 1]} : vector<558x256xf32> to vector<558x64xf32>
    %slice3A_232 = vector.extract_strided_slice %pad3A_18 {offsets = [0, 192], sizes = [640, 64], strides = [1, 1]} : vector<640x256xf32> to vector<640x64xf32>
    %concatenate3A_233 = tpu.concatenate %slice3A_232, %get3A_97 in 1 : vector<640x64xf32>, vector<640x1xf32> -> vector<640x65xf32>
    %dot_general3A_234 = arith.constant dense<0.000000e+00> : vector<558x65xf32>
    %dot_general3A_235 = tpu.matmul %mul3A_222, %concatenate3A_233, %dot_general3A_234 {dimension_numbers = #tpu.dot_dimension_numbers<[1], [0], [0], [1], [0, 0, 1, 1], [], []>, transpose_lhs_hint = false} : vector<558x640xf32>, vector<640x65xf32>, vector<558x65xf32> -> vector<558x65xf32>
    %slice3A_236 = vector.extract_strided_slice %dot_general3A_235 {offsets = [0, 64], sizes = [558, 1], strides = [1, 1]} : vector<558x65xf32> to vector<558x1xf32>
    %add3A_237 = arith.addf %slice3A_236, %exp3A_230 : vector<558x1xf32>
    %add3A_238 = arith.constant 1.000000e-16 : f32
    %add3A_239 = vector.broadcast %add3A_238 : f32 to vector<558x1xf32>
    %add3A_240 = arith.addf %add3A_237, %add3A_239 : vector<558x1xf32>
    %div3A_241 = arith.constant 1.000000e+00 : f32
    %div3A_242 = vector.broadcast %div3A_241 : f32 to vector<558x1xf32>
    %div3A_243 = arith.divf %div3A_242, %add3A_240 : vector<558x1xf32>
    %slice3A_244 = vector.extract_strided_slice %dot_general3A_235 {offsets = [0, 0], sizes = [558, 64], strides = [1, 1]} : vector<558x65xf32> to vector<558x64xf32>
    %mul3A_245 = vector.broadcast %div3A_243 : vector<558x1xf32> to vector<558x64xf32>
    %mul3A_246 = arith.mulf %mul3A_245, %slice3A_244 : vector<558x64xf32>
    %mul3A_247 = arith.mulf %exp3A_230, %div3A_243 : vector<558x1xf32>
    %mul3A_248 = vector.broadcast %mul3A_247 : vector<558x1xf32> to vector<558x64xf32>
    %mul3A_249 = arith.mulf %mul3A_248, %slice3A_231 : vector<558x64xf32>
    %add3A_250 = arith.addf %mul3A_246, %mul3A_249 : vector<558x64xf32>
    %concatenate3A_251 = tpu.concatenate %add3A_133, %add3A_172, %add3A_211, %add3A_250 in 1 : vector<558x64xf32>, vector<558x64xf32>, vector<558x64xf32>, vector<558x64xf32> -> vector<558x256xf32>
    %get3A_252 = arith.constant 0 : index
    %get3A_253 = arith.constant 0 : index
    %get3A_254 = vector.load %arg8[%get3A_252, %get3A_253] : memref<1x256xf32, #tpu.memory_space<vmem>>, vector<1x256xf32>
    %add3A_255 = vector.broadcast %get3A_254 : vector<1x256xf32> to vector<558x256xf32>
    %add3A_256 = arith.addf %concatenate3A_251, %add3A_255 : vector<558x256xf32>
    %get3A_257 = arith.constant 0 : index
    %get3A_258 = arith.constant 0 : index
    %get3A_259 = arith.constant 0 : index
    %get3A_260 = vector.load %arg3[%get3A_257, %get3A_258, %get3A_259] : memref<1x558x48xf32, #tpu.memory_space<vmem>>, vector<1x558x48xf32>
    %get3A_261 = vector.shape_cast %get3A_260 : vector<1x558x48xf32> to vector<558x48xf32>
    %get3A_262 = arith.constant 0 : index
    %get3A_263 = arith.constant 0 : index
    %get3A_264 = vector.load %arg9[%get3A_262, %get3A_263] : memref<48x160xf32, #tpu.memory_space<vmem>>, vector<48x160xf32>
    %dot_general3A_265 = arith.constant dense<0.000000e+00> : vector<558x160xf32>
    %dot_general3A_266 = tpu.matmul %get3A_261, %get3A_264, %dot_general3A_265 {dimension_numbers = #tpu.dot_dimension_numbers<[1], [0], [0], [1], [0, 0, 1, 1], [], []>, transpose_lhs_hint = false} : vector<558x48xf32>, vector<48x160xf32>, vector<558x160xf32> -> vector<558x160xf32>
    %slice3A_267 = vector.extract_strided_slice %dot_general3A_266 {offsets = [0, 0], sizes = [558, 32], strides = [1, 1]} : vector<558x160xf32> to vector<558x32xf32>
    %get3A_268 = arith.constant 0 : index
    %get3A_269 = arith.constant 0 : index
    %get3A_270 = vector.load %arg10[%get3A_268, %get3A_269] : memref<1x32xf32, #tpu.memory_space<vmem>>, vector<1x32xf32>
    %add3A_271 = vector.broadcast %get3A_270 : vector<1x32xf32> to vector<558x32xf32>
    %add3A_272 = arith.addf %slice3A_267, %add3A_271 : vector<558x32xf32>
    %get3A_273 = arith.constant 0 : index
    %get3A_274 = arith.constant 0 : index
    %get3A_275 = memref.load %arg1[%get3A_273, %get3A_274] : memref<1x1xf32, #tpu.memory_space<smem>>
    %div3A_276 = arith.constant 1.000000e+00 : f32
    %div3A_277 = arith.divf %div3A_276, %get3A_275 : f32
    %dot_general3A_278 = arith.constant dense<0.000000e+00> : vector<558x1xf32>
    %dot_general3A_279 = tpu.matmul %concatenate3A_94, %get3A_97, %dot_general3A_278 {dimension_numbers = #tpu.dot_dimension_numbers<[1], [0], [0], [1], [0, 0, 1, 1], [], []>, transpose_lhs_hint = false} : vector<558x640xf32>, vector<640x1xf32>, vector<558x1xf32> -> vector<558x1xf32>
    %mul3A_280 = vector.broadcast %div3A_277 : f32 to vector<558x1xf32>
    %mul3A_281 = arith.mulf %dot_general3A_279, %mul3A_280 : vector<558x1xf32>
    %add3A_282 = arith.constant 1.000000e+00 : f32
    %add3A_283 = vector.broadcast %add3A_282 : f32 to vector<558x1xf32>
    %add3A_284 = arith.addf %mul3A_281, %add3A_283 : vector<558x1xf32>
    %rsqrt3A = math.rsqrt %add3A_284 : vector<558x1xf32>
    %mul3A_285 = arith.mulf %rsqrt3A, %rsqrt3A : vector<558x1xf32>
    %mul3A_286 = vector.broadcast %div3A_277 : f32 to vector<558x1xf32>
    %mul3A_287 = arith.mulf %rsqrt3A, %mul3A_286 : vector<558x1xf32>
    %get3A_288 = arith.constant 0 : index
    %get3A_289 = arith.constant 0 : index
    %get3A_290 = vector.load %arg11[%get3A_288, %get3A_289] : memref<256x128xf32, #tpu.memory_space<vmem>>, vector<256x128xf32>
    %dot_general3A_291 = arith.constant dense<0.000000e+00> : vector<558x128xf32>
    %dot_general3A_292 = tpu.matmul %add3A_256, %get3A_290, %dot_general3A_291 {dimension_numbers = #tpu.dot_dimension_numbers<[1], [0], [0], [1], [0, 0, 1, 1], [], []>, transpose_lhs_hint = false} : vector<558x256xf32>, vector<256x128xf32>, vector<558x128xf32> -> vector<558x128xf32>
    %slice3A_293 = vector.extract_strided_slice %dot_general3A_266 {offsets = [0, 32], sizes = [558, 128], strides = [1, 1]} : vector<558x160xf32> to vector<558x128xf32>
    %add3A_294 = arith.addf %dot_general3A_292, %slice3A_293 : vector<558x128xf32>
    %get3A_295 = arith.constant 0 : index
    %get3A_296 = arith.constant 0 : index
    %get3A_297 = vector.load %arg12[%get3A_295, %get3A_296] : memref<32x128xf32, #tpu.memory_space<vmem>>, vector<32x128xf32>
    %dot_general3A_298 = arith.constant dense<0.000000e+00> : vector<558x128xf32>
    %dot_general3A_299 = tpu.matmul %add3A_272, %get3A_297, %dot_general3A_298 {dimension_numbers = #tpu.dot_dimension_numbers<[1], [0], [0], [1], [0, 0, 1, 1], [], []>, transpose_lhs_hint = false} : vector<558x32xf32>, vector<32x128xf32>, vector<558x128xf32> -> vector<558x128xf32>
    %add3A_300 = arith.addf %add3A_294, %dot_general3A_299 : vector<558x128xf32>
    %mul3A_301 = vector.broadcast %rsqrt3A : vector<558x1xf32> to vector<558x128xf32>
    %mul3A_302 = arith.mulf %mul3A_301, %add3A_300 : vector<558x128xf32>
    %jit3A_303 = arith.constant 0 : i32
    %convert_element_type3A_304 = arith.sitofp %jit3A_303 : i32 to f32
    %pad3A_305 = vector.broadcast %convert_element_type3A_304 : f32 to vector<82x128xf32>
    %pad3A_306 = tpu.concatenate %mul3A_302, %pad3A_305 in 0 : vector<558x128xf32>, vector<82x128xf32> -> vector<640x128xf32>
    %dot_general3A_307 = arith.constant dense<0.000000e+00> : vector<558x128xf32>
    %dot_general3A_308 = tpu.matmul %concatenate3A_94, %pad3A_306, %dot_general3A_307 {dimension_numbers = #tpu.dot_dimension_numbers<[1], [0], [0], [1], [0, 0, 1, 1], [], []>, transpose_lhs_hint = false} : vector<558x640xf32>, vector<640x128xf32>, vector<558x128xf32> -> vector<558x128xf32>
    %mul3A_309 = vector.broadcast %mul3A_287 : vector<558x1xf32> to vector<558x128xf32>
    %mul3A_310 = arith.mulf %mul3A_309, %dot_general3A_308 : vector<558x128xf32>
    %mul3A_311 = vector.broadcast %mul3A_285 : vector<558x1xf32> to vector<558x128xf32>
    %mul3A_312 = arith.mulf %mul3A_311, %add3A_300 : vector<558x128xf32>
    %add3A_313 = arith.addf %mul3A_310, %mul3A_312 : vector<558x128xf32>
    %get3A_314 = arith.constant 0 : index
    %get3A_315 = arith.constant 0 : index
    %get3A_316 = vector.load %arg13[%get3A_314, %get3A_315] : memref<1x128xf32, #tpu.memory_space<vmem>>, vector<1x128xf32>
    %add3A_317 = vector.broadcast %get3A_316 : vector<1x128xf32> to vector<558x128xf32>
    %add3A_318 = arith.addf %add3A_313, %add3A_317 : vector<558x128xf32>
    %max3A_319 = arith.constant 0.000000e+00 : f32
    %max3A_320 = vector.broadcast %max3A_319 : f32 to vector<558x128xf32>
    %max3A_321 = arith.maximumf %add3A_318, %max3A_320 : vector<558x128xf32>
    %get3A_322 = arith.constant 0 : index
    %get3A_323 = arith.constant 0 : index
    %get3A_324 = vector.load %arg14[%get3A_322, %get3A_323] : memref<128x128xf32, #tpu.memory_space<vmem>>, vector<128x128xf32>
    %dot_general3A_325 = arith.constant dense<0.000000e+00> : vector<558x128xf32>
    %dot_general3A_326 = tpu.matmul %max3A_321, %get3A_324, %dot_general3A_325 {dimension_numbers = #tpu.dot_dimension_numbers<[1], [0], [0], [1], [0, 0, 1, 1], [], []>, transpose_lhs_hint = false} : vector<558x128xf32>, vector<128x128xf32>, vector<558x128xf32> -> vector<558x128xf32>
    %mul3A_327 = vector.broadcast %rsqrt3A : vector<558x1xf32> to vector<558x128xf32>
    %mul3A_328 = arith.mulf %mul3A_327, %dot_general3A_326 : vector<558x128xf32>
    %jit3A_329 = arith.constant 0 : i32
    %convert_element_type3A_330 = arith.sitofp %jit3A_329 : i32 to f32
    %pad3A_331 = vector.broadcast %convert_element_type3A_330 : f32 to vector<82x128xf32>
    %pad3A_332 = tpu.concatenate %mul3A_328, %pad3A_331 in 0 : vector<558x128xf32>, vector<82x128xf32> -> vector<640x128xf32>
    %dot_general3A_333 = arith.constant dense<0.000000e+00> : vector<558x128xf32>
    %dot_general3A_334 = tpu.matmul %concatenate3A_94, %pad3A_332, %dot_general3A_333 {dimension_numbers = #tpu.dot_dimension_numbers<[1], [0], [0], [1], [0, 0, 1, 1], [], []>, transpose_lhs_hint = false} : vector<558x640xf32>, vector<640x128xf32>, vector<558x128xf32> -> vector<558x128xf32>
    %mul3A_335 = vector.broadcast %mul3A_287 : vector<558x1xf32> to vector<558x128xf32>
    %mul3A_336 = arith.mulf %mul3A_335, %dot_general3A_334 : vector<558x128xf32>
    %mul3A_337 = vector.broadcast %mul3A_285 : vector<558x1xf32> to vector<558x128xf32>
    %mul3A_338 = arith.mulf %mul3A_337, %dot_general3A_326 : vector<558x128xf32>
    %add3A_339 = arith.addf %mul3A_336, %mul3A_338 : vector<558x128xf32>
    %get3A_340 = arith.constant 0 : index
    %get3A_341 = arith.constant 0 : index
    %get3A_342 = vector.load %arg15[%get3A_340, %get3A_341] : memref<1x128xf32, #tpu.memory_space<vmem>>, vector<1x128xf32>
    %add3A_343 = vector.broadcast %get3A_342 : vector<1x128xf32> to vector<558x128xf32>
    %add3A_344 = arith.addf %add3A_339, %add3A_343 : vector<558x128xf32>
    %max3A_345 = arith.constant 0.000000e+00 : f32
    %max3A_346 = vector.broadcast %max3A_345 : f32 to vector<558x128xf32>
    %max3A_347 = arith.maximumf %add3A_344, %max3A_346 : vector<558x128xf32>
    %reduce_sum3A = arith.constant dense<0.000000e+00> : vector<128xf32>
    %reduce_sum3A_348 = vector.multi_reduction <add>, %max3A_347, %reduce_sum3A [0] : vector<558x128xf32> to vector<128xf32>
    %broadcast_in_dim3A = vector.shape_cast %reduce_sum3A_348 : vector<128xf32> to vector<1x128xf32>
    %mul3A_349 = arith.constant 0.00179211469 : f32
    %mul3A_350 = vector.broadcast %mul3A_349 : f32 to vector<1x128xf32>
    %mul3A_351 = arith.mulf %broadcast_in_dim3A, %mul3A_350 : vector<1x128xf32>
    %swap3A = arith.constant 0 : index
    %swap3A_352 = arith.constant 0 : index
    %swap3A_353 = arith.constant 0 : index
    %swap3A_354 = vector.load %arg17[%swap3A, %swap3A_352, %swap3A_353] : memref<1x1x128xf32, #tpu.memory_space<vmem>>, vector<1x1x128xf32>
    %swap3A_355 = vector.shape_cast %swap3A_354 : vector<1x1x128xf32> to vector<1x128xf32>
    %swap3A_356 = vector.shape_cast %mul3A_351 : vector<1x128xf32> to vector<1x1x128xf32>
    tpu.vector_store %arg17[%swap3A, %swap3A_352, %swap3A_353], %swap3A_356 {strides = array<i32>} : memref<1x1x128xf32, #tpu.memory_space<vmem>>, vector<1x1x128xf32>,
    return
  }
  func.func @transform_0(%arg0: i32) -> (i32, i32) {
    %c0_i32 = arith.constant 0 : i32
    %c0_i32_0 = arith.constant 0 : i32
    %c0_i32_1 = arith.constant 0 : i32
    return %c0_i32, %c0_i32_0 : i32, i32
  }
  func.func @transform_1(%arg0: i32) -> (i32, i32, i32) {
    %add3A = arith.constant 16 : i32
    %add3A_0 = arith.addi %add3A, %arg0 : i32
    %c0_i32 = arith.constant 0 : i32
    %c0_i32_1 = arith.constant 0 : i32
    %c0_i32_2 = arith.constant 0 : i32
    return %add3A_0, %c0_i32, %c0_i32_1 : i32, i32, i32
  }
  func.func @transform_2(%arg0: i32) -> (i32, i32, i32) {
    %add3A = arith.constant 16 : i32
    %add3A_0 = arith.addi %add3A, %arg0 : i32
    %c0_i32 = arith.constant 0 : i32
    %c0_i32_1 = arith.constant 0 : i32
    %c0_i32_2 = arith.constant 0 : i32
    return %add3A_0, %c0_i32, %c0_i32_1 : i32, i32, i32
  }
  func.func @transform_3(%arg0: i32) -> (i32, i32, i32, i32) {
    %c0_i32 = arith.constant 0 : i32
    %c0_i32_0 = arith.constant 0 : i32
    %c0_i32_1 = arith.constant 0 : i32
    %c0_i32_2 = arith.constant 0 : i32
    return %arg0, %c0_i32, %c0_i32_0, %c0_i32_1 : i32, i32, i32, i32
  }
  func.func @transform_4(%arg0: i32) -> (i32, i32) {
    %c0_i32 = arith.constant 0 : i32
    %c0_i32_0 = arith.constant 0 : i32
    %c0_i32_1 = arith.constant 0 : i32
    return %c0_i32, %c0_i32_0 : i32, i32
  }
  func.func @transform_5(%arg0: i32) -> (i32, i32) {
    %c0_i32 = arith.constant 0 : i32
    %c0_i32_0 = arith.constant 0 : i32
    %c0_i32_1 = arith.constant 0 : i32
    return %c0_i32, %c0_i32_0 : i32, i32
  }
  func.func @transform_6(%arg0: i32) -> (i32, i32) {
    %c0_i32 = arith.constant 0 : i32
    %c0_i32_0 = arith.constant 0 : i32
    %c0_i32_1 = arith.constant 0 : i32
    return %c0_i32, %c0_i32_0 : i32, i32
  }
  func.func @transform_7(%arg0: i32) -> (i32, i32) {
    %c0_i32 = arith.constant 0 : i32
    %c0_i32_0 = arith.constant 0 : i32
    %c0_i32_1 = arith.constant 0 : i32
    return %c0_i32, %c0_i32_0 : i32, i32
  }
  func.func @transform_8(%arg0: i32) -> (i32, i32) {
    %c0_i32 = arith.constant 0 : i32
    %c0_i32_0 = arith.constant 0 : i32
    %c0_i32_1 = arith.constant 0 : i32
    return %c0_i32, %c0_i32_0 : i32, i32
  }
  func.func @transform_9(%arg0: i32) -> (i32, i32) {
    %c0_i32 = arith.constant 0 : i32
    %c0_i32_0 = arith.constant 0 : i32
    %c0_i32_1 = arith.constant 0 : i32
    return %c0_i32, %c0_i32_0 : i32, i32
  }
  func.func @transform_10(%arg0: i32) -> (i32, i32) {
    %c0_i32 = arith.constant 0 : i32
    %c0_i32_0 = arith.constant 0 : i32
    %c0_i32_1 = arith.constant 0 : i32
    return %c0_i32, %c0_i32_0 : i32, i32
  }
  func.func @transform_11(%arg0: i32) -> (i32, i32) {
    %c0_i32 = arith.constant 0 : i32
    %c0_i32_0 = arith.constant 0 : i32
    %c0_i32_1 = arith.constant 0 : i32
    return %c0_i32, %c0_i32_0 : i32, i32
  }
  func.func @transform_12(%arg0: i32) -> (i32, i32) {
    %c0_i32 = arith.constant 0 : i32
    %c0_i32_0 = arith.constant 0 : i32
    %c0_i32_1 = arith.constant 0 : i32
    return %c0_i32, %c0_i32_0 : i32, i32
  }
  func.func @transform_13(%arg0: i32) -> (i32, i32) {
    %c0_i32 = arith.constant 0 : i32
    %c0_i32_0 = arith.constant 0 : i32
    %c0_i32_1 = arith.constant 0 : i32
    return %c0_i32, %c0_i32_0 : i32, i32
  }
  func.func @transform_14(%arg0: i32) -> (i32, i32) {
    %c0_i32 = arith.constant 0 : i32
    %c0_i32_0 = arith.constant 0 : i32
    %c0_i32_1 = arith.constant 0 : i32
    return %c0_i32, %c0_i32_0 : i32, i32
  }
  func.func @transform_15(%arg0: i32) -> (i32, i32) {
    %c0_i32 = arith.constant 0 : i32
    %c0_i32_0 = arith.constant 0 : i32
    %c0_i32_1 = arith.constant 0 : i32
    return %c0_i32, %c0_i32_0 : i32, i32
  }
  func.func @transform_16(%arg0: i32) -> (i32, i32, i32) {
    %c0_i32 = arith.constant 0 : i32
    %c0_i32_0 = arith.constant 0 : i32
    %c0_i32_1 = arith.constant 0 : i32
    return %arg0, %c0_i32, %c0_i32_0 : i32, i32, i32
  }
}

module attributes {stable_mosaic.version = 14 : i64} {
  func.func @gnn_main_g0(%arg0: i32, %arg1: memref<1x1xf32, #tpu.memory_space<smem>>, %arg2: memref<1x558x128xf32, #tpu.memory_space<vmem>>, %arg3: memref<1x558x48xf32, #tpu.memory_space<vmem>>, %arg4: memref<1x5x576x128xf32, #tpu.memory_space<vmem>>, %arg5: memref<128x256xf32, #tpu.memory_space<vmem>>, %arg6: memref<256x4xf32, #tpu.memory_space<vmem>>, %arg7: memref<256x4xf32, #tpu.memory_space<vmem>>, %arg8: memref<1x256xf32, #tpu.memory_space<vmem>>, %arg9: memref<48x160xf32, #tpu.memory_space<vmem>>, %arg10: memref<1x32xf32, #tpu.memory_space<vmem>>, %arg11: memref<256x128xf32, #tpu.memory_space<vmem>>, %arg12: memref<32x128xf32, #tpu.memory_space<vmem>>, %arg13: memref<1x128xf32, #tpu.memory_space<vmem>>, %arg14: memref<128x128xf32, #tpu.memory_space<vmem>>, %arg15: memref<1x128xf32, #tpu.memory_space<vmem>>, %arg16: memref<640x1xf32, #tpu.memory_space<vmem>>, %arg17: memref<1x1x128xf32, #tpu.memory_space<vmem>>) attributes {dimension_semantics = [#tpu.dimension_semantics<arbitrary>], iteration_bounds = array<i64: 16>, scalar_prefetch = 0 : i64, scratch_operands = 0 : i64, tpu.core_type = #tpu.core_type<tc>, window_params = [{transform_indices = @transform_0, window_bounds = array<i64: 1, 1>}, {transform_indices = @transform_1, window_bounds = array<i64: 1, 558, 128>}, {transform_indices = @transform_2, window_bounds = array<i64: 1, 558, 48>}, {transform_indices = @transform_3, window_bounds = array<i64: 1, 5, 576, 128>}, {pipeline_mode = #tpu.pipeline_mode<synchronous>, transform_indices = @transform_4, window_bounds = array<i64: 128, 256>}, {pipeline_mode = #tpu.pipeline_mode<synchronous>, transform_indices = @transform_5, window_bounds = array<i64: 256, 4>}, {pipeline_mode = #tpu.pipeline_mode<synchronous>, transform_indices = @transform_6, window_bounds = array<i64: 256, 4>}, {pipeline_mode = #tpu.pipeline_mode<synchronous>, transform_indices = @transform_7, window_bounds = array<i64: 1, 256>}, {pipeline_mode = #tpu.pipeline_mode<synchronous>, transform_indices = @transform_8, window_bounds = array<i64: 48, 160>}, {pipeline_mode = #tpu.pipeline_mode<synchronous>, transform_indices = @transform_9, window_bounds = array<i64: 1, 32>}, {pipeline_mode = #tpu.pipeline_mode<synchronous>, transform_indices = @transform_10, window_bounds = array<i64: 256, 128>}, {pipeline_mode = #tpu.pipeline_mode<synchronous>, transform_indices = @transform_11, window_bounds = array<i64: 32, 128>}, {pipeline_mode = #tpu.pipeline_mode<synchronous>, transform_indices = @transform_12, window_bounds = array<i64: 1, 128>}, {pipeline_mode = #tpu.pipeline_mode<synchronous>, transform_indices = @transform_13, window_bounds = array<i64: 128, 128>}, {pipeline_mode = #tpu.pipeline_mode<synchronous>, transform_indices = @transform_14, window_bounds = array<i64: 1, 128>}, {pipeline_mode = #tpu.pipeline_mode<synchronous>, transform_indices = @transform_15, window_bounds = array<i64: 640, 1>}, {transform_indices = @transform_16, window_bounds = array<i64: 1, 1, 128>}]} {
    %get3A = arith.constant 0 : index
    %get3A_0 = arith.constant 0 : index
    %get3A_1 = arith.constant 0 : index
    %get3A_2 = vector.load %arg2[%get3A, %get3A_0, %get3A_1] : memref<1x558x128xf32, #tpu.memory_space<vmem>>, vector<1x558x128xf32>
    %get3A_3 = vector.shape_cast %get3A_2 : vector<1x558x128xf32> to vector<558x128xf32>
    %get3A_4 = arith.constant 0 : index
    %get3A_5 = arith.constant 0 : index
    %get3A_6 = vector.load %arg5[%get3A_4, %get3A_5] : memref<128x256xf32, #tpu.memory_space<vmem>>, vector<128x256xf32>
    %dot_general3A = arith.constant dense<0.000000e+00> : vector<558x256xf32>
    %dot_general3A_7 = tpu.matmul %get3A_3, %get3A_6, %dot_general3A {dimension_numbers = #tpu.dot_dimension_numbers<[1], [0], [0], [1], [0, 0, 1, 1], [], []>, transpose_lhs_hint = false} : vector<558x128xf32>, vector<128x256xf32>, vector<558x256xf32> -> vector<558x256xf32>
    %get3A_8 = arith.constant 0 : index
    %get3A_9 = arith.constant 0 : index
    %get3A_10 = vector.load %arg6[%get3A_8, %get3A_9] : memref<256x4xf32, #tpu.memory_space<vmem>>, vector<256x4xf32>
    %dot_general3A_11 = arith.constant dense<0.000000e+00> : vector<558x4xf32>
    %dot_general3A_12 = tpu.matmul %dot_general3A_7, %get3A_10, %dot_general3A_11 {dimension_numbers = #tpu.dot_dimension_numbers<[1], [0], [0], [1], [0, 0, 1, 1], [], []>, transpose_lhs_hint = false} : vector<558x256xf32>, vector<256x4xf32>, vector<558x4xf32> -> vector<558x4xf32>
    %get3A_13 = arith.constant 0 : index
    %get3A_14 = arith.constant 0 : index
    %get3A_15 = vector.load %arg7[%get3A_13, %get3A_14] : memref<256x4xf32, #tpu.memory_space<vmem>>, vector<256x4xf32>
    %dot_general3A_16 = arith.constant dense<0.000000e+00> : vector<558x4xf32>
    %dot_general3A_17 = tpu.matmul %dot_general3A_7, %get3A_15, %dot_general3A_16 {dimension_numbers = #tpu.dot_dimension_numbers<[1], [0], [0], [1], [0, 0, 1, 1], [], []>, transpose_lhs_hint = false} : vector<558x256xf32>, vector<256x4xf32>, vector<558x4xf32> -> vector<558x4xf32>
    %jit3A = arith.constant 0 : i32
    %convert_element_type3A = arith.sitofp %jit3A : i32 to f32
    %pad3A = vector.broadcast %convert_element_type3A : f32 to vector<82x256xf32>
    %pad3A_18 = tpu.concatenate %dot_general3A_7, %pad3A in 0 : vector<558x256xf32>, vector<82x256xf32> -> vector<640x256xf32>
    %get3A_19 = arith.constant 0 : index
    %get3A_20 = arith.constant 0 : index
    %get3A_21 = vector.load %arg6[%get3A_19, %get3A_20] : memref<256x4xf32, #tpu.memory_space<vmem>>, vector<256x4xf32>
    %dot_general3A_22 = arith.constant dense<0.000000e+00> : vector<4x640xf32>
    %dot_general3A_23 = tpu.matmul %get3A_21, %pad3A_18, %dot_general3A_22 {dimension_numbers = #tpu.dot_dimension_numbers<[0], [1], [1], [0], [0, 1, 1, 0], [], []>, transpose_lhs_hint = false} : vector<256x4xf32>, vector<640x256xf32>, vector<4x640xf32> -> vector<4x640xf32>
    %get3A_24 = arith.constant 0 : index
    %get3A_25 = arith.constant 0 : index
    %get3A_26 = arith.constant 0 : index
    %get3A_27 = arith.constant 0 : index
    %get3A_28 = vector.load %arg4[%get3A_24, %get3A_25, %get3A_26, %get3A_27] : memref<1x5x576x128xf32, #tpu.memory_space<vmem>>, vector<1x5x576x128xf32>
    %get3A_29 = vector.shape_cast %get3A_28 : vector<1x5x576x128xf32> to vector<5x576x128xf32>
    %slice3A = vector.extract_strided_slice %get3A_29 {offsets = [0, 0, 0], sizes = [1, 576, 128], strides = [1, 1, 1]} : vector<5x576x128xf32> to vector<1x576x128xf32>
    %squeeze3A = vector.shape_cast %slice3A : vector<1x576x128xf32> to vector<576x128xf32>
    %slice3A_30 = vector.extract_strided_slice %squeeze3A {offsets = [0, 0], sizes = [558, 128], strides = [1, 1]} : vector<576x128xf32> to vector<558x128xf32>
    %max3A = arith.constant 0.000000e+00 : f32
    %max3A_31 = vector.broadcast %max3A : f32 to vector<558x128xf32>
    %max3A_32 = arith.maximumf %slice3A_30, %max3A_31 : vector<558x128xf32>
    %mul3A = arith.constant 1.562500e-02 : f32
    %mul3A_33 = vector.broadcast %mul3A : f32 to vector<558x128xf32>
    %mul3A_34 = arith.mulf %max3A_32, %mul3A_33 : vector<558x128xf32>
    %floor3A = math.floor %mul3A_34 : vector<558x128xf32>
    %mul3A_35 = arith.constant 6.400000e+01 : f32
    %mul3A_36 = vector.broadcast %mul3A_35 : f32 to vector<558x128xf32>
    %mul3A_37 = arith.mulf %mul3A_36, %floor3A : vector<558x128xf32>
    %sub3A = arith.subf %max3A_32, %mul3A_37 : vector<558x128xf32>
    %slice3A_38 = vector.extract_strided_slice %get3A_29 {offsets = [1, 0, 0], sizes = [1, 576, 128], strides = [1, 1, 1]} : vector<5x576x128xf32> to vector<1x576x128xf32>
    %squeeze3A_39 = vector.shape_cast %slice3A_38 : vector<1x576x128xf32> to vector<576x128xf32>
    %slice3A_40 = vector.extract_strided_slice %squeeze3A_39 {offsets = [0, 0], sizes = [558, 128], strides = [1, 1]} : vector<576x128xf32> to vector<558x128xf32>
    %max3A_41 = arith.constant 0.000000e+00 : f32
    %max3A_42 = vector.broadcast %max3A_41 : f32 to vector<558x128xf32>
    %max3A_43 = arith.maximumf %slice3A_40, %max3A_42 : vector<558x128xf32>
    %mul3A_44 = arith.constant 1.562500e-02 : f32
    %mul3A_45 = vector.broadcast %mul3A_44 : f32 to vector<558x128xf32>
    %mul3A_46 = arith.mulf %max3A_43, %mul3A_45 : vector<558x128xf32>
    %floor3A_47 = math.floor %mul3A_46 : vector<558x128xf32>
    %mul3A_48 = arith.constant 6.400000e+01 : f32
    %mul3A_49 = vector.broadcast %mul3A_48 : f32 to vector<558x128xf32>
    %mul3A_50 = arith.mulf %mul3A_49, %floor3A_47 : vector<558x128xf32>
    %sub3A_51 = arith.subf %max3A_43, %mul3A_50 : vector<558x128xf32>
    %slice3A_52 = vector.extract_strided_slice %get3A_29 {offsets = [2, 0, 0], sizes = [1, 576, 128], strides = [1, 1, 1]} : vector<5x576x128xf32> to vector<1x576x128xf32>
    %squeeze3A_53 = vector.shape_cast %slice3A_52 : vector<1x576x128xf32> to vector<576x128xf32>
    %slice3A_54 = vector.extract_strided_slice %squeeze3A_53 {offsets = [0, 0], sizes = [558, 128], strides = [1, 1]} : vector<576x128xf32> to vector<558x128xf32>
    %max3A_55 = arith.constant 0.000000e+00 : f32
    %max3A_56 = vector.broadcast %max3A_55 : f32 to vector<558x128xf32>
    %max3A_57 = arith.maximumf %slice3A_54, %max3A_56 : vector<558x128xf32>
    %mul3A_58 = arith.constant 1.562500e-02 : f32
    %mul3A_59 = vector.broadcast %mul3A_58 : f32 to vector<558x128xf32>
    %mul3A_60 = arith.mulf %max3A_57, %mul3A_59 : vector<558x128xf32>
    %floor3A_61 = math.floor %mul3A_60 : vector<558x128xf32>
    %mul3A_62 = arith.constant 6.400000e+01 : f32
    %mul3A_63 = vector.broadcast %mul3A_62 : f32 to vector<558x128xf32>
    %mul3A_64 = arith.mulf %mul3A_63, %floor3A_61 : vector<558x128xf32>
    %sub3A_65 = arith.subf %max3A_57, %mul3A_64 : vector<558x128xf32>
    %slice3A_66 = vector.extract_strided_slice %get3A_29 {offsets = [3, 0, 0], sizes = [1, 576, 128], strides = [1, 1, 1]} : vector<5x576x128xf32> to vector<1x576x128xf32>
    %squeeze3A_67 = vector.shape_cast %slice3A_66 : vector<1x576x128xf32> to vector<576x128xf32>
    %slice3A_68 = vector.extract_strided_slice %squeeze3A_67 {offsets = [0, 0], sizes = [558, 128], strides = [1, 1]} : vector<576x128xf32> to vector<558x128xf32>
    %max3A_69 = arith.constant 0.000000e+00 : f32
    %max3A_70 = vector.broadcast %max3A_69 : f32 to vector<558x128xf32>
    %max3A_71 = arith.maximumf %slice3A_68, %max3A_70 : vector<558x128xf32>
    %mul3A_72 = arith.constant 1.562500e-02 : f32
    %mul3A_73 = vector.broadcast %mul3A_72 : f32 to vector<558x128xf32>
    %mul3A_74 = arith.mulf %max3A_71, %mul3A_73 : vector<558x128xf32>
    %floor3A_75 = math.floor %mul3A_74 : vector<558x128xf32>
    %mul3A_76 = arith.constant 6.400000e+01 : f32
    %mul3A_77 = vector.broadcast %mul3A_76 : f32 to vector<558x128xf32>
    %mul3A_78 = arith.mulf %mul3A_77, %floor3A_75 : vector<558x128xf32>
    %sub3A_79 = arith.subf %max3A_71, %mul3A_78 : vector<558x128xf32>
    %slice3A_80 = vector.extract_strided_slice %get3A_29 {offsets = [4, 0, 0], sizes = [1, 576, 128], strides = [1, 1, 1]} : vector<5x576x128xf32> to vector<1x576x128xf32>
    %squeeze3A_81 = vector.shape_cast %slice3A_80 : vector<1x576x128xf32> to vector<576x128xf32>
    %slice3A_82 = vector.extract_strided_slice %squeeze3A_81 {offsets = [0, 0], sizes = [558, 128], strides = [1, 1]} : vector<576x128xf32> to vector<558x128xf32>
    %max3A_83 = arith.constant 0.000000e+00 : f32
    %max3A_84 = vector.broadcast %max3A_83 : f32 to vector<558x128xf32>
    %max3A_85 = arith.maximumf %slice3A_82, %max3A_84 : vector<558x128xf32>
    %mul3A_86 = arith.constant 1.562500e-02 : f32
    %mul3A_87 = vector.broadcast %mul3A_86 : f32 to vector<558x128xf32>
    %mul3A_88 = arith.mulf %max3A_85, %mul3A_87 : vector<558x128xf32>
    %floor3A_89 = math.floor %mul3A_88 : vector<558x128xf32>
    %mul3A_90 = arith.constant 6.400000e+01 : f32
    %mul3A_91 = vector.broadcast %mul3A_90 : f32 to vector<558x128xf32>
    %mul3A_92 = arith.mulf %mul3A_91, %floor3A_89 : vector<558x128xf32>
    %sub3A_93 = arith.subf %max3A_85, %mul3A_92 : vector<558x128xf32>
    %concatenate3A = tpu.concatenate %floor3A, %floor3A_47, %floor3A_61, %floor3A_75, %floor3A_89 in 1 : vector<558x128xf32>, vector<558x128xf32>, vector<558x128xf32>, vector<558x128xf32>, vector<558x128xf32> -> vector<558x640xf32>
    %concatenate3A_94 = tpu.concatenate %sub3A, %sub3A_51, %sub3A_65, %sub3A_79, %sub3A_93 in 1 : vector<558x128xf32>, vector<558x128xf32>, vector<558x128xf32>, vector<558x128xf32>, vector<558x128xf32> -> vector<558x640xf32>
    %get3A_95 = arith.constant 0 : index
    %get3A_96 = arith.constant 0 : index
    %get3A_97 = vector.load %arg16[%get3A_95, %get3A_96] : memref<640x1xf32, #tpu.memory_space<vmem>>, vector<640x1xf32>
    %slice3A_98 = vector.extract_strided_slice %dot_general3A_17 {offsets = [0, 0], sizes = [558, 1], strides = [1, 1]} : vector<558x4xf32> to vector<558x1xf32>
    %slice3A_99 = vector.extract_strided_slice %dot_general3A_23 {offsets = [0, 0], sizes = [1, 640], strides = [1, 1]} : vector<4x640xf32> to vector<1x640xf32>
    %add3A = vector.broadcast %slice3A_98 : vector<558x1xf32> to vector<558x640xf32>
    %add3A_100 = vector.broadcast %slice3A_99 : vector<1x640xf32> to vector<558x640xf32>
    %add3A_101 = arith.addf %add3A, %add3A_100 : vector<558x640xf32>
    %mul3A_102 = arith.constant 2.000000e-01 : f32
    %mul3A_103 = vector.broadcast %mul3A_102 : f32 to vector<558x640xf32>
    %mul3A_104 = arith.mulf %mul3A_103, %add3A_101 : vector<558x640xf32>
    %max3A_105 = arith.maximumf %add3A_101, %mul3A_104 : vector<558x640xf32>
    %exp3A = math.exp %max3A_105 : vector<558x640xf32>
    %mul3A_106 = arith.mulf %concatenate3A, %exp3A : vector<558x640xf32>
    %slice3A_107 = vector.extract_strided_slice %dot_general3A_12 {offsets = [0, 0], sizes = [558, 1], strides = [1, 1]} : vector<558x4xf32> to vector<558x1xf32>
    %slice3A_108 = vector.extract_strided_slice %dot_general3A_17 {offsets = [0, 0], sizes = [558, 1], strides = [1, 1]} : vector<558x4xf32> to vector<558x1xf32>
    %add3A_109 = arith.addf %slice3A_107, %slice3A_108 : vector<558x1xf32>
    %mul3A_110 = arith.constant 2.000000e-01 : f32
    %mul3A_111 = vector.broadcast %mul3A_110 : f32 to vector<558x1xf32>
    %mul3A_112 = arith.mulf %mul3A_111, %add3A_109 : vector<558x1xf32>
    %max3A_113 = arith.maximumf %add3A_109, %mul3A_112 : vector<558x1xf32>
    %exp3A_114 = math.exp %max3A_113 : vector<558x1xf32>
    %slice3A_115 = vector.extract_strided_slice %dot_general3A_7 {offsets = [0, 0], sizes = [558, 64], strides = [1, 1]} : vector<558x256xf32> to vector<558x64xf32>
    %slice3A_116 = vector.extract_strided_slice %pad3A_18 {offsets = [0, 0], sizes = [640, 64], strides = [1, 1]} : vector<640x256xf32> to vector<640x64xf32>
    %concatenate3A_117 = tpu.concatenate %slice3A_116, %get3A_97 in 1 : vector<640x64xf32>, vector<640x1xf32> -> vector<640x65xf32>
    %dot_general3A_118 = arith.constant dense<0.000000e+00> : vector<558x65xf32>
    %dot_general3A_119 = tpu.matmul %mul3A_106, %concatenate3A_117, %dot_general3A_118 {dimension_numbers = #tpu.dot_dimension_numbers<[1], [0], [0], [1], [0, 0, 1, 1], [], []>, transpose_lhs_hint = false} : vector<558x640xf32>, vector<640x65xf32>, vector<558x65xf32> -> vector<558x65xf32>
    %slice3A_120 = vector.extract_strided_slice %dot_general3A_119 {offsets = [0, 64], sizes = [558, 1], strides = [1, 1]} : vector<558x65xf32> to vector<558x1xf32>
    %add3A_121 = arith.addf %slice3A_120, %exp3A_114 : vector<558x1xf32>
    %add3A_122 = arith.constant 1.000000e-16 : f32
    %add3A_123 = vector.broadcast %add3A_122 : f32 to vector<558x1xf32>
    %add3A_124 = arith.addf %add3A_121, %add3A_123 : vector<558x1xf32>
    %div3A = arith.constant 1.000000e+00 : f32
    %div3A_125 = vector.broadcast %div3A : f32 to vector<558x1xf32>
    %div3A_126 = arith.divf %div3A_125, %add3A_124 : vector<558x1xf32>
    %slice3A_127 = vector.extract_strided_slice %dot_general3A_119 {offsets = [0, 0], sizes = [558, 64], strides = [1, 1]} : vector<558x65xf32> to vector<558x64xf32>
    %mul3A_128 = vector.broadcast %div3A_126 : vector<558x1xf32> to vector<558x64xf32>
    %mul3A_129 = arith.mulf %mul3A_128, %slice3A_127 : vector<558x64xf32>
    %mul3A_130 = arith.mulf %exp3A_114, %div3A_126 : vector<558x1xf32>
    %mul3A_131 = vector.broadcast %mul3A_130 : vector<558x1xf32> to vector<558x64xf32>
    %mul3A_132 = arith.mulf %mul3A_131, %slice3A_115 : vector<558x64xf32>
    %add3A_133 = arith.addf %mul3A_129, %mul3A_132 : vector<558x64xf32>
    %slice3A_134 = vector.extract_strided_slice %dot_general3A_17 {offsets = [0, 1], sizes = [558, 1], strides = [1, 1]} : vector<558x4xf32> to vector<558x1xf32>
    %slice3A_135 = vector.extract_strided_slice %dot_general3A_23 {offsets = [1, 0], sizes = [1, 640], strides = [1, 1]} : vector<4x640xf32> to vector<1x640xf32>
    %add3A_136 = vector.broadcast %slice3A_134 : vector<558x1xf32> to vector<558x640xf32>
    %add3A_137 = vector.broadcast %slice3A_135 : vector<1x640xf32> to vector<558x640xf32>
    %add3A_138 = arith.addf %add3A_136, %add3A_137 : vector<558x640xf32>
    %mul3A_139 = arith.constant 2.000000e-01 : f32
    %mul3A_140 = vector.broadcast %mul3A_139 : f32 to vector<558x640xf32>
    %mul3A_141 = arith.mulf %mul3A_140, %add3A_138 : vector<558x640xf32>
    %max3A_142 = arith.maximumf %add3A_138, %mul3A_141 : vector<558x640xf32>
    %exp3A_143 = math.exp %max3A_142 : vector<558x640xf32>
    %mul3A_144 = arith.mulf %concatenate3A, %exp3A_143 : vector<558x640xf32>
    %slice3A_145 = vector.extract_strided_slice %dot_general3A_12 {offsets = [0, 1], sizes = [558, 1], strides = [1, 1]} : vector<558x4xf32> to vector<558x1xf32>
    %slice3A_146 = vector.extract_strided_slice %dot_general3A_17 {offsets = [0, 1], sizes = [558, 1], strides = [1, 1]} : vector<558x4xf32> to vector<558x1xf32>
    %add3A_147 = arith.addf %slice3A_145, %slice3A_146 : vector<558x1xf32>
    %mul3A_148 = arith.constant 2.000000e-01 : f32
    %mul3A_149 = vector.broadcast %mul3A_148 : f32 to vector<558x1xf32>
    %mul3A_150 = arith.mulf %mul3A_149, %add3A_147 : vector<558x1xf32>
    %max3A_151 = arith.maximumf %add3A_147, %mul3A_150 : vector<558x1xf32>
    %exp3A_152 = math.exp %max3A_151 : vector<558x1xf32>
    %slice3A_153 = vector.extract_strided_slice %dot_general3A_7 {offsets = [0, 64], sizes = [558, 64], strides = [1, 1]} : vector<558x256xf32> to vector<558x64xf32>
    %slice3A_154 = vector.extract_strided_slice %pad3A_18 {offsets = [0, 64], sizes = [640, 64], strides = [1, 1]} : vector<640x256xf32> to vector<640x64xf32>
    %concatenate3A_155 = tpu.concatenate %slice3A_154, %get3A_97 in 1 : vector<640x64xf32>, vector<640x1xf32> -> vector<640x65xf32>
    %dot_general3A_156 = arith.constant dense<0.000000e+00> : vector<558x65xf32>
    %dot_general3A_157 = tpu.matmul %mul3A_144, %concatenate3A_155, %dot_general3A_156 {dimension_numbers = #tpu.dot_dimension_numbers<[1], [0], [0], [1], [0, 0, 1, 1], [], []>, transpose_lhs_hint = false} : vector<558x640xf32>, vector<640x65xf32>, vector<558x65xf32> -> vector<558x65xf32>
    %slice3A_158 = vector.extract_strided_slice %dot_general3A_157 {offsets = [0, 64], sizes = [558, 1], strides = [1, 1]} : vector<558x65xf32> to vector<558x1xf32>
    %add3A_159 = arith.addf %slice3A_158, %exp3A_152 : vector<558x1xf32>
    %add3A_160 = arith.constant 1.000000e-16 : f32
    %add3A_161 = vector.broadcast %add3A_160 : f32 to vector<558x1xf32>
    %add3A_162 = arith.addf %add3A_159, %add3A_161 : vector<558x1xf32>
    %div3A_163 = arith.constant 1.000000e+00 : f32
    %div3A_164 = vector.broadcast %div3A_163 : f32 to vector<558x1xf32>
    %div3A_165 = arith.divf %div3A_164, %add3A_162 : vector<558x1xf32>
    %slice3A_166 = vector.extract_strided_slice %dot_general3A_157 {offsets = [0, 0], sizes = [558, 64], strides = [1, 1]} : vector<558x65xf32> to vector<558x64xf32>
    %mul3A_167 = vector.broadcast %div3A_165 : vector<558x1xf32> to vector<558x64xf32>
    %mul3A_168 = arith.mulf %mul3A_167, %slice3A_166 : vector<558x64xf32>
    %mul3A_169 = arith.mulf %exp3A_152, %div3A_165 : vector<558x1xf32>
    %mul3A_170 = vector.broadcast %mul3A_169 : vector<558x1xf32> to vector<558x64xf32>
    %mul3A_171 = arith.mulf %mul3A_170, %slice3A_153 : vector<558x64xf32>
    %add3A_172 = arith.addf %mul3A_168, %mul3A_171 : vector<558x64xf32>
    %slice3A_173 = vector.extract_strided_slice %dot_general3A_17 {offsets = [0, 2], sizes = [558, 1], strides = [1, 1]} : vector<558x4xf32> to vector<558x1xf32>
    %slice3A_174 = vector.extract_strided_slice %dot_general3A_23 {offsets = [2, 0], sizes = [1, 640], strides = [1, 1]} : vector<4x640xf32> to vector<1x640xf32>
    %add3A_175 = vector.broadcast %slice3A_173 : vector<558x1xf32> to vector<558x640xf32>
    %add3A_176 = vector.broadcast %slice3A_174 : vector<1x640xf32> to vector<558x640xf32>
    %add3A_177 = arith.addf %add3A_175, %add3A_176 : vector<558x640xf32>
    %mul3A_178 = arith.constant 2.000000e-01 : f32
    %mul3A_179 = vector.broadcast %mul3A_178 : f32 to vector<558x640xf32>
    %mul3A_180 = arith.mulf %mul3A_179, %add3A_177 : vector<558x640xf32>
    %max3A_181 = arith.maximumf %add3A_177, %mul3A_180 : vector<558x640xf32>
    %exp3A_182 = math.exp %max3A_181 : vector<558x640xf32>
    %mul3A_183 = arith.mulf %concatenate3A, %exp3A_182 : vector<558x640xf32>
    %slice3A_184 = vector.extract_strided_slice %dot_general3A_12 {offsets = [0, 2], sizes = [558, 1], strides = [1, 1]} : vector<558x4xf32> to vector<558x1xf32>
    %slice3A_185 = vector.extract_strided_slice %dot_general3A_17 {offsets = [0, 2], sizes = [558, 1], strides = [1, 1]} : vector<558x4xf32> to vector<558x1xf32>
    %add3A_186 = arith.addf %slice3A_184, %slice3A_185 : vector<558x1xf32>
    %mul3A_187 = arith.constant 2.000000e-01 : f32
    %mul3A_188 = vector.broadcast %mul3A_187 : f32 to vector<558x1xf32>
    %mul3A_189 = arith.mulf %mul3A_188, %add3A_186 : vector<558x1xf32>
    %max3A_190 = arith.maximumf %add3A_186, %mul3A_189 : vector<558x1xf32>
    %exp3A_191 = math.exp %max3A_190 : vector<558x1xf32>
    %slice3A_192 = vector.extract_strided_slice %dot_general3A_7 {offsets = [0, 128], sizes = [558, 64], strides = [1, 1]} : vector<558x256xf32> to vector<558x64xf32>
    %slice3A_193 = vector.extract_strided_slice %pad3A_18 {offsets = [0, 128], sizes = [640, 64], strides = [1, 1]} : vector<640x256xf32> to vector<640x64xf32>
    %concatenate3A_194 = tpu.concatenate %slice3A_193, %get3A_97 in 1 : vector<640x64xf32>, vector<640x1xf32> -> vector<640x65xf32>
    %dot_general3A_195 = arith.constant dense<0.000000e+00> : vector<558x65xf32>
    %dot_general3A_196 = tpu.matmul %mul3A_183, %concatenate3A_194, %dot_general3A_195 {dimension_numbers = #tpu.dot_dimension_numbers<[1], [0], [0], [1], [0, 0, 1, 1], [], []>, transpose_lhs_hint = false} : vector<558x640xf32>, vector<640x65xf32>, vector<558x65xf32> -> vector<558x65xf32>
    %slice3A_197 = vector.extract_strided_slice %dot_general3A_196 {offsets = [0, 64], sizes = [558, 1], strides = [1, 1]} : vector<558x65xf32> to vector<558x1xf32>
    %add3A_198 = arith.addf %slice3A_197, %exp3A_191 : vector<558x1xf32>
    %add3A_199 = arith.constant 1.000000e-16 : f32
    %add3A_200 = vector.broadcast %add3A_199 : f32 to vector<558x1xf32>
    %add3A_201 = arith.addf %add3A_198, %add3A_200 : vector<558x1xf32>
    %div3A_202 = arith.constant 1.000000e+00 : f32
    %div3A_203 = vector.broadcast %div3A_202 : f32 to vector<558x1xf32>
    %div3A_204 = arith.divf %div3A_203, %add3A_201 : vector<558x1xf32>
    %slice3A_205 = vector.extract_strided_slice %dot_general3A_196 {offsets = [0, 0], sizes = [558, 64], strides = [1, 1]} : vector<558x65xf32> to vector<558x64xf32>
    %mul3A_206 = vector.broadcast %div3A_204 : vector<558x1xf32> to vector<558x64xf32>
    %mul3A_207 = arith.mulf %mul3A_206, %slice3A_205 : vector<558x64xf32>
    %mul3A_208 = arith.mulf %exp3A_191, %div3A_204 : vector<558x1xf32>
    %mul3A_209 = vector.broadcast %mul3A_208 : vector<558x1xf32> to vector<558x64xf32>
    %mul3A_210 = arith.mulf %mul3A_209, %slice3A_192 : vector<558x64xf32>
    %add3A_211 = arith.addf %mul3A_207, %mul3A_210 : vector<558x64xf32>
    %slice3A_212 = vector.extract_strided_slice %dot_general3A_17 {offsets = [0, 3], sizes = [558, 1], strides = [1, 1]} : vector<558x4xf32> to vector<558x1xf32>
    %slice3A_213 = vector.extract_strided_slice %dot_general3A_23 {offsets = [3, 0], sizes = [1, 640], strides = [1, 1]} : vector<4x640xf32> to vector<1x640xf32>
    %add3A_214 = vector.broadcast %slice3A_212 : vector<558x1xf32> to vector<558x640xf32>
    %add3A_215 = vector.broadcast %slice3A_213 : vector<1x640xf32> to vector<558x640xf32>
    %add3A_216 = arith.addf %add3A_214, %add3A_215 : vector<558x640xf32>
    %mul3A_217 = arith.constant 2.000000e-01 : f32
    %mul3A_218 = vector.broadcast %mul3A_217 : f32 to vector<558x640xf32>
    %mul3A_219 = arith.mulf %mul3A_218, %add3A_216 : vector<558x640xf32>
    %max3A_220 = arith.maximumf %add3A_216, %mul3A_219 : vector<558x640xf32>
    %exp3A_221 = math.exp %max3A_220 : vector<558x640xf32>
    %mul3A_222 = arith.mulf %concatenate3A, %exp3A_221 : vector<558x640xf32>
    %slice3A_223 = vector.extract_strided_slice %dot_general3A_12 {offsets = [0, 3], sizes = [558, 1], strides = [1, 1]} : vector<558x4xf32> to vector<558x1xf32>
    %slice3A_224 = vector.extract_strided_slice %dot_general3A_17 {offsets = [0, 3], sizes = [558, 1], strides = [1, 1]} : vector<558x4xf32> to vector<558x1xf32>
    %add3A_225 = arith.addf %slice3A_223, %slice3A_224 : vector<558x1xf32>
    %mul3A_226 = arith.constant 2.000000e-01 : f32
    %mul3A_227 = vector.broadcast %mul3A_226 : f32 to vector<558x1xf32>
    %mul3A_228 = arith.mulf %mul3A_227, %add3A_225 : vector<558x1xf32>
    %max3A_229 = arith.maximumf %add3A_225, %mul3A_228 : vector<558x1xf32>
    %exp3A_230 = math.exp %max3A_229 : vector<558x1xf32>
    %slice3A_231 = vector.extract_strided_slice %dot_general3A_7 {offsets = [0, 192], sizes = [558, 64], strides = [1, 1]} : vector<558x256xf32> to vector<558x64xf32>
    %slice3A_232 = vector.extract_strided_slice %pad3A_18 {offsets = [0, 192], sizes = [640, 64], strides = [1, 1]} : vector<640x256xf32> to vector<640x64xf32>
    %concatenate3A_233 = tpu.concatenate %slice3A_232, %get3A_97 in 1 : vector<640x64xf32>, vector<640x1xf32> -> vector<640x65xf32>
    %dot_general3A_234 = arith.constant dense<0.000000e+00> : vector<558x65xf32>
    %dot_general3A_235 = tpu.matmul %mul3A_222, %concatenate3A_233, %dot_general3A_234 {dimension_numbers = #tpu.dot_dimension_numbers<[1], [0], [0], [1], [0, 0, 1, 1], [], []>, transpose_lhs_hint = false} : vector<558x640xf32>, vector<640x65xf32>, vector<558x65xf32> -> vector<558x65xf32>
    %slice3A_236 = vector.extract_strided_slice %dot_general3A_235 {offsets = [0, 64], sizes = [558, 1], strides = [1, 1]} : vector<558x65xf32> to vector<558x1xf32>
    %add3A_237 = arith.addf %slice3A_236, %exp3A_230 : vector<558x1xf32>
    %add3A_238 = arith.constant 1.000000e-16 : f32
    %add3A_239 = vector.broadcast %add3A_238 : f32 to vector<558x1xf32>
    %add3A_240 = arith.addf %add3A_237, %add3A_239 : vector<558x1xf32>
    %div3A_241 = arith.constant 1.000000e+00 : f32
    %div3A_242 = vector.broadcast %div3A_241 : f32 to vector<558x1xf32>
    %div3A_243 = arith.divf %div3A_242, %add3A_240 : vector<558x1xf32>
    %slice3A_244 = vector.extract_strided_slice %dot_general3A_235 {offsets = [0, 0], sizes = [558, 64], strides = [1, 1]} : vector<558x65xf32> to vector<558x64xf32>
    %mul3A_245 = vector.broadcast %div3A_243 : vector<558x1xf32> to vector<558x64xf32>
    %mul3A_246 = arith.mulf %mul3A_245, %slice3A_244 : vector<558x64xf32>
    %mul3A_247 = arith.mulf %exp3A_230, %div3A_243 : vector<558x1xf32>
    %mul3A_248 = vector.broadcast %mul3A_247 : vector<558x1xf32> to vector<558x64xf32>
    %mul3A_249 = arith.mulf %mul3A_248, %slice3A_231 : vector<558x64xf32>
    %add3A_250 = arith.addf %mul3A_246, %mul3A_249 : vector<558x64xf32>
    %concatenate3A_251 = tpu.concatenate %add3A_133, %add3A_172, %add3A_211, %add3A_250 in 1 : vector<558x64xf32>, vector<558x64xf32>, vector<558x64xf32>, vector<558x64xf32> -> vector<558x256xf32>
    %get3A_252 = arith.constant 0 : index
    %get3A_253 = arith.constant 0 : index
    %get3A_254 = vector.load %arg8[%get3A_252, %get3A_253] : memref<1x256xf32, #tpu.memory_space<vmem>>, vector<1x256xf32>
    %add3A_255 = vector.broadcast %get3A_254 : vector<1x256xf32> to vector<558x256xf32>
    %add3A_256 = arith.addf %concatenate3A_251, %add3A_255 : vector<558x256xf32>
    %get3A_257 = arith.constant 0 : index
    %get3A_258 = arith.constant 0 : index
    %get3A_259 = arith.constant 0 : index
    %get3A_260 = vector.load %arg3[%get3A_257, %get3A_258, %get3A_259] : memref<1x558x48xf32, #tpu.memory_space<vmem>>, vector<1x558x48xf32>
    %get3A_261 = vector.shape_cast %get3A_260 : vector<1x558x48xf32> to vector<558x48xf32>
    %get3A_262 = arith.constant 0 : index
    %get3A_263 = arith.constant 0 : index
    %get3A_264 = vector.load %arg9[%get3A_262, %get3A_263] : memref<48x160xf32, #tpu.memory_space<vmem>>, vector<48x160xf32>
    %dot_general3A_265 = arith.constant dense<0.000000e+00> : vector<558x160xf32>
    %dot_general3A_266 = tpu.matmul %get3A_261, %get3A_264, %dot_general3A_265 {dimension_numbers = #tpu.dot_dimension_numbers<[1], [0], [0], [1], [0, 0, 1, 1], [], []>, transpose_lhs_hint = false} : vector<558x48xf32>, vector<48x160xf32>, vector<558x160xf32> -> vector<558x160xf32>
    %slice3A_267 = vector.extract_strided_slice %dot_general3A_266 {offsets = [0, 0], sizes = [558, 32], strides = [1, 1]} : vector<558x160xf32> to vector<558x32xf32>
    %get3A_268 = arith.constant 0 : index
    %get3A_269 = arith.constant 0 : index
    %get3A_270 = vector.load %arg10[%get3A_268, %get3A_269] : memref<1x32xf32, #tpu.memory_space<vmem>>, vector<1x32xf32>
    %add3A_271 = vector.broadcast %get3A_270 : vector<1x32xf32> to vector<558x32xf32>
    %add3A_272 = arith.addf %slice3A_267, %add3A_271 : vector<558x32xf32>
    %get3A_273 = arith.constant 0 : index
    %get3A_274 = arith.constant 0 : index
    %get3A_275 = memref.load %arg1[%get3A_273, %get3A_274] : memref<1x1xf32, #tpu.memory_space<smem>>
    %div3A_276 = arith.constant 1.000000e+00 : f32
    %div3A_277 = arith.divf %div3A_276, %get3A_275 : f32
    %dot_general3A_278 = arith.constant dense<0.000000e+00> : vector<558x1xf32>
    %dot_general3A_279 = tpu.matmul %concatenate3A_94, %get3A_97, %dot_general3A_278 {dimension_numbers = #tpu.dot_dimension_numbers<[1], [0], [0], [1], [0, 0, 1, 1], [], []>, transpose_lhs_hint = false} : vector<558x640xf32>, vector<640x1xf32>, vector<558x1xf32> -> vector<558x1xf32>
    %mul3A_280 = vector.broadcast %div3A_277 : f32 to vector<558x1xf32>
    %mul3A_281 = arith.mulf %dot_general3A_279, %mul3A_280 : vector<558x1xf32>
    %add3A_282 = arith.constant 1.000000e+00 : f32
    %add3A_283 = vector.broadcast %add3A_282 : f32 to vector<558x1xf32>
    %add3A_284 = arith.addf %mul3A_281, %add3A_283 : vector<558x1xf32>
    %rsqrt3A = math.rsqrt %add3A_284 : vector<558x1xf32>
    %mul3A_285 = arith.mulf %rsqrt3A, %rsqrt3A : vector<558x1xf32>
    %mul3A_286 = vector.broadcast %div3A_277 : f32 to vector<558x1xf32>
    %mul3A_287 = arith.mulf %rsqrt3A, %mul3A_286 : vector<558x1xf32>
    %get3A_288 = arith.constant 0 : index
    %get3A_289 = arith.constant 0 : index
    %get3A_290 = vector.load %arg11[%get3A_288, %get3A_289] : memref<256x128xf32, #tpu.memory_space<vmem>>, vector<256x128xf32>
    %dot_general3A_291 = arith.constant dense<0.000000e+00> : vector<558x128xf32>
    %dot_general3A_292 = tpu.matmul %add3A_256, %get3A_290, %dot_general3A_291 {dimension_numbers = #tpu.dot_dimension_numbers<[1], [0], [0], [1], [0, 0, 1, 1], [], []>, transpose_lhs_hint = false} : vector<558x256xf32>, vector<256x128xf32>, vector<558x128xf32> -> vector<558x128xf32>
    %slice3A_293 = vector.extract_strided_slice %dot_general3A_266 {offsets = [0, 32], sizes = [558, 128], strides = [1, 1]} : vector<558x160xf32> to vector<558x128xf32>
    %add3A_294 = arith.addf %dot_general3A_292, %slice3A_293 : vector<558x128xf32>
    %get3A_295 = arith.constant 0 : index
    %get3A_296 = arith.constant 0 : index
    %get3A_297 = vector.load %arg12[%get3A_295, %get3A_296] : memref<32x128xf32, #tpu.memory_space<vmem>>, vector<32x128xf32>
    %dot_general3A_298 = arith.constant dense<0.000000e+00> : vector<558x128xf32>
    %dot_general3A_299 = tpu.matmul %add3A_272, %get3A_297, %dot_general3A_298 {dimension_numbers = #tpu.dot_dimension_numbers<[1], [0], [0], [1], [0, 0, 1, 1], [], []>, transpose_lhs_hint = false} : vector<558x32xf32>, vector<32x128xf32>, vector<558x128xf32> -> vector<558x128xf32>
    %add3A_300 = arith.addf %add3A_294, %dot_general3A_299 : vector<558x128xf32>
    %mul3A_301 = vector.broadcast %rsqrt3A : vector<558x1xf32> to vector<558x128xf32>
    %mul3A_302 = arith.mulf %mul3A_301, %add3A_300 : vector<558x128xf32>
    %jit3A_303 = arith.constant 0 : i32
    %convert_element_type3A_304 = arith.sitofp %jit3A_303 : i32 to f32
    %pad3A_305 = vector.broadcast %convert_element_type3A_304 : f32 to vector<82x128xf32>
    %pad3A_306 = tpu.concatenate %mul3A_302, %pad3A_305 in 0 : vector<558x128xf32>, vector<82x128xf32> -> vector<640x128xf32>
    %dot_general3A_307 = arith.constant dense<0.000000e+00> : vector<558x128xf32>
    %dot_general3A_308 = tpu.matmul %concatenate3A_94, %pad3A_306, %dot_general3A_307 {dimension_numbers = #tpu.dot_dimension_numbers<[1], [0], [0], [1], [0, 0, 1, 1], [], []>, transpose_lhs_hint = false} : vector<558x640xf32>, vector<640x128xf32>, vector<558x128xf32> -> vector<558x128xf32>
    %mul3A_309 = vector.broadcast %mul3A_287 : vector<558x1xf32> to vector<558x128xf32>
    %mul3A_310 = arith.mulf %mul3A_309, %dot_general3A_308 : vector<558x128xf32>
    %mul3A_311 = vector.broadcast %mul3A_285 : vector<558x1xf32> to vector<558x128xf32>
    %mul3A_312 = arith.mulf %mul3A_311, %add3A_300 : vector<558x128xf32>
    %add3A_313 = arith.addf %mul3A_310, %mul3A_312 : vector<558x128xf32>
    %get3A_314 = arith.constant 0 : index
    %get3A_315 = arith.constant 0 : index
    %get3A_316 = vector.load %arg13[%get3A_314, %get3A_315] : memref<1x128xf32, #tpu.memory_space<vmem>>, vector<1x128xf32>
    %add3A_317 = vector.broadcast %get3A_316 : vector<1x128xf32> to vector<558x128xf32>
    %add3A_318 = arith.addf %add3A_313, %add3A_317 : vector<558x128xf32>
    %max3A_319 = arith.constant 0.000000e+00 : f32
    %max3A_320 = vector.broadcast %max3A_319 : f32 to vector<558x128xf32>
    %max3A_321 = arith.maximumf %add3A_318, %max3A_320 : vector<558x128xf32>
    %get3A_322 = arith.constant 0 : index
    %get3A_323 = arith.constant 0 : index
    %get3A_324 = vector.load %arg14[%get3A_322, %get3A_323] : memref<128x128xf32, #tpu.memory_space<vmem>>, vector<128x128xf32>
    %dot_general3A_325 = arith.constant dense<0.000000e+00> : vector<558x128xf32>
    %dot_general3A_326 = tpu.matmul %max3A_321, %get3A_324, %dot_general3A_325 {dimension_numbers = #tpu.dot_dimension_numbers<[1], [0], [0], [1], [0, 0, 1, 1], [], []>, transpose_lhs_hint = false} : vector<558x128xf32>, vector<128x128xf32>, vector<558x128xf32> -> vector<558x128xf32>
    %mul3A_327 = vector.broadcast %rsqrt3A : vector<558x1xf32> to vector<558x128xf32>
    %mul3A_328 = arith.mulf %mul3A_327, %dot_general3A_326 : vector<558x128xf32>
    %jit3A_329 = arith.constant 0 : i32
    %convert_element_type3A_330 = arith.sitofp %jit3A_329 : i32 to f32
    %pad3A_331 = vector.broadcast %convert_element_type3A_330 : f32 to vector<82x128xf32>
    %pad3A_332 = tpu.concatenate %mul3A_328, %pad3A_331 in 0 : vector<558x128xf32>, vector<82x128xf32> -> vector<640x128xf32>
    %dot_general3A_333 = arith.constant dense<0.000000e+00> : vector<558x128xf32>
    %dot_general3A_334 = tpu.matmul %concatenate3A_94, %pad3A_332, %dot_general3A_333 {dimension_numbers = #tpu.dot_dimension_numbers<[1], [0], [0], [1], [0, 0, 1, 1], [], []>, transpose_lhs_hint = false} : vector<558x640xf32>, vector<640x128xf32>, vector<558x128xf32> -> vector<558x128xf32>
    %mul3A_335 = vector.broadcast %mul3A_287 : vector<558x1xf32> to vector<558x128xf32>
    %mul3A_336 = arith.mulf %mul3A_335, %dot_general3A_334 : vector<558x128xf32>
    %mul3A_337 = vector.broadcast %mul3A_285 : vector<558x1xf32> to vector<558x128xf32>
    %mul3A_338 = arith.mulf %mul3A_337, %dot_general3A_326 : vector<558x128xf32>
    %add3A_339 = arith.addf %mul3A_336, %mul3A_338 : vector<558x128xf32>
    %get3A_340 = arith.constant 0 : index
    %get3A_341 = arith.constant 0 : index
    %get3A_342 = vector.load %arg15[%get3A_340, %get3A_341] : memref<1x128xf32, #tpu.memory_space<vmem>>, vector<1x128xf32>
    %add3A_343 = vector.broadcast %get3A_342 : vector<1x128xf32> to vector<558x128xf32>
    %add3A_344 = arith.addf %add3A_339, %add3A_343 : vector<558x128xf32>
    %max3A_345 = arith.constant 0.000000e+00 : f32
    %max3A_346 = vector.broadcast %max3A_345 : f32 to vector<558x128xf32>
    %max3A_347 = arith.maximumf %add3A_344, %max3A_346 : vector<558x128xf32>
    %reduce_sum3A = arith.constant dense<0.000000e+00> : vector<128xf32>
    %reduce_sum3A_348 = vector.multi_reduction <add>, %max3A_347, %reduce_sum3A [0] : vector<558x128xf32> to vector<128xf32>
    %broadcast_in_dim3A = vector.shape_cast %reduce_sum3A_348 : vector<128xf32> to vector<1x128xf32>
    %mul3A_349 = arith.constant 0.00179211469 : f32
    %mul3A_350 = vector.broadcast %mul3A_349 : f32 to vector<1x128xf32>
    %mul3A_351 = arith.mulf %broadcast_in_dim3A, %mul3A_350 : vector<1x128xf32>
    %swap3A = arith.constant 0 : index
    %swap3A_352 = arith.constant 0 : index
    %swap3A_353 = arith.constant 0 : index
    %swap3A_354 = vector.load %arg17[%swap3A, %swap3A_352, %swap3A_353] : memref<1x1x128xf32, #tpu.memory_space<vmem>>, vector<1x1x128xf32>
    %swap3A_355 = vector.shape_cast %swap3A_354 : vector<1x1x128xf32> to vector<1x128xf32>
    %swap3A_356 = vector.shape_cast %mul3A_351 : vector<1x128xf32> to vector<1x1x128xf32>
    tpu.vector_store %arg17[%swap3A, %swap3A_352, %swap3A_353], %swap3A_356 {strides = array<i32>} : memref<1x1x128xf32, #tpu.memory_space<vmem>>, vector<1x1x128xf32>,
    return
  }
  func.func @transform_0(%arg0: i32) -> (i32, i32) {
    %c0_i32 = arith.constant 0 : i32
    %c0_i32_0 = arith.constant 0 : i32
    %c0_i32_1 = arith.constant 0 : i32
    return %c0_i32, %c0_i32_0 : i32, i32
  }
  func.func @transform_1(%arg0: i32) -> (i32, i32, i32) {
    %add3A = arith.constant 0 : i32
    %add3A_0 = arith.addi %add3A, %arg0 : i32
    %c0_i32 = arith.constant 0 : i32
    %c0_i32_1 = arith.constant 0 : i32
    %c0_i32_2 = arith.constant 0 : i32
    return %add3A_0, %c0_i32, %c0_i32_1 : i32, i32, i32
  }
  func.func @transform_2(%arg0: i32) -> (i32, i32, i32) {
    %add3A = arith.constant 0 : i32
    %add3A_0 = arith.addi %add3A, %arg0 : i32
    %c0_i32 = arith.constant 0 : i32
    %c0_i32_1 = arith.constant 0 : i32
    %c0_i32_2 = arith.constant 0 : i32
    return %add3A_0, %c0_i32, %c0_i32_1 : i32, i32, i32
  }
  func.func @transform_3(%arg0: i32) -> (i32, i32, i32, i32) {
    %c0_i32 = arith.constant 0 : i32
    %c0_i32_0 = arith.constant 0 : i32
    %c0_i32_1 = arith.constant 0 : i32
    %c0_i32_2 = arith.constant 0 : i32
    return %arg0, %c0_i32, %c0_i32_0, %c0_i32_1 : i32, i32, i32, i32
  }
  func.func @transform_4(%arg0: i32) -> (i32, i32) {
    %c0_i32 = arith.constant 0 : i32
    %c0_i32_0 = arith.constant 0 : i32
    %c0_i32_1 = arith.constant 0 : i32
    return %c0_i32, %c0_i32_0 : i32, i32
  }
  func.func @transform_5(%arg0: i32) -> (i32, i32) {
    %c0_i32 = arith.constant 0 : i32
    %c0_i32_0 = arith.constant 0 : i32
    %c0_i32_1 = arith.constant 0 : i32
    return %c0_i32, %c0_i32_0 : i32, i32
  }
  func.func @transform_6(%arg0: i32) -> (i32, i32) {
    %c0_i32 = arith.constant 0 : i32
    %c0_i32_0 = arith.constant 0 : i32
    %c0_i32_1 = arith.constant 0 : i32
    return %c0_i32, %c0_i32_0 : i32, i32
  }
  func.func @transform_7(%arg0: i32) -> (i32, i32) {
    %c0_i32 = arith.constant 0 : i32
    %c0_i32_0 = arith.constant 0 : i32
    %c0_i32_1 = arith.constant 0 : i32
    return %c0_i32, %c0_i32_0 : i32, i32
  }
  func.func @transform_8(%arg0: i32) -> (i32, i32) {
    %c0_i32 = arith.constant 0 : i32
    %c0_i32_0 = arith.constant 0 : i32
    %c0_i32_1 = arith.constant 0 : i32
    return %c0_i32, %c0_i32_0 : i32, i32
  }
  func.func @transform_9(%arg0: i32) -> (i32, i32) {
    %c0_i32 = arith.constant 0 : i32
    %c0_i32_0 = arith.constant 0 : i32
    %c0_i32_1 = arith.constant 0 : i32
    return %c0_i32, %c0_i32_0 : i32, i32
  }
  func.func @transform_10(%arg0: i32) -> (i32, i32) {
    %c0_i32 = arith.constant 0 : i32
    %c0_i32_0 = arith.constant 0 : i32
    %c0_i32_1 = arith.constant 0 : i32
    return %c0_i32, %c0_i32_0 : i32, i32
  }
  func.func @transform_11(%arg0: i32) -> (i32, i32) {
    %c0_i32 = arith.constant 0 : i32
    %c0_i32_0 = arith.constant 0 : i32
    %c0_i32_1 = arith.constant 0 : i32
    return %c0_i32, %c0_i32_0 : i32, i32
  }
  func.func @transform_12(%arg0: i32) -> (i32, i32) {
    %c0_i32 = arith.constant 0 : i32
    %c0_i32_0 = arith.constant 0 : i32
    %c0_i32_1 = arith.constant 0 : i32
    return %c0_i32, %c0_i32_0 : i32, i32
  }
  func.func @transform_13(%arg0: i32) -> (i32, i32) {
    %c0_i32 = arith.constant 0 : i32
    %c0_i32_0 = arith.constant 0 : i32
    %c0_i32_1 = arith.constant 0 : i32
    return %c0_i32, %c0_i32_0 : i32, i32
  }
  func.func @transform_14(%arg0: i32) -> (i32, i32) {
    %c0_i32 = arith.constant 0 : i32
    %c0_i32_0 = arith.constant 0 : i32
    %c0_i32_1 = arith.constant 0 : i32
    return %c0_i32, %c0_i32_0 : i32, i32
  }
  func.func @transform_15(%arg0: i32) -> (i32, i32) {
    %c0_i32 = arith.constant 0 : i32
    %c0_i32_0 = arith.constant 0 : i32
    %c0_i32_1 = arith.constant 0 : i32
    return %c0_i32, %c0_i32_0 : i32, i32
  }
  func.func @transform_16(%arg0: i32) -> (i32, i32, i32) {
    %c0_i32 = arith.constant 0 : i32
    %c0_i32_0 = arith.constant 0 : i32
    %c0_i32_1 = arith.constant 0 : i32
    return %arg0, %c0_i32, %c0_i32_0 : i32, i32, i32
  }
}

module attributes {stable_mosaic.version = 14 : i64} {
  func.func @gnn_main_g2(%arg0: i32, %arg1: memref<1x1xf32, #tpu.memory_space<smem>>, %arg2: memref<1x558x128xf32, #tpu.memory_space<vmem>>, %arg3: memref<1x558x48xf32, #tpu.memory_space<vmem>>, %arg4: memref<1x5x576x128xf32, #tpu.memory_space<vmem>>, %arg5: memref<128x256xf32, #tpu.memory_space<vmem>>, %arg6: memref<256x4xf32, #tpu.memory_space<vmem>>, %arg7: memref<256x4xf32, #tpu.memory_space<vmem>>, %arg8: memref<1x256xf32, #tpu.memory_space<vmem>>, %arg9: memref<48x160xf32, #tpu.memory_space<vmem>>, %arg10: memref<1x32xf32, #tpu.memory_space<vmem>>, %arg11: memref<256x128xf32, #tpu.memory_space<vmem>>, %arg12: memref<32x128xf32, #tpu.memory_space<vmem>>, %arg13: memref<1x128xf32, #tpu.memory_space<vmem>>, %arg14: memref<128x128xf32, #tpu.memory_space<vmem>>, %arg15: memref<1x128xf32, #tpu.memory_space<vmem>>, %arg16: memref<640x1xf32, #tpu.memory_space<vmem>>, %arg17: memref<1x1x128xf32, #tpu.memory_space<vmem>>) attributes {dimension_semantics = [#tpu.dimension_semantics<arbitrary>], iteration_bounds = array<i64: 16>, scalar_prefetch = 0 : i64, scratch_operands = 0 : i64, tpu.core_type = #tpu.core_type<tc>, window_params = [{transform_indices = @transform_0, window_bounds = array<i64: 1, 1>}, {transform_indices = @transform_1, window_bounds = array<i64: 1, 558, 128>}, {transform_indices = @transform_2, window_bounds = array<i64: 1, 558, 48>}, {transform_indices = @transform_3, window_bounds = array<i64: 1, 5, 576, 128>}, {pipeline_mode = #tpu.pipeline_mode<synchronous>, transform_indices = @transform_4, window_bounds = array<i64: 128, 256>}, {pipeline_mode = #tpu.pipeline_mode<synchronous>, transform_indices = @transform_5, window_bounds = array<i64: 256, 4>}, {pipeline_mode = #tpu.pipeline_mode<synchronous>, transform_indices = @transform_6, window_bounds = array<i64: 256, 4>}, {pipeline_mode = #tpu.pipeline_mode<synchronous>, transform_indices = @transform_7, window_bounds = array<i64: 1, 256>}, {pipeline_mode = #tpu.pipeline_mode<synchronous>, transform_indices = @transform_8, window_bounds = array<i64: 48, 160>}, {pipeline_mode = #tpu.pipeline_mode<synchronous>, transform_indices = @transform_9, window_bounds = array<i64: 1, 32>}, {pipeline_mode = #tpu.pipeline_mode<synchronous>, transform_indices = @transform_10, window_bounds = array<i64: 256, 128>}, {pipeline_mode = #tpu.pipeline_mode<synchronous>, transform_indices = @transform_11, window_bounds = array<i64: 32, 128>}, {pipeline_mode = #tpu.pipeline_mode<synchronous>, transform_indices = @transform_12, window_bounds = array<i64: 1, 128>}, {pipeline_mode = #tpu.pipeline_mode<synchronous>, transform_indices = @transform_13, window_bounds = array<i64: 128, 128>}, {pipeline_mode = #tpu.pipeline_mode<synchronous>, transform_indices = @transform_14, window_bounds = array<i64: 1, 128>}, {pipeline_mode = #tpu.pipeline_mode<synchronous>, transform_indices = @transform_15, window_bounds = array<i64: 640, 1>}, {transform_indices = @transform_16, window_bounds = array<i64: 1, 1, 128>}]} {
    %get3A = arith.constant 0 : index
    %get3A_0 = arith.constant 0 : index
    %get3A_1 = arith.constant 0 : index
    %get3A_2 = vector.load %arg2[%get3A, %get3A_0, %get3A_1] : memref<1x558x128xf32, #tpu.memory_space<vmem>>, vector<1x558x128xf32>
    %get3A_3 = vector.shape_cast %get3A_2 : vector<1x558x128xf32> to vector<558x128xf32>
    %get3A_4 = arith.constant 0 : index
    %get3A_5 = arith.constant 0 : index
    %get3A_6 = vector.load %arg5[%get3A_4, %get3A_5] : memref<128x256xf32, #tpu.memory_space<vmem>>, vector<128x256xf32>
    %dot_general3A = arith.constant dense<0.000000e+00> : vector<558x256xf32>
    %dot_general3A_7 = tpu.matmul %get3A_3, %get3A_6, %dot_general3A {dimension_numbers = #tpu.dot_dimension_numbers<[1], [0], [0], [1], [0, 0, 1, 1], [], []>, transpose_lhs_hint = false} : vector<558x128xf32>, vector<128x256xf32>, vector<558x256xf32> -> vector<558x256xf32>
    %get3A_8 = arith.constant 0 : index
    %get3A_9 = arith.constant 0 : index
    %get3A_10 = vector.load %arg6[%get3A_8, %get3A_9] : memref<256x4xf32, #tpu.memory_space<vmem>>, vector<256x4xf32>
    %dot_general3A_11 = arith.constant dense<0.000000e+00> : vector<558x4xf32>
    %dot_general3A_12 = tpu.matmul %dot_general3A_7, %get3A_10, %dot_general3A_11 {dimension_numbers = #tpu.dot_dimension_numbers<[1], [0], [0], [1], [0, 0, 1, 1], [], []>, transpose_lhs_hint = false} : vector<558x256xf32>, vector<256x4xf32>, vector<558x4xf32> -> vector<558x4xf32>
    %get3A_13 = arith.constant 0 : index
    %get3A_14 = arith.constant 0 : index
    %get3A_15 = vector.load %arg7[%get3A_13, %get3A_14] : memref<256x4xf32, #tpu.memory_space<vmem>>, vector<256x4xf32>
    %dot_general3A_16 = arith.constant dense<0.000000e+00> : vector<558x4xf32>
    %dot_general3A_17 = tpu.matmul %dot_general3A_7, %get3A_15, %dot_general3A_16 {dimension_numbers = #tpu.dot_dimension_numbers<[1], [0], [0], [1], [0, 0, 1, 1], [], []>, transpose_lhs_hint = false} : vector<558x256xf32>, vector<256x4xf32>, vector<558x4xf32> -> vector<558x4xf32>
    %jit3A = arith.constant 0 : i32
    %convert_element_type3A = arith.sitofp %jit3A : i32 to f32
    %pad3A = vector.broadcast %convert_element_type3A : f32 to vector<82x256xf32>
    %pad3A_18 = tpu.concatenate %dot_general3A_7, %pad3A in 0 : vector<558x256xf32>, vector<82x256xf32> -> vector<640x256xf32>
    %get3A_19 = arith.constant 0 : index
    %get3A_20 = arith.constant 0 : index
    %get3A_21 = vector.load %arg6[%get3A_19, %get3A_20] : memref<256x4xf32, #tpu.memory_space<vmem>>, vector<256x4xf32>
    %dot_general3A_22 = arith.constant dense<0.000000e+00> : vector<4x640xf32>
    %dot_general3A_23 = tpu.matmul %get3A_21, %pad3A_18, %dot_general3A_22 {dimension_numbers = #tpu.dot_dimension_numbers<[0], [1], [1], [0], [0, 1, 1, 0], [], []>, transpose_lhs_hint = false} : vector<256x4xf32>, vector<640x256xf32>, vector<4x640xf32> -> vector<4x640xf32>
    %get3A_24 = arith.constant 0 : index
    %get3A_25 = arith.constant 0 : index
    %get3A_26 = arith.constant 0 : index
    %get3A_27 = arith.constant 0 : index
    %get3A_28 = vector.load %arg4[%get3A_24, %get3A_25, %get3A_26, %get3A_27] : memref<1x5x576x128xf32, #tpu.memory_space<vmem>>, vector<1x5x576x128xf32>
    %get3A_29 = vector.shape_cast %get3A_28 : vector<1x5x576x128xf32> to vector<5x576x128xf32>
    %slice3A = vector.extract_strided_slice %get3A_29 {offsets = [0, 0, 0], sizes = [1, 576, 128], strides = [1, 1, 1]} : vector<5x576x128xf32> to vector<1x576x128xf32>
    %squeeze3A = vector.shape_cast %slice3A : vector<1x576x128xf32> to vector<576x128xf32>
    %slice3A_30 = vector.extract_strided_slice %squeeze3A {offsets = [0, 0], sizes = [558, 128], strides = [1, 1]} : vector<576x128xf32> to vector<558x128xf32>
    %max3A = arith.constant 0.000000e+00 : f32
    %max3A_31 = vector.broadcast %max3A : f32 to vector<558x128xf32>
    %max3A_32 = arith.maximumf %slice3A_30, %max3A_31 : vector<558x128xf32>
    %mul3A = arith.constant 1.562500e-02 : f32
    %mul3A_33 = vector.broadcast %mul3A : f32 to vector<558x128xf32>
    %mul3A_34 = arith.mulf %max3A_32, %mul3A_33 : vector<558x128xf32>
    %floor3A = math.floor %mul3A_34 : vector<558x128xf32>
    %mul3A_35 = arith.constant 6.400000e+01 : f32
    %mul3A_36 = vector.broadcast %mul3A_35 : f32 to vector<558x128xf32>
    %mul3A_37 = arith.mulf %mul3A_36, %floor3A : vector<558x128xf32>
    %sub3A = arith.subf %max3A_32, %mul3A_37 : vector<558x128xf32>
    %slice3A_38 = vector.extract_strided_slice %get3A_29 {offsets = [1, 0, 0], sizes = [1, 576, 128], strides = [1, 1, 1]} : vector<5x576x128xf32> to vector<1x576x128xf32>
    %squeeze3A_39 = vector.shape_cast %slice3A_38 : vector<1x576x128xf32> to vector<576x128xf32>
    %slice3A_40 = vector.extract_strided_slice %squeeze3A_39 {offsets = [0, 0], sizes = [558, 128], strides = [1, 1]} : vector<576x128xf32> to vector<558x128xf32>
    %max3A_41 = arith.constant 0.000000e+00 : f32
    %max3A_42 = vector.broadcast %max3A_41 : f32 to vector<558x128xf32>
    %max3A_43 = arith.maximumf %slice3A_40, %max3A_42 : vector<558x128xf32>
    %mul3A_44 = arith.constant 1.562500e-02 : f32
    %mul3A_45 = vector.broadcast %mul3A_44 : f32 to vector<558x128xf32>
    %mul3A_46 = arith.mulf %max3A_43, %mul3A_45 : vector<558x128xf32>
    %floor3A_47 = math.floor %mul3A_46 : vector<558x128xf32>
    %mul3A_48 = arith.constant 6.400000e+01 : f32
    %mul3A_49 = vector.broadcast %mul3A_48 : f32 to vector<558x128xf32>
    %mul3A_50 = arith.mulf %mul3A_49, %floor3A_47 : vector<558x128xf32>
    %sub3A_51 = arith.subf %max3A_43, %mul3A_50 : vector<558x128xf32>
    %slice3A_52 = vector.extract_strided_slice %get3A_29 {offsets = [2, 0, 0], sizes = [1, 576, 128], strides = [1, 1, 1]} : vector<5x576x128xf32> to vector<1x576x128xf32>
    %squeeze3A_53 = vector.shape_cast %slice3A_52 : vector<1x576x128xf32> to vector<576x128xf32>
    %slice3A_54 = vector.extract_strided_slice %squeeze3A_53 {offsets = [0, 0], sizes = [558, 128], strides = [1, 1]} : vector<576x128xf32> to vector<558x128xf32>
    %max3A_55 = arith.constant 0.000000e+00 : f32
    %max3A_56 = vector.broadcast %max3A_55 : f32 to vector<558x128xf32>
    %max3A_57 = arith.maximumf %slice3A_54, %max3A_56 : vector<558x128xf32>
    %mul3A_58 = arith.constant 1.562500e-02 : f32
    %mul3A_59 = vector.broadcast %mul3A_58 : f32 to vector<558x128xf32>
    %mul3A_60 = arith.mulf %max3A_57, %mul3A_59 : vector<558x128xf32>
    %floor3A_61 = math.floor %mul3A_60 : vector<558x128xf32>
    %mul3A_62 = arith.constant 6.400000e+01 : f32
    %mul3A_63 = vector.broadcast %mul3A_62 : f32 to vector<558x128xf32>
    %mul3A_64 = arith.mulf %mul3A_63, %floor3A_61 : vector<558x128xf32>
    %sub3A_65 = arith.subf %max3A_57, %mul3A_64 : vector<558x128xf32>
    %slice3A_66 = vector.extract_strided_slice %get3A_29 {offsets = [3, 0, 0], sizes = [1, 576, 128], strides = [1, 1, 1]} : vector<5x576x128xf32> to vector<1x576x128xf32>
    %squeeze3A_67 = vector.shape_cast %slice3A_66 : vector<1x576x128xf32> to vector<576x128xf32>
    %slice3A_68 = vector.extract_strided_slice %squeeze3A_67 {offsets = [0, 0], sizes = [558, 128], strides = [1, 1]} : vector<576x128xf32> to vector<558x128xf32>
    %max3A_69 = arith.constant 0.000000e+00 : f32
    %max3A_70 = vector.broadcast %max3A_69 : f32 to vector<558x128xf32>
    %max3A_71 = arith.maximumf %slice3A_68, %max3A_70 : vector<558x128xf32>
    %mul3A_72 = arith.constant 1.562500e-02 : f32
    %mul3A_73 = vector.broadcast %mul3A_72 : f32 to vector<558x128xf32>
    %mul3A_74 = arith.mulf %max3A_71, %mul3A_73 : vector<558x128xf32>
    %floor3A_75 = math.floor %mul3A_74 : vector<558x128xf32>
    %mul3A_76 = arith.constant 6.400000e+01 : f32
    %mul3A_77 = vector.broadcast %mul3A_76 : f32 to vector<558x128xf32>
    %mul3A_78 = arith.mulf %mul3A_77, %floor3A_75 : vector<558x128xf32>
    %sub3A_79 = arith.subf %max3A_71, %mul3A_78 : vector<558x128xf32>
    %slice3A_80 = vector.extract_strided_slice %get3A_29 {offsets = [4, 0, 0], sizes = [1, 576, 128], strides = [1, 1, 1]} : vector<5x576x128xf32> to vector<1x576x128xf32>
    %squeeze3A_81 = vector.shape_cast %slice3A_80 : vector<1x576x128xf32> to vector<576x128xf32>
    %slice3A_82 = vector.extract_strided_slice %squeeze3A_81 {offsets = [0, 0], sizes = [558, 128], strides = [1, 1]} : vector<576x128xf32> to vector<558x128xf32>
    %max3A_83 = arith.constant 0.000000e+00 : f32
    %max3A_84 = vector.broadcast %max3A_83 : f32 to vector<558x128xf32>
    %max3A_85 = arith.maximumf %slice3A_82, %max3A_84 : vector<558x128xf32>
    %mul3A_86 = arith.constant 1.562500e-02 : f32
    %mul3A_87 = vector.broadcast %mul3A_86 : f32 to vector<558x128xf32>
    %mul3A_88 = arith.mulf %max3A_85, %mul3A_87 : vector<558x128xf32>
    %floor3A_89 = math.floor %mul3A_88 : vector<558x128xf32>
    %mul3A_90 = arith.constant 6.400000e+01 : f32
    %mul3A_91 = vector.broadcast %mul3A_90 : f32 to vector<558x128xf32>
    %mul3A_92 = arith.mulf %mul3A_91, %floor3A_89 : vector<558x128xf32>
    %sub3A_93 = arith.subf %max3A_85, %mul3A_92 : vector<558x128xf32>
    %concatenate3A = tpu.concatenate %floor3A, %floor3A_47, %floor3A_61, %floor3A_75, %floor3A_89 in 1 : vector<558x128xf32>, vector<558x128xf32>, vector<558x128xf32>, vector<558x128xf32>, vector<558x128xf32> -> vector<558x640xf32>
    %concatenate3A_94 = tpu.concatenate %sub3A, %sub3A_51, %sub3A_65, %sub3A_79, %sub3A_93 in 1 : vector<558x128xf32>, vector<558x128xf32>, vector<558x128xf32>, vector<558x128xf32>, vector<558x128xf32> -> vector<558x640xf32>
    %get3A_95 = arith.constant 0 : index
    %get3A_96 = arith.constant 0 : index
    %get3A_97 = vector.load %arg16[%get3A_95, %get3A_96] : memref<640x1xf32, #tpu.memory_space<vmem>>, vector<640x1xf32>
    %slice3A_98 = vector.extract_strided_slice %dot_general3A_17 {offsets = [0, 0], sizes = [558, 1], strides = [1, 1]} : vector<558x4xf32> to vector<558x1xf32>
    %slice3A_99 = vector.extract_strided_slice %dot_general3A_23 {offsets = [0, 0], sizes = [1, 640], strides = [1, 1]} : vector<4x640xf32> to vector<1x640xf32>
    %add3A = vector.broadcast %slice3A_98 : vector<558x1xf32> to vector<558x640xf32>
    %add3A_100 = vector.broadcast %slice3A_99 : vector<1x640xf32> to vector<558x640xf32>
    %add3A_101 = arith.addf %add3A, %add3A_100 : vector<558x640xf32>
    %mul3A_102 = arith.constant 2.000000e-01 : f32
    %mul3A_103 = vector.broadcast %mul3A_102 : f32 to vector<558x640xf32>
    %mul3A_104 = arith.mulf %mul3A_103, %add3A_101 : vector<558x640xf32>
    %max3A_105 = arith.maximumf %add3A_101, %mul3A_104 : vector<558x640xf32>
    %exp3A = math.exp %max3A_105 : vector<558x640xf32>
    %mul3A_106 = arith.mulf %concatenate3A, %exp3A : vector<558x640xf32>
    %slice3A_107 = vector.extract_strided_slice %dot_general3A_12 {offsets = [0, 0], sizes = [558, 1], strides = [1, 1]} : vector<558x4xf32> to vector<558x1xf32>
    %slice3A_108 = vector.extract_strided_slice %dot_general3A_17 {offsets = [0, 0], sizes = [558, 1], strides = [1, 1]} : vector<558x4xf32> to vector<558x1xf32>
    %add3A_109 = arith.addf %slice3A_107, %slice3A_108 : vector<558x1xf32>
    %mul3A_110 = arith.constant 2.000000e-01 : f32
    %mul3A_111 = vector.broadcast %mul3A_110 : f32 to vector<558x1xf32>
    %mul3A_112 = arith.mulf %mul3A_111, %add3A_109 : vector<558x1xf32>
    %max3A_113 = arith.maximumf %add3A_109, %mul3A_112 : vector<558x1xf32>
    %exp3A_114 = math.exp %max3A_113 : vector<558x1xf32>
    %slice3A_115 = vector.extract_strided_slice %dot_general3A_7 {offsets = [0, 0], sizes = [558, 64], strides = [1, 1]} : vector<558x256xf32> to vector<558x64xf32>
    %slice3A_116 = vector.extract_strided_slice %pad3A_18 {offsets = [0, 0], sizes = [640, 64], strides = [1, 1]} : vector<640x256xf32> to vector<640x64xf32>
    %concatenate3A_117 = tpu.concatenate %slice3A_116, %get3A_97 in 1 : vector<640x64xf32>, vector<640x1xf32> -> vector<640x65xf32>
    %dot_general3A_118 = arith.constant dense<0.000000e+00> : vector<558x65xf32>
    %dot_general3A_119 = tpu.matmul %mul3A_106, %concatenate3A_117, %dot_general3A_118 {dimension_numbers = #tpu.dot_dimension_numbers<[1], [0], [0], [1], [0, 0, 1, 1], [], []>, transpose_lhs_hint = false} : vector<558x640xf32>, vector<640x65xf32>, vector<558x65xf32> -> vector<558x65xf32>
    %slice3A_120 = vector.extract_strided_slice %dot_general3A_119 {offsets = [0, 64], sizes = [558, 1], strides = [1, 1]} : vector<558x65xf32> to vector<558x1xf32>
    %add3A_121 = arith.addf %slice3A_120, %exp3A_114 : vector<558x1xf32>
    %add3A_122 = arith.constant 1.000000e-16 : f32
    %add3A_123 = vector.broadcast %add3A_122 : f32 to vector<558x1xf32>
    %add3A_124 = arith.addf %add3A_121, %add3A_123 : vector<558x1xf32>
    %div3A = arith.constant 1.000000e+00 : f32
    %div3A_125 = vector.broadcast %div3A : f32 to vector<558x1xf32>
    %div3A_126 = arith.divf %div3A_125, %add3A_124 : vector<558x1xf32>
    %slice3A_127 = vector.extract_strided_slice %dot_general3A_119 {offsets = [0, 0], sizes = [558, 64], strides = [1, 1]} : vector<558x65xf32> to vector<558x64xf32>
    %mul3A_128 = vector.broadcast %div3A_126 : vector<558x1xf32> to vector<558x64xf32>
    %mul3A_129 = arith.mulf %mul3A_128, %slice3A_127 : vector<558x64xf32>
    %mul3A_130 = arith.mulf %exp3A_114, %div3A_126 : vector<558x1xf32>
    %mul3A_131 = vector.broadcast %mul3A_130 : vector<558x1xf32> to vector<558x64xf32>
    %mul3A_132 = arith.mulf %mul3A_131, %slice3A_115 : vector<558x64xf32>
    %add3A_133 = arith.addf %mul3A_129, %mul3A_132 : vector<558x64xf32>
    %slice3A_134 = vector.extract_strided_slice %dot_general3A_17 {offsets = [0, 1], sizes = [558, 1], strides = [1, 1]} : vector<558x4xf32> to vector<558x1xf32>
    %slice3A_135 = vector.extract_strided_slice %dot_general3A_23 {offsets = [1, 0], sizes = [1, 640], strides = [1, 1]} : vector<4x640xf32> to vector<1x640xf32>
    %add3A_136 = vector.broadcast %slice3A_134 : vector<558x1xf32> to vector<558x640xf32>
    %add3A_137 = vector.broadcast %slice3A_135 : vector<1x640xf32> to vector<558x640xf32>
    %add3A_138 = arith.addf %add3A_136, %add3A_137 : vector<558x640xf32>
    %mul3A_139 = arith.constant 2.000000e-01 : f32
    %mul3A_140 = vector.broadcast %mul3A_139 : f32 to vector<558x640xf32>
    %mul3A_141 = arith.mulf %mul3A_140, %add3A_138 : vector<558x640xf32>
    %max3A_142 = arith.maximumf %add3A_138, %mul3A_141 : vector<558x640xf32>
    %exp3A_143 = math.exp %max3A_142 : vector<558x640xf32>
    %mul3A_144 = arith.mulf %concatenate3A, %exp3A_143 : vector<558x640xf32>
    %slice3A_145 = vector.extract_strided_slice %dot_general3A_12 {offsets = [0, 1], sizes = [558, 1], strides = [1, 1]} : vector<558x4xf32> to vector<558x1xf32>
    %slice3A_146 = vector.extract_strided_slice %dot_general3A_17 {offsets = [0, 1], sizes = [558, 1], strides = [1, 1]} : vector<558x4xf32> to vector<558x1xf32>
    %add3A_147 = arith.addf %slice3A_145, %slice3A_146 : vector<558x1xf32>
    %mul3A_148 = arith.constant 2.000000e-01 : f32
    %mul3A_149 = vector.broadcast %mul3A_148 : f32 to vector<558x1xf32>
    %mul3A_150 = arith.mulf %mul3A_149, %add3A_147 : vector<558x1xf32>
    %max3A_151 = arith.maximumf %add3A_147, %mul3A_150 : vector<558x1xf32>
    %exp3A_152 = math.exp %max3A_151 : vector<558x1xf32>
    %slice3A_153 = vector.extract_strided_slice %dot_general3A_7 {offsets = [0, 64], sizes = [558, 64], strides = [1, 1]} : vector<558x256xf32> to vector<558x64xf32>
    %slice3A_154 = vector.extract_strided_slice %pad3A_18 {offsets = [0, 64], sizes = [640, 64], strides = [1, 1]} : vector<640x256xf32> to vector<640x64xf32>
    %concatenate3A_155 = tpu.concatenate %slice3A_154, %get3A_97 in 1 : vector<640x64xf32>, vector<640x1xf32> -> vector<640x65xf32>
    %dot_general3A_156 = arith.constant dense<0.000000e+00> : vector<558x65xf32>
    %dot_general3A_157 = tpu.matmul %mul3A_144, %concatenate3A_155, %dot_general3A_156 {dimension_numbers = #tpu.dot_dimension_numbers<[1], [0], [0], [1], [0, 0, 1, 1], [], []>, transpose_lhs_hint = false} : vector<558x640xf32>, vector<640x65xf32>, vector<558x65xf32> -> vector<558x65xf32>
    %slice3A_158 = vector.extract_strided_slice %dot_general3A_157 {offsets = [0, 64], sizes = [558, 1], strides = [1, 1]} : vector<558x65xf32> to vector<558x1xf32>
    %add3A_159 = arith.addf %slice3A_158, %exp3A_152 : vector<558x1xf32>
    %add3A_160 = arith.constant 1.000000e-16 : f32
    %add3A_161 = vector.broadcast %add3A_160 : f32 to vector<558x1xf32>
    %add3A_162 = arith.addf %add3A_159, %add3A_161 : vector<558x1xf32>
    %div3A_163 = arith.constant 1.000000e+00 : f32
    %div3A_164 = vector.broadcast %div3A_163 : f32 to vector<558x1xf32>
    %div3A_165 = arith.divf %div3A_164, %add3A_162 : vector<558x1xf32>
    %slice3A_166 = vector.extract_strided_slice %dot_general3A_157 {offsets = [0, 0], sizes = [558, 64], strides = [1, 1]} : vector<558x65xf32> to vector<558x64xf32>
    %mul3A_167 = vector.broadcast %div3A_165 : vector<558x1xf32> to vector<558x64xf32>
    %mul3A_168 = arith.mulf %mul3A_167, %slice3A_166 : vector<558x64xf32>
    %mul3A_169 = arith.mulf %exp3A_152, %div3A_165 : vector<558x1xf32>
    %mul3A_170 = vector.broadcast %mul3A_169 : vector<558x1xf32> to vector<558x64xf32>
    %mul3A_171 = arith.mulf %mul3A_170, %slice3A_153 : vector<558x64xf32>
    %add3A_172 = arith.addf %mul3A_168, %mul3A_171 : vector<558x64xf32>
    %slice3A_173 = vector.extract_strided_slice %dot_general3A_17 {offsets = [0, 2], sizes = [558, 1], strides = [1, 1]} : vector<558x4xf32> to vector<558x1xf32>
    %slice3A_174 = vector.extract_strided_slice %dot_general3A_23 {offsets = [2, 0], sizes = [1, 640], strides = [1, 1]} : vector<4x640xf32> to vector<1x640xf32>
    %add3A_175 = vector.broadcast %slice3A_173 : vector<558x1xf32> to vector<558x640xf32>
    %add3A_176 = vector.broadcast %slice3A_174 : vector<1x640xf32> to vector<558x640xf32>
    %add3A_177 = arith.addf %add3A_175, %add3A_176 : vector<558x640xf32>
    %mul3A_178 = arith.constant 2.000000e-01 : f32
    %mul3A_179 = vector.broadcast %mul3A_178 : f32 to vector<558x640xf32>
    %mul3A_180 = arith.mulf %mul3A_179, %add3A_177 : vector<558x640xf32>
    %max3A_181 = arith.maximumf %add3A_177, %mul3A_180 : vector<558x640xf32>
    %exp3A_182 = math.exp %max3A_181 : vector<558x640xf32>
    %mul3A_183 = arith.mulf %concatenate3A, %exp3A_182 : vector<558x640xf32>
    %slice3A_184 = vector.extract_strided_slice %dot_general3A_12 {offsets = [0, 2], sizes = [558, 1], strides = [1, 1]} : vector<558x4xf32> to vector<558x1xf32>
    %slice3A_185 = vector.extract_strided_slice %dot_general3A_17 {offsets = [0, 2], sizes = [558, 1], strides = [1, 1]} : vector<558x4xf32> to vector<558x1xf32>
    %add3A_186 = arith.addf %slice3A_184, %slice3A_185 : vector<558x1xf32>
    %mul3A_187 = arith.constant 2.000000e-01 : f32
    %mul3A_188 = vector.broadcast %mul3A_187 : f32 to vector<558x1xf32>
    %mul3A_189 = arith.mulf %mul3A_188, %add3A_186 : vector<558x1xf32>
    %max3A_190 = arith.maximumf %add3A_186, %mul3A_189 : vector<558x1xf32>
    %exp3A_191 = math.exp %max3A_190 : vector<558x1xf32>
    %slice3A_192 = vector.extract_strided_slice %dot_general3A_7 {offsets = [0, 128], sizes = [558, 64], strides = [1, 1]} : vector<558x256xf32> to vector<558x64xf32>
    %slice3A_193 = vector.extract_strided_slice %pad3A_18 {offsets = [0, 128], sizes = [640, 64], strides = [1, 1]} : vector<640x256xf32> to vector<640x64xf32>
    %concatenate3A_194 = tpu.concatenate %slice3A_193, %get3A_97 in 1 : vector<640x64xf32>, vector<640x1xf32> -> vector<640x65xf32>
    %dot_general3A_195 = arith.constant dense<0.000000e+00> : vector<558x65xf32>
    %dot_general3A_196 = tpu.matmul %mul3A_183, %concatenate3A_194, %dot_general3A_195 {dimension_numbers = #tpu.dot_dimension_numbers<[1], [0], [0], [1], [0, 0, 1, 1], [], []>, transpose_lhs_hint = false} : vector<558x640xf32>, vector<640x65xf32>, vector<558x65xf32> -> vector<558x65xf32>
    %slice3A_197 = vector.extract_strided_slice %dot_general3A_196 {offsets = [0, 64], sizes = [558, 1], strides = [1, 1]} : vector<558x65xf32> to vector<558x1xf32>
    %add3A_198 = arith.addf %slice3A_197, %exp3A_191 : vector<558x1xf32>
    %add3A_199 = arith.constant 1.000000e-16 : f32
    %add3A_200 = vector.broadcast %add3A_199 : f32 to vector<558x1xf32>
    %add3A_201 = arith.addf %add3A_198, %add3A_200 : vector<558x1xf32>
    %div3A_202 = arith.constant 1.000000e+00 : f32
    %div3A_203 = vector.broadcast %div3A_202 : f32 to vector<558x1xf32>
    %div3A_204 = arith.divf %div3A_203, %add3A_201 : vector<558x1xf32>
    %slice3A_205 = vector.extract_strided_slice %dot_general3A_196 {offsets = [0, 0], sizes = [558, 64], strides = [1, 1]} : vector<558x65xf32> to vector<558x64xf32>
    %mul3A_206 = vector.broadcast %div3A_204 : vector<558x1xf32> to vector<558x64xf32>
    %mul3A_207 = arith.mulf %mul3A_206, %slice3A_205 : vector<558x64xf32>
    %mul3A_208 = arith.mulf %exp3A_191, %div3A_204 : vector<558x1xf32>
    %mul3A_209 = vector.broadcast %mul3A_208 : vector<558x1xf32> to vector<558x64xf32>
    %mul3A_210 = arith.mulf %mul3A_209, %slice3A_192 : vector<558x64xf32>
    %add3A_211 = arith.addf %mul3A_207, %mul3A_210 : vector<558x64xf32>
    %slice3A_212 = vector.extract_strided_slice %dot_general3A_17 {offsets = [0, 3], sizes = [558, 1], strides = [1, 1]} : vector<558x4xf32> to vector<558x1xf32>
    %slice3A_213 = vector.extract_strided_slice %dot_general3A_23 {offsets = [3, 0], sizes = [1, 640], strides = [1, 1]} : vector<4x640xf32> to vector<1x640xf32>
    %add3A_214 = vector.broadcast %slice3A_212 : vector<558x1xf32> to vector<558x640xf32>
    %add3A_215 = vector.broadcast %slice3A_213 : vector<1x640xf32> to vector<558x640xf32>
    %add3A_216 = arith.addf %add3A_214, %add3A_215 : vector<558x640xf32>
    %mul3A_217 = arith.constant 2.000000e-01 : f32
    %mul3A_218 = vector.broadcast %mul3A_217 : f32 to vector<558x640xf32>
    %mul3A_219 = arith.mulf %mul3A_218, %add3A_216 : vector<558x640xf32>
    %max3A_220 = arith.maximumf %add3A_216, %mul3A_219 : vector<558x640xf32>
    %exp3A_221 = math.exp %max3A_220 : vector<558x640xf32>
    %mul3A_222 = arith.mulf %concatenate3A, %exp3A_221 : vector<558x640xf32>
    %slice3A_223 = vector.extract_strided_slice %dot_general3A_12 {offsets = [0, 3], sizes = [558, 1], strides = [1, 1]} : vector<558x4xf32> to vector<558x1xf32>
    %slice3A_224 = vector.extract_strided_slice %dot_general3A_17 {offsets = [0, 3], sizes = [558, 1], strides = [1, 1]} : vector<558x4xf32> to vector<558x1xf32>
    %add3A_225 = arith.addf %slice3A_223, %slice3A_224 : vector<558x1xf32>
    %mul3A_226 = arith.constant 2.000000e-01 : f32
    %mul3A_227 = vector.broadcast %mul3A_226 : f32 to vector<558x1xf32>
    %mul3A_228 = arith.mulf %mul3A_227, %add3A_225 : vector<558x1xf32>
    %max3A_229 = arith.maximumf %add3A_225, %mul3A_228 : vector<558x1xf32>
    %exp3A_230 = math.exp %max3A_229 : vector<558x1xf32>
    %slice3A_231 = vector.extract_strided_slice %dot_general3A_7 {offsets = [0, 192], sizes = [558, 64], strides = [1, 1]} : vector<558x256xf32> to vector<558x64xf32>
    %slice3A_232 = vector.extract_strided_slice %pad3A_18 {offsets = [0, 192], sizes = [640, 64], strides = [1, 1]} : vector<640x256xf32> to vector<640x64xf32>
    %concatenate3A_233 = tpu.concatenate %slice3A_232, %get3A_97 in 1 : vector<640x64xf32>, vector<640x1xf32> -> vector<640x65xf32>
    %dot_general3A_234 = arith.constant dense<0.000000e+00> : vector<558x65xf32>
    %dot_general3A_235 = tpu.matmul %mul3A_222, %concatenate3A_233, %dot_general3A_234 {dimension_numbers = #tpu.dot_dimension_numbers<[1], [0], [0], [1], [0, 0, 1, 1], [], []>, transpose_lhs_hint = false} : vector<558x640xf32>, vector<640x65xf32>, vector<558x65xf32> -> vector<558x65xf32>
    %slice3A_236 = vector.extract_strided_slice %dot_general3A_235 {offsets = [0, 64], sizes = [558, 1], strides = [1, 1]} : vector<558x65xf32> to vector<558x1xf32>
    %add3A_237 = arith.addf %slice3A_236, %exp3A_230 : vector<558x1xf32>
    %add3A_238 = arith.constant 1.000000e-16 : f32
    %add3A_239 = vector.broadcast %add3A_238 : f32 to vector<558x1xf32>
    %add3A_240 = arith.addf %add3A_237, %add3A_239 : vector<558x1xf32>
    %div3A_241 = arith.constant 1.000000e+00 : f32
    %div3A_242 = vector.broadcast %div3A_241 : f32 to vector<558x1xf32>
    %div3A_243 = arith.divf %div3A_242, %add3A_240 : vector<558x1xf32>
    %slice3A_244 = vector.extract_strided_slice %dot_general3A_235 {offsets = [0, 0], sizes = [558, 64], strides = [1, 1]} : vector<558x65xf32> to vector<558x64xf32>
    %mul3A_245 = vector.broadcast %div3A_243 : vector<558x1xf32> to vector<558x64xf32>
    %mul3A_246 = arith.mulf %mul3A_245, %slice3A_244 : vector<558x64xf32>
    %mul3A_247 = arith.mulf %exp3A_230, %div3A_243 : vector<558x1xf32>
    %mul3A_248 = vector.broadcast %mul3A_247 : vector<558x1xf32> to vector<558x64xf32>
    %mul3A_249 = arith.mulf %mul3A_248, %slice3A_231 : vector<558x64xf32>
    %add3A_250 = arith.addf %mul3A_246, %mul3A_249 : vector<558x64xf32>
    %concatenate3A_251 = tpu.concatenate %add3A_133, %add3A_172, %add3A_211, %add3A_250 in 1 : vector<558x64xf32>, vector<558x64xf32>, vector<558x64xf32>, vector<558x64xf32> -> vector<558x256xf32>
    %get3A_252 = arith.constant 0 : index
    %get3A_253 = arith.constant 0 : index
    %get3A_254 = vector.load %arg8[%get3A_252, %get3A_253] : memref<1x256xf32, #tpu.memory_space<vmem>>, vector<1x256xf32>
    %add3A_255 = vector.broadcast %get3A_254 : vector<1x256xf32> to vector<558x256xf32>
    %add3A_256 = arith.addf %concatenate3A_251, %add3A_255 : vector<558x256xf32>
    %get3A_257 = arith.constant 0 : index
    %get3A_258 = arith.constant 0 : index
    %get3A_259 = arith.constant 0 : index
    %get3A_260 = vector.load %arg3[%get3A_257, %get3A_258, %get3A_259] : memref<1x558x48xf32, #tpu.memory_space<vmem>>, vector<1x558x48xf32>
    %get3A_261 = vector.shape_cast %get3A_260 : vector<1x558x48xf32> to vector<558x48xf32>
    %get3A_262 = arith.constant 0 : index
    %get3A_263 = arith.constant 0 : index
    %get3A_264 = vector.load %arg9[%get3A_262, %get3A_263] : memref<48x160xf32, #tpu.memory_space<vmem>>, vector<48x160xf32>
    %dot_general3A_265 = arith.constant dense<0.000000e+00> : vector<558x160xf32>
    %dot_general3A_266 = tpu.matmul %get3A_261, %get3A_264, %dot_general3A_265 {dimension_numbers = #tpu.dot_dimension_numbers<[1], [0], [0], [1], [0, 0, 1, 1], [], []>, transpose_lhs_hint = false} : vector<558x48xf32>, vector<48x160xf32>, vector<558x160xf32> -> vector<558x160xf32>
    %slice3A_267 = vector.extract_strided_slice %dot_general3A_266 {offsets = [0, 0], sizes = [558, 32], strides = [1, 1]} : vector<558x160xf32> to vector<558x32xf32>
    %get3A_268 = arith.constant 0 : index
    %get3A_269 = arith.constant 0 : index
    %get3A_270 = vector.load %arg10[%get3A_268, %get3A_269] : memref<1x32xf32, #tpu.memory_space<vmem>>, vector<1x32xf32>
    %add3A_271 = vector.broadcast %get3A_270 : vector<1x32xf32> to vector<558x32xf32>
    %add3A_272 = arith.addf %slice3A_267, %add3A_271 : vector<558x32xf32>
    %get3A_273 = arith.constant 0 : index
    %get3A_274 = arith.constant 0 : index
    %get3A_275 = memref.load %arg1[%get3A_273, %get3A_274] : memref<1x1xf32, #tpu.memory_space<smem>>
    %div3A_276 = arith.constant 1.000000e+00 : f32
    %div3A_277 = arith.divf %div3A_276, %get3A_275 : f32
    %dot_general3A_278 = arith.constant dense<0.000000e+00> : vector<558x1xf32>
    %dot_general3A_279 = tpu.matmul %concatenate3A_94, %get3A_97, %dot_general3A_278 {dimension_numbers = #tpu.dot_dimension_numbers<[1], [0], [0], [1], [0, 0, 1, 1], [], []>, transpose_lhs_hint = false} : vector<558x640xf32>, vector<640x1xf32>, vector<558x1xf32> -> vector<558x1xf32>
    %mul3A_280 = vector.broadcast %div3A_277 : f32 to vector<558x1xf32>
    %mul3A_281 = arith.mulf %dot_general3A_279, %mul3A_280 : vector<558x1xf32>
    %add3A_282 = arith.constant 1.000000e+00 : f32
    %add3A_283 = vector.broadcast %add3A_282 : f32 to vector<558x1xf32>
    %add3A_284 = arith.addf %mul3A_281, %add3A_283 : vector<558x1xf32>
    %rsqrt3A = math.rsqrt %add3A_284 : vector<558x1xf32>
    %mul3A_285 = arith.mulf %rsqrt3A, %rsqrt3A : vector<558x1xf32>
    %mul3A_286 = vector.broadcast %div3A_277 : f32 to vector<558x1xf32>
    %mul3A_287 = arith.mulf %rsqrt3A, %mul3A_286 : vector<558x1xf32>
    %get3A_288 = arith.constant 0 : index
    %get3A_289 = arith.constant 0 : index
    %get3A_290 = vector.load %arg11[%get3A_288, %get3A_289] : memref<256x128xf32, #tpu.memory_space<vmem>>, vector<256x128xf32>
    %dot_general3A_291 = arith.constant dense<0.000000e+00> : vector<558x128xf32>
    %dot_general3A_292 = tpu.matmul %add3A_256, %get3A_290, %dot_general3A_291 {dimension_numbers = #tpu.dot_dimension_numbers<[1], [0], [0], [1], [0, 0, 1, 1], [], []>, transpose_lhs_hint = false} : vector<558x256xf32>, vector<256x128xf32>, vector<558x128xf32> -> vector<558x128xf32>
    %slice3A_293 = vector.extract_strided_slice %dot_general3A_266 {offsets = [0, 32], sizes = [558, 128], strides = [1, 1]} : vector<558x160xf32> to vector<558x128xf32>
    %add3A_294 = arith.addf %dot_general3A_292, %slice3A_293 : vector<558x128xf32>
    %get3A_295 = arith.constant 0 : index
    %get3A_296 = arith.constant 0 : index
    %get3A_297 = vector.load %arg12[%get3A_295, %get3A_296] : memref<32x128xf32, #tpu.memory_space<vmem>>, vector<32x128xf32>
    %dot_general3A_298 = arith.constant dense<0.000000e+00> : vector<558x128xf32>
    %dot_general3A_299 = tpu.matmul %add3A_272, %get3A_297, %dot_general3A_298 {dimension_numbers = #tpu.dot_dimension_numbers<[1], [0], [0], [1], [0, 0, 1, 1], [], []>, transpose_lhs_hint = false} : vector<558x32xf32>, vector<32x128xf32>, vector<558x128xf32> -> vector<558x128xf32>
    %add3A_300 = arith.addf %add3A_294, %dot_general3A_299 : vector<558x128xf32>
    %mul3A_301 = vector.broadcast %rsqrt3A : vector<558x1xf32> to vector<558x128xf32>
    %mul3A_302 = arith.mulf %mul3A_301, %add3A_300 : vector<558x128xf32>
    %jit3A_303 = arith.constant 0 : i32
    %convert_element_type3A_304 = arith.sitofp %jit3A_303 : i32 to f32
    %pad3A_305 = vector.broadcast %convert_element_type3A_304 : f32 to vector<82x128xf32>
    %pad3A_306 = tpu.concatenate %mul3A_302, %pad3A_305 in 0 : vector<558x128xf32>, vector<82x128xf32> -> vector<640x128xf32>
    %dot_general3A_307 = arith.constant dense<0.000000e+00> : vector<558x128xf32>
    %dot_general3A_308 = tpu.matmul %concatenate3A_94, %pad3A_306, %dot_general3A_307 {dimension_numbers = #tpu.dot_dimension_numbers<[1], [0], [0], [1], [0, 0, 1, 1], [], []>, transpose_lhs_hint = false} : vector<558x640xf32>, vector<640x128xf32>, vector<558x128xf32> -> vector<558x128xf32>
    %mul3A_309 = vector.broadcast %mul3A_287 : vector<558x1xf32> to vector<558x128xf32>
    %mul3A_310 = arith.mulf %mul3A_309, %dot_general3A_308 : vector<558x128xf32>
    %mul3A_311 = vector.broadcast %mul3A_285 : vector<558x1xf32> to vector<558x128xf32>
    %mul3A_312 = arith.mulf %mul3A_311, %add3A_300 : vector<558x128xf32>
    %add3A_313 = arith.addf %mul3A_310, %mul3A_312 : vector<558x128xf32>
    %get3A_314 = arith.constant 0 : index
    %get3A_315 = arith.constant 0 : index
    %get3A_316 = vector.load %arg13[%get3A_314, %get3A_315] : memref<1x128xf32, #tpu.memory_space<vmem>>, vector<1x128xf32>
    %add3A_317 = vector.broadcast %get3A_316 : vector<1x128xf32> to vector<558x128xf32>
    %add3A_318 = arith.addf %add3A_313, %add3A_317 : vector<558x128xf32>
    %max3A_319 = arith.constant 0.000000e+00 : f32
    %max3A_320 = vector.broadcast %max3A_319 : f32 to vector<558x128xf32>
    %max3A_321 = arith.maximumf %add3A_318, %max3A_320 : vector<558x128xf32>
    %get3A_322 = arith.constant 0 : index
    %get3A_323 = arith.constant 0 : index
    %get3A_324 = vector.load %arg14[%get3A_322, %get3A_323] : memref<128x128xf32, #tpu.memory_space<vmem>>, vector<128x128xf32>
    %dot_general3A_325 = arith.constant dense<0.000000e+00> : vector<558x128xf32>
    %dot_general3A_326 = tpu.matmul %max3A_321, %get3A_324, %dot_general3A_325 {dimension_numbers = #tpu.dot_dimension_numbers<[1], [0], [0], [1], [0, 0, 1, 1], [], []>, transpose_lhs_hint = false} : vector<558x128xf32>, vector<128x128xf32>, vector<558x128xf32> -> vector<558x128xf32>
    %mul3A_327 = vector.broadcast %rsqrt3A : vector<558x1xf32> to vector<558x128xf32>
    %mul3A_328 = arith.mulf %mul3A_327, %dot_general3A_326 : vector<558x128xf32>
    %jit3A_329 = arith.constant 0 : i32
    %convert_element_type3A_330 = arith.sitofp %jit3A_329 : i32 to f32
    %pad3A_331 = vector.broadcast %convert_element_type3A_330 : f32 to vector<82x128xf32>
    %pad3A_332 = tpu.concatenate %mul3A_328, %pad3A_331 in 0 : vector<558x128xf32>, vector<82x128xf32> -> vector<640x128xf32>
    %dot_general3A_333 = arith.constant dense<0.000000e+00> : vector<558x128xf32>
    %dot_general3A_334 = tpu.matmul %concatenate3A_94, %pad3A_332, %dot_general3A_333 {dimension_numbers = #tpu.dot_dimension_numbers<[1], [0], [0], [1], [0, 0, 1, 1], [], []>, transpose_lhs_hint = false} : vector<558x640xf32>, vector<640x128xf32>, vector<558x128xf32> -> vector<558x128xf32>
    %mul3A_335 = vector.broadcast %mul3A_287 : vector<558x1xf32> to vector<558x128xf32>
    %mul3A_336 = arith.mulf %mul3A_335, %dot_general3A_334 : vector<558x128xf32>
    %mul3A_337 = vector.broadcast %mul3A_285 : vector<558x1xf32> to vector<558x128xf32>
    %mul3A_338 = arith.mulf %mul3A_337, %dot_general3A_326 : vector<558x128xf32>
    %add3A_339 = arith.addf %mul3A_336, %mul3A_338 : vector<558x128xf32>
    %get3A_340 = arith.constant 0 : index
    %get3A_341 = arith.constant 0 : index
    %get3A_342 = vector.load %arg15[%get3A_340, %get3A_341] : memref<1x128xf32, #tpu.memory_space<vmem>>, vector<1x128xf32>
    %add3A_343 = vector.broadcast %get3A_342 : vector<1x128xf32> to vector<558x128xf32>
    %add3A_344 = arith.addf %add3A_339, %add3A_343 : vector<558x128xf32>
    %max3A_345 = arith.constant 0.000000e+00 : f32
    %max3A_346 = vector.broadcast %max3A_345 : f32 to vector<558x128xf32>
    %max3A_347 = arith.maximumf %add3A_344, %max3A_346 : vector<558x128xf32>
    %reduce_sum3A = arith.constant dense<0.000000e+00> : vector<128xf32>
    %reduce_sum3A_348 = vector.multi_reduction <add>, %max3A_347, %reduce_sum3A [0] : vector<558x128xf32> to vector<128xf32>
    %broadcast_in_dim3A = vector.shape_cast %reduce_sum3A_348 : vector<128xf32> to vector<1x128xf32>
    %mul3A_349 = arith.constant 0.00179211469 : f32
    %mul3A_350 = vector.broadcast %mul3A_349 : f32 to vector<1x128xf32>
    %mul3A_351 = arith.mulf %broadcast_in_dim3A, %mul3A_350 : vector<1x128xf32>
    %swap3A = arith.constant 0 : index
    %swap3A_352 = arith.constant 0 : index
    %swap3A_353 = arith.constant 0 : index
    %swap3A_354 = vector.load %arg17[%swap3A, %swap3A_352, %swap3A_353] : memref<1x1x128xf32, #tpu.memory_space<vmem>>, vector<1x1x128xf32>
    %swap3A_355 = vector.shape_cast %swap3A_354 : vector<1x1x128xf32> to vector<1x128xf32>
    %swap3A_356 = vector.shape_cast %mul3A_351 : vector<1x128xf32> to vector<1x1x128xf32>
    tpu.vector_store %arg17[%swap3A, %swap3A_352, %swap3A_353], %swap3A_356 {strides = array<i32>} : memref<1x1x128xf32, #tpu.memory_space<vmem>>, vector<1x1x128xf32>,
    return
  }
  func.func @transform_0(%arg0: i32) -> (i32, i32) {
    %c0_i32 = arith.constant 0 : i32
    %c0_i32_0 = arith.constant 0 : i32
    %c0_i32_1 = arith.constant 0 : i32
    return %c0_i32, %c0_i32_0 : i32, i32
  }
  func.func @transform_1(%arg0: i32) -> (i32, i32, i32) {
    %add3A = arith.constant 32 : i32
    %add3A_0 = arith.addi %add3A, %arg0 : i32
    %c0_i32 = arith.constant 0 : i32
    %c0_i32_1 = arith.constant 0 : i32
    %c0_i32_2 = arith.constant 0 : i32
    return %add3A_0, %c0_i32, %c0_i32_1 : i32, i32, i32
  }
  func.func @transform_2(%arg0: i32) -> (i32, i32, i32) {
    %add3A = arith.constant 32 : i32
    %add3A_0 = arith.addi %add3A, %arg0 : i32
    %c0_i32 = arith.constant 0 : i32
    %c0_i32_1 = arith.constant 0 : i32
    %c0_i32_2 = arith.constant 0 : i32
    return %add3A_0, %c0_i32, %c0_i32_1 : i32, i32, i32
  }
  func.func @transform_3(%arg0: i32) -> (i32, i32, i32, i32) {
    %c0_i32 = arith.constant 0 : i32
    %c0_i32_0 = arith.constant 0 : i32
    %c0_i32_1 = arith.constant 0 : i32
    %c0_i32_2 = arith.constant 0 : i32
    return %arg0, %c0_i32, %c0_i32_0, %c0_i32_1 : i32, i32, i32, i32
  }
  func.func @transform_4(%arg0: i32) -> (i32, i32) {
    %c0_i32 = arith.constant 0 : i32
    %c0_i32_0 = arith.constant 0 : i32
    %c0_i32_1 = arith.constant 0 : i32
    return %c0_i32, %c0_i32_0 : i32, i32
  }
  func.func @transform_5(%arg0: i32) -> (i32, i32) {
    %c0_i32 = arith.constant 0 : i32
    %c0_i32_0 = arith.constant 0 : i32
    %c0_i32_1 = arith.constant 0 : i32
    return %c0_i32, %c0_i32_0 : i32, i32
  }
  func.func @transform_6(%arg0: i32) -> (i32, i32) {
    %c0_i32 = arith.constant 0 : i32
    %c0_i32_0 = arith.constant 0 : i32
    %c0_i32_1 = arith.constant 0 : i32
    return %c0_i32, %c0_i32_0 : i32, i32
  }
  func.func @transform_7(%arg0: i32) -> (i32, i32) {
    %c0_i32 = arith.constant 0 : i32
    %c0_i32_0 = arith.constant 0 : i32
    %c0_i32_1 = arith.constant 0 : i32
    return %c0_i32, %c0_i32_0 : i32, i32
  }
  func.func @transform_8(%arg0: i32) -> (i32, i32) {
    %c0_i32 = arith.constant 0 : i32
    %c0_i32_0 = arith.constant 0 : i32
    %c0_i32_1 = arith.constant 0 : i32
    return %c0_i32, %c0_i32_0 : i32, i32
  }
  func.func @transform_9(%arg0: i32) -> (i32, i32) {
    %c0_i32 = arith.constant 0 : i32
    %c0_i32_0 = arith.constant 0 : i32
    %c0_i32_1 = arith.constant 0 : i32
    return %c0_i32, %c0_i32_0 : i32, i32
  }
  func.func @transform_10(%arg0: i32) -> (i32, i32) {
    %c0_i32 = arith.constant 0 : i32
    %c0_i32_0 = arith.constant 0 : i32
    %c0_i32_1 = arith.constant 0 : i32
    return %c0_i32, %c0_i32_0 : i32, i32
  }
  func.func @transform_11(%arg0: i32) -> (i32, i32) {
    %c0_i32 = arith.constant 0 : i32
    %c0_i32_0 = arith.constant 0 : i32
    %c0_i32_1 = arith.constant 0 : i32
    return %c0_i32, %c0_i32_0 : i32, i32
  }
  func.func @transform_12(%arg0: i32) -> (i32, i32) {
    %c0_i32 = arith.constant 0 : i32
    %c0_i32_0 = arith.constant 0 : i32
    %c0_i32_1 = arith.constant 0 : i32
    return %c0_i32, %c0_i32_0 : i32, i32
  }
  func.func @transform_13(%arg0: i32) -> (i32, i32) {
    %c0_i32 = arith.constant 0 : i32
    %c0_i32_0 = arith.constant 0 : i32
    %c0_i32_1 = arith.constant 0 : i32
    return %c0_i32, %c0_i32_0 : i32, i32
  }
  func.func @transform_14(%arg0: i32) -> (i32, i32) {
    %c0_i32 = arith.constant 0 : i32
    %c0_i32_0 = arith.constant 0 : i32
    %c0_i32_1 = arith.constant 0 : i32
    return %c0_i32, %c0_i32_0 : i32, i32
  }
  func.func @transform_15(%arg0: i32) -> (i32, i32) {
    %c0_i32 = arith.constant 0 : i32
    %c0_i32_0 = arith.constant 0 : i32
    %c0_i32_1 = arith.constant 0 : i32
    return %c0_i32, %c0_i32_0 : i32, i32
  }
  func.func @transform_16(%arg0: i32) -> (i32, i32, i32) {
    %c0_i32 = arith.constant 0 : i32
    %c0_i32_0 = arith.constant 0 : i32
    %c0_i32_1 = arith.constant 0 : i32
    return %arg0, %c0_i32, %c0_i32_0 : i32, i32, i32
  }
}

module attributes {stable_mosaic.version = 14 : i64} {
  func.func @gnn_main_g3(%arg0: i32, %arg1: memref<1x1xf32, #tpu.memory_space<smem>>, %arg2: memref<1x558x128xf32, #tpu.memory_space<vmem>>, %arg3: memref<1x558x48xf32, #tpu.memory_space<vmem>>, %arg4: memref<1x5x576x128xf32, #tpu.memory_space<vmem>>, %arg5: memref<128x256xf32, #tpu.memory_space<vmem>>, %arg6: memref<256x4xf32, #tpu.memory_space<vmem>>, %arg7: memref<256x4xf32, #tpu.memory_space<vmem>>, %arg8: memref<1x256xf32, #tpu.memory_space<vmem>>, %arg9: memref<48x160xf32, #tpu.memory_space<vmem>>, %arg10: memref<1x32xf32, #tpu.memory_space<vmem>>, %arg11: memref<256x128xf32, #tpu.memory_space<vmem>>, %arg12: memref<32x128xf32, #tpu.memory_space<vmem>>, %arg13: memref<1x128xf32, #tpu.memory_space<vmem>>, %arg14: memref<128x128xf32, #tpu.memory_space<vmem>>, %arg15: memref<1x128xf32, #tpu.memory_space<vmem>>, %arg16: memref<640x1xf32, #tpu.memory_space<vmem>>, %arg17: memref<1x1x128xf32, #tpu.memory_space<vmem>>) attributes {dimension_semantics = [#tpu.dimension_semantics<arbitrary>], iteration_bounds = array<i64: 16>, scalar_prefetch = 0 : i64, scratch_operands = 0 : i64, tpu.core_type = #tpu.core_type<tc>, window_params = [{transform_indices = @transform_0, window_bounds = array<i64: 1, 1>}, {transform_indices = @transform_1, window_bounds = array<i64: 1, 558, 128>}, {transform_indices = @transform_2, window_bounds = array<i64: 1, 558, 48>}, {transform_indices = @transform_3, window_bounds = array<i64: 1, 5, 576, 128>}, {pipeline_mode = #tpu.pipeline_mode<synchronous>, transform_indices = @transform_4, window_bounds = array<i64: 128, 256>}, {pipeline_mode = #tpu.pipeline_mode<synchronous>, transform_indices = @transform_5, window_bounds = array<i64: 256, 4>}, {pipeline_mode = #tpu.pipeline_mode<synchronous>, transform_indices = @transform_6, window_bounds = array<i64: 256, 4>}, {pipeline_mode = #tpu.pipeline_mode<synchronous>, transform_indices = @transform_7, window_bounds = array<i64: 1, 256>}, {pipeline_mode = #tpu.pipeline_mode<synchronous>, transform_indices = @transform_8, window_bounds = array<i64: 48, 160>}, {pipeline_mode = #tpu.pipeline_mode<synchronous>, transform_indices = @transform_9, window_bounds = array<i64: 1, 32>}, {pipeline_mode = #tpu.pipeline_mode<synchronous>, transform_indices = @transform_10, window_bounds = array<i64: 256, 128>}, {pipeline_mode = #tpu.pipeline_mode<synchronous>, transform_indices = @transform_11, window_bounds = array<i64: 32, 128>}, {pipeline_mode = #tpu.pipeline_mode<synchronous>, transform_indices = @transform_12, window_bounds = array<i64: 1, 128>}, {pipeline_mode = #tpu.pipeline_mode<synchronous>, transform_indices = @transform_13, window_bounds = array<i64: 128, 128>}, {pipeline_mode = #tpu.pipeline_mode<synchronous>, transform_indices = @transform_14, window_bounds = array<i64: 1, 128>}, {pipeline_mode = #tpu.pipeline_mode<synchronous>, transform_indices = @transform_15, window_bounds = array<i64: 640, 1>}, {transform_indices = @transform_16, window_bounds = array<i64: 1, 1, 128>}]} {
    %get3A = arith.constant 0 : index
    %get3A_0 = arith.constant 0 : index
    %get3A_1 = arith.constant 0 : index
    %get3A_2 = vector.load %arg2[%get3A, %get3A_0, %get3A_1] : memref<1x558x128xf32, #tpu.memory_space<vmem>>, vector<1x558x128xf32>
    %get3A_3 = vector.shape_cast %get3A_2 : vector<1x558x128xf32> to vector<558x128xf32>
    %get3A_4 = arith.constant 0 : index
    %get3A_5 = arith.constant 0 : index
    %get3A_6 = vector.load %arg5[%get3A_4, %get3A_5] : memref<128x256xf32, #tpu.memory_space<vmem>>, vector<128x256xf32>
    %dot_general3A = arith.constant dense<0.000000e+00> : vector<558x256xf32>
    %dot_general3A_7 = tpu.matmul %get3A_3, %get3A_6, %dot_general3A {dimension_numbers = #tpu.dot_dimension_numbers<[1], [0], [0], [1], [0, 0, 1, 1], [], []>, transpose_lhs_hint = false} : vector<558x128xf32>, vector<128x256xf32>, vector<558x256xf32> -> vector<558x256xf32>
    %get3A_8 = arith.constant 0 : index
    %get3A_9 = arith.constant 0 : index
    %get3A_10 = vector.load %arg6[%get3A_8, %get3A_9] : memref<256x4xf32, #tpu.memory_space<vmem>>, vector<256x4xf32>
    %dot_general3A_11 = arith.constant dense<0.000000e+00> : vector<558x4xf32>
    %dot_general3A_12 = tpu.matmul %dot_general3A_7, %get3A_10, %dot_general3A_11 {dimension_numbers = #tpu.dot_dimension_numbers<[1], [0], [0], [1], [0, 0, 1, 1], [], []>, transpose_lhs_hint = false} : vector<558x256xf32>, vector<256x4xf32>, vector<558x4xf32> -> vector<558x4xf32>
    %get3A_13 = arith.constant 0 : index
    %get3A_14 = arith.constant 0 : index
    %get3A_15 = vector.load %arg7[%get3A_13, %get3A_14] : memref<256x4xf32, #tpu.memory_space<vmem>>, vector<256x4xf32>
    %dot_general3A_16 = arith.constant dense<0.000000e+00> : vector<558x4xf32>
    %dot_general3A_17 = tpu.matmul %dot_general3A_7, %get3A_15, %dot_general3A_16 {dimension_numbers = #tpu.dot_dimension_numbers<[1], [0], [0], [1], [0, 0, 1, 1], [], []>, transpose_lhs_hint = false} : vector<558x256xf32>, vector<256x4xf32>, vector<558x4xf32> -> vector<558x4xf32>
    %jit3A = arith.constant 0 : i32
    %convert_element_type3A = arith.sitofp %jit3A : i32 to f32
    %pad3A = vector.broadcast %convert_element_type3A : f32 to vector<82x256xf32>
    %pad3A_18 = tpu.concatenate %dot_general3A_7, %pad3A in 0 : vector<558x256xf32>, vector<82x256xf32> -> vector<640x256xf32>
    %get3A_19 = arith.constant 0 : index
    %get3A_20 = arith.constant 0 : index
    %get3A_21 = vector.load %arg6[%get3A_19, %get3A_20] : memref<256x4xf32, #tpu.memory_space<vmem>>, vector<256x4xf32>
    %dot_general3A_22 = arith.constant dense<0.000000e+00> : vector<4x640xf32>
    %dot_general3A_23 = tpu.matmul %get3A_21, %pad3A_18, %dot_general3A_22 {dimension_numbers = #tpu.dot_dimension_numbers<[0], [1], [1], [0], [0, 1, 1, 0], [], []>, transpose_lhs_hint = false} : vector<256x4xf32>, vector<640x256xf32>, vector<4x640xf32> -> vector<4x640xf32>
    %get3A_24 = arith.constant 0 : index
    %get3A_25 = arith.constant 0 : index
    %get3A_26 = arith.constant 0 : index
    %get3A_27 = arith.constant 0 : index
    %get3A_28 = vector.load %arg4[%get3A_24, %get3A_25, %get3A_26, %get3A_27] : memref<1x5x576x128xf32, #tpu.memory_space<vmem>>, vector<1x5x576x128xf32>
    %get3A_29 = vector.shape_cast %get3A_28 : vector<1x5x576x128xf32> to vector<5x576x128xf32>
    %slice3A = vector.extract_strided_slice %get3A_29 {offsets = [0, 0, 0], sizes = [1, 576, 128], strides = [1, 1, 1]} : vector<5x576x128xf32> to vector<1x576x128xf32>
    %squeeze3A = vector.shape_cast %slice3A : vector<1x576x128xf32> to vector<576x128xf32>
    %slice3A_30 = vector.extract_strided_slice %squeeze3A {offsets = [0, 0], sizes = [558, 128], strides = [1, 1]} : vector<576x128xf32> to vector<558x128xf32>
    %max3A = arith.constant 0.000000e+00 : f32
    %max3A_31 = vector.broadcast %max3A : f32 to vector<558x128xf32>
    %max3A_32 = arith.maximumf %slice3A_30, %max3A_31 : vector<558x128xf32>
    %mul3A = arith.constant 1.562500e-02 : f32
    %mul3A_33 = vector.broadcast %mul3A : f32 to vector<558x128xf32>
    %mul3A_34 = arith.mulf %max3A_32, %mul3A_33 : vector<558x128xf32>
    %floor3A = math.floor %mul3A_34 : vector<558x128xf32>
    %mul3A_35 = arith.constant 6.400000e+01 : f32
    %mul3A_36 = vector.broadcast %mul3A_35 : f32 to vector<558x128xf32>
    %mul3A_37 = arith.mulf %mul3A_36, %floor3A : vector<558x128xf32>
    %sub3A = arith.subf %max3A_32, %mul3A_37 : vector<558x128xf32>
    %slice3A_38 = vector.extract_strided_slice %get3A_29 {offsets = [1, 0, 0], sizes = [1, 576, 128], strides = [1, 1, 1]} : vector<5x576x128xf32> to vector<1x576x128xf32>
    %squeeze3A_39 = vector.shape_cast %slice3A_38 : vector<1x576x128xf32> to vector<576x128xf32>
    %slice3A_40 = vector.extract_strided_slice %squeeze3A_39 {offsets = [0, 0], sizes = [558, 128], strides = [1, 1]} : vector<576x128xf32> to vector<558x128xf32>
    %max3A_41 = arith.constant 0.000000e+00 : f32
    %max3A_42 = vector.broadcast %max3A_41 : f32 to vector<558x128xf32>
    %max3A_43 = arith.maximumf %slice3A_40, %max3A_42 : vector<558x128xf32>
    %mul3A_44 = arith.constant 1.562500e-02 : f32
    %mul3A_45 = vector.broadcast %mul3A_44 : f32 to vector<558x128xf32>
    %mul3A_46 = arith.mulf %max3A_43, %mul3A_45 : vector<558x128xf32>
    %floor3A_47 = math.floor %mul3A_46 : vector<558x128xf32>
    %mul3A_48 = arith.constant 6.400000e+01 : f32
    %mul3A_49 = vector.broadcast %mul3A_48 : f32 to vector<558x128xf32>
    %mul3A_50 = arith.mulf %mul3A_49, %floor3A_47 : vector<558x128xf32>
    %sub3A_51 = arith.subf %max3A_43, %mul3A_50 : vector<558x128xf32>
    %slice3A_52 = vector.extract_strided_slice %get3A_29 {offsets = [2, 0, 0], sizes = [1, 576, 128], strides = [1, 1, 1]} : vector<5x576x128xf32> to vector<1x576x128xf32>
    %squeeze3A_53 = vector.shape_cast %slice3A_52 : vector<1x576x128xf32> to vector<576x128xf32>
    %slice3A_54 = vector.extract_strided_slice %squeeze3A_53 {offsets = [0, 0], sizes = [558, 128], strides = [1, 1]} : vector<576x128xf32> to vector<558x128xf32>
    %max3A_55 = arith.constant 0.000000e+00 : f32
    %max3A_56 = vector.broadcast %max3A_55 : f32 to vector<558x128xf32>
    %max3A_57 = arith.maximumf %slice3A_54, %max3A_56 : vector<558x128xf32>
    %mul3A_58 = arith.constant 1.562500e-02 : f32
    %mul3A_59 = vector.broadcast %mul3A_58 : f32 to vector<558x128xf32>
    %mul3A_60 = arith.mulf %max3A_57, %mul3A_59 : vector<558x128xf32>
    %floor3A_61 = math.floor %mul3A_60 : vector<558x128xf32>
    %mul3A_62 = arith.constant 6.400000e+01 : f32
    %mul3A_63 = vector.broadcast %mul3A_62 : f32 to vector<558x128xf32>
    %mul3A_64 = arith.mulf %mul3A_63, %floor3A_61 : vector<558x128xf32>
    %sub3A_65 = arith.subf %max3A_57, %mul3A_64 : vector<558x128xf32>
    %slice3A_66 = vector.extract_strided_slice %get3A_29 {offsets = [3, 0, 0], sizes = [1, 576, 128], strides = [1, 1, 1]} : vector<5x576x128xf32> to vector<1x576x128xf32>
    %squeeze3A_67 = vector.shape_cast %slice3A_66 : vector<1x576x128xf32> to vector<576x128xf32>
    %slice3A_68 = vector.extract_strided_slice %squeeze3A_67 {offsets = [0, 0], sizes = [558, 128], strides = [1, 1]} : vector<576x128xf32> to vector<558x128xf32>
    %max3A_69 = arith.constant 0.000000e+00 : f32
    %max3A_70 = vector.broadcast %max3A_69 : f32 to vector<558x128xf32>
    %max3A_71 = arith.maximumf %slice3A_68, %max3A_70 : vector<558x128xf32>
    %mul3A_72 = arith.constant 1.562500e-02 : f32
    %mul3A_73 = vector.broadcast %mul3A_72 : f32 to vector<558x128xf32>
    %mul3A_74 = arith.mulf %max3A_71, %mul3A_73 : vector<558x128xf32>
    %floor3A_75 = math.floor %mul3A_74 : vector<558x128xf32>
    %mul3A_76 = arith.constant 6.400000e+01 : f32
    %mul3A_77 = vector.broadcast %mul3A_76 : f32 to vector<558x128xf32>
    %mul3A_78 = arith.mulf %mul3A_77, %floor3A_75 : vector<558x128xf32>
    %sub3A_79 = arith.subf %max3A_71, %mul3A_78 : vector<558x128xf32>
    %slice3A_80 = vector.extract_strided_slice %get3A_29 {offsets = [4, 0, 0], sizes = [1, 576, 128], strides = [1, 1, 1]} : vector<5x576x128xf32> to vector<1x576x128xf32>
    %squeeze3A_81 = vector.shape_cast %slice3A_80 : vector<1x576x128xf32> to vector<576x128xf32>
    %slice3A_82 = vector.extract_strided_slice %squeeze3A_81 {offsets = [0, 0], sizes = [558, 128], strides = [1, 1]} : vector<576x128xf32> to vector<558x128xf32>
    %max3A_83 = arith.constant 0.000000e+00 : f32
    %max3A_84 = vector.broadcast %max3A_83 : f32 to vector<558x128xf32>
    %max3A_85 = arith.maximumf %slice3A_82, %max3A_84 : vector<558x128xf32>
    %mul3A_86 = arith.constant 1.562500e-02 : f32
    %mul3A_87 = vector.broadcast %mul3A_86 : f32 to vector<558x128xf32>
    %mul3A_88 = arith.mulf %max3A_85, %mul3A_87 : vector<558x128xf32>
    %floor3A_89 = math.floor %mul3A_88 : vector<558x128xf32>
    %mul3A_90 = arith.constant 6.400000e+01 : f32
    %mul3A_91 = vector.broadcast %mul3A_90 : f32 to vector<558x128xf32>
    %mul3A_92 = arith.mulf %mul3A_91, %floor3A_89 : vector<558x128xf32>
    %sub3A_93 = arith.subf %max3A_85, %mul3A_92 : vector<558x128xf32>
    %concatenate3A = tpu.concatenate %floor3A, %floor3A_47, %floor3A_61, %floor3A_75, %floor3A_89 in 1 : vector<558x128xf32>, vector<558x128xf32>, vector<558x128xf32>, vector<558x128xf32>, vector<558x128xf32> -> vector<558x640xf32>
    %concatenate3A_94 = tpu.concatenate %sub3A, %sub3A_51, %sub3A_65, %sub3A_79, %sub3A_93 in 1 : vector<558x128xf32>, vector<558x128xf32>, vector<558x128xf32>, vector<558x128xf32>, vector<558x128xf32> -> vector<558x640xf32>
    %get3A_95 = arith.constant 0 : index
    %get3A_96 = arith.constant 0 : index
    %get3A_97 = vector.load %arg16[%get3A_95, %get3A_96] : memref<640x1xf32, #tpu.memory_space<vmem>>, vector<640x1xf32>
    %slice3A_98 = vector.extract_strided_slice %dot_general3A_17 {offsets = [0, 0], sizes = [558, 1], strides = [1, 1]} : vector<558x4xf32> to vector<558x1xf32>
    %slice3A_99 = vector.extract_strided_slice %dot_general3A_23 {offsets = [0, 0], sizes = [1, 640], strides = [1, 1]} : vector<4x640xf32> to vector<1x640xf32>
    %add3A = vector.broadcast %slice3A_98 : vector<558x1xf32> to vector<558x640xf32>
    %add3A_100 = vector.broadcast %slice3A_99 : vector<1x640xf32> to vector<558x640xf32>
    %add3A_101 = arith.addf %add3A, %add3A_100 : vector<558x640xf32>
    %mul3A_102 = arith.constant 2.000000e-01 : f32
    %mul3A_103 = vector.broadcast %mul3A_102 : f32 to vector<558x640xf32>
    %mul3A_104 = arith.mulf %mul3A_103, %add3A_101 : vector<558x640xf32>
    %max3A_105 = arith.maximumf %add3A_101, %mul3A_104 : vector<558x640xf32>
    %exp3A = math.exp %max3A_105 : vector<558x640xf32>
    %mul3A_106 = arith.mulf %concatenate3A, %exp3A : vector<558x640xf32>
    %slice3A_107 = vector.extract_strided_slice %dot_general3A_12 {offsets = [0, 0], sizes = [558, 1], strides = [1, 1]} : vector<558x4xf32> to vector<558x1xf32>
    %slice3A_108 = vector.extract_strided_slice %dot_general3A_17 {offsets = [0, 0], sizes = [558, 1], strides = [1, 1]} : vector<558x4xf32> to vector<558x1xf32>
    %add3A_109 = arith.addf %slice3A_107, %slice3A_108 : vector<558x1xf32>
    %mul3A_110 = arith.constant 2.000000e-01 : f32
    %mul3A_111 = vector.broadcast %mul3A_110 : f32 to vector<558x1xf32>
    %mul3A_112 = arith.mulf %mul3A_111, %add3A_109 : vector<558x1xf32>
    %max3A_113 = arith.maximumf %add3A_109, %mul3A_112 : vector<558x1xf32>
    %exp3A_114 = math.exp %max3A_113 : vector<558x1xf32>
    %slice3A_115 = vector.extract_strided_slice %dot_general3A_7 {offsets = [0, 0], sizes = [558, 64], strides = [1, 1]} : vector<558x256xf32> to vector<558x64xf32>
    %slice3A_116 = vector.extract_strided_slice %pad3A_18 {offsets = [0, 0], sizes = [640, 64], strides = [1, 1]} : vector<640x256xf32> to vector<640x64xf32>
    %concatenate3A_117 = tpu.concatenate %slice3A_116, %get3A_97 in 1 : vector<640x64xf32>, vector<640x1xf32> -> vector<640x65xf32>
    %dot_general3A_118 = arith.constant dense<0.000000e+00> : vector<558x65xf32>
    %dot_general3A_119 = tpu.matmul %mul3A_106, %concatenate3A_117, %dot_general3A_118 {dimension_numbers = #tpu.dot_dimension_numbers<[1], [0], [0], [1], [0, 0, 1, 1], [], []>, transpose_lhs_hint = false} : vector<558x640xf32>, vector<640x65xf32>, vector<558x65xf32> -> vector<558x65xf32>
    %slice3A_120 = vector.extract_strided_slice %dot_general3A_119 {offsets = [0, 64], sizes = [558, 1], strides = [1, 1]} : vector<558x65xf32> to vector<558x1xf32>
    %add3A_121 = arith.addf %slice3A_120, %exp3A_114 : vector<558x1xf32>
    %add3A_122 = arith.constant 1.000000e-16 : f32
    %add3A_123 = vector.broadcast %add3A_122 : f32 to vector<558x1xf32>
    %add3A_124 = arith.addf %add3A_121, %add3A_123 : vector<558x1xf32>
    %div3A = arith.constant 1.000000e+00 : f32
    %div3A_125 = vector.broadcast %div3A : f32 to vector<558x1xf32>
    %div3A_126 = arith.divf %div3A_125, %add3A_124 : vector<558x1xf32>
    %slice3A_127 = vector.extract_strided_slice %dot_general3A_119 {offsets = [0, 0], sizes = [558, 64], strides = [1, 1]} : vector<558x65xf32> to vector<558x64xf32>
    %mul3A_128 = vector.broadcast %div3A_126 : vector<558x1xf32> to vector<558x64xf32>
    %mul3A_129 = arith.mulf %mul3A_128, %slice3A_127 : vector<558x64xf32>
    %mul3A_130 = arith.mulf %exp3A_114, %div3A_126 : vector<558x1xf32>
    %mul3A_131 = vector.broadcast %mul3A_130 : vector<558x1xf32> to vector<558x64xf32>
    %mul3A_132 = arith.mulf %mul3A_131, %slice3A_115 : vector<558x64xf32>
    %add3A_133 = arith.addf %mul3A_129, %mul3A_132 : vector<558x64xf32>
    %slice3A_134 = vector.extract_strided_slice %dot_general3A_17 {offsets = [0, 1], sizes = [558, 1], strides = [1, 1]} : vector<558x4xf32> to vector<558x1xf32>
    %slice3A_135 = vector.extract_strided_slice %dot_general3A_23 {offsets = [1, 0], sizes = [1, 640], strides = [1, 1]} : vector<4x640xf32> to vector<1x640xf32>
    %add3A_136 = vector.broadcast %slice3A_134 : vector<558x1xf32> to vector<558x640xf32>
    %add3A_137 = vector.broadcast %slice3A_135 : vector<1x640xf32> to vector<558x640xf32>
    %add3A_138 = arith.addf %add3A_136, %add3A_137 : vector<558x640xf32>
    %mul3A_139 = arith.constant 2.000000e-01 : f32
    %mul3A_140 = vector.broadcast %mul3A_139 : f32 to vector<558x640xf32>
    %mul3A_141 = arith.mulf %mul3A_140, %add3A_138 : vector<558x640xf32>
    %max3A_142 = arith.maximumf %add3A_138, %mul3A_141 : vector<558x640xf32>
    %exp3A_143 = math.exp %max3A_142 : vector<558x640xf32>
    %mul3A_144 = arith.mulf %concatenate3A, %exp3A_143 : vector<558x640xf32>
    %slice3A_145 = vector.extract_strided_slice %dot_general3A_12 {offsets = [0, 1], sizes = [558, 1], strides = [1, 1]} : vector<558x4xf32> to vector<558x1xf32>
    %slice3A_146 = vector.extract_strided_slice %dot_general3A_17 {offsets = [0, 1], sizes = [558, 1], strides = [1, 1]} : vector<558x4xf32> to vector<558x1xf32>
    %add3A_147 = arith.addf %slice3A_145, %slice3A_146 : vector<558x1xf32>
    %mul3A_148 = arith.constant 2.000000e-01 : f32
    %mul3A_149 = vector.broadcast %mul3A_148 : f32 to vector<558x1xf32>
    %mul3A_150 = arith.mulf %mul3A_149, %add3A_147 : vector<558x1xf32>
    %max3A_151 = arith.maximumf %add3A_147, %mul3A_150 : vector<558x1xf32>
    %exp3A_152 = math.exp %max3A_151 : vector<558x1xf32>
    %slice3A_153 = vector.extract_strided_slice %dot_general3A_7 {offsets = [0, 64], sizes = [558, 64], strides = [1, 1]} : vector<558x256xf32> to vector<558x64xf32>
    %slice3A_154 = vector.extract_strided_slice %pad3A_18 {offsets = [0, 64], sizes = [640, 64], strides = [1, 1]} : vector<640x256xf32> to vector<640x64xf32>
    %concatenate3A_155 = tpu.concatenate %slice3A_154, %get3A_97 in 1 : vector<640x64xf32>, vector<640x1xf32> -> vector<640x65xf32>
    %dot_general3A_156 = arith.constant dense<0.000000e+00> : vector<558x65xf32>
    %dot_general3A_157 = tpu.matmul %mul3A_144, %concatenate3A_155, %dot_general3A_156 {dimension_numbers = #tpu.dot_dimension_numbers<[1], [0], [0], [1], [0, 0, 1, 1], [], []>, transpose_lhs_hint = false} : vector<558x640xf32>, vector<640x65xf32>, vector<558x65xf32> -> vector<558x65xf32>
    %slice3A_158 = vector.extract_strided_slice %dot_general3A_157 {offsets = [0, 64], sizes = [558, 1], strides = [1, 1]} : vector<558x65xf32> to vector<558x1xf32>
    %add3A_159 = arith.addf %slice3A_158, %exp3A_152 : vector<558x1xf32>
    %add3A_160 = arith.constant 1.000000e-16 : f32
    %add3A_161 = vector.broadcast %add3A_160 : f32 to vector<558x1xf32>
    %add3A_162 = arith.addf %add3A_159, %add3A_161 : vector<558x1xf32>
    %div3A_163 = arith.constant 1.000000e+00 : f32
    %div3A_164 = vector.broadcast %div3A_163 : f32 to vector<558x1xf32>
    %div3A_165 = arith.divf %div3A_164, %add3A_162 : vector<558x1xf32>
    %slice3A_166 = vector.extract_strided_slice %dot_general3A_157 {offsets = [0, 0], sizes = [558, 64], strides = [1, 1]} : vector<558x65xf32> to vector<558x64xf32>
    %mul3A_167 = vector.broadcast %div3A_165 : vector<558x1xf32> to vector<558x64xf32>
    %mul3A_168 = arith.mulf %mul3A_167, %slice3A_166 : vector<558x64xf32>
    %mul3A_169 = arith.mulf %exp3A_152, %div3A_165 : vector<558x1xf32>
    %mul3A_170 = vector.broadcast %mul3A_169 : vector<558x1xf32> to vector<558x64xf32>
    %mul3A_171 = arith.mulf %mul3A_170, %slice3A_153 : vector<558x64xf32>
    %add3A_172 = arith.addf %mul3A_168, %mul3A_171 : vector<558x64xf32>
    %slice3A_173 = vector.extract_strided_slice %dot_general3A_17 {offsets = [0, 2], sizes = [558, 1], strides = [1, 1]} : vector<558x4xf32> to vector<558x1xf32>
    %slice3A_174 = vector.extract_strided_slice %dot_general3A_23 {offsets = [2, 0], sizes = [1, 640], strides = [1, 1]} : vector<4x640xf32> to vector<1x640xf32>
    %add3A_175 = vector.broadcast %slice3A_173 : vector<558x1xf32> to vector<558x640xf32>
    %add3A_176 = vector.broadcast %slice3A_174 : vector<1x640xf32> to vector<558x640xf32>
    %add3A_177 = arith.addf %add3A_175, %add3A_176 : vector<558x640xf32>
    %mul3A_178 = arith.constant 2.000000e-01 : f32
    %mul3A_179 = vector.broadcast %mul3A_178 : f32 to vector<558x640xf32>
    %mul3A_180 = arith.mulf %mul3A_179, %add3A_177 : vector<558x640xf32>
    %max3A_181 = arith.maximumf %add3A_177, %mul3A_180 : vector<558x640xf32>
    %exp3A_182 = math.exp %max3A_181 : vector<558x640xf32>
    %mul3A_183 = arith.mulf %concatenate3A, %exp3A_182 : vector<558x640xf32>
    %slice3A_184 = vector.extract_strided_slice %dot_general3A_12 {offsets = [0, 2], sizes = [558, 1], strides = [1, 1]} : vector<558x4xf32> to vector<558x1xf32>
    %slice3A_185 = vector.extract_strided_slice %dot_general3A_17 {offsets = [0, 2], sizes = [558, 1], strides = [1, 1]} : vector<558x4xf32> to vector<558x1xf32>
    %add3A_186 = arith.addf %slice3A_184, %slice3A_185 : vector<558x1xf32>
    %mul3A_187 = arith.constant 2.000000e-01 : f32
    %mul3A_188 = vector.broadcast %mul3A_187 : f32 to vector<558x1xf32>
    %mul3A_189 = arith.mulf %mul3A_188, %add3A_186 : vector<558x1xf32>
    %max3A_190 = arith.maximumf %add3A_186, %mul3A_189 : vector<558x1xf32>
    %exp3A_191 = math.exp %max3A_190 : vector<558x1xf32>
    %slice3A_192 = vector.extract_strided_slice %dot_general3A_7 {offsets = [0, 128], sizes = [558, 64], strides = [1, 1]} : vector<558x256xf32> to vector<558x64xf32>
    %slice3A_193 = vector.extract_strided_slice %pad3A_18 {offsets = [0, 128], sizes = [640, 64], strides = [1, 1]} : vector<640x256xf32> to vector<640x64xf32>
    %concatenate3A_194 = tpu.concatenate %slice3A_193, %get3A_97 in 1 : vector<640x64xf32>, vector<640x1xf32> -> vector<640x65xf32>
    %dot_general3A_195 = arith.constant dense<0.000000e+00> : vector<558x65xf32>
    %dot_general3A_196 = tpu.matmul %mul3A_183, %concatenate3A_194, %dot_general3A_195 {dimension_numbers = #tpu.dot_dimension_numbers<[1], [0], [0], [1], [0, 0, 1, 1], [], []>, transpose_lhs_hint = false} : vector<558x640xf32>, vector<640x65xf32>, vector<558x65xf32> -> vector<558x65xf32>
    %slice3A_197 = vector.extract_strided_slice %dot_general3A_196 {offsets = [0, 64], sizes = [558, 1], strides = [1, 1]} : vector<558x65xf32> to vector<558x1xf32>
    %add3A_198 = arith.addf %slice3A_197, %exp3A_191 : vector<558x1xf32>
    %add3A_199 = arith.constant 1.000000e-16 : f32
    %add3A_200 = vector.broadcast %add3A_199 : f32 to vector<558x1xf32>
    %add3A_201 = arith.addf %add3A_198, %add3A_200 : vector<558x1xf32>
    %div3A_202 = arith.constant 1.000000e+00 : f32
    %div3A_203 = vector.broadcast %div3A_202 : f32 to vector<558x1xf32>
    %div3A_204 = arith.divf %div3A_203, %add3A_201 : vector<558x1xf32>
    %slice3A_205 = vector.extract_strided_slice %dot_general3A_196 {offsets = [0, 0], sizes = [558, 64], strides = [1, 1]} : vector<558x65xf32> to vector<558x64xf32>
    %mul3A_206 = vector.broadcast %div3A_204 : vector<558x1xf32> to vector<558x64xf32>
    %mul3A_207 = arith.mulf %mul3A_206, %slice3A_205 : vector<558x64xf32>
    %mul3A_208 = arith.mulf %exp3A_191, %div3A_204 : vector<558x1xf32>
    %mul3A_209 = vector.broadcast %mul3A_208 : vector<558x1xf32> to vector<558x64xf32>
    %mul3A_210 = arith.mulf %mul3A_209, %slice3A_192 : vector<558x64xf32>
    %add3A_211 = arith.addf %mul3A_207, %mul3A_210 : vector<558x64xf32>
    %slice3A_212 = vector.extract_strided_slice %dot_general3A_17 {offsets = [0, 3], sizes = [558, 1], strides = [1, 1]} : vector<558x4xf32> to vector<558x1xf32>
    %slice3A_213 = vector.extract_strided_slice %dot_general3A_23 {offsets = [3, 0], sizes = [1, 640], strides = [1, 1]} : vector<4x640xf32> to vector<1x640xf32>
    %add3A_214 = vector.broadcast %slice3A_212 : vector<558x1xf32> to vector<558x640xf32>
    %add3A_215 = vector.broadcast %slice3A_213 : vector<1x640xf32> to vector<558x640xf32>
    %add3A_216 = arith.addf %add3A_214, %add3A_215 : vector<558x640xf32>
    %mul3A_217 = arith.constant 2.000000e-01 : f32
    %mul3A_218 = vector.broadcast %mul3A_217 : f32 to vector<558x640xf32>
    %mul3A_219 = arith.mulf %mul3A_218, %add3A_216 : vector<558x640xf32>
    %max3A_220 = arith.maximumf %add3A_216, %mul3A_219 : vector<558x640xf32>
    %exp3A_221 = math.exp %max3A_220 : vector<558x640xf32>
    %mul3A_222 = arith.mulf %concatenate3A, %exp3A_221 : vector<558x640xf32>
    %slice3A_223 = vector.extract_strided_slice %dot_general3A_12 {offsets = [0, 3], sizes = [558, 1], strides = [1, 1]} : vector<558x4xf32> to vector<558x1xf32>
    %slice3A_224 = vector.extract_strided_slice %dot_general3A_17 {offsets = [0, 3], sizes = [558, 1], strides = [1, 1]} : vector<558x4xf32> to vector<558x1xf32>
    %add3A_225 = arith.addf %slice3A_223, %slice3A_224 : vector<558x1xf32>
    %mul3A_226 = arith.constant 2.000000e-01 : f32
    %mul3A_227 = vector.broadcast %mul3A_226 : f32 to vector<558x1xf32>
    %mul3A_228 = arith.mulf %mul3A_227, %add3A_225 : vector<558x1xf32>
    %max3A_229 = arith.maximumf %add3A_225, %mul3A_228 : vector<558x1xf32>
    %exp3A_230 = math.exp %max3A_229 : vector<558x1xf32>
    %slice3A_231 = vector.extract_strided_slice %dot_general3A_7 {offsets = [0, 192], sizes = [558, 64], strides = [1, 1]} : vector<558x256xf32> to vector<558x64xf32>
    %slice3A_232 = vector.extract_strided_slice %pad3A_18 {offsets = [0, 192], sizes = [640, 64], strides = [1, 1]} : vector<640x256xf32> to vector<640x64xf32>
    %concatenate3A_233 = tpu.concatenate %slice3A_232, %get3A_97 in 1 : vector<640x64xf32>, vector<640x1xf32> -> vector<640x65xf32>
    %dot_general3A_234 = arith.constant dense<0.000000e+00> : vector<558x65xf32>
    %dot_general3A_235 = tpu.matmul %mul3A_222, %concatenate3A_233, %dot_general3A_234 {dimension_numbers = #tpu.dot_dimension_numbers<[1], [0], [0], [1], [0, 0, 1, 1], [], []>, transpose_lhs_hint = false} : vector<558x640xf32>, vector<640x65xf32>, vector<558x65xf32> -> vector<558x65xf32>
    %slice3A_236 = vector.extract_strided_slice %dot_general3A_235 {offsets = [0, 64], sizes = [558, 1], strides = [1, 1]} : vector<558x65xf32> to vector<558x1xf32>
    %add3A_237 = arith.addf %slice3A_236, %exp3A_230 : vector<558x1xf32>
    %add3A_238 = arith.constant 1.000000e-16 : f32
    %add3A_239 = vector.broadcast %add3A_238 : f32 to vector<558x1xf32>
    %add3A_240 = arith.addf %add3A_237, %add3A_239 : vector<558x1xf32>
    %div3A_241 = arith.constant 1.000000e+00 : f32
    %div3A_242 = vector.broadcast %div3A_241 : f32 to vector<558x1xf32>
    %div3A_243 = arith.divf %div3A_242, %add3A_240 : vector<558x1xf32>
    %slice3A_244 = vector.extract_strided_slice %dot_general3A_235 {offsets = [0, 0], sizes = [558, 64], strides = [1, 1]} : vector<558x65xf32> to vector<558x64xf32>
    %mul3A_245 = vector.broadcast %div3A_243 : vector<558x1xf32> to vector<558x64xf32>
    %mul3A_246 = arith.mulf %mul3A_245, %slice3A_244 : vector<558x64xf32>
    %mul3A_247 = arith.mulf %exp3A_230, %div3A_243 : vector<558x1xf32>
    %mul3A_248 = vector.broadcast %mul3A_247 : vector<558x1xf32> to vector<558x64xf32>
    %mul3A_249 = arith.mulf %mul3A_248, %slice3A_231 : vector<558x64xf32>
    %add3A_250 = arith.addf %mul3A_246, %mul3A_249 : vector<558x64xf32>
    %concatenate3A_251 = tpu.concatenate %add3A_133, %add3A_172, %add3A_211, %add3A_250 in 1 : vector<558x64xf32>, vector<558x64xf32>, vector<558x64xf32>, vector<558x64xf32> -> vector<558x256xf32>
    %get3A_252 = arith.constant 0 : index
    %get3A_253 = arith.constant 0 : index
    %get3A_254 = vector.load %arg8[%get3A_252, %get3A_253] : memref<1x256xf32, #tpu.memory_space<vmem>>, vector<1x256xf32>
    %add3A_255 = vector.broadcast %get3A_254 : vector<1x256xf32> to vector<558x256xf32>
    %add3A_256 = arith.addf %concatenate3A_251, %add3A_255 : vector<558x256xf32>
    %get3A_257 = arith.constant 0 : index
    %get3A_258 = arith.constant 0 : index
    %get3A_259 = arith.constant 0 : index
    %get3A_260 = vector.load %arg3[%get3A_257, %get3A_258, %get3A_259] : memref<1x558x48xf32, #tpu.memory_space<vmem>>, vector<1x558x48xf32>
    %get3A_261 = vector.shape_cast %get3A_260 : vector<1x558x48xf32> to vector<558x48xf32>
    %get3A_262 = arith.constant 0 : index
    %get3A_263 = arith.constant 0 : index
    %get3A_264 = vector.load %arg9[%get3A_262, %get3A_263] : memref<48x160xf32, #tpu.memory_space<vmem>>, vector<48x160xf32>
    %dot_general3A_265 = arith.constant dense<0.000000e+00> : vector<558x160xf32>
    %dot_general3A_266 = tpu.matmul %get3A_261, %get3A_264, %dot_general3A_265 {dimension_numbers = #tpu.dot_dimension_numbers<[1], [0], [0], [1], [0, 0, 1, 1], [], []>, transpose_lhs_hint = false} : vector<558x48xf32>, vector<48x160xf32>, vector<558x160xf32> -> vector<558x160xf32>
    %slice3A_267 = vector.extract_strided_slice %dot_general3A_266 {offsets = [0, 0], sizes = [558, 32], strides = [1, 1]} : vector<558x160xf32> to vector<558x32xf32>
    %get3A_268 = arith.constant 0 : index
    %get3A_269 = arith.constant 0 : index
    %get3A_270 = vector.load %arg10[%get3A_268, %get3A_269] : memref<1x32xf32, #tpu.memory_space<vmem>>, vector<1x32xf32>
    %add3A_271 = vector.broadcast %get3A_270 : vector<1x32xf32> to vector<558x32xf32>
    %add3A_272 = arith.addf %slice3A_267, %add3A_271 : vector<558x32xf32>
    %get3A_273 = arith.constant 0 : index
    %get3A_274 = arith.constant 0 : index
    %get3A_275 = memref.load %arg1[%get3A_273, %get3A_274] : memref<1x1xf32, #tpu.memory_space<smem>>
    %div3A_276 = arith.constant 1.000000e+00 : f32
    %div3A_277 = arith.divf %div3A_276, %get3A_275 : f32
    %dot_general3A_278 = arith.constant dense<0.000000e+00> : vector<558x1xf32>
    %dot_general3A_279 = tpu.matmul %concatenate3A_94, %get3A_97, %dot_general3A_278 {dimension_numbers = #tpu.dot_dimension_numbers<[1], [0], [0], [1], [0, 0, 1, 1], [], []>, transpose_lhs_hint = false} : vector<558x640xf32>, vector<640x1xf32>, vector<558x1xf32> -> vector<558x1xf32>
    %mul3A_280 = vector.broadcast %div3A_277 : f32 to vector<558x1xf32>
    %mul3A_281 = arith.mulf %dot_general3A_279, %mul3A_280 : vector<558x1xf32>
    %add3A_282 = arith.constant 1.000000e+00 : f32
    %add3A_283 = vector.broadcast %add3A_282 : f32 to vector<558x1xf32>
    %add3A_284 = arith.addf %mul3A_281, %add3A_283 : vector<558x1xf32>
    %rsqrt3A = math.rsqrt %add3A_284 : vector<558x1xf32>
    %mul3A_285 = arith.mulf %rsqrt3A, %rsqrt3A : vector<558x1xf32>
    %mul3A_286 = vector.broadcast %div3A_277 : f32 to vector<558x1xf32>
    %mul3A_287 = arith.mulf %rsqrt3A, %mul3A_286 : vector<558x1xf32>
    %get3A_288 = arith.constant 0 : index
    %get3A_289 = arith.constant 0 : index
    %get3A_290 = vector.load %arg11[%get3A_288, %get3A_289] : memref<256x128xf32, #tpu.memory_space<vmem>>, vector<256x128xf32>
    %dot_general3A_291 = arith.constant dense<0.000000e+00> : vector<558x128xf32>
    %dot_general3A_292 = tpu.matmul %add3A_256, %get3A_290, %dot_general3A_291 {dimension_numbers = #tpu.dot_dimension_numbers<[1], [0], [0], [1], [0, 0, 1, 1], [], []>, transpose_lhs_hint = false} : vector<558x256xf32>, vector<256x128xf32>, vector<558x128xf32> -> vector<558x128xf32>
    %slice3A_293 = vector.extract_strided_slice %dot_general3A_266 {offsets = [0, 32], sizes = [558, 128], strides = [1, 1]} : vector<558x160xf32> to vector<558x128xf32>
    %add3A_294 = arith.addf %dot_general3A_292, %slice3A_293 : vector<558x128xf32>
    %get3A_295 = arith.constant 0 : index
    %get3A_296 = arith.constant 0 : index
    %get3A_297 = vector.load %arg12[%get3A_295, %get3A_296] : memref<32x128xf32, #tpu.memory_space<vmem>>, vector<32x128xf32>
    %dot_general3A_298 = arith.constant dense<0.000000e+00> : vector<558x128xf32>
    %dot_general3A_299 = tpu.matmul %add3A_272, %get3A_297, %dot_general3A_298 {dimension_numbers = #tpu.dot_dimension_numbers<[1], [0], [0], [1], [0, 0, 1, 1], [], []>, transpose_lhs_hint = false} : vector<558x32xf32>, vector<32x128xf32>, vector<558x128xf32> -> vector<558x128xf32>
    %add3A_300 = arith.addf %add3A_294, %dot_general3A_299 : vector<558x128xf32>
    %mul3A_301 = vector.broadcast %rsqrt3A : vector<558x1xf32> to vector<558x128xf32>
    %mul3A_302 = arith.mulf %mul3A_301, %add3A_300 : vector<558x128xf32>
    %jit3A_303 = arith.constant 0 : i32
    %convert_element_type3A_304 = arith.sitofp %jit3A_303 : i32 to f32
    %pad3A_305 = vector.broadcast %convert_element_type3A_304 : f32 to vector<82x128xf32>
    %pad3A_306 = tpu.concatenate %mul3A_302, %pad3A_305 in 0 : vector<558x128xf32>, vector<82x128xf32> -> vector<640x128xf32>
    %dot_general3A_307 = arith.constant dense<0.000000e+00> : vector<558x128xf32>
    %dot_general3A_308 = tpu.matmul %concatenate3A_94, %pad3A_306, %dot_general3A_307 {dimension_numbers = #tpu.dot_dimension_numbers<[1], [0], [0], [1], [0, 0, 1, 1], [], []>, transpose_lhs_hint = false} : vector<558x640xf32>, vector<640x128xf32>, vector<558x128xf32> -> vector<558x128xf32>
    %mul3A_309 = vector.broadcast %mul3A_287 : vector<558x1xf32> to vector<558x128xf32>
    %mul3A_310 = arith.mulf %mul3A_309, %dot_general3A_308 : vector<558x128xf32>
    %mul3A_311 = vector.broadcast %mul3A_285 : vector<558x1xf32> to vector<558x128xf32>
    %mul3A_312 = arith.mulf %mul3A_311, %add3A_300 : vector<558x128xf32>
    %add3A_313 = arith.addf %mul3A_310, %mul3A_312 : vector<558x128xf32>
    %get3A_314 = arith.constant 0 : index
    %get3A_315 = arith.constant 0 : index
    %get3A_316 = vector.load %arg13[%get3A_314, %get3A_315] : memref<1x128xf32, #tpu.memory_space<vmem>>, vector<1x128xf32>
    %add3A_317 = vector.broadcast %get3A_316 : vector<1x128xf32> to vector<558x128xf32>
    %add3A_318 = arith.addf %add3A_313, %add3A_317 : vector<558x128xf32>
    %max3A_319 = arith.constant 0.000000e+00 : f32
    %max3A_320 = vector.broadcast %max3A_319 : f32 to vector<558x128xf32>
    %max3A_321 = arith.maximumf %add3A_318, %max3A_320 : vector<558x128xf32>
    %get3A_322 = arith.constant 0 : index
    %get3A_323 = arith.constant 0 : index
    %get3A_324 = vector.load %arg14[%get3A_322, %get3A_323] : memref<128x128xf32, #tpu.memory_space<vmem>>, vector<128x128xf32>
    %dot_general3A_325 = arith.constant dense<0.000000e+00> : vector<558x128xf32>
    %dot_general3A_326 = tpu.matmul %max3A_321, %get3A_324, %dot_general3A_325 {dimension_numbers = #tpu.dot_dimension_numbers<[1], [0], [0], [1], [0, 0, 1, 1], [], []>, transpose_lhs_hint = false} : vector<558x128xf32>, vector<128x128xf32>, vector<558x128xf32> -> vector<558x128xf32>
    %mul3A_327 = vector.broadcast %rsqrt3A : vector<558x1xf32> to vector<558x128xf32>
    %mul3A_328 = arith.mulf %mul3A_327, %dot_general3A_326 : vector<558x128xf32>
    %jit3A_329 = arith.constant 0 : i32
    %convert_element_type3A_330 = arith.sitofp %jit3A_329 : i32 to f32
    %pad3A_331 = vector.broadcast %convert_element_type3A_330 : f32 to vector<82x128xf32>
    %pad3A_332 = tpu.concatenate %mul3A_328, %pad3A_331 in 0 : vector<558x128xf32>, vector<82x128xf32> -> vector<640x128xf32>
    %dot_general3A_333 = arith.constant dense<0.000000e+00> : vector<558x128xf32>
    %dot_general3A_334 = tpu.matmul %concatenate3A_94, %pad3A_332, %dot_general3A_333 {dimension_numbers = #tpu.dot_dimension_numbers<[1], [0], [0], [1], [0, 0, 1, 1], [], []>, transpose_lhs_hint = false} : vector<558x640xf32>, vector<640x128xf32>, vector<558x128xf32> -> vector<558x128xf32>
    %mul3A_335 = vector.broadcast %mul3A_287 : vector<558x1xf32> to vector<558x128xf32>
    %mul3A_336 = arith.mulf %mul3A_335, %dot_general3A_334 : vector<558x128xf32>
    %mul3A_337 = vector.broadcast %mul3A_285 : vector<558x1xf32> to vector<558x128xf32>
    %mul3A_338 = arith.mulf %mul3A_337, %dot_general3A_326 : vector<558x128xf32>
    %add3A_339 = arith.addf %mul3A_336, %mul3A_338 : vector<558x128xf32>
    %get3A_340 = arith.constant 0 : index
    %get3A_341 = arith.constant 0 : index
    %get3A_342 = vector.load %arg15[%get3A_340, %get3A_341] : memref<1x128xf32, #tpu.memory_space<vmem>>, vector<1x128xf32>
    %add3A_343 = vector.broadcast %get3A_342 : vector<1x128xf32> to vector<558x128xf32>
    %add3A_344 = arith.addf %add3A_339, %add3A_343 : vector<558x128xf32>
    %max3A_345 = arith.constant 0.000000e+00 : f32
    %max3A_346 = vector.broadcast %max3A_345 : f32 to vector<558x128xf32>
    %max3A_347 = arith.maximumf %add3A_344, %max3A_346 : vector<558x128xf32>
    %reduce_sum3A = arith.constant dense<0.000000e+00> : vector<128xf32>
    %reduce_sum3A_348 = vector.multi_reduction <add>, %max3A_347, %reduce_sum3A [0] : vector<558x128xf32> to vector<128xf32>
    %broadcast_in_dim3A = vector.shape_cast %reduce_sum3A_348 : vector<128xf32> to vector<1x128xf32>
    %mul3A_349 = arith.constant 0.00179211469 : f32
    %mul3A_350 = vector.broadcast %mul3A_349 : f32 to vector<1x128xf32>
    %mul3A_351 = arith.mulf %broadcast_in_dim3A, %mul3A_350 : vector<1x128xf32>
    %swap3A = arith.constant 0 : index
    %swap3A_352 = arith.constant 0 : index
    %swap3A_353 = arith.constant 0 : index
    %swap3A_354 = vector.load %arg17[%swap3A, %swap3A_352, %swap3A_353] : memref<1x1x128xf32, #tpu.memory_space<vmem>>, vector<1x1x128xf32>
    %swap3A_355 = vector.shape_cast %swap3A_354 : vector<1x1x128xf32> to vector<1x128xf32>
    %swap3A_356 = vector.shape_cast %mul3A_351 : vector<1x128xf32> to vector<1x1x128xf32>
    tpu.vector_store %arg17[%swap3A, %swap3A_352, %swap3A_353], %swap3A_356 {strides = array<i32>} : memref<1x1x128xf32, #tpu.memory_space<vmem>>, vector<1x1x128xf32>,
    return
  }
  func.func @transform_0(%arg0: i32) -> (i32, i32) {
    %c0_i32 = arith.constant 0 : i32
    %c0_i32_0 = arith.constant 0 : i32
    %c0_i32_1 = arith.constant 0 : i32
    return %c0_i32, %c0_i32_0 : i32, i32
  }
  func.func @transform_1(%arg0: i32) -> (i32, i32, i32) {
    %add3A = arith.constant 48 : i32
    %add3A_0 = arith.addi %add3A, %arg0 : i32
    %c0_i32 = arith.constant 0 : i32
    %c0_i32_1 = arith.constant 0 : i32
    %c0_i32_2 = arith.constant 0 : i32
    return %add3A_0, %c0_i32, %c0_i32_1 : i32, i32, i32
  }
  func.func @transform_2(%arg0: i32) -> (i32, i32, i32) {
    %add3A = arith.constant 48 : i32
    %add3A_0 = arith.addi %add3A, %arg0 : i32
    %c0_i32 = arith.constant 0 : i32
    %c0_i32_1 = arith.constant 0 : i32
    %c0_i32_2 = arith.constant 0 : i32
    return %add3A_0, %c0_i32, %c0_i32_1 : i32, i32, i32
  }
  func.func @transform_3(%arg0: i32) -> (i32, i32, i32, i32) {
    %c0_i32 = arith.constant 0 : i32
    %c0_i32_0 = arith.constant 0 : i32
    %c0_i32_1 = arith.constant 0 : i32
    %c0_i32_2 = arith.constant 0 : i32
    return %arg0, %c0_i32, %c0_i32_0, %c0_i32_1 : i32, i32, i32, i32
  }
  func.func @transform_4(%arg0: i32) -> (i32, i32) {
    %c0_i32 = arith.constant 0 : i32
    %c0_i32_0 = arith.constant 0 : i32
    %c0_i32_1 = arith.constant 0 : i32
    return %c0_i32, %c0_i32_0 : i32, i32
  }
  func.func @transform_5(%arg0: i32) -> (i32, i32) {
    %c0_i32 = arith.constant 0 : i32
    %c0_i32_0 = arith.constant 0 : i32
    %c0_i32_1 = arith.constant 0 : i32
    return %c0_i32, %c0_i32_0 : i32, i32
  }
  func.func @transform_6(%arg0: i32) -> (i32, i32) {
    %c0_i32 = arith.constant 0 : i32
    %c0_i32_0 = arith.constant 0 : i32
    %c0_i32_1 = arith.constant 0 : i32
    return %c0_i32, %c0_i32_0 : i32, i32
  }
  func.func @transform_7(%arg0: i32) -> (i32, i32) {
    %c0_i32 = arith.constant 0 : i32
    %c0_i32_0 = arith.constant 0 : i32
    %c0_i32_1 = arith.constant 0 : i32
    return %c0_i32, %c0_i32_0 : i32, i32
  }
  func.func @transform_8(%arg0: i32) -> (i32, i32) {
    %c0_i32 = arith.constant 0 : i32
    %c0_i32_0 = arith.constant 0 : i32
    %c0_i32_1 = arith.constant 0 : i32
    return %c0_i32, %c0_i32_0 : i32, i32
  }
  func.func @transform_9(%arg0: i32) -> (i32, i32) {
    %c0_i32 = arith.constant 0 : i32
    %c0_i32_0 = arith.constant 0 : i32
    %c0_i32_1 = arith.constant 0 : i32
    return %c0_i32, %c0_i32_0 : i32, i32
  }
  func.func @transform_10(%arg0: i32) -> (i32, i32) {
    %c0_i32 = arith.constant 0 : i32
    %c0_i32_0 = arith.constant 0 : i32
    %c0_i32_1 = arith.constant 0 : i32
    return %c0_i32, %c0_i32_0 : i32, i32
  }
  func.func @transform_11(%arg0: i32) -> (i32, i32) {
    %c0_i32 = arith.constant 0 : i32
    %c0_i32_0 = arith.constant 0 : i32
    %c0_i32_1 = arith.constant 0 : i32
    return %c0_i32, %c0_i32_0 : i32, i32
  }
  func.func @transform_12(%arg0: i32) -> (i32, i32) {
    %c0_i32 = arith.constant 0 : i32
    %c0_i32_0 = arith.constant 0 : i32
    %c0_i32_1 = arith.constant 0 : i32
    return %c0_i32, %c0_i32_0 : i32, i32
  }
  func.func @transform_13(%arg0: i32) -> (i32, i32) {
    %c0_i32 = arith.constant 0 : i32
    %c0_i32_0 = arith.constant 0 : i32
    %c0_i32_1 = arith.constant 0 : i32
    return %c0_i32, %c0_i32_0 : i32, i32
  }
  func.func @transform_14(%arg0: i32) -> (i32, i32) {
    %c0_i32 = arith.constant 0 : i32
    %c0_i32_0 = arith.constant 0 : i32
    %c0_i32_1 = arith.constant 0 : i32
    return %c0_i32, %c0_i32_0 : i32, i32
  }
  func.func @transform_15(%arg0: i32) -> (i32, i32) {
    %c0_i32 = arith.constant 0 : i32
    %c0_i32_0 = arith.constant 0 : i32
    %c0_i32_1 = arith.constant 0 : i32
    return %c0_i32, %c0_i32_0 : i32, i32
  }
  func.func @transform_16(%arg0: i32) -> (i32, i32, i32) {
    %c0_i32 = arith.constant 0 : i32
    %c0_i32_0 = arith.constant 0 : i32
    %c0_i32_1 = arith.constant 0 : i32
    return %arg0, %c0_i32, %c0_i32_0 : i32, i32, i32
  }
}

module attributes {stable_mosaic.version = 14 : i64} {
  func.func @_mlp_body(%arg0: memref<64x128xf32, #tpu.memory_space<vmem>>, %arg1: memref<128x128xf32, #tpu.memory_space<vmem>>, %arg2: memref<1x128xf32, #tpu.memory_space<vmem>>, %arg3: memref<128x64xf32, #tpu.memory_space<vmem>>, %arg4: memref<1x64xf32, #tpu.memory_space<vmem>>, %arg5: memref<64x100xf32, #tpu.memory_space<vmem>>, %arg6: memref<1x100xf32, #tpu.memory_space<vmem>>, %arg7: memref<64x100xf32, #tpu.memory_space<vmem>>) attributes {dimension_semantics = [], scalar_prefetch = 0 : i64, scratch_operands = 0 : i64, tpu.core_type = #tpu.core_type<tc>} {
    %get3A = arith.constant 0 : index
    %get3A_0 = arith.constant 0 : index
    %get3A_1 = vector.load %arg0[%get3A, %get3A_0] : memref<64x128xf32, #tpu.memory_space<vmem>>, vector<64x128xf32>
    %get3A_2 = arith.constant 0 : index
    %get3A_3 = arith.constant 0 : index
    %get3A_4 = vector.load %arg1[%get3A_2, %get3A_3] : memref<128x128xf32, #tpu.memory_space<vmem>>, vector<128x128xf32>
    %dot_general3A = arith.constant dense<0.000000e+00> : vector<64x128xf32>
    %dot_general3A_5 = tpu.matmul %get3A_1, %get3A_4, %dot_general3A {dimension_numbers = #tpu.dot_dimension_numbers<[1], [0], [0], [1], [0, 0, 1, 1], [], []>, transpose_lhs_hint = false} : vector<64x128xf32>, vector<128x128xf32>, vector<64x128xf32> -> vector<64x128xf32>
    %get3A_6 = arith.constant 0 : index
    %get3A_7 = arith.constant 0 : index
    %get3A_8 = vector.load %arg2[%get3A_6, %get3A_7] : memref<1x128xf32, #tpu.memory_space<vmem>>, vector<1x128xf32>
    %add3A = vector.broadcast %get3A_8 : vector<1x128xf32> to vector<64x128xf32>
    %add3A_9 = arith.addf %dot_general3A_5, %add3A : vector<64x128xf32>
    %max3A = arith.constant 0.000000e+00 : f32
    %max3A_10 = vector.broadcast %max3A : f32 to vector<64x128xf32>
    %max3A_11 = arith.maximumf %add3A_9, %max3A_10 : vector<64x128xf32>
    %get3A_12 = arith.constant 0 : index
    %get3A_13 = arith.constant 0 : index
    %get3A_14 = vector.load %arg3[%get3A_12, %get3A_13] : memref<128x64xf32, #tpu.memory_space<vmem>>, vector<128x64xf32>
    %dot_general3A_15 = arith.constant dense<0.000000e+00> : vector<64x64xf32>
    %dot_general3A_16 = tpu.matmul %max3A_11, %get3A_14, %dot_general3A_15 {dimension_numbers = #tpu.dot_dimension_numbers<[1], [0], [0], [1], [0, 0, 1, 1], [], []>, transpose_lhs_hint = false} : vector<64x128xf32>, vector<128x64xf32>, vector<64x64xf32> -> vector<64x64xf32>
    %get3A_17 = arith.constant 0 : index
    %get3A_18 = arith.constant 0 : index
    %get3A_19 = vector.load %arg4[%get3A_17, %get3A_18] : memref<1x64xf32, #tpu.memory_space<vmem>>, vector<1x64xf32>
    %add3A_20 = vector.broadcast %get3A_19 : vector<1x64xf32> to vector<64x64xf32>
    %add3A_21 = arith.addf %dot_general3A_16, %add3A_20 : vector<64x64xf32>
    %max3A_22 = arith.constant 0.000000e+00 : f32
    %max3A_23 = vector.broadcast %max3A_22 : f32 to vector<64x64xf32>
    %max3A_24 = arith.maximumf %add3A_21, %max3A_23 : vector<64x64xf32>
    %get3A_25 = arith.constant 0 : index
    %get3A_26 = arith.constant 0 : index
    %get3A_27 = vector.load %arg5[%get3A_25, %get3A_26] : memref<64x100xf32, #tpu.memory_space<vmem>>, vector<64x100xf32>
    %dot_general3A_28 = arith.constant dense<0.000000e+00> : vector<64x100xf32>
    %dot_general3A_29 = tpu.matmul %max3A_24, %get3A_27, %dot_general3A_28 {dimension_numbers = #tpu.dot_dimension_numbers<[1], [0], [0], [1], [0, 0, 1, 1], [], []>, transpose_lhs_hint = false} : vector<64x64xf32>, vector<64x100xf32>, vector<64x100xf32> -> vector<64x100xf32>
    %get3A_30 = arith.constant 0 : index
    %get3A_31 = arith.constant 0 : index
    %get3A_32 = vector.load %arg6[%get3A_30, %get3A_31] : memref<1x100xf32, #tpu.memory_space<vmem>>, vector<1x100xf32>
    %add3A_33 = vector.broadcast %get3A_32 : vector<1x100xf32> to vector<64x100xf32>
    %add3A_34 = arith.addf %dot_general3A_29, %add3A_33 : vector<64x100xf32>
    %swap3A = arith.constant 0 : index
    %swap3A_35 = arith.constant 0 : index
    %swap3A_36 = vector.load %arg7[%swap3A, %swap3A_35] : memref<64x100xf32, #tpu.memory_space<vmem>>, vector<64x100xf32>
    tpu.vector_store %arg7[%swap3A, %swap3A_35], %add3A_34 {strides = array<i32>} : memref<64x100xf32, #tpu.memory_space<vmem>>, vector<64x100xf32>,
    return
  }
}

</mosaic_0001>

<sc_bundles>
// kernel: sc_build_g0.3.cloned.1.call-start
scs
__scs_entry_jumppad:
0x0: {  	(pc) =	sbr.rel $0x88, $3  }
0x1: {  	(tag) =	ssettag $0x0;
	lr =	simm.s32 $0x1  }
0x2: {  	[smem:$0x3F8A] =	sst lr;
	_ =	strace $0xD0000000  }
0x3: {  	_ = 	snop  }
0x4: {  	_ = 	snop  }
0x5: {  	_ = 	snop  }
0x6: {  	_ = 	snop  }
0x7: {  	_ = 	snop  }
__scs_overlays_trampoline_lowered:
0x8: {  	[smem:$0x3F99] =	sst s0  }
0x9: {  	[smem:$0x3F9A] =	sst s1  }
0xa: {  	[smem:$0x3F9B] =	sst s2  }
0xb: {  	[smem:$0x3F9C] =	sst s3  }
0xc: {  	[smem:$0x3F9D] =	sst s4  }
0xd: {  	[smem:$0x3F9E] =	sst s5  }
0xe: {  	[smem:$0x3F9F] =	sst s6  }
0xf: {  	[smem:$0x3FA0] =	sst s7  }
0x10: {  	[smem:$0x3FA1] =	sst s8  }
0x11: {  	[smem:$0x3FA2] =	sst s9;
	s0 =	simm.s32 @!p0 $0x0  }
0x12: {  	s1 =	sld [smem:$0x3F88];
	s0 =	simm.s32 @p0 $0x1  }
0x13: {  	[smem:$0x3FA3] =	sst s0;
	s0 =	simm.s32 @!p1 $0x0  }
0x14: {  	s2 =	sld [smem:$0x3F87];
	s0 =	simm.s32 @p1 $0x1  }
0x15: {  	[smem:$0x3FA4] =	sst s0;
	s0 =	simm.s32 @!p2 $0x0  }
0x16: {  	s3 =	sld [smem:$0x3FDB];
	s0 =	simm.s32 @p2 $0x1  }
0x17: {  	s4 =	simm.s32 $0x1BF5;
	[smem:$0x3FA6] =	sst s0  }
0x18: {  	s0 =	sld [smem:$0x3F89];
	_ =	swait.ge [sflag:s4], $0x0  }
0x19: {  	s7 =	sld [smem:$0x3F8A]  }
0x1a: {  	s8 =	sadd.s32 $0xFFFFE003, lr  }
0x1b: {  	s9 =	sadd.s32 $0xFFFFFEF7, lr;
	s5 =	simm.s32 $0xFFFFFFFF;
	p2 =	slt.u32 s8, $0xFFFFF086  }
0x1c: {  	p1 =	slt.u32 s9, $0xF7A;
	s5 =	simm.s32 @!p2 $0x0  }
0x1d: {  	s5 =	simm.s32 @p1 $0x1;
	p0 =	seq.s32 s7, s2  }
0x1e: {  	s7 =	smul.u32 @!p0 $0xF7A, s2;
	p2 =	seq.s32 @!p0 s5, $0x0  }
0x1f: {  	s9 =	smul.u32 $0xF7A, s1;
	s8 =	simm.s32 @!p0 $0x1BF5;
	p2 =	por !p2, p0  }
0x20: {  	[sflag:s8] =	ssyncset.s32 @!p0 $0xFFFFF086;
	s6 =	sadd.s32 @!p0 s3, s7;
	s7 =	simm.s32 @!p0 $0x108  }
0x21: {  	s3 =	sadd.s32 s3, s9;
	s6 =	sadd.s32 @!p0 $0x88, s6;
	s7 =	simm.s32 @p2 $0x1082  }
0x22: {  	[simem:s7], [sflag:s8] =	dma.local @!p0 [hbm:s6], $0xF7A  }
0x23: {  	s9 =	sor.u32 $0xD0000000, s2;
	s6 =	simm.s32 $0x108;
	_ =	swait.ge @!p0 [sflag:s8], $0x0  }
0x24: {  	s3 =	sadd.s32 $0x88, s3;
	s6 =	simm.s32 @!p1 $0x1082;
	[sflag:s4] =	ssyncset.s32 $0xFFFFF086  }
0x25: {  	[simem:s6], [sflag:s4] =	dma.local [hbm:s3], $0xF7A  }
0x26: {  	[smem:$0x3F8A] =	sst s1;
	(tag) =	ssettag s2;
	_ =	strace s9  }
0x27: {  	s1 =	sld [smem:$0x3F9A]  }
0x28: {  	s2 =	sld [smem:$0x3F9B]  }
0x29: {  	s4 =	sld [smem:$0x3F9D]  }
0x2a: {  	p0 =	seq.s32 s5, $0x0;
	s5 =	sld [smem:$0x3F9E]  }
0x2b: {  	s6 =	sld [smem:$0x3F9F]  }
0x2c: {  	s7 =	sld [smem:$0x3FA0]  }
0x2d: {  	s3 =	simm.s32 $0x108;
	s8 =	sld [smem:$0x3FA1]  }
0x2e: {  	s3 =	simm.s32 @!p0 $0x1082;
	s9 =	sld [smem:$0x3FA2]  }
0x2f: {  	lr =	sadd.s32 s0, s3;
	s0 =	sld [smem:$0x3F99]  }
0x30: {  	s3 =	sld [smem:$0x3F9C]  }
0x31: {  	[smem:$0x3FA5] =	sst s10  }
0x32: {  	s10 =	sld [smem:$0x3FA3];
	_ =	sdelay $0x3  }
0x33: {  	p0 =	seq.s32 s10, $0x1;
	s10 =	sld [smem:$0x3FA5];
	_ =	sdelay $0x3  }
0x34: {  	[smem:$0x3FA5] =	sst s10  }
0x35: {  	s10 =	sld [smem:$0x3FA4];
	_ =	sdelay $0x3  }
0x36: {  	p1 =	seq.s32 s10, $0x1;
	s10 =	sld [smem:$0x3FA5];
	_ =	sdelay $0x3  }
0x37: {  	[smem:$0x3FA5] =	sst s10  }
0x38: {  	s10 =	sld [smem:$0x3FA6]  }
0x39: {  	_ = 	snop;
	(pc) =	sbr.ind lr, $3  }
0x3a: {  	_ = 	snop  }
0x3b: {  	_ = 	snop  }
0x3c: {  	p2 =	seq.s32 s10, $0x1;
	s10 =	sld [smem:$0x3FA5]  }
0x3d: {  	_ =	shalt  }
0x3e: {  	_ =	shalt  }
0x3f: {  	_ =	shalt  }
0x40: {  	_ =	shalt  }
0x41: {  	_ =	shalt  }
0x42: {  	_ =	shalt  }
0x43: {  	_ =	shalt  }
0x44: {  	_ =	shalt  }
0x45: {  	_ =	shalt  }
0x46: {  	_ =	shalt  }
0x47: {  	_ =	shalt  }
0x48: {  	_ =	shalt  }
0x49: {  	_ =	shalt  }
0x4a: {  	_ =	shalt  }
0x4b: {  	_ =	shalt  }
0x4c: {  	_ =	shalt  }
0x4d: {  	_ =	shalt  }
0x4e: {  	_ =	shalt  }
0x4f: {  	_ =	shalt  }
0x50: {  	_ =	shalt  }
0x51: {  	_ =	shalt  }
0x52: {  	_ =	shalt  }
0x53: {  	_ =	shalt  }
0x54: {  	_ =	shalt  }
0x55: {  	_ =	shalt  }
0x56: {  	_ =	shalt  }
0x57: {  	_ =	shalt  }
0x58: {  	_ =	shalt  }
0x59: {  	_ =	shalt  }
0x5a: {  	_ =	shalt  }
0x5b: {  	_ =	shalt  }
0x5c: {  	_ =	shalt  }
0x5d: {  	_ =	shalt  }
0x5e: {  	_ =	shalt  }
0x5f: {  	_ =	shalt  }
0x60: {  	_ =	shalt  }
0x61: {  	_ =	shalt  }
0x62: {  	_ =	shalt  }
0x63: {  	_ =	shalt  }
0x64: {  	_ =	shalt  }
0x65: {  	_ =	shalt  }
0x66: {  	_ =	shalt  }
0x67: {  	_ =	shalt  }
0x68: {  	_ =	shalt  }
0x69: {  	_ =	shalt  }
0x6a: {  	_ =	shalt  }
0x6b: {  	_ =	shalt  }
0x6c: {  	_ =	shalt  }
0x6d: {  	_ =	shalt  }
0x6e: {  	_ =	shalt  }
0x6f: {  	_ =	shalt  }
0x70: {  	_ =	shalt  }
0x71: {  	_ =	shalt  }
0x72: {  	_ =	shalt  }
0x73: {  	_ =	shalt  }
0x74: {  	_ =	shalt  }
0x75: {  	_ =	shalt  }
0x76: {  	_ =	shalt  }
0x77: {  	_ =	shalt  }
0x78: {  	_ =	shalt  }
0x79: {  	_ =	shalt  }
0x7a: {  	_ =	shalt  }
0x7b: {  	_ =	shalt  }
0x7c: {  	_ =	shalt  }
0x7d: {  	_ =	shalt  }
0x7e: {  	_ =	shalt  }
0x7f: {  	_ =	shalt  }
0x80: {  	_ =	shalt  }
0x81: {  	_ =	shalt  }
0x82: {  	_ =	shalt  }
0x83: {  	_ =	shalt  }
0x84: {  	_ =	shalt  }
0x85: {  	_ =	shalt  }
0x86: {  	_ =	shalt  }
0x87: {  	_ =	shalt  }
.Lfunc_end0:
.L_simem_size_0:
called_computation_lowered:
.L_overlay_start_0:
0x88: {  	s2 =	sld [smem:$0x3FD9]  }
0x89: {  	s3 =	sld [smem:$0x3FFE];
	_ =	sdelay $0x1  }
0x8a: {  	s1 =	srdreg.scid  }
0x8b: {  	s0 =	sand.u32 $0x1, s1  }
0x8c: {  	s16 =	sshll.u32 s0, $0xA;
	s2 =	sadd.s32 s3, s2  }
0x8d: {  	s2 =	sadd.s32 s2, s16  }
0x8e: {  	[smem:$0x3FB1] =	sst s2  }
0x8f: {  	_ = 	snop  }
0x90: {  	(tm) =	ssettm $0x1  }
0x91: {  	s17 =	sld [smem:$0x3FFB];
	_ =	sdelay $0x3  }
0x92: {  	_ =	strace s17  }
0x93: {  	s2 =	sld [smem:$0x3FFC];
	_ =	sdelay $0x3  }
0x94: {  	_ =	strace s2  }
0x95: {  	s2 =	sld [smem:$0x3FFD];
	_ =	sdelay $0x3  }
0x96: {  	_ =	strace s2  }
0x97: {  	_ =	strace $0x8FFFFFFF  }
0x98: {  	s18 =	sld [smem:$0x3FDB];
	_ =	sdelay $0x1  }
0x99: {  	s19 =	simm.s32 $_scs_section_size  }
0x9a: {  	s4 =	simm.s32 $_size__tile_overlayer_lowered;
	s5 =	simm.s32 $_tile_overlayer_lowered  }
0x9b: {  	s22 =	simm.s32 $0x1BFF;
	s21 =	sshll.u32 s5, $0x1;
	s2 =	sadd.s32 s19, s18  }
0x9c: {  	s6 =	simm.s32 $0x0;
	s20 =	sshll.u32 s4, $0x1;
	s4 =	sadd.s32 s21, s2  }
0x9d: {  	[timem:s6], [sflag:s22] =	dma.local [hbm:s4], s20  }
0x9e: {  	_ =	swait.ge [sflag:s22], s20  }
0x9f: {  	s3 =	ssub.s32 $0x0, s20;
	[sflag:s22] =	ssyncset.done $0x0  }
0xa0: {  	[sflag:s22] =	ssyncadd.s32 s3;
	_ =	sdelay $0x1  }
0xa1: {  	s23 =	simm.s32 $0x1B8B  }
0xa2: {  	_ =	swait.ge [sflag:s23], $0x1  }
0xa3: {  	[sflag:s23] =	ssyncset.done $0x0  }
0xa4: {  	s25 =	simm.s32 $0x1B8E;
	s24 =	sld [smem:$0x3FFE];
	[sflag:s23] =	ssyncadd.s32 $0xFFFFFFFF  }
0xa5: {  	s26 =	simm.s32 $execute0_lowered;
	[smem:$0x3FD2] =	sst s25  }
0xa6: {  	s4 =	sshll.u32 s26, $0x1;
	_ =	strace $0x80000046;
	[dreg:$0x1] =	wrdreg $0xFFFFFFFF  }
0xa7: {  	s28 =	simm.s32 $_size_execute0_lowered;
	s2 =	sadd.s32 s2, s4;
	[dreg:$0x0] =	wrdreg $0x0  }
0xa8: {  	s4 =	sshll.u32 s28, $0x1;
	[dreg:$0x2] =	wrdreg s2  }
0xa9: {  	[dreg:$0x3] =	wrdreg s4  }
0xaa: {  	[dreg:$0x4] =	wrdreg $0xC0  }
0xab: {  	_ =	task [dreg:s6], $0x5FFFF  }
0xac: {  	[dreg:$0x1] =	wrdreg $0xFFFFFFFF  }
0xad: {  	[dreg:$0x0] =	wrdreg $0x60  }
0xae: {  	[dreg:$0x2] =	wrdreg s24  }
0xaf: {  	[dreg:$0x3] =	wrdreg $0x5D800  }
0xb0: {  	[dreg:$0x4] =	wrdreg $0x9  }
0xb1: {  	_ =	task.clear_ibuf [dreg:s6], $0x5FFFF;
	_ =	strace $0x90000046  }
0xb2: {  	s29 =	simm.s32 $0x9;
	_ =	strace $0x80000048  }
0xb3: {  	_ =	swait.ge [sflag:s29], $0x1  }
0xb4: {  	[sflag:s29] =	ssyncadd.s32 $0xFFFFFFFF  }
0xb5: {  	_ =	strace $0x90000048  }
0xb6: {  	_ =	sfence  }
0xb7: {  	s30 =	sld [smem:$0x0];
	_ =	sdelay $0x2  }
0xb8: {  	s31 =	sshll.u32 s1, $0xD;
	s1 =	sshrl.u32 s1, $0x2  }
0xb9: {  	s3 =	sand.u32 $0x4000, s31;
	s1 =	sadd.s32 s1, s30  }
0xba: {  	s0 =	sor.u32 s3, s0;
	s1 =	sshll.u32 s1, $0x11  }
0xbb: {  	s0 =	sor.u32 s1, s0  }
0xbc: {  	s0 =	sadd.s32 $0x8F2B, s0  }
0xbd: {  	[sflag:s0] =	ssyncadd.remote.s32 $0x1  }
0xbe: {  	_ =	sfence.sel $0xFFFF  }
0xbf: {  	[dreg:$0x0] =	wrdreg $0xFFFFFFFF;
	(pc) =	sbr.abs _section_cstart, $3  }
0xc0: {  	[dreg:$0x1] =	wrdreg $0xFFFFFFFF  }
0xc1: {  	_ =	task.clear_ibuf [dreg:s6], $0x2FFFF;
	_ =	strace $0x9FFFFFFF  }
0xc2: {  	(tm) =	ssettm $0x7FFFFFFF  }
0xc3: {  	_ =	shalt  }
tec
execute0_lowered:
.L_overlay_start_1:
0x0: {  	(tag) =	ssettag $0x1  }
0x1: {  	s5 =	rddreg [dreg:$0x0]  }
0x2: {  	s2 =	rddreg [dreg:$0x1]  }
0x3: {  	s0 =	rddreg [dreg:$0x2];
	s4 =	srdreg.scid  }
0x4: {  	s3 =	simm.s32 $0x0;
	s1 =	stileid.u32;
	s13 =	simm.s32 $0x180  }
0x5: {  	s14 =	simm.s32 $0x280;
	s15 =	simm.s32 $0x300;
	s16 =	simm.s32 $0x100  }
0x6: {  	s19 =	simm.s32 $0x0;
	s4 =	sand.u32 $0x1, s4;
	[smem:$0x7FF] =	sst s3  }
0x7: {  	s6 =	sshll.u32 s1, $0x7;
	s9 =	smul.u32 $0x5A00, s1;
	s17 =	sshll.u32 s1, $0x6  }
0x8: {  	s7 =	sshll.u32 s4, $0xF;
	s8 =	sshll.u32 s4, $0xE;
	s26 =	smul.u32 $0x2D0000, s4  }
0x9: {  	_ =	strace $0x80000047;
	s30 =	ssub.s32 $0x2, s4;
	s4 =	sadd.s32 $0x10000, s5  }
0xa: {  	s17 =	sor.u32 $0x1C01, s17;
	s7 =	sor.u32 s6, s7;
	s6 =	sor.u32 s6, s8  }
0xb: {  	s11 =	sshrl.u32 s30, $0x1;
	s7 =	sshrl.u32 s7, $0x3;
	s6 =	sshrl.u32 s6, $0x3  }
0xc: {  	s29 =	sadd.s32 s9, s26;
	s31 =	ssub.s32 s30, s11;
	s11 =	simm.s32 $0x1  }
0xd: {  	s10 =	sadd.s32 s7, s5;
	s28 =	sadd.s32 s6, s5;
	s6 =	sshrl.u32 s29, $0x3  }
0xe: {  	s12 =	sadd.s32 s6, s5;
	s5 =	sadd.s32 s9, s2;
	s6 =	smax.u32 s31, $0x1  }
0xf: {  	s7 =	sadd.s32 $0xC000, s28;
	s8 =	sadd.s32 $0x4100, s10;
	s10 =	simm.s32 $0x380  }
0x10: {  	v0 =	vimm.s32 $0x0;
	v1 =	vimm.f32 $0.0e+00;
	s9 =	sadd.s32 $0x10C00, s12;
	s12 =	simm.s32 $0x80;
	s18 =	sshrl.u32 s5, $0x3  }
.LBB2_1:
0x11: {  	[tilespmem:s10], [sflag:$0x1] =	stream.linear.gather [hbm4b:s4+s3], $0x5A00, $0x38;
	[tilespmem:$0xB780] =	vst v63  }
0x12: {  	_ =	swait.ge [sflag:s11], $0x5A00  }
0x13: {  	[sflag:s11] =	ssyncset.done $0x0  }
0x14: {  	[sflag:s11] =	ssyncadd.s32 $0xFFFFA600  }
0x15: {  	[spmem:s5] =	stream.linear.scatter [tilespmem:s10], [sflag:$0x1], $0x5A00, $0x38;
	[tilespmem:$0xB780] =	vst v63  }
0x16: {  	_ =	swait.ge [sflag:s11], $0x5A00  }
0x17: {  	[sflag:s11] =	ssyncset.done $0x0  }
0x18: {  	[sflag:s11] =	ssyncadd.s32 $0xFFFFA600  }
0x19: {  	[tilespmem:$0x280] =	vst v0  }
0x1a: {  	[tilespmem:$0x300] =	vst v1  }
0x1b: {  	[tilespmem:$0x290] =	vst v0  }
0x1c: {  	[tilespmem:$0x310] =	vst v1  }
0x1d: {  	[tilespmem:$0x2A0] =	vst v0  }
0x1e: {  	[tilespmem:$0x320] =	vst v1  }
0x1f: {  	[tilespmem:$0x2B0] =	vst v0  }
0x20: {  	[tilespmem:$0x330] =	vst v1  }
0x21: {  	[tilespmem:$0x2C0] =	vst v0  }
0x22: {  	[tilespmem:$0x340] =	vst v1  }
0x23: {  	[tilespmem:$0x2D0] =	vst v0  }
0x24: {  	[tilespmem:$0x350] =	vst v1  }
0x25: {  	[tilespmem:$0x2E0] =	vst v0  }
0x26: {  	[tilespmem:$0x360] =	vst v1  }
0x27: {  	[tilespmem:$0x2F0] =	vst v0  }
0x28: {  	s20 =	smov.u32 s9;
	[tilespmem:$0x370] =	vst v1  }
0x29: {  	s21 =	smov.u32 s8;
	s22 =	simm.s32 $0x0;
	[bflag:$0x0] =	sbarrier.arrive $0xFFFF  }
.LBB2_2:
0x2a: {  	s23 =	sadd.s32 $0xFFFFFF00, s21  }
0x2b: {  	[tilespmem:s3], [sflag:$0x1] =	stream.linear.gather [hbm4b:s23+s3], $0x80, $0x38;
	[tilespmem:$0xB780] =	vst v63  }
0x2c: {  	_ =	swait.ge [sflag:s11], $0x80  }
0x2d: {  	[sflag:s11] =	ssyncset.done $0x0  }
0x2e: {  	[sflag:s11] =	ssyncadd.s32 $0xFFFFFF80  }
0x2f: {  	[tilespmem:s12], [sflag:$0x1] =	stream.linear.gather [hbm4b:s21+s3], $0x80, $0x38;
	[tilespmem:$0xB780] =	vst v63  }
0x30: {  	_ =	swait.ge [sflag:s11], $0x80  }
0x31: {  	[sflag:s11] =	ssyncset.done $0x0  }
0x32: {  	s31 =	sadd.s32 s22, s7;
	[sflag:s11] =	ssyncadd.s32 $0xFFFFFF80  }
0x33: {  	[tilespmem:s13], [sflag:$0x1] =	stream.linear.gather [hbm4b:s31+s3], $0x80, $0x38;
	[tilespmem:$0xB780] =	vst v63  }
0x34: {  	_ =	swait.ge [sflag:s11], $0x80  }
0x35: {  	[sflag:s11] =	ssyncset.done $0x0  }
0x36: {  	[sflag:s11] =	ssyncadd.s32 $0xFFFFFF80  }
0x37: {  	v2 =	vld [tilespmem:$0x0]  }
0x38: {  	v3 =	vld [tilespmem:$0x80]  }
0x39: {  	v4 =	vld [tilespmem:$0x10]  }
0x3a: {  	v5 =	vld [tilespmem:$0x180]  }
0x3b: {  	v7 =	vld [tilespmem:$0x90]  }
0x3c: {  	v8 =	vld [tilespmem:$0x20]  }
0x3d: {  	v9 =	vld [tilespmem:$0x190];
	v6 =	vshrl.u32 v2, $0x7  }
0x3e: {  	v10 =	vld [tilespmem:$0xA0];
	v6 =	vmul.u32 $0x12000, v6  }
0x3f: {  	v11 =	vld [tilespmem:$0x30];
	v3 =	vshll.u32 v3, $0x7;
	v26 =	vshrl.u32 v4, $0x7  }
0x40: {  	v27 =	vld [tilespmem:$0x1A0];
	v2 =	vand.u32 $0x7F, v2;
	v5 =	vadd.f32 $6.400000000e+01, v5;
	v3 =	vadd.s32 v3, v6  }
0x41: {  	v12 =	vld [tilespmem:$0xB0];
	v6 =	vmul.u32 $0x12000, v26;
	v2 =	vor.u32 v2, v3  }
0x42: {  	v45 =	vld [tilespmem:$0x1E0];
	v28 =	vshrl.u32 v8, $0x7;
	v3 =	vshll.u32 v7, $0x7;
	[tilespmem:$0x100] =	vst v2;
	v2 =	vsub.f32 $0.0e+00, v5  }
0x43: {  	v30 =	vld [tilespmem:$0x40];
	v4 =	vand.u32 $0x7F, v4;
	v29 =	vadd.f32 $6.400000000e+01, v9;
	[tilespmem:$0x180] =	vst v5;
	v3 =	vadd.s32 v3, v6  }
0x44: {  	v31 =	vld [tilespmem:$0x1B0];
	v6 =	vmul.u32 $0x12000, v28;
	[tilespmem:$0x200] =	vst v2;
	v2 =	vor.u32 v4, v3  }
0x45: {  	v33 =	vld [tilespmem:$0xC0];
	v32 =	vshrl.u32 v11, $0x7;
	v3 =	vshll.u32 v10, $0x7;
	[tilespmem:$0x110] =	vst v2;
	v2 =	vsub.f32 $0.0e+00, v29  }
0x46: {  	v35 =	vld [tilespmem:$0x50];
	v34 =	vand.u32 $0x7F, v8;
	[tilespmem:$0x190] =	vst v29;
	v7 =	vadd.f32 $6.400000000e+01, v27;
	v3 =	vadd.s32 v3, v6  }
0x47: {  	v36 =	vld [tilespmem:$0x1C0];
	v52 =	vadd.f32 $6.400000000e+01, v45;
	v6 =	vmul.u32 $0x12000, v32;
	[tilespmem:$0x210] =	vst v2;
	v2 =	vor.u32 v34, v3  }
0x48: {  	v40 =	vld [tilespmem:$0x60];
	v37 =	vshrl.u32 v30, $0x7;
	v3 =	vshll.u32 v12, $0x7;
	[tilespmem:$0x120] =	vst v2;
	v2 =	vsub.f32 $0.0e+00, v7  }
0x49: {  	v38 =	vld [tilespmem:$0xD0];
	v39 =	vand.u32 $0x7F, v11;
	[tilespmem:$0x1E0] =	vst v52;
	v4 =	vadd.f32 $6.400000000e+01, v31;
	v3 =	vadd.s32 v3, v6  }
0x4a: {  	v41 =	vld [tilespmem:$0x1D0];
	v6 =	vmul.u32 $0x12000, v37;
	[tilespmem:$0x220] =	vst v2;
	v2 =	vor.u32 v39, v3  }
0x4b: {  	v43 =	vld [tilespmem:$0xE0];
	v42 =	vshrl.u32 v35, $0x7;
	v3 =	vshll.u32 v33, $0x7;
	[tilespmem:$0x130] =	vst v2;
	v2 =	vsub.f32 $0.0e+00, v4  }
0x4c: {  	v44 =	vand.u32 $0x7F, v30;
	v5 =	vadd.f32 $6.400000000e+01, v36;
	[tilespmem:$0x1A0] =	vst v7;
	v3 =	vadd.s32 v3, v6  }
0x4d: {  	v46 =	vld [tilespmem:$0x70];
	v47 =	vshrl.u32 v40, $0x7;
	v6 =	vmul.u32 $0x12000, v42;
	[tilespmem:$0x230] =	vst v2;
	v2 =	vor.u32 v44, v3  }
0x4e: {  	v48 =	vand.u32 $0x7F, v35;
	v3 =	vshll.u32 v38, $0x7;
	[tilespmem:$0x140] =	vst v2;
	v2 =	vsub.f32 $0.0e+00, v5  }
0x4f: {  	v49 =	vld [tilespmem:$0xF0];
	[tilespmem:$0x1C0] =	vst v5;
	v7 =	vadd.f32 $6.400000000e+01, v41;
	v3 =	vadd.s32 v3, v6;
	v6 =	vmul.u32 $0x12000, v47  }
0x50: {  	v50 =	vld [tilespmem:$0x1F0];
	[tilespmem:$0x240] =	vst v2;
	v2 =	vor.u32 v48, v3;
	v3 =	vshll.u32 v43, $0x7  }
0x51: {  	[tilespmem:$0x150] =	vst v2;
	v2 =	vadd.s32 v3, v6;
	v3 =	vsub.f32 $0.0e+00, v7  }
0x52: {  	v51 =	vand.u32 $0x7F, v40;
	v53 =	vshrl.u32 v46, $0x7;
	[tilespmem:$0x1B0] =	vst v4  }
0x53: {  	v2 =	vor.u32 v51, v2;
	[tilespmem:$0x250] =	vst v3;
	v3 =	vmul.u32 $0x12000, v53  }
0x54: {  	v54 =	vshll.u32 v49, $0x7;
	[tilespmem:$0x160] =	vst v2;
	v2 =	vsub.f32 $0.0e+00, v52  }
0x55: {  	[tilespmem:$0x1D0] =	vst v7;
	v4 =	vand.u32 $0x7F, v46;
	v5 =	vadd.f32 $6.400000000e+01, v50;
	v3 =	vadd.s32 v54, v3  }
0x56: {  	[tilespmem:$0x260] =	vst v2;
	v2 =	vor.u32 v4, v3  }
0x57: {  	[tilespmem:$0x170] =	vst v2;
	v2 =	vsub.f32 $0.0e+00, v5  }
0x58: {  	[tilespmem:$0x1F0] =	vst v5  }
0x59: {  	[tilespmem:$0x270] =	vst v2  }
0x5a: {  	[spmem:s2] =	stream.indirect.scatter.add.f32 [tilespmem:s15], [sflag:$0x1], $0x1, s14, s12, $0xb8;
	[tilespmem:$0xB780] =	vst v63  }
0x5b: {  	_ =	swait.ge [sflag:s11], $0x80  }
0x5c: {  	[sflag:s11] =	ssyncset.done $0x0  }
0x5d: {  	[sflag:s11] =	ssyncadd.s32 $0xFFFFFF80  }
0x5e: {  	[spmem:s2] =	stream.indirect.scatter.add.f32 [tilespmem:s13], [sflag:$0x1], $0x1, s16, s12, $0xb8;
	[tilespmem:$0xB780] =	vst v63  }
0x5f: {  	_ =	swait.ge [sflag:s11], $0x80  }
0x60: {  	[sflag:s11] =	ssyncset.done $0x0  }
0x61: {  	[sflag:s11] =	ssyncadd.s32 $0xFFFFFF80  }
0x62: {  	[bflag:$0x0] =	sbarrier.arrive $0xFFFF  }
0x63: {  	[hbm:s20], [sflag:s17] =	dma.local [spmem:s18], $0xB40  }
0x64: {  	_ =	swait.ge [sflag:s11], $0xB40  }
0x65: {  	[sflag:s11] =	ssyncset.done $0x0  }
0x66: {  	[sflag:s11] =	ssyncadd.s32 $0xFFFFF4C0  }
0x67: {  	v2 =	vld [tilespmem:$0x100]  }
0x68: {  	v3 =	vld [tilespmem:$0x200]  }
0x69: {  	v55 =	vld [tilespmem:$0x110]  }
0x6a: {  	v56 =	vld [tilespmem:$0x210]  }
0x6b: {  	v57 =	vld [tilespmem:$0x120]  }
0x6c: {  	[tilespmem:$0x280] =	vst v2;
	v2 =	vld [tilespmem:$0x220]  }
0x6d: {  	v58 =	vld [tilespmem:$0x230];
	[tilespmem:$0x300] =	vst v3  }
0x6e: {  	v59 =	vld [tilespmem:$0x140];
	[tilespmem:$0x290] =	vst v55  }
0x6f: {  	v60 =	vld [tilespmem:$0x240];
	[tilespmem:$0x310] =	vst v56  }
0x70: {  	v3 =	vld [tilespmem:$0x130];
	[tilespmem:$0x2A0] =	vst v57  }
0x71: {  	[tilespmem:$0x320] =	vst v2;
	v2 =	vld [tilespmem:$0x150]  }
0x72: {  	v61 =	vld [tilespmem:$0x160];
	[tilespmem:$0x330] =	vst v58  }
0x73: {  	v62 =	vld [tilespmem:$0x260];
	[tilespmem:$0x2C0] =	vst v59  }
0x74: {  	v63 =	vld [tilespmem:$0x170];
	[tilespmem:$0x340] =	vst v60  }
0x75: {  	[tilespmem:$0x2B0] =	vst v3;
	v3 =	vld [tilespmem:$0x250]  }
0x76: {  	[tilespmem:$0x2D0] =	vst v2;
	v2 =	vld [tilespmem:$0x270]  }
0x77: {  	[tilespmem:$0x2E0] =	vst v61  }
0x78: {  	p0 =	sne.s32 s22, $0x700;
	[tilespmem:$0x360] =	vst v62  }
.Ltmp0:
0x79: {  	[tilespmem:$0x2F0] =	vst v63;
	(pc) =	sbr.rel @p0 .LBB2_2-.Ltmp0, $4  }
0x7a: {  	[tilespmem:$0x350] =	vst v3  }
0x7b: {  	[tilespmem:$0x370] =	vst v2  }
0x7c: {  	[bflag:$0x0] =	sbarrier.arrive $0xFFFF  }
0x7d: {  	s22 =	sadd.s32 $0x100, s22;
	s21 =	sadd.s32 $0x200, s21;
	s20 =	sadd.s32 $0xB400, s20  }
0x7e: {  	s19 =	sadd.s32 $0x1, s19  }
0x7f: {  	p0 =	sne.s32 s19, s6  }
.Ltmp1:
0x80: {  	_ = 	snop;
	(pc) =	sbr.rel @p0 .LBB2_1-.Ltmp1, $1  }
0x81: {  	_ =	sdelay $0x3  }
0x82: {  	_ =	sfence.sel $0x180000  }
0x83: {  	[bflag:$0x0] =	sbarrier.arrive $0xFFFF  }
0x84: {  	p0 =	sne.s32 s1, $0x0;
	_ =	strace $0x90000047  }
0x85: {  	s0 =	sadd.s32 @!p0 $0x100000, s0;
	[bflag:$0x2] =	sbarrier.arrive $0xFFFF  }
0x86: {  	[sflag:s0] =	ssyncadd.tile.s32 @!p0 $0x1;
	_ =	shalt  }
.Lfunc_end2:
_tile_overlayer_lowered:
.L_overlay_start_2:
0x87: {  	(tag) =	ssettag $0x2  }
0x88: {  	s0 =	rddreg [dreg:$0x0];
	s2 =	stileid.u32  }
0x89: {  	s1 =	rddreg [dreg:$0x1];
	p0 =	sne.s32 s2, $0x0  }
0x8a: {  	s3 =	rddreg [dreg:$0x2];
	[bflag:$0x3] =	sbarrier.arrive $0xFFFF;
	s2 =	simm.s32 @!p0 $0x1C01  }
0x8b: {  	[timem:s3], [sflag:s2] =	dma.local @!p0 [hbm:s0], s1  }
0x8c: {  	s0 =	simm.s32 @!p0 $0x1  }
0x8d: {  	_ =	swait.ge @!p0 [sflag:s0], s1  }
0x8e: {  	s1 =	ssub.s32 @!p0 $0x0, s1;
	[sflag:s0] =	ssyncset.done @!p0 $0x0  }
0x8f: {  	[sflag:s0] =	ssyncadd.s32 @!p0 s1  }
0x90: {  	[bflag:$0x3] =	sbarrier.arrive $0xFFFF  }
0x91: {  	_ =	shalt  }

// kernel: sc_build_g16.3.cloned.1.call-start
scs
__scs_entry_jumppad:
0x0: {  	(pc) =	sbr.rel $0x88, $3  }
0x1: {  	(tag) =	ssettag $0x0;
	lr =	simm.s32 $0x1  }
0x2: {  	[smem:$0x3F8A] =	sst lr;
	_ =	strace $0xD0000000  }
0x3: {  	_ = 	snop  }
0x4: {  	_ = 	snop  }
0x5: {  	_ = 	snop  }
0x6: {  	_ = 	snop  }
0x7: {  	_ = 	snop  }
__scs_overlays_trampoline_lowered:
0x8: {  	[smem:$0x3F99] =	sst s0  }
0x9: {  	[smem:$0x3F9A] =	sst s1  }
0xa: {  	[smem:$0x3F9B] =	sst s2  }
0xb: {  	[smem:$0x3F9C] =	sst s3  }
0xc: {  	[smem:$0x3F9D] =	sst s4  }
0xd: {  	[smem:$0x3F9E] =	sst s5  }
0xe: {  	[smem:$0x3F9F] =	sst s6  }
0xf: {  	[smem:$0x3FA0] =	sst s7  }
0x10: {  	[smem:$0x3FA1] =	sst s8  }
0x11: {  	[smem:$0x3FA2] =	sst s9;
	s0 =	simm.s32 @!p0 $0x0  }
0x12: {  	s1 =	sld [smem:$0x3F88];
	s0 =	simm.s32 @p0 $0x1  }
0x13: {  	[smem:$0x3FA3] =	sst s0;
	s0 =	simm.s32 @!p1 $0x0  }
0x14: {  	s2 =	sld [smem:$0x3F87];
	s0 =	simm.s32 @p1 $0x1  }
0x15: {  	[smem:$0x3FA4] =	sst s0;
	s0 =	simm.s32 @!p2 $0x0  }
0x16: {  	s3 =	sld [smem:$0x3FDB];
	s0 =	simm.s32 @p2 $0x1  }
0x17: {  	s4 =	simm.s32 $0x1BF5;
	[smem:$0x3FA6] =	sst s0  }
0x18: {  	s0 =	sld [smem:$0x3F89];
	_ =	swait.ge [sflag:s4], $0x0  }
0x19: {  	s7 =	sld [smem:$0x3F8A]  }
0x1a: {  	s8 =	sadd.s32 $0xFFFFE003, lr  }
0x1b: {  	s9 =	sadd.s32 $0xFFFFFEF7, lr;
	s5 =	simm.s32 $0xFFFFFFFF;
	p2 =	slt.u32 s8, $0xFFFFF086  }
0x1c: {  	p1 =	slt.u32 s9, $0xF7A;
	s5 =	simm.s32 @!p2 $0x0  }
0x1d: {  	s5 =	simm.s32 @p1 $0x1;
	p0 =	seq.s32 s7, s2  }
0x1e: {  	s7 =	smul.u32 @!p0 $0xF7A, s2;
	p2 =	seq.s32 @!p0 s5, $0x0  }
0x1f: {  	s9 =	smul.u32 $0xF7A, s1;
	s8 =	simm.s32 @!p0 $0x1BF5;
	p2 =	por !p2, p0  }
0x20: {  	[sflag:s8] =	ssyncset.s32 @!p0 $0xFFFFF086;
	s6 =	sadd.s32 @!p0 s3, s7;
	s7 =	simm.s32 @!p0 $0x108  }
0x21: {  	s3 =	sadd.s32 s3, s9;
	s6 =	sadd.s32 @!p0 $0x88, s6;
	s7 =	simm.s32 @p2 $0x1082  }
0x22: {  	[simem:s7], [sflag:s8] =	dma.local @!p0 [hbm:s6], $0xF7A  }
0x23: {  	s9 =	sor.u32 $0xD0000000, s2;
	s6 =	simm.s32 $0x108;
	_ =	swait.ge @!p0 [sflag:s8], $0x0  }
0x24: {  	s3 =	sadd.s32 $0x88, s3;
	s6 =	simm.s32 @!p1 $0x1082;
	[sflag:s4] =	ssyncset.s32 $0xFFFFF086  }
0x25: {  	[simem:s6], [sflag:s4] =	dma.local [hbm:s3], $0xF7A  }
0x26: {  	[smem:$0x3F8A] =	sst s1;
	(tag) =	ssettag s2;
	_ =	strace s9  }
0x27: {  	s1 =	sld [smem:$0x3F9A]  }
0x28: {  	s2 =	sld [smem:$0x3F9B]  }
0x29: {  	s4 =	sld [smem:$0x3F9D]  }
0x2a: {  	p0 =	seq.s32 s5, $0x0;
	s5 =	sld [smem:$0x3F9E]  }
0x2b: {  	s6 =	sld [smem:$0x3F9F]  }
0x2c: {  	s7 =	sld [smem:$0x3FA0]  }
0x2d: {  	s3 =	simm.s32 $0x108;
	s8 =	sld [smem:$0x3FA1]  }
0x2e: {  	s3 =	simm.s32 @!p0 $0x1082;
	s9 =	sld [smem:$0x3FA2]  }
0x2f: {  	lr =	sadd.s32 s0, s3;
	s0 =	sld [smem:$0x3F99]  }
0x30: {  	s3 =	sld [smem:$0x3F9C]  }
0x31: {  	[smem:$0x3FA5] =	sst s10  }
0x32: {  	s10 =	sld [smem:$0x3FA3];
	_ =	sdelay $0x3  }
0x33: {  	p0 =	seq.s32 s10, $0x1;
	s10 =	sld [smem:$0x3FA5];
	_ =	sdelay $0x3  }
0x34: {  	[smem:$0x3FA5] =	sst s10  }
0x35: {  	s10 =	sld [smem:$0x3FA4];
	_ =	sdelay $0x3  }
0x36: {  	p1 =	seq.s32 s10, $0x1;
	s10 =	sld [smem:$0x3FA5];
	_ =	sdelay $0x3  }
0x37: {  	[smem:$0x3FA5] =	sst s10  }
0x38: {  	s10 =	sld [smem:$0x3FA6]  }
0x39: {  	_ = 	snop;
	(pc) =	sbr.ind lr, $3  }
0x3a: {  	_ = 	snop  }
0x3b: {  	_ = 	snop  }
0x3c: {  	p2 =	seq.s32 s10, $0x1;
	s10 =	sld [smem:$0x3FA5]  }
0x3d: {  	_ =	shalt  }
0x3e: {  	_ =	shalt  }
0x3f: {  	_ =	shalt  }
0x40: {  	_ =	shalt  }
0x41: {  	_ =	shalt  }
0x42: {  	_ =	shalt  }
0x43: {  	_ =	shalt  }
0x44: {  	_ =	shalt  }
0x45: {  	_ =	shalt  }
0x46: {  	_ =	shalt  }
0x47: {  	_ =	shalt  }
0x48: {  	_ =	shalt  }
0x49: {  	_ =	shalt  }
0x4a: {  	_ =	shalt  }
0x4b: {  	_ =	shalt  }
0x4c: {  	_ =	shalt  }
0x4d: {  	_ =	shalt  }
0x4e: {  	_ =	shalt  }
0x4f: {  	_ =	shalt  }
0x50: {  	_ =	shalt  }
0x51: {  	_ =	shalt  }
0x52: {  	_ =	shalt  }
0x53: {  	_ =	shalt  }
0x54: {  	_ =	shalt  }
0x55: {  	_ =	shalt  }
0x56: {  	_ =	shalt  }
0x57: {  	_ =	shalt  }
0x58: {  	_ =	shalt  }
0x59: {  	_ =	shalt  }
0x5a: {  	_ =	shalt  }
0x5b: {  	_ =	shalt  }
0x5c: {  	_ =	shalt  }
0x5d: {  	_ =	shalt  }
0x5e: {  	_ =	shalt  }
0x5f: {  	_ =	shalt  }
0x60: {  	_ =	shalt  }
0x61: {  	_ =	shalt  }
0x62: {  	_ =	shalt  }
0x63: {  	_ =	shalt  }
0x64: {  	_ =	shalt  }
0x65: {  	_ =	shalt  }
0x66: {  	_ =	shalt  }
0x67: {  	_ =	shalt  }
0x68: {  	_ =	shalt  }
0x69: {  	_ =	shalt  }
0x6a: {  	_ =	shalt  }
0x6b: {  	_ =	shalt  }
0x6c: {  	_ =	shalt  }
0x6d: {  	_ =	shalt  }
0x6e: {  	_ =	shalt  }
0x6f: {  	_ =	shalt  }
0x70: {  	_ =	shalt  }
0x71: {  	_ =	shalt  }
0x72: {  	_ =	shalt  }
0x73: {  	_ =	shalt  }
0x74: {  	_ =	shalt  }
0x75: {  	_ =	shalt  }
0x76: {  	_ =	shalt  }
0x77: {  	_ =	shalt  }
0x78: {  	_ =	shalt  }
0x79: {  	_ =	shalt  }
0x7a: {  	_ =	shalt  }
0x7b: {  	_ =	shalt  }
0x7c: {  	_ =	shalt  }
0x7d: {  	_ =	shalt  }
0x7e: {  	_ =	shalt  }
0x7f: {  	_ =	shalt  }
0x80: {  	_ =	shalt  }
0x81: {  	_ =	shalt  }
0x82: {  	_ =	shalt  }
0x83: {  	_ =	shalt  }
0x84: {  	_ =	shalt  }
0x85: {  	_ =	shalt  }
0x86: {  	_ =	shalt  }
0x87: {  	_ =	shalt  }
.Lfunc_end0:
.L_simem_size_0:
called_computation.1_lowered:
.L_overlay_start_0:
0x88: {  	s2 =	sld [smem:$0x3FD9]  }
0x89: {  	s3 =	sld [smem:$0x3FFE];
	_ =	sdelay $0x1  }
0x8a: {  	s1 =	srdreg.scid  }
0x8b: {  	s0 =	sand.u32 $0x1, s1  }
0x8c: {  	s17 =	sshll.u32 s0, $0xA;
	s2 =	sadd.s32 s3, s2  }
0x8d: {  	s2 =	sadd.s32 s2, s17  }
0x8e: {  	[smem:$0x3FB1] =	sst s2  }
0x8f: {  	_ = 	snop  }
0x90: {  	(tm) =	ssettm $0x1  }
0x91: {  	s18 =	sld [smem:$0x3FFB];
	_ =	sdelay $0x3  }
0x92: {  	_ =	strace s18  }
0x93: {  	s2 =	sld [smem:$0x3FFC];
	_ =	sdelay $0x3  }
0x94: {  	_ =	strace s2  }
0x95: {  	s2 =	sld [smem:$0x3FFD];
	_ =	sdelay $0x3  }
0x96: {  	_ =	strace s2  }
0x97: {  	_ =	strace $0x8FFFFFFF  }
0x98: {  	s19 =	sld [smem:$0x3FDB];
	_ =	sdelay $0x1  }
0x99: {  	s20 =	simm.s32 $_scs_section_size  }
0x9a: {  	s4 =	simm.s32 $_size__tile_overlayer_lowered;
	s5 =	simm.s32 $_tile_overlayer_lowered  }
0x9b: {  	s6 =	simm.s32 $0x1BFF;
	s21 =	sshll.u32 s5, $0x1;
	s3 =	sadd.s32 s20, s19  }
0x9c: {  	s22 =	simm.s32 $0x0;
	s4 =	sshll.u32 s4, $0x1;
	s5 =	sadd.s32 s21, s3  }
0x9d: {  	[timem:s22], [sflag:s6] =	dma.local [hbm:s5], s4  }
0x9e: {  	_ =	swait.ge [sflag:s6], s4  }
0x9f: {  	s4 =	ssub.s32 $0x0, s4;
	[sflag:s6] =	ssyncset.done $0x0  }
0xa0: {  	[sflag:s6] =	ssyncadd.s32 s4;
	_ =	sdelay $0x1  }
0xa1: {  	s23 =	simm.s32 $0x1B8B  }
0xa2: {  	_ =	swait.ge [sflag:s23], $0x1  }
0xa3: {  	[sflag:s23] =	ssyncset.done $0x0  }
0xa4: {  	[sflag:s23] =	ssyncadd.s32 $0xFFFFFFFF  }
0xa5: {  	s4 =	sld [smem:$0x0]  }
0xa6: {  	s5 =	sand.u32 $0xFFFFFFFE, s1  }
0xa7: {  	p0 =	sne.s32 s1, s5  }
0xa8: {  	s5 =	sshll.u32 @p0 s5, $0xE  }
0xa9: {  	s5 =	sadd.s32 @p0 $0x11B8D, s5;
	s6 =	sshll.u32 @p0 s4, $0x11  }
0xaa: {  	s5 =	sor.u32 @p0 s6, s5  }
0xab: {  	[sflag:s5] =	ssyncadd.remote.s32 @p0 $0x1;
	_ =	sdelay $0x1  }
0xac: {  	s5 =	simm.s32 @p0 $0x1B8D  }
0xad: {  	_ =	swait.eq @p0 [sflag:s5], $0x1  }
0xae: {  	[sflag:s5] =	ssyncadd.s32 @p0 $0xFFFFFFFF  }
0xaf: {  	s6 =	sshll.u32 @!p0 s1, $0xE  }
0xb0: {  	s6 =	sor.u32 @!p0 $0x4000, s6;
	s5 =	simm.s32 @!p0 $0x1B8D  }
0xb1: {  	s4 =	sshll.u32 @!p0 s4, $0x11;
	s6 =	sadd.s32 @!p0 $0x11B8D, s6;
	_ =	swait.eq @!p0 [sflag:s5], $0x1  }
0xb2: {  	s4 =	sor.u32 @!p0 s4, s6;
	[sflag:s5] =	ssyncadd.s32 @!p0 $0xFFFFFFFF  }
0xb3: {  	s25 =	simm.s32 $0x1B8E;
	s24 =	sld [smem:$0x3FFE];
	[sflag:s4] =	ssyncadd.remote.s32 @!p0 $0x1  }
0xb4: {  	s26 =	simm.s32 $execute0_lowered;
	[smem:$0x3FD2] =	sst s25  }
0xb5: {  	s5 =	sshll.u32 s26, $0x1;
	_ =	strace $0x80000049;
	[dreg:$0x1] =	wrdreg $0xFFFFFFFF  }
0xb6: {  	s28 =	simm.s32 $_size_execute0_lowered;
	s3 =	sadd.s32 s3, s5;
	[dreg:$0x0] =	wrdreg $0x0  }
0xb7: {  	s5 =	sshll.u32 s28, $0x1;
	[dreg:$0x2] =	wrdreg s3  }
0xb8: {  	[dreg:$0x3] =	wrdreg s5  }
0xb9: {  	[dreg:$0x4] =	wrdreg $0xC0  }
0xba: {  	_ =	task [dreg:s22], $0x5FFFF  }
0xbb: {  	[dreg:$0x1] =	wrdreg $0xFFFFFFFF  }
0xbc: {  	[dreg:$0x0] =	wrdreg $0x60  }
0xbd: {  	[dreg:$0x2] =	wrdreg s24  }
0xbe: {  	[dreg:$0x3] =	wrdreg $0x5D800  }
0xbf: {  	[dreg:$0x4] =	wrdreg $0xA  }
0xc0: {  	_ =	task.clear_ibuf [dreg:s22], $0x5FFFF;
	_ =	strace $0x90000049  }
0xc1: {  	s29 =	simm.s32 $0xA;
	_ =	strace $0x8000004B  }
0xc2: {  	_ =	swait.ge [sflag:s29], $0x1  }
0xc3: {  	[sflag:s29] =	ssyncadd.s32 $0xFFFFFFFF  }
0xc4: {  	_ =	strace $0x9000004B  }
0xc5: {  	_ =	sfence  }
0xc6: {  	s30 =	sld [smem:$0x0];
	_ =	sdelay $0x2  }
0xc7: {  	s31 =	sshll.u32 s1, $0xD;
	s1 =	sshrl.u32 s1, $0x2  }
0xc8: {  	s4 =	sand.u32 $0x4000, s31;
	s1 =	sadd.s32 s1, s30  }
0xc9: {  	s0 =	sor.u32 s4, s0;
	s1 =	sshll.u32 s1, $0x11  }
0xca: {  	s0 =	sor.u32 s1, s0  }
0xcb: {  	s0 =	sadd.s32 $0x8F2B, s0  }
0xcc: {  	[sflag:s0] =	ssyncadd.remote.s32 $0x1  }
0xcd: {  	_ =	sfence.sel $0xFFFF  }
0xce: {  	[dreg:$0x0] =	wrdreg $0xFFFFFFFF;
	(pc) =	sbr.abs _section_cstart, $3  }
0xcf: {  	[dreg:$0x1] =	wrdreg $0xFFFFFFFF  }
0xd0: {  	_ =	task.clear_ibuf [dreg:s22], $0x2FFFF;
	_ =	strace $0x9FFFFFFF  }
0xd1: {  	(tm) =	ssettm $0x7FFFFFFF  }
tec
execute0_lowered:
.L_overlay_start_1:
0x0: {  	(tag) =	ssettag $0x1  }
0x1: {  	s5 =	rddreg [dreg:$0x0]  }
0x2: {  	s2 =	rddreg [dreg:$0x1];
	s3 =	srdreg.scid  }
0x3: {  	s0 =	rddreg [dreg:$0x2];
	s1 =	stileid.u32;
	s13 =	simm.s32 $0x180  }
0x4: {  	s14 =	simm.s32 $0x280;
	s15 =	simm.s32 $0x300;
	s16 =	simm.s32 $0x100  }
0x5: {  	s19 =	simm.s32 $0x0;
	s4 =	sand.u32 $0x1, s3;
	s3 =	simm.s32 $0x0  }
0x6: {  	s6 =	sshll.u32 s1, $0x7;
	s26 =	smul.u32 $0x5A00, s1;
	s17 =	sshll.u32 s1, $0x6  }
0x7: {  	s7 =	sshll.u32 s4, $0xF;
	[smem:$0x7FF] =	sst s3;
	s8 =	sshll.u32 s4, $0xE  }
0x8: {  	s9 =	smul.u32 $0x2D0000, s4;
	s30 =	ssub.s32 $0x2, s4;
	s4 =	sadd.s32 $0x10000, s5  }
0x9: {  	s17 =	sor.u32 $0x1C01, s17;
	s7 =	sor.u32 s6, s7;
	s6 =	sor.u32 s6, s8  }
0xa: {  	_ =	strace $0x8000004A;
	s11 =	sshrl.u32 s30, $0x1;
	s7 =	sor.u32 $0x10000, s7  }
0xb: {  	s6 =	sor.u32 $0x8000, s6;
	s29 =	sadd.s32 s26, s9;
	s31 =	ssub.s32 s30, s11  }
0xc: {  	s11 =	simm.s32 $0x1;
	s7 =	sshrl.u32 s7, $0x3;
	s6 =	sshrl.u32 s6, $0x3  }
0xd: {  	s10 =	sadd.s32 s7, s5;
	s28 =	sadd.s32 s6, s5;
	s6 =	sshrl.u32 s29, $0x3  }
0xe: {  	s12 =	sadd.s32 s6, s5;
	s5 =	sadd.s32 s26, s2;
	s6 =	smax.u32 s31, $0x1  }
0xf: {  	s7 =	sadd.s32 $0xC000, s28;
	s8 =	sadd.s32 $0x4100, s10;
	s10 =	simm.s32 $0x380  }
0x10: {  	v0 =	vimm.s32 $0x0;
	v1 =	vimm.f32 $0.0e+00;
	s9 =	sadd.s32 $0xC4C00, s12;
	s12 =	simm.s32 $0x80;
	s18 =	sshrl.u32 s5, $0x3  }
.LBB2_1:
0x11: {  	[tilespmem:s10], [sflag:$0x1] =	stream.linear.gather [hbm4b:s4+s3], $0x5A00, $0x38;
	[tilespmem:$0xB780] =	vst v63  }
0x12: {  	_ =	swait.ge [sflag:s11], $0x5A00  }
0x13: {  	[sflag:s11] =	ssyncset.done $0x0  }
0x14: {  	[sflag:s11] =	ssyncadd.s32 $0xFFFFA600  }
0x15: {  	[spmem:s5] =	stream.linear.scatter [tilespmem:s10], [sflag:$0x1], $0x5A00, $0x38;
	[tilespmem:$0xB780] =	vst v63  }
0x16: {  	_ =	swait.ge [sflag:s11], $0x5A00  }
0x17: {  	[sflag:s11] =	ssyncset.done $0x0  }
0x18: {  	[sflag:s11] =	ssyncadd.s32 $0xFFFFA600  }
0x19: {  	[tilespmem:$0x280] =	vst v0  }
0x1a: {  	[tilespmem:$0x300] =	vst v1  }
0x1b: {  	[tilespmem:$0x290] =	vst v0  }
0x1c: {  	[tilespmem:$0x310] =	vst v1  }
0x1d: {  	[tilespmem:$0x2A0] =	vst v0  }
0x1e: {  	[tilespmem:$0x320] =	vst v1  }
0x1f: {  	[tilespmem:$0x2B0] =	vst v0  }
0x20: {  	[tilespmem:$0x330] =	vst v1  }
0x21: {  	[tilespmem:$0x2C0] =	vst v0  }
0x22: {  	[tilespmem:$0x340] =	vst v1  }
0x23: {  	[tilespmem:$0x2D0] =	vst v0  }
0x24: {  	[tilespmem:$0x350] =	vst v1  }
0x25: {  	[tilespmem:$0x2E0] =	vst v0  }
0x26: {  	[tilespmem:$0x360] =	vst v1  }
0x27: {  	[tilespmem:$0x2F0] =	vst v0  }
0x28: {  	s20 =	smov.u32 s9;
	[tilespmem:$0x370] =	vst v1  }
0x29: {  	s21 =	smov.u32 s8;
	s22 =	simm.s32 $0x0;
	[bflag:$0x0] =	sbarrier.arrive $0xFFFF  }
.LBB2_2:
0x2a: {  	s23 =	sadd.s32 $0xFFFFFF00, s21  }
0x2b: {  	[tilespmem:s3], [sflag:$0x1] =	stream.linear.gather [hbm4b:s23+s3], $0x80, $0x38;
	[tilespmem:$0xB780] =	vst v63  }
0x2c: {  	_ =	swait.ge [sflag:s11], $0x80  }
0x2d: {  	[sflag:s11] =	ssyncset.done $0x0  }
0x2e: {  	[sflag:s11] =	ssyncadd.s32 $0xFFFFFF80  }
0x2f: {  	[tilespmem:s12], [sflag:$0x1] =	stream.linear.gather [hbm4b:s21+s3], $0x80, $0x38;
	[tilespmem:$0xB780] =	vst v63  }
0x30: {  	_ =	swait.ge [sflag:s11], $0x80  }
0x31: {  	[sflag:s11] =	ssyncset.done $0x0  }
0x32: {  	s31 =	sadd.s32 s22, s7;
	[sflag:s11] =	ssyncadd.s32 $0xFFFFFF80  }
0x33: {  	[tilespmem:s13], [sflag:$0x1] =	stream.linear.gather [hbm4b:s31+s3], $0x80, $0x38;
	[tilespmem:$0xB780] =	vst v63  }
0x34: {  	_ =	swait.ge [sflag:s11], $0x80  }
0x35: {  	[sflag:s11] =	ssyncset.done $0x0  }
0x36: {  	[sflag:s11] =	ssyncadd.s32 $0xFFFFFF80  }
0x37: {  	v2 =	vld [tilespmem:$0x0]  }
0x38: {  	v3 =	vld [tilespmem:$0x80]  }
0x39: {  	v4 =	vld [tilespmem:$0x10]  }
0x3a: {  	v5 =	vld [tilespmem:$0x180]  }
0x3b: {  	v7 =	vld [tilespmem:$0x90]  }
0x3c: {  	v8 =	vld [tilespmem:$0x20]  }
0x3d: {  	v9 =	vld [tilespmem:$0x190];
	v6 =	vshrl.u32 v2, $0x7  }
0x3e: {  	v10 =	vld [tilespmem:$0xA0];
	v6 =	vmul.u32 $0x12000, v6  }
0x3f: {  	v11 =	vld [tilespmem:$0x30];
	v3 =	vshll.u32 v3, $0x7;
	v26 =	vshrl.u32 v4, $0x7  }
0x40: {  	v27 =	vld [tilespmem:$0x1A0];
	v2 =	vand.u32 $0x7F, v2;
	v5 =	vadd.f32 $6.400000000e+01, v5;
	v3 =	vadd.s32 v3, v6  }
0x41: {  	v12 =	vld [tilespmem:$0xB0];
	v6 =	vmul.u32 $0x12000, v26;
	v2 =	vor.u32 v2, v3  }
0x42: {  	v45 =	vld [tilespmem:$0x1E0];
	v28 =	vshrl.u32 v8, $0x7;
	v3 =	vshll.u32 v7, $0x7;
	[tilespmem:$0x100] =	vst v2;
	v2 =	vsub.f32 $0.0e+00, v5  }
0x43: {  	v30 =	vld [tilespmem:$0x40];
	v4 =	vand.u32 $0x7F, v4;
	v29 =	vadd.f32 $6.400000000e+01, v9;
	[tilespmem:$0x180] =	vst v5;
	v3 =	vadd.s32 v3, v6  }
0x44: {  	v31 =	vld [tilespmem:$0x1B0];
	v6 =	vmul.u32 $0x12000, v28;
	[tilespmem:$0x200] =	vst v2;
	v2 =	vor.u32 v4, v3  }
0x45: {  	v33 =	vld [tilespmem:$0xC0];
	v32 =	vshrl.u32 v11, $0x7;
	v3 =	vshll.u32 v10, $0x7;
	[tilespmem:$0x110] =	vst v2;
	v2 =	vsub.f32 $0.0e+00, v29  }
0x46: {  	v35 =	vld [tilespmem:$0x50];
	v34 =	vand.u32 $0x7F, v8;
	[tilespmem:$0x190] =	vst v29;
	v7 =	vadd.f32 $6.400000000e+01, v27;
	v3 =	vadd.s32 v3, v6  }
0x47: {  	v36 =	vld [tilespmem:$0x1C0];
	v52 =	vadd.f32 $6.400000000e+01, v45;
	v6 =	vmul.u32 $0x12000, v32;
	[tilespmem:$0x210] =	vst v2;
	v2 =	vor.u32 v34, v3  }
0x48: {  	v40 =	vld [tilespmem:$0x60];
	v37 =	vshrl.u32 v30, $0x7;
	v3 =	vshll.u32 v12, $0x7;
	[tilespmem:$0x120] =	vst v2;
	v2 =	vsub.f32 $0.0e+00, v7  }
0x49: {  	v38 =	vld [tilespmem:$0xD0];
	v39 =	vand.u32 $0x7F, v11;
	[tilespmem:$0x1E0] =	vst v52;
	v4 =	vadd.f32 $6.400000000e+01, v31;
	v3 =	vadd.s32 v3, v6  }
0x4a: {  	v41 =	vld [tilespmem:$0x1D0];
	v6 =	vmul.u32 $0x12000, v37;
	[tilespmem:$0x220] =	vst v2;
	v2 =	vor.u32 v39, v3  }
0x4b: {  	v43 =	vld [tilespmem:$0xE0];
	v42 =	vshrl.u32 v35, $0x7;
	v3 =	vshll.u32 v33, $0x7;
	[tilespmem:$0x130] =	vst v2;
	v2 =	vsub.f32 $0.0e+00, v4  }
0x4c: {  	v44 =	vand.u32 $0x7F, v30;
	v5 =	vadd.f32 $6.400000000e+01, v36;
	[tilespmem:$0x1A0] =	vst v7;
	v3 =	vadd.s32 v3, v6  }
0x4d: {  	v46 =	vld [tilespmem:$0x70];
	v47 =	vshrl.u32 v40, $0x7;
	v6 =	vmul.u32 $0x12000, v42;
	[tilespmem:$0x230] =	vst v2;
	v2 =	vor.u32 v44, v3  }
0x4e: {  	v48 =	vand.u32 $0x7F, v35;
	v3 =	vshll.u32 v38, $0x7;
	[tilespmem:$0x140] =	vst v2;
	v2 =	vsub.f32 $0.0e+00, v5  }
0x4f: {  	v49 =	vld [tilespmem:$0xF0];
	[tilespmem:$0x1C0] =	vst v5;
	v7 =	vadd.f32 $6.400000000e+01, v41;
	v3 =	vadd.s32 v3, v6;
	v6 =	vmul.u32 $0x12000, v47  }
0x50: {  	v50 =	vld [tilespmem:$0x1F0];
	[tilespmem:$0x240] =	vst v2;
	v2 =	vor.u32 v48, v3;
	v3 =	vshll.u32 v43, $0x7  }
0x51: {  	[tilespmem:$0x150] =	vst v2;
	v2 =	vadd.s32 v3, v6;
	v3 =	vsub.f32 $0.0e+00, v7  }
0x52: {  	v51 =	vand.u32 $0x7F, v40;
	v53 =	vshrl.u32 v46, $0x7;
	[tilespmem:$0x1B0] =	vst v4  }
0x53: {  	v2 =	vor.u32 v51, v2;
	[tilespmem:$0x250] =	vst v3;
	v3 =	vmul.u32 $0x12000, v53  }
0x54: {  	v54 =	vshll.u32 v49, $0x7;
	[tilespmem:$0x160] =	vst v2;
	v2 =	vsub.f32 $0.0e+00, v52  }
0x55: {  	[tilespmem:$0x1D0] =	vst v7;
	v4 =	vand.u32 $0x7F, v46;
	v5 =	vadd.f32 $6.400000000e+01, v50;
	v3 =	vadd.s32 v54, v3  }
0x56: {  	[tilespmem:$0x260] =	vst v2;
	v2 =	vor.u32 v4, v3  }
0x57: {  	[tilespmem:$0x170] =	vst v2;
	v2 =	vsub.f32 $0.0e+00, v5  }
0x58: {  	[tilespmem:$0x1F0] =	vst v5  }
0x59: {  	[tilespmem:$0x270] =	vst v2  }
0x5a: {  	[spmem:s2] =	stream.indirect.scatter.add.f32 [tilespmem:s15], [sflag:$0x1], $0x1, s14, s12, $0xb8;
	[tilespmem:$0xB780] =	vst v63  }
0x5b: {  	_ =	swait.ge [sflag:s11], $0x80  }
0x5c: {  	[sflag:s11] =	ssyncset.done $0x0  }
0x5d: {  	[sflag:s11] =	ssyncadd.s32 $0xFFFFFF80  }
0x5e: {  	[spmem:s2] =	stream.indirect.scatter.add.f32 [tilespmem:s13], [sflag:$0x1], $0x1, s16, s12, $0xb8;
	[tilespmem:$0xB780] =	vst v63  }
0x5f: {  	_ =	swait.ge [sflag:s11], $0x80  }
0x60: {  	[sflag:s11] =	ssyncset.done $0x0  }
0x61: {  	[sflag:s11] =	ssyncadd.s32 $0xFFFFFF80  }
0x62: {  	[bflag:$0x0] =	sbarrier.arrive $0xFFFF  }
0x63: {  	[hbm:s20], [sflag:s17] =	dma.local [spmem:s18], $0xB40  }
0x64: {  	_ =	swait.ge [sflag:s11], $0xB40  }
0x65: {  	[sflag:s11] =	ssyncset.done $0x0  }
0x66: {  	[sflag:s11] =	ssyncadd.s32 $0xFFFFF4C0  }
0x67: {  	v2 =	vld [tilespmem:$0x100]  }
0x68: {  	v3 =	vld [tilespmem:$0x200]  }
0x69: {  	v55 =	vld [tilespmem:$0x110]  }
0x6a: {  	v56 =	vld [tilespmem:$0x210]  }
0x6b: {  	v57 =	vld [tilespmem:$0x120]  }
0x6c: {  	[tilespmem:$0x280] =	vst v2;
	v2 =	vld [tilespmem:$0x220]  }
0x6d: {  	v58 =	vld [tilespmem:$0x230];
	[tilespmem:$0x300] =	vst v3  }
0x6e: {  	v59 =	vld [tilespmem:$0x140];
	[tilespmem:$0x290] =	vst v55  }
0x6f: {  	v60 =	vld [tilespmem:$0x240];
	[tilespmem:$0x310] =	vst v56  }
0x70: {  	v3 =	vld [tilespmem:$0x130];
	[tilespmem:$0x2A0] =	vst v57  }
0x71: {  	[tilespmem:$0x320] =	vst v2;
	v2 =	vld [tilespmem:$0x150]  }
0x72: {  	v61 =	vld [tilespmem:$0x160];
	[tilespmem:$0x330] =	vst v58  }
0x73: {  	v62 =	vld [tilespmem:$0x260];
	[tilespmem:$0x2C0] =	vst v59  }
0x74: {  	v63 =	vld [tilespmem:$0x170];
	[tilespmem:$0x340] =	vst v60  }
0x75: {  	[tilespmem:$0x2B0] =	vst v3;
	v3 =	vld [tilespmem:$0x250]  }
0x76: {  	[tilespmem:$0x2D0] =	vst v2;
	v2 =	vld [tilespmem:$0x270]  }
0x77: {  	[tilespmem:$0x2E0] =	vst v61  }
0x78: {  	p0 =	sne.s32 s22, $0x700;
	[tilespmem:$0x360] =	vst v62  }
.Ltmp0:
0x79: {  	[tilespmem:$0x2F0] =	vst v63;
	(pc) =	sbr.rel @p0 .LBB2_2-.Ltmp0, $4  }
0x7a: {  	[tilespmem:$0x350] =	vst v3  }
0x7b: {  	[tilespmem:$0x370] =	vst v2  }
0x7c: {  	[bflag:$0x0] =	sbarrier.arrive $0xFFFF  }
0x7d: {  	s22 =	sadd.s32 $0x100, s22;
	s21 =	sadd.s32 $0x200, s21;
	s20 =	sadd.s32 $0xB400, s20  }
0x7e: {  	s19 =	sadd.s32 $0x1, s19  }
0x7f: {  	p0 =	sne.s32 s19, s6  }
.Ltmp1:
0x80: {  	_ = 	snop;
	(pc) =	sbr.rel @p0 .LBB2_1-.Ltmp1, $1  }
0x81: {  	_ =	sdelay $0x3  }
0x82: {  	_ =	sfence.sel $0x180000  }
0x83: {  	[bflag:$0x0] =	sbarrier.arrive $0xFFFF  }
0x84: {  	p0 =	sne.s32 s1, $0x0;
	_ =	strace $0x9000004A  }
0x85: {  	s0 =	sadd.s32 @!p0 $0x100000, s0;
	[bflag:$0x2] =	sbarrier.arrive $0xFFFF  }
0x86: {  	[sflag:s0] =	ssyncadd.tile.s32 @!p0 $0x1;
	_ =	shalt  }
.Lfunc_end2:
_tile_overlayer_lowered:
.L_overlay_start_2:
0x87: {  	(tag) =	ssettag $0x2  }
0x88: {  	s0 =	rddreg [dreg:$0x0];
	s2 =	stileid.u32  }
0x89: {  	s1 =	rddreg [dreg:$0x1];
	p0 =	sne.s32 s2, $0x0  }
0x8a: {  	s3 =	rddreg [dreg:$0x2];
	[bflag:$0x3] =	sbarrier.arrive $0xFFFF;
	s2 =	simm.s32 @!p0 $0x1C01  }
0x8b: {  	[timem:s3], [sflag:s2] =	dma.local @!p0 [hbm:s0], s1  }
0x8c: {  	s0 =	simm.s32 @!p0 $0x1  }
0x8d: {  	_ =	swait.ge @!p0 [sflag:s0], s1  }
0x8e: {  	s1 =	ssub.s32 @!p0 $0x0, s1;
	[sflag:s0] =	ssyncset.done @!p0 $0x0  }
0x8f: {  	[sflag:s0] =	ssyncadd.s32 @!p0 s1  }
0x90: {  	[bflag:$0x3] =	sbarrier.arrive $0xFFFF  }
0x91: {  	_ =	shalt  }

// kernel: sc_build_g32.3.cloned.1.call-start
scs
__scs_entry_jumppad:
0x0: {  	(pc) =	sbr.rel $0x88, $3  }
0x1: {  	(tag) =	ssettag $0x0;
	lr =	simm.s32 $0x1  }
0x2: {  	[smem:$0x3F8A] =	sst lr;
	_ =	strace $0xD0000000  }
0x3: {  	_ = 	snop  }
0x4: {  	_ = 	snop  }
0x5: {  	_ = 	snop  }
0x6: {  	_ = 	snop  }
0x7: {  	_ = 	snop  }
__scs_overlays_trampoline_lowered:
0x8: {  	[smem:$0x3F99] =	sst s0  }
0x9: {  	[smem:$0x3F9A] =	sst s1  }
0xa: {  	[smem:$0x3F9B] =	sst s2  }
0xb: {  	[smem:$0x3F9C] =	sst s3  }
0xc: {  	[smem:$0x3F9D] =	sst s4  }
0xd: {  	[smem:$0x3F9E] =	sst s5  }
0xe: {  	[smem:$0x3F9F] =	sst s6  }
0xf: {  	[smem:$0x3FA0] =	sst s7  }
0x10: {  	[smem:$0x3FA1] =	sst s8  }
0x11: {  	[smem:$0x3FA2] =	sst s9;
	s0 =	simm.s32 @!p0 $0x0  }
0x12: {  	s1 =	sld [smem:$0x3F88];
	s0 =	simm.s32 @p0 $0x1  }
0x13: {  	[smem:$0x3FA3] =	sst s0;
	s0 =	simm.s32 @!p1 $0x0  }
0x14: {  	s2 =	sld [smem:$0x3F87];
	s0 =	simm.s32 @p1 $0x1  }
0x15: {  	[smem:$0x3FA4] =	sst s0;
	s0 =	simm.s32 @!p2 $0x0  }
0x16: {  	s3 =	sld [smem:$0x3FDB];
	s0 =	simm.s32 @p2 $0x1  }
0x17: {  	s4 =	simm.s32 $0x1BF5;
	[smem:$0x3FA6] =	sst s0  }
0x18: {  	s0 =	sld [smem:$0x3F89];
	_ =	swait.ge [sflag:s4], $0x0  }
0x19: {  	s7 =	sld [smem:$0x3F8A]  }
0x1a: {  	s8 =	sadd.s32 $0xFFFFE003, lr  }
0x1b: {  	s9 =	sadd.s32 $0xFFFFFEF7, lr;
	s5 =	simm.s32 $0xFFFFFFFF;
	p2 =	slt.u32 s8, $0xFFFFF086  }
0x1c: {  	p1 =	slt.u32 s9, $0xF7A;
	s5 =	simm.s32 @!p2 $0x0  }
0x1d: {  	s5 =	simm.s32 @p1 $0x1;
	p0 =	seq.s32 s7, s2  }
0x1e: {  	s7 =	smul.u32 @!p0 $0xF7A, s2;
	p2 =	seq.s32 @!p0 s5, $0x0  }
0x1f: {  	s9 =	smul.u32 $0xF7A, s1;
	s8 =	simm.s32 @!p0 $0x1BF5;
	p2 =	por !p2, p0  }
0x20: {  	[sflag:s8] =	ssyncset.s32 @!p0 $0xFFFFF086;
	s6 =	sadd.s32 @!p0 s3, s7;
	s7 =	simm.s32 @!p0 $0x108  }
0x21: {  	s3 =	sadd.s32 s3, s9;
	s6 =	sadd.s32 @!p0 $0x88, s6;
	s7 =	simm.s32 @p2 $0x1082  }
0x22: {  	[simem:s7], [sflag:s8] =	dma.local @!p0 [hbm:s6], $0xF7A  }
0x23: {  	s9 =	sor.u32 $0xD0000000, s2;
	s6 =	simm.s32 $0x108;
	_ =	swait.ge @!p0 [sflag:s8], $0x0  }
0x24: {  	s3 =	sadd.s32 $0x88, s3;
	s6 =	simm.s32 @!p1 $0x1082;
	[sflag:s4] =	ssyncset.s32 $0xFFFFF086  }
0x25: {  	[simem:s6], [sflag:s4] =	dma.local [hbm:s3], $0xF7A  }
0x26: {  	[smem:$0x3F8A] =	sst s1;
	(tag) =	ssettag s2;
	_ =	strace s9  }
0x27: {  	s1 =	sld [smem:$0x3F9A]  }
0x28: {  	s2 =	sld [smem:$0x3F9B]  }
0x29: {  	s4 =	sld [smem:$0x3F9D]  }
0x2a: {  	p0 =	seq.s32 s5, $0x0;
	s5 =	sld [smem:$0x3F9E]  }
0x2b: {  	s6 =	sld [smem:$0x3F9F]  }
0x2c: {  	s7 =	sld [smem:$0x3FA0]  }
0x2d: {  	s3 =	simm.s32 $0x108;
	s8 =	sld [smem:$0x3FA1]  }
0x2e: {  	s3 =	simm.s32 @!p0 $0x1082;
	s9 =	sld [smem:$0x3FA2]  }
0x2f: {  	lr =	sadd.s32 s0, s3;
	s0 =	sld [smem:$0x3F99]  }
0x30: {  	s3 =	sld [smem:$0x3F9C]  }
0x31: {  	[smem:$0x3FA5] =	sst s10  }
0x32: {  	s10 =	sld [smem:$0x3FA3];
	_ =	sdelay $0x3  }
0x33: {  	p0 =	seq.s32 s10, $0x1;
	s10 =	sld [smem:$0x3FA5];
	_ =	sdelay $0x3  }
0x34: {  	[smem:$0x3FA5] =	sst s10  }
0x35: {  	s10 =	sld [smem:$0x3FA4];
	_ =	sdelay $0x3  }
0x36: {  	p1 =	seq.s32 s10, $0x1;
	s10 =	sld [smem:$0x3FA5];
	_ =	sdelay $0x3  }
0x37: {  	[smem:$0x3FA5] =	sst s10  }
0x38: {  	s10 =	sld [smem:$0x3FA6]  }
0x39: {  	_ = 	snop;
	(pc) =	sbr.ind lr, $3  }
0x3a: {  	_ = 	snop  }
0x3b: {  	_ = 	snop  }
0x3c: {  	p2 =	seq.s32 s10, $0x1;
	s10 =	sld [smem:$0x3FA5]  }
0x3d: {  	_ =	shalt  }
0x3e: {  	_ =	shalt  }
0x3f: {  	_ =	shalt  }
0x40: {  	_ =	shalt  }
0x41: {  	_ =	shalt  }
0x42: {  	_ =	shalt  }
0x43: {  	_ =	shalt  }
0x44: {  	_ =	shalt  }
0x45: {  	_ =	shalt  }
0x46: {  	_ =	shalt  }
0x47: {  	_ =	shalt  }
0x48: {  	_ =	shalt  }
0x49: {  	_ =	shalt  }
0x4a: {  	_ =	shalt  }
0x4b: {  	_ =	shalt  }
0x4c: {  	_ =	shalt  }
0x4d: {  	_ =	shalt  }
0x4e: {  	_ =	shalt  }
0x4f: {  	_ =	shalt  }
0x50: {  	_ =	shalt  }
0x51: {  	_ =	shalt  }
0x52: {  	_ =	shalt  }
0x53: {  	_ =	shalt  }
0x54: {  	_ =	shalt  }
0x55: {  	_ =	shalt  }
0x56: {  	_ =	shalt  }
0x57: {  	_ =	shalt  }
0x58: {  	_ =	shalt  }
0x59: {  	_ =	shalt  }
0x5a: {  	_ =	shalt  }
0x5b: {  	_ =	shalt  }
0x5c: {  	_ =	shalt  }
0x5d: {  	_ =	shalt  }
0x5e: {  	_ =	shalt  }
0x5f: {  	_ =	shalt  }
0x60: {  	_ =	shalt  }
0x61: {  	_ =	shalt  }
0x62: {  	_ =	shalt  }
0x63: {  	_ =	shalt  }
0x64: {  	_ =	shalt  }
0x65: {  	_ =	shalt  }
0x66: {  	_ =	shalt  }
0x67: {  	_ =	shalt  }
0x68: {  	_ =	shalt  }
0x69: {  	_ =	shalt  }
0x6a: {  	_ =	shalt  }
0x6b: {  	_ =	shalt  }
0x6c: {  	_ =	shalt  }
0x6d: {  	_ =	shalt  }
0x6e: {  	_ =	shalt  }
0x6f: {  	_ =	shalt  }
0x70: {  	_ =	shalt  }
0x71: {  	_ =	shalt  }
0x72: {  	_ =	shalt  }
0x73: {  	_ =	shalt  }
0x74: {  	_ =	shalt  }
0x75: {  	_ =	shalt  }
0x76: {  	_ =	shalt  }
0x77: {  	_ =	shalt  }
0x78: {  	_ =	shalt  }
0x79: {  	_ =	shalt  }
0x7a: {  	_ =	shalt  }
0x7b: {  	_ =	shalt  }
0x7c: {  	_ =	shalt  }
0x7d: {  	_ =	shalt  }
0x7e: {  	_ =	shalt  }
0x7f: {  	_ =	shalt  }
0x80: {  	_ =	shalt  }
0x81: {  	_ =	shalt  }
0x82: {  	_ =	shalt  }
0x83: {  	_ =	shalt  }
0x84: {  	_ =	shalt  }
0x85: {  	_ =	shalt  }
0x86: {  	_ =	shalt  }
0x87: {  	_ =	shalt  }
.Lfunc_end0:
.L_simem_size_0:
called_computation.2_lowered:
.L_overlay_start_0:
0x88: {  	s2 =	sld [smem:$0x3FD9]  }
0x89: {  	s3 =	sld [smem:$0x3FFE];
	_ =	sdelay $0x1  }
0x8a: {  	s1 =	srdreg.scid  }
0x8b: {  	s0 =	sand.u32 $0x1, s1  }
0x8c: {  	s17 =	sshll.u32 s0, $0xA;
	s2 =	sadd.s32 s3, s2  }
0x8d: {  	s2 =	sadd.s32 s2, s17  }
0x8e: {  	[smem:$0x3FB1] =	sst s2  }
0x8f: {  	_ = 	snop  }
0x90: {  	(tm) =	ssettm $0x1  }
0x91: {  	s18 =	sld [smem:$0x3FFB];
	_ =	sdelay $0x3  }
0x92: {  	_ =	strace s18  }
0x93: {  	s2 =	sld [smem:$0x3FFC];
	_ =	sdelay $0x3  }
0x94: {  	_ =	strace s2  }
0x95: {  	s2 =	sld [smem:$0x3FFD];
	_ =	sdelay $0x3  }
0x96: {  	_ =	strace s2  }
0x97: {  	_ =	strace $0x8FFFFFFF  }
0x98: {  	s19 =	sld [smem:$0x3FDB];
	_ =	sdelay $0x1  }
0x99: {  	s20 =	simm.s32 $_scs_section_size  }
0x9a: {  	s4 =	simm.s32 $_size__tile_overlayer_lowered;
	s5 =	simm.s32 $_tile_overlayer_lowered  }
0x9b: {  	s6 =	simm.s32 $0x1BFF;
	s21 =	sshll.u32 s5, $0x1;
	s3 =	sadd.s32 s20, s19  }
0x9c: {  	s22 =	simm.s32 $0x0;
	s4 =	sshll.u32 s4, $0x1;
	s5 =	sadd.s32 s21, s3  }
0x9d: {  	[timem:s22], [sflag:s6] =	dma.local [hbm:s5], s4  }
0x9e: {  	_ =	swait.ge [sflag:s6], s4  }
0x9f: {  	s4 =	ssub.s32 $0x0, s4;
	[sflag:s6] =	ssyncset.done $0x0  }
0xa0: {  	[sflag:s6] =	ssyncadd.s32 s4;
	_ =	sdelay $0x1  }
0xa1: {  	s23 =	simm.s32 $0x1B8B  }
0xa2: {  	_ =	swait.ge [sflag:s23], $0x1  }
0xa3: {  	[sflag:s23] =	ssyncset.done $0x0  }
0xa4: {  	[sflag:s23] =	ssyncadd.s32 $0xFFFFFFFF  }
0xa5: {  	s4 =	sld [smem:$0x0]  }
0xa6: {  	s5 =	sand.u32 $0xFFFFFFFE, s1  }
0xa7: {  	p0 =	sne.s32 s1, s5  }
0xa8: {  	s5 =	sshll.u32 @p0 s5, $0xE  }
0xa9: {  	s5 =	sadd.s32 @p0 $0x11B8D, s5;
	s6 =	sshll.u32 @p0 s4, $0x11  }
0xaa: {  	s5 =	sor.u32 @p0 s6, s5  }
0xab: {  	[sflag:s5] =	ssyncadd.remote.s32 @p0 $0x1;
	_ =	sdelay $0x1  }
0xac: {  	s5 =	simm.s32 @p0 $0x1B8D  }
0xad: {  	_ =	swait.eq @p0 [sflag:s5], $0x1  }
0xae: {  	[sflag:s5] =	ssyncadd.s32 @p0 $0xFFFFFFFF  }
0xaf: {  	s6 =	sshll.u32 @!p0 s1, $0xE  }
0xb0: {  	s6 =	sor.u32 @!p0 $0x4000, s6;
	s5 =	simm.s32 @!p0 $0x1B8D  }
0xb1: {  	s4 =	sshll.u32 @!p0 s4, $0x11;
	s6 =	sadd.s32 @!p0 $0x11B8D, s6;
	_ =	swait.eq @!p0 [sflag:s5], $0x1  }
0xb2: {  	s4 =	sor.u32 @!p0 s4, s6;
	[sflag:s5] =	ssyncadd.s32 @!p0 $0xFFFFFFFF  }
0xb3: {  	s25 =	simm.s32 $0x1B8E;
	s24 =	sld [smem:$0x3FFE];
	[sflag:s4] =	ssyncadd.remote.s32 @!p0 $0x1  }
0xb4: {  	s26 =	simm.s32 $execute0_lowered;
	[smem:$0x3FD2] =	sst s25  }
0xb5: {  	s5 =	sshll.u32 s26, $0x1;
	_ =	strace $0x8000004C;
	[dreg:$0x1] =	wrdreg $0xFFFFFFFF  }
0xb6: {  	s28 =	simm.s32 $_size_execute0_lowered;
	s3 =	sadd.s32 s3, s5;
	[dreg:$0x0] =	wrdreg $0x0  }
0xb7: {  	s5 =	sshll.u32 s28, $0x1;
	[dreg:$0x2] =	wrdreg s3  }
0xb8: {  	[dreg:$0x3] =	wrdreg s5  }
0xb9: {  	[dreg:$0x4] =	wrdreg $0xC0  }
0xba: {  	_ =	task [dreg:s22], $0x5FFFF  }
0xbb: {  	[dreg:$0x1] =	wrdreg $0xFFFFFFFF  }
0xbc: {  	[dreg:$0x0] =	wrdreg $0x60  }
0xbd: {  	[dreg:$0x2] =	wrdreg s24  }
0xbe: {  	[dreg:$0x3] =	wrdreg $0x5D800  }
0xbf: {  	[dreg:$0x4] =	wrdreg $0xB  }
0xc0: {  	_ =	task.clear_ibuf [dreg:s22], $0x5FFFF;
	_ =	strace $0x9000004C  }
0xc1: {  	s29 =	simm.s32 $0xB;
	_ =	strace $0x8000004E  }
0xc2: {  	_ =	swait.ge [sflag:s29], $0x1  }
0xc3: {  	[sflag:s29] =	ssyncadd.s32 $0xFFFFFFFF  }
0xc4: {  	_ =	strace $0x9000004E  }
0xc5: {  	_ =	sfence  }
0xc6: {  	s30 =	sld [smem:$0x0];
	_ =	sdelay $0x2  }
0xc7: {  	s31 =	sshll.u32 s1, $0xD;
	s1 =	sshrl.u32 s1, $0x2  }
0xc8: {  	s4 =	sand.u32 $0x4000, s31;
	s1 =	sadd.s32 s1, s30  }
0xc9: {  	s0 =	sor.u32 s4, s0;
	s1 =	sshll.u32 s1, $0x11  }
0xca: {  	s0 =	sor.u32 s1, s0  }
0xcb: {  	s0 =	sadd.s32 $0x8F2B, s0  }
0xcc: {  	[sflag:s0] =	ssyncadd.remote.s32 $0x1  }
0xcd: {  	_ =	sfence.sel $0xFFFF  }
0xce: {  	[dreg:$0x0] =	wrdreg $0xFFFFFFFF;
	(pc) =	sbr.abs _section_cstart, $3  }
0xcf: {  	[dreg:$0x1] =	wrdreg $0xFFFFFFFF  }
0xd0: {  	_ =	task.clear_ibuf [dreg:s22], $0x2FFFF;
	_ =	strace $0x9FFFFFFF  }
0xd1: {  	(tm) =	ssettm $0x7FFFFFFF  }
tec
execute0_lowered:
.L_overlay_start_1:
0x0: {  	(tag) =	ssettag $0x1  }
0x1: {  	s5 =	rddreg [dreg:$0x0]  }
0x2: {  	s2 =	rddreg [dreg:$0x1];
	s3 =	srdreg.scid  }
0x3: {  	s0 =	rddreg [dreg:$0x2];
	s1 =	stileid.u32;
	s13 =	simm.s32 $0x180  }
0x4: {  	s14 =	simm.s32 $0x280;
	s15 =	simm.s32 $0x300;
	s16 =	simm.s32 $0x100  }
0x5: {  	s19 =	simm.s32 $0x0;
	s4 =	sand.u32 $0x1, s3;
	s3 =	simm.s32 $0x0  }
0x6: {  	s6 =	sshll.u32 s1, $0x7;
	s26 =	smul.u32 $0x5A00, s1;
	s17 =	sshll.u32 s1, $0x6  }
0x7: {  	s7 =	sshll.u32 s4, $0xF;
	[smem:$0x7FF] =	sst s3;
	s8 =	sshll.u32 s4, $0xE  }
0x8: {  	s9 =	smul.u32 $0x2D0000, s4;
	s30 =	ssub.s32 $0x2, s4;
	s4 =	sadd.s32 $0x10000, s5  }
0x9: {  	s17 =	sor.u32 $0x1C01, s17;
	s7 =	sor.u32 s6, s7;
	s6 =	sor.u32 s6, s8  }
0xa: {  	_ =	strace $0x8000004D;
	s11 =	sshrl.u32 s30, $0x1;
	s7 =	sor.u32 $0x20000, s7  }
0xb: {  	s6 =	sor.u32 $0x10000, s6;
	s29 =	sadd.s32 s26, s9;
	s31 =	ssub.s32 s30, s11  }
0xc: {  	s11 =	simm.s32 $0x1;
	s7 =	sshrl.u32 s7, $0x3;
	s6 =	sshrl.u32 s6, $0x3  }
0xd: {  	s10 =	sadd.s32 s7, s5;
	s28 =	sadd.s32 s6, s5;
	s6 =	sshrl.u32 s29, $0x3  }
0xe: {  	s12 =	sadd.s32 s6, s5;
	s5 =	sadd.s32 s26, s2;
	s6 =	smax.u32 s31, $0x1  }
0xf: {  	s7 =	sadd.s32 $0xC000, s28;
	s8 =	sadd.s32 $0x4100, s10;
	s10 =	simm.s32 $0x380  }
0x10: {  	v0 =	vimm.s32 $0x0;
	v1 =	vimm.f32 $0.0e+00;
	s9 =	sadd.s32 $0x178C00, s12;
	s12 =	simm.s32 $0x80;
	s18 =	sshrl.u32 s5, $0x3  }
.LBB2_1:
0x11: {  	[tilespmem:s10], [sflag:$0x1] =	stream.linear.gather [hbm4b:s4+s3], $0x5A00, $0x38;
	[tilespmem:$0xB780] =	vst v63  }
0x12: {  	_ =	swait.ge [sflag:s11], $0x5A00  }
0x13: {  	[sflag:s11] =	ssyncset.done $0x0  }
0x14: {  	[sflag:s11] =	ssyncadd.s32 $0xFFFFA600  }
0x15: {  	[spmem:s5] =	stream.linear.scatter [tilespmem:s10], [sflag:$0x1], $0x5A00, $0x38;
	[tilespmem:$0xB780] =	vst v63  }
0x16: {  	_ =	swait.ge [sflag:s11], $0x5A00  }
0x17: {  	[sflag:s11] =	ssyncset.done $0x0  }
0x18: {  	[sflag:s11] =	ssyncadd.s32 $0xFFFFA600  }
0x19: {  	[tilespmem:$0x280] =	vst v0  }
0x1a: {  	[tilespmem:$0x300] =	vst v1  }
0x1b: {  	[tilespmem:$0x290] =	vst v0  }
0x1c: {  	[tilespmem:$0x310] =	vst v1  }
0x1d: {  	[tilespmem:$0x2A0] =	vst v0  }
0x1e: {  	[tilespmem:$0x320] =	vst v1  }
0x1f: {  	[tilespmem:$0x2B0] =	vst v0  }
0x20: {  	[tilespmem:$0x330] =	vst v1  }
0x21: {  	[tilespmem:$0x2C0] =	vst v0  }
0x22: {  	[tilespmem:$0x340] =	vst v1  }
0x23: {  	[tilespmem:$0x2D0] =	vst v0  }
0x24: {  	[tilespmem:$0x350] =	vst v1  }
0x25: {  	[tilespmem:$0x2E0] =	vst v0  }
0x26: {  	[tilespmem:$0x360] =	vst v1  }
0x27: {  	[tilespmem:$0x2F0] =	vst v0  }
0x28: {  	s20 =	smov.u32 s9;
	[tilespmem:$0x370] =	vst v1  }
0x29: {  	s21 =	smov.u32 s8;
	s22 =	simm.s32 $0x0;
	[bflag:$0x0] =	sbarrier.arrive $0xFFFF  }
.LBB2_2:
0x2a: {  	s23 =	sadd.s32 $0xFFFFFF00, s21  }
0x2b: {  	[tilespmem:s3], [sflag:$0x1] =	stream.linear.gather [hbm4b:s23+s3], $0x80, $0x38;
	[tilespmem:$0xB780] =	vst v63  }
0x2c: {  	_ =	swait.ge [sflag:s11], $0x80  }
0x2d: {  	[sflag:s11] =	ssyncset.done $0x0  }
0x2e: {  	[sflag:s11] =	ssyncadd.s32 $0xFFFFFF80  }
0x2f: {  	[tilespmem:s12], [sflag:$0x1] =	stream.linear.gather [hbm4b:s21+s3], $0x80, $0x38;
	[tilespmem:$0xB780] =	vst v63  }
0x30: {  	_ =	swait.ge [sflag:s11], $0x80  }
0x31: {  	[sflag:s11] =	ssyncset.done $0x0  }
0x32: {  	s31 =	sadd.s32 s22, s7;
	[sflag:s11] =	ssyncadd.s32 $0xFFFFFF80  }
0x33: {  	[tilespmem:s13], [sflag:$0x1] =	stream.linear.gather [hbm4b:s31+s3], $0x80, $0x38;
	[tilespmem:$0xB780] =	vst v63  }
0x34: {  	_ =	swait.ge [sflag:s11], $0x80  }
0x35: {  	[sflag:s11] =	ssyncset.done $0x0  }
0x36: {  	[sflag:s11] =	ssyncadd.s32 $0xFFFFFF80  }
0x37: {  	v2 =	vld [tilespmem:$0x0]  }
0x38: {  	v3 =	vld [tilespmem:$0x80]  }
0x39: {  	v4 =	vld [tilespmem:$0x10]  }
0x3a: {  	v5 =	vld [tilespmem:$0x180]  }
0x3b: {  	v7 =	vld [tilespmem:$0x90]  }
0x3c: {  	v8 =	vld [tilespmem:$0x20]  }
0x3d: {  	v9 =	vld [tilespmem:$0x190];
	v6 =	vshrl.u32 v2, $0x7  }
0x3e: {  	v10 =	vld [tilespmem:$0xA0];
	v6 =	vmul.u32 $0x12000, v6  }
0x3f: {  	v11 =	vld [tilespmem:$0x30];
	v3 =	vshll.u32 v3, $0x7;
	v26 =	vshrl.u32 v4, $0x7  }
0x40: {  	v27 =	vld [tilespmem:$0x1A0];
	v2 =	vand.u32 $0x7F, v2;
	v5 =	vadd.f32 $6.400000000e+01, v5;
	v3 =	vadd.s32 v3, v6  }
0x41: {  	v12 =	vld [tilespmem:$0xB0];
	v6 =	vmul.u32 $0x12000, v26;
	v2 =	vor.u32 v2, v3  }
0x42: {  	v45 =	vld [tilespmem:$0x1E0];
	v28 =	vshrl.u32 v8, $0x7;
	v3 =	vshll.u32 v7, $0x7;
	[tilespmem:$0x100] =	vst v2;
	v2 =	vsub.f32 $0.0e+00, v5  }
0x43: {  	v30 =	vld [tilespmem:$0x40];
	v4 =	vand.u32 $0x7F, v4;
	v29 =	vadd.f32 $6.400000000e+01, v9;
	[tilespmem:$0x180] =	vst v5;
	v3 =	vadd.s32 v3, v6  }
0x44: {  	v31 =	vld [tilespmem:$0x1B0];
	v6 =	vmul.u32 $0x12000, v28;
	[tilespmem:$0x200] =	vst v2;
	v2 =	vor.u32 v4, v3  }
0x45: {  	v33 =	vld [tilespmem:$0xC0];
	v32 =	vshrl.u32 v11, $0x7;
	v3 =	vshll.u32 v10, $0x7;
	[tilespmem:$0x110] =	vst v2;
	v2 =	vsub.f32 $0.0e+00, v29  }
0x46: {  	v35 =	vld [tilespmem:$0x50];
	v34 =	vand.u32 $0x7F, v8;
	[tilespmem:$0x190] =	vst v29;
	v7 =	vadd.f32 $6.400000000e+01, v27;
	v3 =	vadd.s32 v3, v6  }
0x47: {  	v36 =	vld [tilespmem:$0x1C0];
	v52 =	vadd.f32 $6.400000000e+01, v45;
	v6 =	vmul.u32 $0x12000, v32;
	[tilespmem:$0x210] =	vst v2;
	v2 =	vor.u32 v34, v3  }
0x48: {  	v40 =	vld [tilespmem:$0x60];
	v37 =	vshrl.u32 v30, $0x7;
	v3 =	vshll.u32 v12, $0x7;
	[tilespmem:$0x120] =	vst v2;
	v2 =	vsub.f32 $0.0e+00, v7  }
0x49: {  	v38 =	vld [tilespmem:$0xD0];
	v39 =	vand.u32 $0x7F, v11;
	[tilespmem:$0x1E0] =	vst v52;
	v4 =	vadd.f32 $6.400000000e+01, v31;
	v3 =	vadd.s32 v3, v6  }
0x4a: {  	v41 =	vld [tilespmem:$0x1D0];
	v6 =	vmul.u32 $0x12000, v37;
	[tilespmem:$0x220] =	vst v2;
	v2 =	vor.u32 v39, v3  }
0x4b: {  	v43 =	vld [tilespmem:$0xE0];
	v42 =	vshrl.u32 v35, $0x7;
	v3 =	vshll.u32 v33, $0x7;
	[tilespmem:$0x130] =	vst v2;
	v2 =	vsub.f32 $0.0e+00, v4  }
0x4c: {  	v44 =	vand.u32 $0x7F, v30;
	v5 =	vadd.f32 $6.400000000e+01, v36;
	[tilespmem:$0x1A0] =	vst v7;
	v3 =	vadd.s32 v3, v6  }
0x4d: {  	v46 =	vld [tilespmem:$0x70];
	v47 =	vshrl.u32 v40, $0x7;
	v6 =	vmul.u32 $0x12000, v42;
	[tilespmem:$0x230] =	vst v2;
	v2 =	vor.u32 v44, v3  }
0x4e: {  	v48 =	vand.u32 $0x7F, v35;
	v3 =	vshll.u32 v38, $0x7;
	[tilespmem:$0x140] =	vst v2;
	v2 =	vsub.f32 $0.0e+00, v5  }
0x4f: {  	v49 =	vld [tilespmem:$0xF0];
	[tilespmem:$0x1C0] =	vst v5;
	v7 =	vadd.f32 $6.400000000e+01, v41;
	v3 =	vadd.s32 v3, v6;
	v6 =	vmul.u32 $0x12000, v47  }
0x50: {  	v50 =	vld [tilespmem:$0x1F0];
	[tilespmem:$0x240] =	vst v2;
	v2 =	vor.u32 v48, v3;
	v3 =	vshll.u32 v43, $0x7  }
0x51: {  	[tilespmem:$0x150] =	vst v2;
	v2 =	vadd.s32 v3, v6;
	v3 =	vsub.f32 $0.0e+00, v7  }
0x52: {  	v51 =	vand.u32 $0x7F, v40;
	v53 =	vshrl.u32 v46, $0x7;
	[tilespmem:$0x1B0] =	vst v4  }
0x53: {  	v2 =	vor.u32 v51, v2;
	[tilespmem:$0x250] =	vst v3;
	v3 =	vmul.u32 $0x12000, v53  }
0x54: {  	v54 =	vshll.u32 v49, $0x7;
	[tilespmem:$0x160] =	vst v2;
	v2 =	vsub.f32 $0.0e+00, v52  }
0x55: {  	[tilespmem:$0x1D0] =	vst v7;
	v4 =	vand.u32 $0x7F, v46;
	v5 =	vadd.f32 $6.400000000e+01, v50;
	v3 =	vadd.s32 v54, v3  }
0x56: {  	[tilespmem:$0x260] =	vst v2;
	v2 =	vor.u32 v4, v3  }
0x57: {  	[tilespmem:$0x170] =	vst v2;
	v2 =	vsub.f32 $0.0e+00, v5  }
0x58: {  	[tilespmem:$0x1F0] =	vst v5  }
0x59: {  	[tilespmem:$0x270] =	vst v2  }
0x5a: {  	[spmem:s2] =	stream.indirect.scatter.add.f32 [tilespmem:s15], [sflag:$0x1], $0x1, s14, s12, $0xb8;
	[tilespmem:$0xB780] =	vst v63  }
0x5b: {  	_ =	swait.ge [sflag:s11], $0x80  }
0x5c: {  	[sflag:s11] =	ssyncset.done $0x0  }
0x5d: {  	[sflag:s11] =	ssyncadd.s32 $0xFFFFFF80  }
0x5e: {  	[spmem:s2] =	stream.indirect.scatter.add.f32 [tilespmem:s13], [sflag:$0x1], $0x1, s16, s12, $0xb8;
	[tilespmem:$0xB780] =	vst v63  }
0x5f: {  	_ =	swait.ge [sflag:s11], $0x80  }
0x60: {  	[sflag:s11] =	ssyncset.done $0x0  }
0x61: {  	[sflag:s11] =	ssyncadd.s32 $0xFFFFFF80  }
0x62: {  	[bflag:$0x0] =	sbarrier.arrive $0xFFFF  }
0x63: {  	[hbm:s20], [sflag:s17] =	dma.local [spmem:s18], $0xB40  }
0x64: {  	_ =	swait.ge [sflag:s11], $0xB40  }
0x65: {  	[sflag:s11] =	ssyncset.done $0x0  }
0x66: {  	[sflag:s11] =	ssyncadd.s32 $0xFFFFF4C0  }
0x67: {  	v2 =	vld [tilespmem:$0x100]  }
0x68: {  	v3 =	vld [tilespmem:$0x200]  }
0x69: {  	v55 =	vld [tilespmem:$0x110]  }
0x6a: {  	v56 =	vld [tilespmem:$0x210]  }
0x6b: {  	v57 =	vld [tilespmem:$0x120]  }
0x6c: {  	[tilespmem:$0x280] =	vst v2;
	v2 =	vld [tilespmem:$0x220]  }
0x6d: {  	v58 =	vld [tilespmem:$0x230];
	[tilespmem:$0x300] =	vst v3  }
0x6e: {  	v59 =	vld [tilespmem:$0x140];
	[tilespmem:$0x290] =	vst v55  }
0x6f: {  	v60 =	vld [tilespmem:$0x240];
	[tilespmem:$0x310] =	vst v56  }
0x70: {  	v3 =	vld [tilespmem:$0x130];
	[tilespmem:$0x2A0] =	vst v57  }
0x71: {  	[tilespmem:$0x320] =	vst v2;
	v2 =	vld [tilespmem:$0x150]  }
0x72: {  	v61 =	vld [tilespmem:$0x160];
	[tilespmem:$0x330] =	vst v58  }
0x73: {  	v62 =	vld [tilespmem:$0x260];
	[tilespmem:$0x2C0] =	vst v59  }
0x74: {  	v63 =	vld [tilespmem:$0x170];
	[tilespmem:$0x340] =	vst v60  }
0x75: {  	[tilespmem:$0x2B0] =	vst v3;
	v3 =	vld [tilespmem:$0x250]  }
0x76: {  	[tilespmem:$0x2D0] =	vst v2;
	v2 =	vld [tilespmem:$0x270]  }
0x77: {  	[tilespmem:$0x2E0] =	vst v61  }
0x78: {  	p0 =	sne.s32 s22, $0x700;
	[tilespmem:$0x360] =	vst v62  }
.Ltmp0:
0x79: {  	[tilespmem:$0x2F0] =	vst v63;
	(pc) =	sbr.rel @p0 .LBB2_2-.Ltmp0, $4  }
0x7a: {  	[tilespmem:$0x350] =	vst v3  }
0x7b: {  	[tilespmem:$0x370] =	vst v2  }
0x7c: {  	[bflag:$0x0] =	sbarrier.arrive $0xFFFF  }
0x7d: {  	s22 =	sadd.s32 $0x100, s22;
	s21 =	sadd.s32 $0x200, s21;
	s20 =	sadd.s32 $0xB400, s20  }
0x7e: {  	s19 =	sadd.s32 $0x1, s19  }
0x7f: {  	p0 =	sne.s32 s19, s6  }
.Ltmp1:
0x80: {  	_ = 	snop;
	(pc) =	sbr.rel @p0 .LBB2_1-.Ltmp1, $1  }
0x81: {  	_ =	sdelay $0x3  }
0x82: {  	_ =	sfence.sel $0x180000  }
0x83: {  	[bflag:$0x0] =	sbarrier.arrive $0xFFFF  }
0x84: {  	p0 =	sne.s32 s1, $0x0;
	_ =	strace $0x9000004D  }
0x85: {  	s0 =	sadd.s32 @!p0 $0x100000, s0;
	[bflag:$0x2] =	sbarrier.arrive $0xFFFF  }
0x86: {  	[sflag:s0] =	ssyncadd.tile.s32 @!p0 $0x1;
	_ =	shalt  }
.Lfunc_end2:
_tile_overlayer_lowered:
.L_overlay_start_2:
0x87: {  	(tag) =	ssettag $0x2  }
0x88: {  	s0 =	rddreg [dreg:$0x0];
	s2 =	stileid.u32  }
0x89: {  	s1 =	rddreg [dreg:$0x1];
	p0 =	sne.s32 s2, $0x0  }
0x8a: {  	s3 =	rddreg [dreg:$0x2];
	[bflag:$0x3] =	sbarrier.arrive $0xFFFF;
	s2 =	simm.s32 @!p0 $0x1C01  }
0x8b: {  	[timem:s3], [sflag:s2] =	dma.local @!p0 [hbm:s0], s1  }
0x8c: {  	s0 =	simm.s32 @!p0 $0x1  }
0x8d: {  	_ =	swait.ge @!p0 [sflag:s0], s1  }
0x8e: {  	s1 =	ssub.s32 @!p0 $0x0, s1;
	[sflag:s0] =	ssyncset.done @!p0 $0x0  }
0x8f: {  	[sflag:s0] =	ssyncadd.s32 @!p0 s1  }
0x90: {  	[bflag:$0x3] =	sbarrier.arrive $0xFFFF  }
0x91: {  	_ =	shalt  }

// kernel: sc_build_g48.3.cloned.1.call-start
scs
__scs_entry_jumppad:
0x0: {  	(pc) =	sbr.rel $0x88, $3  }
0x1: {  	(tag) =	ssettag $0x0;
	lr =	simm.s32 $0x1  }
0x2: {  	[smem:$0x3F8A] =	sst lr;
	_ =	strace $0xD0000000  }
0x3: {  	_ = 	snop  }
0x4: {  	_ = 	snop  }
0x5: {  	_ = 	snop  }
0x6: {  	_ = 	snop  }
0x7: {  	_ = 	snop  }
__scs_overlays_trampoline_lowered:
0x8: {  	[smem:$0x3F99] =	sst s0  }
0x9: {  	[smem:$0x3F9A] =	sst s1  }
0xa: {  	[smem:$0x3F9B] =	sst s2  }
0xb: {  	[smem:$0x3F9C] =	sst s3  }
0xc: {  	[smem:$0x3F9D] =	sst s4  }
0xd: {  	[smem:$0x3F9E] =	sst s5  }
0xe: {  	[smem:$0x3F9F] =	sst s6  }
0xf: {  	[smem:$0x3FA0] =	sst s7  }
0x10: {  	[smem:$0x3FA1] =	sst s8  }
0x11: {  	[smem:$0x3FA2] =	sst s9;
	s0 =	simm.s32 @!p0 $0x0  }
0x12: {  	s1 =	sld [smem:$0x3F88];
	s0 =	simm.s32 @p0 $0x1  }
0x13: {  	[smem:$0x3FA3] =	sst s0;
	s0 =	simm.s32 @!p1 $0x0  }
0x14: {  	s2 =	sld [smem:$0x3F87];
	s0 =	simm.s32 @p1 $0x1  }
0x15: {  	[smem:$0x3FA4] =	sst s0;
	s0 =	simm.s32 @!p2 $0x0  }
0x16: {  	s3 =	sld [smem:$0x3FDB];
	s0 =	simm.s32 @p2 $0x1  }
0x17: {  	s4 =	simm.s32 $0x1BF5;
	[smem:$0x3FA6] =	sst s0  }
0x18: {  	s0 =	sld [smem:$0x3F89];
	_ =	swait.ge [sflag:s4], $0x0  }
0x19: {  	s7 =	sld [smem:$0x3F8A]  }
0x1a: {  	s8 =	sadd.s32 $0xFFFFE003, lr  }
0x1b: {  	s9 =	sadd.s32 $0xFFFFFEF7, lr;
	s5 =	simm.s32 $0xFFFFFFFF;
	p2 =	slt.u32 s8, $0xFFFFF086  }
0x1c: {  	p1 =	slt.u32 s9, $0xF7A;
	s5 =	simm.s32 @!p2 $0x0  }
0x1d: {  	s5 =	simm.s32 @p1 $0x1;
	p0 =	seq.s32 s7, s2  }
0x1e: {  	s7 =	smul.u32 @!p0 $0xF7A, s2;
	p2 =	seq.s32 @!p0 s5, $0x0  }
0x1f: {  	s9 =	smul.u32 $0xF7A, s1;
	s8 =	simm.s32 @!p0 $0x1BF5;
	p2 =	por !p2, p0  }
0x20: {  	[sflag:s8] =	ssyncset.s32 @!p0 $0xFFFFF086;
	s6 =	sadd.s32 @!p0 s3, s7;
	s7 =	simm.s32 @!p0 $0x108  }
0x21: {  	s3 =	sadd.s32 s3, s9;
	s6 =	sadd.s32 @!p0 $0x88, s6;
	s7 =	simm.s32 @p2 $0x1082  }
0x22: {  	[simem:s7], [sflag:s8] =	dma.local @!p0 [hbm:s6], $0xF7A  }
0x23: {  	s9 =	sor.u32 $0xD0000000, s2;
	s6 =	simm.s32 $0x108;
	_ =	swait.ge @!p0 [sflag:s8], $0x0  }
0x24: {  	s3 =	sadd.s32 $0x88, s3;
	s6 =	simm.s32 @!p1 $0x1082;
	[sflag:s4] =	ssyncset.s32 $0xFFFFF086  }
0x25: {  	[simem:s6], [sflag:s4] =	dma.local [hbm:s3], $0xF7A  }
0x26: {  	[smem:$0x3F8A] =	sst s1;
	(tag) =	ssettag s2;
	_ =	strace s9  }
0x27: {  	s1 =	sld [smem:$0x3F9A]  }
0x28: {  	s2 =	sld [smem:$0x3F9B]  }
0x29: {  	s4 =	sld [smem:$0x3F9D]  }
0x2a: {  	p0 =	seq.s32 s5, $0x0;
	s5 =	sld [smem:$0x3F9E]  }
0x2b: {  	s6 =	sld [smem:$0x3F9F]  }
0x2c: {  	s7 =	sld [smem:$0x3FA0]  }
0x2d: {  	s3 =	simm.s32 $0x108;
	s8 =	sld [smem:$0x3FA1]  }
0x2e: {  	s3 =	simm.s32 @!p0 $0x1082;
	s9 =	sld [smem:$0x3FA2]  }
0x2f: {  	lr =	sadd.s32 s0, s3;
	s0 =	sld [smem:$0x3F99]  }
0x30: {  	s3 =	sld [smem:$0x3F9C]  }
0x31: {  	[smem:$0x3FA5] =	sst s10  }
0x32: {  	s10 =	sld [smem:$0x3FA3];
	_ =	sdelay $0x3  }
0x33: {  	p0 =	seq.s32 s10, $0x1;
	s10 =	sld [smem:$0x3FA5];
	_ =	sdelay $0x3  }
0x34: {  	[smem:$0x3FA5] =	sst s10  }
0x35: {  	s10 =	sld [smem:$0x3FA4];
	_ =	sdelay $0x3  }
0x36: {  	p1 =	seq.s32 s10, $0x1;
	s10 =	sld [smem:$0x3FA5];
	_ =	sdelay $0x3  }
0x37: {  	[smem:$0x3FA5] =	sst s10  }
0x38: {  	s10 =	sld [smem:$0x3FA6]  }
0x39: {  	_ = 	snop;
	(pc) =	sbr.ind lr, $3  }
0x3a: {  	_ = 	snop  }
0x3b: {  	_ = 	snop  }
0x3c: {  	p2 =	seq.s32 s10, $0x1;
	s10 =	sld [smem:$0x3FA5]  }
0x3d: {  	_ =	shalt  }
0x3e: {  	_ =	shalt  }
0x3f: {  	_ =	shalt  }
0x40: {  	_ =	shalt  }
0x41: {  	_ =	shalt  }
0x42: {  	_ =	shalt  }
0x43: {  	_ =	shalt  }
0x44: {  	_ =	shalt  }
0x45: {  	_ =	shalt  }
0x46: {  	_ =	shalt  }
0x47: {  	_ =	shalt  }
0x48: {  	_ =	shalt  }
0x49: {  	_ =	shalt  }
0x4a: {  	_ =	shalt  }
0x4b: {  	_ =	shalt  }
0x4c: {  	_ =	shalt  }
0x4d: {  	_ =	shalt  }
0x4e: {  	_ =	shalt  }
0x4f: {  	_ =	shalt  }
0x50: {  	_ =	shalt  }
0x51: {  	_ =	shalt  }
0x52: {  	_ =	shalt  }
0x53: {  	_ =	shalt  }
0x54: {  	_ =	shalt  }
0x55: {  	_ =	shalt  }
0x56: {  	_ =	shalt  }
0x57: {  	_ =	shalt  }
0x58: {  	_ =	shalt  }
0x59: {  	_ =	shalt  }
0x5a: {  	_ =	shalt  }
0x5b: {  	_ =	shalt  }
0x5c: {  	_ =	shalt  }
0x5d: {  	_ =	shalt  }
0x5e: {  	_ =	shalt  }
0x5f: {  	_ =	shalt  }
0x60: {  	_ =	shalt  }
0x61: {  	_ =	shalt  }
0x62: {  	_ =	shalt  }
0x63: {  	_ =	shalt  }
0x64: {  	_ =	shalt  }
0x65: {  	_ =	shalt  }
0x66: {  	_ =	shalt  }
0x67: {  	_ =	shalt  }
0x68: {  	_ =	shalt  }
0x69: {  	_ =	shalt  }
0x6a: {  	_ =	shalt  }
0x6b: {  	_ =	shalt  }
0x6c: {  	_ =	shalt  }
0x6d: {  	_ =	shalt  }
0x6e: {  	_ =	shalt  }
0x6f: {  	_ =	shalt  }
0x70: {  	_ =	shalt  }
0x71: {  	_ =	shalt  }
0x72: {  	_ =	shalt  }
0x73: {  	_ =	shalt  }
0x74: {  	_ =	shalt  }
0x75: {  	_ =	shalt  }
0x76: {  	_ =	shalt  }
0x77: {  	_ =	shalt  }
0x78: {  	_ =	shalt  }
0x79: {  	_ =	shalt  }
0x7a: {  	_ =	shalt  }
0x7b: {  	_ =	shalt  }
0x7c: {  	_ =	shalt  }
0x7d: {  	_ =	shalt  }
0x7e: {  	_ =	shalt  }
0x7f: {  	_ =	shalt  }
0x80: {  	_ =	shalt  }
0x81: {  	_ =	shalt  }
0x82: {  	_ =	shalt  }
0x83: {  	_ =	shalt  }
0x84: {  	_ =	shalt  }
0x85: {  	_ =	shalt  }
0x86: {  	_ =	shalt  }
0x87: {  	_ =	shalt  }
.Lfunc_end0:
.L_simem_size_0:
called_computation.3_lowered:
.L_overlay_start_0:
0x88: {  	s2 =	sld [smem:$0x3FD9]  }
0x89: {  	s3 =	sld [smem:$0x3FFE];
	_ =	sdelay $0x1  }
0x8a: {  	s1 =	srdreg.scid  }
0x8b: {  	s0 =	sand.u32 $0x1, s1  }
0x8c: {  	s17 =	sshll.u32 s0, $0xA;
	s2 =	sadd.s32 s3, s2  }
0x8d: {  	s2 =	sadd.s32 s2, s17  }
0x8e: {  	[smem:$0x3FB1] =	sst s2  }
0x8f: {  	_ = 	snop  }
0x90: {  	(tm) =	ssettm $0x1  }
0x91: {  	s18 =	sld [smem:$0x3FFB];
	_ =	sdelay $0x3  }
0x92: {  	_ =	strace s18  }
0x93: {  	s2 =	sld [smem:$0x3FFC];
	_ =	sdelay $0x3  }
0x94: {  	_ =	strace s2  }
0x95: {  	s2 =	sld [smem:$0x3FFD];
	_ =	sdelay $0x3  }
0x96: {  	_ =	strace s2  }
0x97: {  	_ =	strace $0x8FFFFFFF  }
0x98: {  	s19 =	sld [smem:$0x3FDB];
	_ =	sdelay $0x1  }
0x99: {  	s20 =	simm.s32 $_scs_section_size  }
0x9a: {  	s4 =	simm.s32 $_size__tile_overlayer_lowered;
	s5 =	simm.s32 $_tile_overlayer_lowered  }
0x9b: {  	s6 =	simm.s32 $0x1BFF;
	s21 =	sshll.u32 s5, $0x1;
	s3 =	sadd.s32 s20, s19  }
0x9c: {  	s22 =	simm.s32 $0x0;
	s4 =	sshll.u32 s4, $0x1;
	s5 =	sadd.s32 s21, s3  }
0x9d: {  	[timem:s22], [sflag:s6] =	dma.local [hbm:s5], s4  }
0x9e: {  	_ =	swait.ge [sflag:s6], s4  }
0x9f: {  	s4 =	ssub.s32 $0x0, s4;
	[sflag:s6] =	ssyncset.done $0x0  }
0xa0: {  	[sflag:s6] =	ssyncadd.s32 s4;
	_ =	sdelay $0x1  }
0xa1: {  	s23 =	simm.s32 $0x1B8B  }
0xa2: {  	_ =	swait.ge [sflag:s23], $0x1  }
0xa3: {  	[sflag:s23] =	ssyncset.done $0x0  }
0xa4: {  	[sflag:s23] =	ssyncadd.s32 $0xFFFFFFFF  }
0xa5: {  	s4 =	sld [smem:$0x0]  }
0xa6: {  	s5 =	sand.u32 $0xFFFFFFFE, s1  }
0xa7: {  	p0 =	sne.s32 s1, s5  }
0xa8: {  	s5 =	sshll.u32 @p0 s5, $0xE  }
0xa9: {  	s5 =	sadd.s32 @p0 $0x11B8D, s5;
	s6 =	sshll.u32 @p0 s4, $0x11  }
0xaa: {  	s5 =	sor.u32 @p0 s6, s5  }
0xab: {  	[sflag:s5] =	ssyncadd.remote.s32 @p0 $0x1;
	_ =	sdelay $0x1  }
0xac: {  	s5 =	simm.s32 @p0 $0x1B8D  }
0xad: {  	_ =	swait.eq @p0 [sflag:s5], $0x1  }
0xae: {  	[sflag:s5] =	ssyncadd.s32 @p0 $0xFFFFFFFF  }
0xaf: {  	s6 =	sshll.u32 @!p0 s1, $0xE  }
0xb0: {  	s6 =	sor.u32 @!p0 $0x4000, s6;
	s5 =	simm.s32 @!p0 $0x1B8D  }
0xb1: {  	s4 =	sshll.u32 @!p0 s4, $0x11;
	s6 =	sadd.s32 @!p0 $0x11B8D, s6;
	_ =	swait.eq @!p0 [sflag:s5], $0x1  }
0xb2: {  	s4 =	sor.u32 @!p0 s4, s6;
	[sflag:s5] =	ssyncadd.s32 @!p0 $0xFFFFFFFF  }
0xb3: {  	s25 =	simm.s32 $0x1B8E;
	s24 =	sld [smem:$0x3FFE];
	[sflag:s4] =	ssyncadd.remote.s32 @!p0 $0x1  }
0xb4: {  	s26 =	simm.s32 $execute0_lowered;
	[smem:$0x3FD2] =	sst s25  }
0xb5: {  	s5 =	sshll.u32 s26, $0x1;
	_ =	strace $0x8000004F;
	[dreg:$0x1] =	wrdreg $0xFFFFFFFF  }
0xb6: {  	s28 =	simm.s32 $_size_execute0_lowered;
	s3 =	sadd.s32 s3, s5;
	[dreg:$0x0] =	wrdreg $0x0  }
0xb7: {  	s5 =	sshll.u32 s28, $0x1;
	[dreg:$0x2] =	wrdreg s3  }
0xb8: {  	[dreg:$0x3] =	wrdreg s5  }
0xb9: {  	[dreg:$0x4] =	wrdreg $0xC0  }
0xba: {  	_ =	task [dreg:s22], $0x5FFFF  }
0xbb: {  	[dreg:$0x1] =	wrdreg $0xFFFFFFFF  }
0xbc: {  	[dreg:$0x0] =	wrdreg $0x60  }
0xbd: {  	[dreg:$0x2] =	wrdreg s24  }
0xbe: {  	[dreg:$0x3] =	wrdreg $0x5D800  }
0xbf: {  	[dreg:$0x4] =	wrdreg $0xC  }
0xc0: {  	_ =	task.clear_ibuf [dreg:s22], $0x5FFFF;
	_ =	strace $0x9000004F  }
0xc1: {  	s29 =	simm.s32 $0xC;
	_ =	strace $0x80000051  }
0xc2: {  	_ =	swait.ge [sflag:s29], $0x1  }
0xc3: {  	[sflag:s29] =	ssyncadd.s32 $0xFFFFFFFF  }
0xc4: {  	_ =	strace $0x90000051  }
0xc5: {  	_ =	sfence  }
0xc6: {  	s30 =	sld [smem:$0x0];
	_ =	sdelay $0x2  }
0xc7: {  	s31 =	sshll.u32 s1, $0xD;
	s1 =	sshrl.u32 s1, $0x2  }
0xc8: {  	s4 =	sand.u32 $0x4000, s31;
	s1 =	sadd.s32 s1, s30  }
0xc9: {  	s0 =	sor.u32 s4, s0;
	s1 =	sshll.u32 s1, $0x11  }
0xca: {  	s0 =	sor.u32 s1, s0  }
0xcb: {  	s0 =	sadd.s32 $0x8F2B, s0  }
0xcc: {  	[sflag:s0] =	ssyncadd.remote.s32 $0x1  }
0xcd: {  	_ =	sfence.sel $0xFFFF  }
0xce: {  	[dreg:$0x0] =	wrdreg $0xFFFFFFFF;
	(pc) =	sbr.abs _section_cstart, $3  }
0xcf: {  	[dreg:$0x1] =	wrdreg $0xFFFFFFFF  }
0xd0: {  	_ =	task.clear_ibuf [dreg:s22], $0x2FFFF;
	_ =	strace $0x9FFFFFFF  }
0xd1: {  	(tm) =	ssettm $0x7FFFFFFF  }
tec
execute0_lowered:
.L_overlay_start_1:
0x0: {  	(tag) =	ssettag $0x1  }
0x1: {  	s5 =	rddreg [dreg:$0x0]  }
0x2: {  	s2 =	rddreg [dreg:$0x1];
	s3 =	srdreg.scid  }
0x3: {  	s0 =	rddreg [dreg:$0x2];
	s1 =	stileid.u32;
	s13 =	simm.s32 $0x180  }
0x4: {  	s14 =	simm.s32 $0x280;
	s15 =	simm.s32 $0x300;
	s16 =	simm.s32 $0x100  }
0x5: {  	s19 =	simm.s32 $0x0;
	s4 =	sand.u32 $0x1, s3;
	s3 =	simm.s32 $0x0  }
0x6: {  	s6 =	sshll.u32 s1, $0x7;
	s26 =	smul.u32 $0x5A00, s1;
	s17 =	sshll.u32 s1, $0x6  }
0x7: {  	s7 =	sshll.u32 s4, $0xF;
	[smem:$0x7FF] =	sst s3;
	s8 =	sshll.u32 s4, $0xE  }
0x8: {  	s9 =	smul.u32 $0x2D0000, s4;
	s30 =	ssub.s32 $0x2, s4;
	s4 =	sadd.s32 $0x10000, s5  }
0x9: {  	s17 =	sor.u32 $0x1C01, s17;
	s7 =	sor.u32 s6, s7;
	s6 =	sor.u32 s6, s8  }
0xa: {  	_ =	strace $0x80000050;
	s11 =	sshrl.u32 s30, $0x1;
	s7 =	sor.u32 $0x30000, s7  }
0xb: {  	s6 =	sor.u32 $0x18000, s6;
	s29 =	sadd.s32 s26, s9;
	s31 =	ssub.s32 s30, s11  }
0xc: {  	s11 =	simm.s32 $0x1;
	s7 =	sshrl.u32 s7, $0x3;
	s6 =	sshrl.u32 s6, $0x3  }
0xd: {  	s10 =	sadd.s32 s7, s5;
	s28 =	sadd.s32 s6, s5;
	s6 =	sshrl.u32 s29, $0x3  }
0xe: {  	s12 =	sadd.s32 s6, s5;
	s5 =	sadd.s32 s26, s2;
	s6 =	smax.u32 s31, $0x1  }
0xf: {  	s7 =	sadd.s32 $0xC000, s28;
	s8 =	sadd.s32 $0x4100, s10;
	s10 =	simm.s32 $0x380  }
0x10: {  	v0 =	vimm.s32 $0x0;
	v1 =	vimm.f32 $0.0e+00;
	s9 =	sadd.s32 $0x22CC00, s12;
	s12 =	simm.s32 $0x80;
	s18 =	sshrl.u32 s5, $0x3  }
.LBB2_1:
0x11: {  	[tilespmem:s10], [sflag:$0x1] =	stream.linear.gather [hbm4b:s4+s3], $0x5A00, $0x38;
	[tilespmem:$0xB780] =	vst v63  }
0x12: {  	_ =	swait.ge [sflag:s11], $0x5A00  }
0x13: {  	[sflag:s11] =	ssyncset.done $0x0  }
0x14: {  	[sflag:s11] =	ssyncadd.s32 $0xFFFFA600  }
0x15: {  	[spmem:s5] =	stream.linear.scatter [tilespmem:s10], [sflag:$0x1], $0x5A00, $0x38;
	[tilespmem:$0xB780] =	vst v63  }
0x16: {  	_ =	swait.ge [sflag:s11], $0x5A00  }
0x17: {  	[sflag:s11] =	ssyncset.done $0x0  }
0x18: {  	[sflag:s11] =	ssyncadd.s32 $0xFFFFA600  }
0x19: {  	[tilespmem:$0x280] =	vst v0  }
0x1a: {  	[tilespmem:$0x300] =	vst v1  }
0x1b: {  	[tilespmem:$0x290] =	vst v0  }
0x1c: {  	[tilespmem:$0x310] =	vst v1  }
0x1d: {  	[tilespmem:$0x2A0] =	vst v0  }
0x1e: {  	[tilespmem:$0x320] =	vst v1  }
0x1f: {  	[tilespmem:$0x2B0] =	vst v0  }
0x20: {  	[tilespmem:$0x330] =	vst v1  }
0x21: {  	[tilespmem:$0x2C0] =	vst v0  }
0x22: {  	[tilespmem:$0x340] =	vst v1  }
0x23: {  	[tilespmem:$0x2D0] =	vst v0  }
0x24: {  	[tilespmem:$0x350] =	vst v1  }
0x25: {  	[tilespmem:$0x2E0] =	vst v0  }
0x26: {  	[tilespmem:$0x360] =	vst v1  }
0x27: {  	[tilespmem:$0x2F0] =	vst v0  }
0x28: {  	s20 =	smov.u32 s9;
	[tilespmem:$0x370] =	vst v1  }
0x29: {  	s21 =	smov.u32 s8;
	s22 =	simm.s32 $0x0;
	[bflag:$0x0] =	sbarrier.arrive $0xFFFF  }
.LBB2_2:
0x2a: {  	s23 =	sadd.s32 $0xFFFFFF00, s21  }
0x2b: {  	[tilespmem:s3], [sflag:$0x1] =	stream.linear.gather [hbm4b:s23+s3], $0x80, $0x38;
	[tilespmem:$0xB780] =	vst v63  }
0x2c: {  	_ =	swait.ge [sflag:s11], $0x80  }
0x2d: {  	[sflag:s11] =	ssyncset.done $0x0  }
0x2e: {  	[sflag:s11] =	ssyncadd.s32 $0xFFFFFF80  }
0x2f: {  	[tilespmem:s12], [sflag:$0x1] =	stream.linear.gather [hbm4b:s21+s3], $0x80, $0x38;
	[tilespmem:$0xB780] =	vst v63  }
0x30: {  	_ =	swait.ge [sflag:s11], $0x80  }
0x31: {  	[sflag:s11] =	ssyncset.done $0x0  }
0x32: {  	s31 =	sadd.s32 s22, s7;
	[sflag:s11] =	ssyncadd.s32 $0xFFFFFF80  }
0x33: {  	[tilespmem:s13], [sflag:$0x1] =	stream.linear.gather [hbm4b:s31+s3], $0x80, $0x38;
	[tilespmem:$0xB780] =	vst v63  }
0x34: {  	_ =	swait.ge [sflag:s11], $0x80  }
0x35: {  	[sflag:s11] =	ssyncset.done $0x0  }
0x36: {  	[sflag:s11] =	ssyncadd.s32 $0xFFFFFF80  }
0x37: {  	v2 =	vld [tilespmem:$0x0]  }
0x38: {  	v3 =	vld [tilespmem:$0x80]  }
0x39: {  	v4 =	vld [tilespmem:$0x10]  }
0x3a: {  	v5 =	vld [tilespmem:$0x180]  }
0x3b: {  	v7 =	vld [tilespmem:$0x90]  }
0x3c: {  	v8 =	vld [tilespmem:$0x20]  }
0x3d: {  	v9 =	vld [tilespmem:$0x190];
	v6 =	vshrl.u32 v2, $0x7  }
0x3e: {  	v10 =	vld [tilespmem:$0xA0];
	v6 =	vmul.u32 $0x12000, v6  }
0x3f: {  	v11 =	vld [tilespmem:$0x30];
	v3 =	vshll.u32 v3, $0x7;
	v26 =	vshrl.u32 v4, $0x7  }
0x40: {  	v27 =	vld [tilespmem:$0x1A0];
	v2 =	vand.u32 $0x7F, v2;
	v5 =	vadd.f32 $6.400000000e+01, v5;
	v3 =	vadd.s32 v3, v6  }
0x41: {  	v12 =	vld [tilespmem:$0xB0];
	v6 =	vmul.u32 $0x12000, v26;
	v2 =	vor.u32 v2, v3  }
0x42: {  	v45 =	vld [tilespmem:$0x1E0];
	v28 =	vshrl.u32 v8, $0x7;
	v3 =	vshll.u32 v7, $0x7;
	[tilespmem:$0x100] =	vst v2;
	v2 =	vsub.f32 $0.0e+00, v5  }
0x43: {  	v30 =	vld [tilespmem:$0x40];
	v4 =	vand.u32 $0x7F, v4;
	v29 =	vadd.f32 $6.400000000e+01, v9;
	[tilespmem:$0x180] =	vst v5;
	v3 =	vadd.s32 v3, v6  }
0x44: {  	v31 =	vld [tilespmem:$0x1B0];
	v6 =	vmul.u32 $0x12000, v28;
	[tilespmem:$0x200] =	vst v2;
	v2 =	vor.u32 v4, v3  }
0x45: {  	v33 =	vld [tilespmem:$0xC0];
	v32 =	vshrl.u32 v11, $0x7;
	v3 =	vshll.u32 v10, $0x7;
	[tilespmem:$0x110] =	vst v2;
	v2 =	vsub.f32 $0.0e+00, v29  }
0x46: {  	v35 =	vld [tilespmem:$0x50];
	v34 =	vand.u32 $0x7F, v8;
	[tilespmem:$0x190] =	vst v29;
	v7 =	vadd.f32 $6.400000000e+01, v27;
	v3 =	vadd.s32 v3, v6  }
0x47: {  	v36 =	vld [tilespmem:$0x1C0];
	v52 =	vadd.f32 $6.400000000e+01, v45;
	v6 =	vmul.u32 $0x12000, v32;
	[tilespmem:$0x210] =	vst v2;
	v2 =	vor.u32 v34, v3  }
0x48: {  	v40 =	vld [tilespmem:$0x60];
	v37 =	vshrl.u32 v30, $0x7;
	v3 =	vshll.u32 v12, $0x7;
	[tilespmem:$0x120] =	vst v2;
	v2 =	vsub.f32 $0.0e+00, v7  }
0x49: {  	v38 =	vld [tilespmem:$0xD0];
	v39 =	vand.u32 $0x7F, v11;
	[tilespmem:$0x1E0] =	vst v52;
	v4 =	vadd.f32 $6.400000000e+01, v31;
	v3 =	vadd.s32 v3, v6  }
0x4a: {  	v41 =	vld [tilespmem:$0x1D0];
	v6 =	vmul.u32 $0x12000, v37;
	[tilespmem:$0x220] =	vst v2;
	v2 =	vor.u32 v39, v3  }
0x4b: {  	v43 =	vld [tilespmem:$0xE0];
	v42 =	vshrl.u32 v35, $0x7;
	v3 =	vshll.u32 v33, $0x7;
	[tilespmem:$0x130] =	vst v2;
	v2 =	vsub.f32 $0.0e+00, v4  }
0x4c: {  	v44 =	vand.u32 $0x7F, v30;
	v5 =	vadd.f32 $6.400000000e+01, v36;
	[tilespmem:$0x1A0] =	vst v7;
	v3 =	vadd.s32 v3, v6  }
0x4d: {  	v46 =	vld [tilespmem:$0x70];
	v47 =	vshrl.u32 v40, $0x7;
	v6 =	vmul.u32 $0x12000, v42;
	[tilespmem:$0x230] =	vst v2;
	v2 =	vor.u32 v44, v3  }
0x4e: {  	v48 =	vand.u32 $0x7F, v35;
	v3 =	vshll.u32 v38, $0x7;
	[tilespmem:$0x140] =	vst v2;
	v2 =	vsub.f32 $0.0e+00, v5  }
0x4f: {  	v49 =	vld [tilespmem:$0xF0];
	[tilespmem:$0x1C0] =	vst v5;
	v7 =	vadd.f32 $6.400000000e+01, v41;
	v3 =	vadd.s32 v3, v6;
	v6 =	vmul.u32 $0x12000, v47  }
0x50: {  	v50 =	vld [tilespmem:$0x1F0];
	[tilespmem:$0x240] =	vst v2;
	v2 =	vor.u32 v48, v3;
	v3 =	vshll.u32 v43, $0x7  }
0x51: {  	[tilespmem:$0x150] =	vst v2;
	v2 =	vadd.s32 v3, v6;
	v3 =	vsub.f32 $0.0e+00, v7  }
0x52: {  	v51 =	vand.u32 $0x7F, v40;
	v53 =	vshrl.u32 v46, $0x7;
	[tilespmem:$0x1B0] =	vst v4  }
0x53: {  	v2 =	vor.u32 v51, v2;
	[tilespmem:$0x250] =	vst v3;
	v3 =	vmul.u32 $0x12000, v53  }
0x54: {  	v54 =	vshll.u32 v49, $0x7;
	[tilespmem:$0x160] =	vst v2;
	v2 =	vsub.f32 $0.0e+00, v52  }
0x55: {  	[tilespmem:$0x1D0] =	vst v7;
	v4 =	vand.u32 $0x7F, v46;
	v5 =	vadd.f32 $6.400000000e+01, v50;
	v3 =	vadd.s32 v54, v3  }
0x56: {  	[tilespmem:$0x260] =	vst v2;
	v2 =	vor.u32 v4, v3  }
0x57: {  	[tilespmem:$0x170] =	vst v2;
	v2 =	vsub.f32 $0.0e+00, v5  }
0x58: {  	[tilespmem:$0x1F0] =	vst v5  }
0x59: {  	[tilespmem:$0x270] =	vst v2  }
0x5a: {  	[spmem:s2] =	stream.indirect.scatter.add.f32 [tilespmem:s15], [sflag:$0x1], $0x1, s14, s12, $0xb8;
	[tilespmem:$0xB780] =	vst v63  }
0x5b: {  	_ =	swait.ge [sflag:s11], $0x80  }
0x5c: {  	[sflag:s11] =	ssyncset.done $0x0  }
0x5d: {  	[sflag:s11] =	ssyncadd.s32 $0xFFFFFF80  }
0x5e: {  	[spmem:s2] =	stream.indirect.scatter.add.f32 [tilespmem:s13], [sflag:$0x1], $0x1, s16, s12, $0xb8;
	[tilespmem:$0xB780] =	vst v63  }
0x5f: {  	_ =	swait.ge [sflag:s11], $0x80  }
0x60: {  	[sflag:s11] =	ssyncset.done $0x0  }
0x61: {  	[sflag:s11] =	ssyncadd.s32 $0xFFFFFF80  }
0x62: {  	[bflag:$0x0] =	sbarrier.arrive $0xFFFF  }
0x63: {  	[hbm:s20], [sflag:s17] =	dma.local [spmem:s18], $0xB40  }
0x64: {  	_ =	swait.ge [sflag:s11], $0xB40  }
0x65: {  	[sflag:s11] =	ssyncset.done $0x0  }
0x66: {  	[sflag:s11] =	ssyncadd.s32 $0xFFFFF4C0  }
0x67: {  	v2 =	vld [tilespmem:$0x100]  }
0x68: {  	v3 =	vld [tilespmem:$0x200]  }
0x69: {  	v55 =	vld [tilespmem:$0x110]  }
0x6a: {  	v56 =	vld [tilespmem:$0x210]  }
0x6b: {  	v57 =	vld [tilespmem:$0x120]  }
0x6c: {  	[tilespmem:$0x280] =	vst v2;
	v2 =	vld [tilespmem:$0x220]  }
0x6d: {  	v58 =	vld [tilespmem:$0x230];
	[tilespmem:$0x300] =	vst v3  }
0x6e: {  	v59 =	vld [tilespmem:$0x140];
	[tilespmem:$0x290] =	vst v55  }
0x6f: {  	v60 =	vld [tilespmem:$0x240];
	[tilespmem:$0x310] =	vst v56  }
0x70: {  	v3 =	vld [tilespmem:$0x130];
	[tilespmem:$0x2A0] =	vst v57  }
0x71: {  	[tilespmem:$0x320] =	vst v2;
	v2 =	vld [tilespmem:$0x150]  }
0x72: {  	v61 =	vld [tilespmem:$0x160];
	[tilespmem:$0x330] =	vst v58  }
0x73: {  	v62 =	vld [tilespmem:$0x260];
	[tilespmem:$0x2C0] =	vst v59  }
0x74: {  	v63 =	vld [tilespmem:$0x170];
	[tilespmem:$0x340] =	vst v60  }
0x75: {  	[tilespmem:$0x2B0] =	vst v3;
	v3 =	vld [tilespmem:$0x250]  }
0x76: {  	[tilespmem:$0x2D0] =	vst v2;
	v2 =	vld [tilespmem:$0x270]  }
0x77: {  	[tilespmem:$0x2E0] =	vst v61  }
0x78: {  	p0 =	sne.s32 s22, $0x700;
	[tilespmem:$0x360] =	vst v62  }
.Ltmp0:
0x79: {  	[tilespmem:$0x2F0] =	vst v63;
	(pc) =	sbr.rel @p0 .LBB2_2-.Ltmp0, $4  }
0x7a: {  	[tilespmem:$0x350] =	vst v3  }
0x7b: {  	[tilespmem:$0x370] =	vst v2  }
0x7c: {  	[bflag:$0x0] =	sbarrier.arrive $0xFFFF  }
0x7d: {  	s22 =	sadd.s32 $0x100, s22;
	s21 =	sadd.s32 $0x200, s21;
	s20 =	sadd.s32 $0xB400, s20  }
0x7e: {  	s19 =	sadd.s32 $0x1, s19  }
0x7f: {  	p0 =	sne.s32 s19, s6  }
.Ltmp1:
0x80: {  	_ = 	snop;
	(pc) =	sbr.rel @p0 .LBB2_1-.Ltmp1, $1  }
0x81: {  	_ =	sdelay $0x3  }
0x82: {  	_ =	sfence.sel $0x180000  }
0x83: {  	[bflag:$0x0] =	sbarrier.arrive $0xFFFF  }
0x84: {  	p0 =	sne.s32 s1, $0x0;
	_ =	strace $0x90000050  }
0x85: {  	s0 =	sadd.s32 @!p0 $0x100000, s0;
	[bflag:$0x2] =	sbarrier.arrive $0xFFFF  }
0x86: {  	[sflag:s0] =	ssyncadd.tile.s32 @!p0 $0x1;
	_ =	shalt  }
.Lfunc_end2:
_tile_overlayer_lowered:
.L_overlay_start_2:
0x87: {  	(tag) =	ssettag $0x2  }
0x88: {  	s0 =	rddreg [dreg:$0x0];
	s2 =	stileid.u32  }
0x89: {  	s1 =	rddreg [dreg:$0x1];
	p0 =	sne.s32 s2, $0x0  }
0x8a: {  	s3 =	rddreg [dreg:$0x2];
	[bflag:$0x3] =	sbarrier.arrive $0xFFFF;
	s2 =	simm.s32 @!p0 $0x1C01  }
0x8b: {  	[timem:s3], [sflag:s2] =	dma.local @!p0 [hbm:s0], s1  }
0x8c: {  	s0 =	simm.s32 @!p0 $0x1  }
0x8d: {  	_ =	swait.ge @!p0 [sflag:s0], s1  }
0x8e: {  	s1 =	ssub.s32 @!p0 $0x0, s1;
	[sflag:s0] =	ssyncset.done @!p0 $0x0  }
0x8f: {  	[sflag:s0] =	ssyncadd.s32 @!p0 s1  }
0x90: {  	[bflag:$0x3] =	sbarrier.arrive $0xFFFF  }
0x91: {  	_ =	shalt  }

</sc_bundles>
